<compile_context>
chip_gen: v7x
topology: tpu7x:2x2x1
jax: 0.10.2.dev20260603
libtpu: 0.0.44.dev20260713+nightly
codegen_flags: <defaults>
</compile_context>

<pallas_src>
import functools

import jax
import jax.numpy as jnp
from jax import lax
from jax.experimental import pallas as pl
from jax.experimental.pallas import tpu as pltpu
from jax.experimental.pallas import tpu_sc as plsc

BS = 1024
NV = 501
NPAD = 512
CH = 128
D = 64
L = 16
NC = 2
NS = 16
NW = NC * NS
BPW = BS // NW
NCH = NPAD // CH
NT = BPW * NCH


def _trig_body(day_ref, w1_ref, w2_ref, dr_ref, di_ref):
    dayv = day_ref[:]
    dr_ref[:] = jnp.cos(w2_ref[:] * dayv)
    di_ref[:] = jnp.sin(w1_ref[:] * dayv)


def _trig(day, w1, w2):
    return pl.pallas_call(
        _trig_body,
        out_shape=(jax.ShapeDtypeStruct((BS, D), jnp.float32),
                   jax.ShapeDtypeStruct((BS, D), jnp.float32)),
    )(day.reshape(BS, 1), w1.reshape(1, D), w2.reshape(1, D))


def _loss_body(sc_ref, out_ref):
    s = sc_ref[:]
    col = lax.broadcasted_iota(jnp.int32, (BS, NPAD), 1)
    s = jnp.where(col < NV, s, -jnp.inf)
    m = jnp.max(s, axis=1, keepdims=True)
    e = jnp.exp(s - m)
    lse = jnp.log(jnp.sum(e, axis=1, keepdims=True)) + m
    loss2d = lse - sc_ref[:, 0:1]
    out_ref[:] = jnp.mean(loss2d).reshape(1, 1)


def _loss(scores):
    return pl.pallas_call(
        _loss_body,
        out_shape=jax.ShapeDtypeStruct((1, 1), jnp.float32),
    )(scores)


_mesh = plsc.VectorSubcoreMesh(core_axis_name="c", subcore_axis_name="s")


@functools.partial(
    pl.kernel,
    mesh=_mesh,
    compiler_params=pltpu.CompilerParams(
        needs_layout_passes=False, use_tc_tiling_on_sc=False),
    out_type=jax.ShapeDtypeStruct((BS, NPAD), jnp.float32),
    scratch_types=[
        pltpu.VMEM((BPW, NCH, CH), jnp.int32),
        pltpu.VMEM((4, CH, D), jnp.float32),
        pltpu.VMEM((4, CH, D), jnp.float32),
        pltpu.VMEM((BPW,), jnp.int32),
        pltpu.VMEM((BPW,), jnp.int32),
        pltpu.VMEM((BPW, D), jnp.float32),
        pltpu.VMEM((BPW, D), jnp.float32),
        pltpu.VMEM((BPW, D), jnp.float32),
        pltpu.VMEM((BPW, D), jnp.float32),
        pltpu.VMEM((BPW, D), jnp.float32),
        pltpu.VMEM((BPW, D), jnp.float32),
        pltpu.VMEM((BPW, D), jnp.float32),
        pltpu.VMEM((BPW, D), jnp.float32),
        pltpu.VMEM((BPW, NPAD), jnp.float32),
        pltpu.SemaphoreType.DMA,
        pltpu.SemaphoreType.DMA,
        pltpu.SemaphoreType.DMA,
        pltpu.SemaphoreType.DMA,
        pltpu.SemaphoreType.DMA,
        pltpu.SemaphoreType.DMA,
        pltpu.SemaphoreType.DMA,
        pltpu.SemaphoreType.DMA,
        pltpu.SemaphoreType.DMA,
    ],
)
def _score(ids_hbm, sub_hbm, rel_hbm, dreal_hbm, dimg_hbm,
           embEr_hbm, embEi_hbm, embRr_hbm, embRi_hbm,
           out_hbm,
           ids_v, er_buf, ei_buf, sub_i, rel_i, sr, si, rr, ri, dr, di,
           ar_all, ai_all, scores_v,
           s_er0, s_ei0, s_er1, s_ei1, s_er2, s_ei2, s_er3, s_ei3, s_misc):
    wid = lax.axis_index("s") * NC + lax.axis_index("c")
    b0 = wid * BPW

    pltpu.sync_copy(ids_hbm.at[pl.ds(b0, BPW)], ids_v)
    pltpu.sync_copy(sub_hbm.at[pl.ds(b0, BPW)], sub_i)
    pltpu.sync_copy(rel_hbm.at[pl.ds(b0, BPW)], rel_i)
    pltpu.sync_copy(dreal_hbm.at[pl.ds(b0, BPW)], dr)
    pltpu.sync_copy(dimg_hbm.at[pl.ds(b0, BPW)], di)
    pltpu.async_copy(embEr_hbm.at[sub_i], sr, s_misc).wait()
    pltpu.async_copy(embEi_hbm.at[sub_i], si, s_misc).wait()
    pltpu.async_copy(embRr_hbm.at[rel_i], rr, s_misc).wait()
    pltpu.async_copy(embRi_hbm.at[rel_i], ri, s_misc).wait()

    def a_body(bl, carry):
        for g in range(D // L):
            slg = pl.ds(g * L, L)
            c = dr[bl, slg]
            s = di[bl, slg]
            svr = sr[bl, slg]
            svi = si[bl, slg]
            ar_all[bl, slg] = svr * c - svi * s + rr[bl, slg]
            ai_all[bl, slg] = svr * s + svi * c + ri[bl, slg]
        return carry
    lax.fori_loop(0, BPW, a_body, 0)

    sems = ((s_er0, s_ei0), (s_er1, s_ei1), (s_er2, s_ei2), (s_er3, s_ei3))

    def fire(t, p):
        bl = lax.div(t, NCH)
        ci = lax.rem(t, NCH)
        idx = ids_v.at[bl, ci]
        pltpu.async_copy(embEr_hbm.at[idx], er_buf.at[p], sems[p][0])
        pltpu.async_copy(embEi_hbm.at[idx], ei_buf.at[p], sems[p][1])

    def wait_for(t, p):
        bl = lax.div(t, NCH)
        ci = lax.rem(t, NCH)
        idx = ids_v.at[bl, ci]
        pltpu.make_async_copy(embEr_hbm.at[idx], er_buf.at[p], sems[p][0]).wait()
        pltpu.make_async_copy(embEi_hbm.at[idx], ei_buf.at[p], sems[p][1]).wait()

    fire(jnp.int32(0), 0)
    fire(jnp.int32(1), 1)
    fire(jnp.int32(2), 2)
    lane = lax.iota(jnp.int32, L)
    m0 = lane == 0

    def step(t, p):
        @pl.when(t + 3 < NT)
        def _():
            fire(t + 3, (p + 3) % 4)

        wait_for(t, p)
        bl = lax.div(t, NCH)
        ci = lax.rem(t, NCH)
        ebase = ci * CH
        bl_vec = jnp.broadcast_to(bl, (L,))
        cs = [dr[bl, pl.ds(g * L, L)] for g in range(D // L)]
        ss = [di[bl, pl.ds(g * L, L)] for g in range(D // L)]
        ars = [ar_all[bl, pl.ds(g * L, L)] for g in range(D // L)]
        ais = [ai_all[bl, pl.ds(g * L, L)] for g in range(D // L)]

        def e_body(j, carry):
            acc = jnp.zeros((L,), jnp.float32)
            for g in range(D // L):
                slg = pl.ds(g * L, L)
                er = er_buf[p, j, slg]
                ei = ei_buf[p, j, slg]
                vr = ars[g] - er * cs[g] + ei * ss[g]
                vi = ais[g] + er * ss[g] + ei * cs[g]
                acc = acc + jnp.abs(vr) + jnp.abs(vi)
            sv = jnp.broadcast_to(jnp.sum(acc), (L,))
            pos_vec = jnp.broadcast_to(ebase + j, (L,))
            plsc.store_scatter(scores_v, [bl_vec, pos_vec], sv, mask=m0)
            return carry
        lax.fori_loop(0, CH, e_body, 0, unroll=8)

    def outer(tt, carry):
        step(4 * tt, 0)
        step(4 * tt + 1, 1)
        step(4 * tt + 2, 2)
        step(4 * tt + 3, 3)
        return carry
    lax.fori_loop(0, NT // 4, outer, 0)

    pltpu.sync_copy(scores_v, out_hbm.at[pl.ds(b0, BPW)])


def kernel(sub, rel, obj, year, month, day, neg, emb_E_real, emb_E_img,
           emb_R_real, emb_R_img, w1, w2):
    dreal, dimg = _trig(day, w1, w2)
    ids = jnp.concatenate([obj[:, None], neg], axis=1)
    ids = jnp.pad(ids, ((0, 0), (0, NPAD - NV)))
    ids = ids.reshape(BS, NPAD // CH, CH)
    scores = _score(ids, sub, rel, dreal, dimg,
                    emb_E_real, emb_E_img, emb_R_real, emb_R_img)
    return _loss(scores)[0, 0]

# --- scband reference (transcript-rebuilt; emitter-appended) ---
"""Pipeline reference for scband-tero-11879879541063 (READ-ONLY COPY).

The authoritative reference and input builder live on the scoring server;
editing this copy changes nothing except your own understanding.
"""

import jax, jax.numpy as jnp
import numpy as np

N_ENT = 1000000
N_REL = 1000
D_MODEL = 64
BS = 1024
N_NEG = 500


def setup_inputs(seed: int = 0) -> dict:
    key = jax.random.key(seed)
    ks = jax.random.split(key, 12)
    r = 6.0 / np.sqrt(D_MODEL)
    emb_E_real = jax.random.uniform(ks[0], (N_ENT, D_MODEL), minval=-r, maxval=r, dtype=jnp.float32)
    emb_E_img = jax.random.uniform(ks[1], (N_ENT, D_MODEL), minval=-r, maxval=r, dtype=jnp.float32)
    emb_R_real = jax.random.uniform(ks[2], (N_REL, D_MODEL), minval=-r, maxval=r, dtype=jnp.float32)
    emb_R_img = jax.random.uniform(ks[3], (N_REL, D_MODEL), minval=-r, maxval=r, dtype=jnp.float32)
    w_init = (1.0 / 10 ** np.linspace(0, 9, D_MODEL)).astype(np.float32)
    w1 = jnp.asarray(w_init)
    w2 = jnp.asarray(w_init)
    sub = jax.random.randint(ks[4], (BS,), 0, N_ENT, dtype=jnp.int64) if jax.config.jax_enable_x64 else jax.random.randint(ks[4], (BS,), 0, N_ENT).astype(jnp.int32)
    rel = jax.random.randint(ks[5], (BS,), 0, N_REL).astype(jnp.int32)
    obj = jax.random.randint(ks[6], (BS,), 0, N_ENT).astype(jnp.int32)
    sub = jax.random.randint(ks[4], (BS,), 0, N_ENT).astype(jnp.int32)
    year = jax.random.uniform(ks[7], (BS,), dtype=jnp.float32)
    month = jax.random.uniform(ks[8], (BS,), dtype=jnp.float32)
    day = jax.random.uniform(ks[9], (BS,), dtype=jnp.float32)
    # negatives: in the torch module these are sampled inside train_forward via
    # torch.randint; materialized here for determinism.
    neg = jax.random.randint(ks[10], (BS, N_NEG), 0, N_ENT).astype(jnp.int32)
    return {
        "sub": sub, "rel": rel, "obj": obj,
        "year": year, "month": month, "day": day,
        "neg": neg,
        "emb_E_real": emb_E_real, "emb_E_img": emb_E_img,
        "emb_R_real": emb_R_real, "emb_R_img": emb_R_img,
        "w1": w1, "w2": w2,
    }


def reference(sub, rel, obj, year, month, day, neg, emb_E_real, emb_E_img, emb_R_real, emb_R_img, w1, w2):
    # ent_type = [positive obj | 500 negatives]
    ent_type = jnp.concatenate([obj[:, None], neg], axis=1)  # [BS, 501]
    d_img = jnp.sin(w1[None, :] * day[:, None])   # [BS, D]
    d_real = jnp.cos(w2[None, :] * day[:, None])  # [BS, D]
    # embedding gathers (SparseCore-mappable)
    e_sub_real = jnp.take(emb_E_real, sub, axis=0)
    e_sub_img = jnp.take(emb_E_img, sub, axis=0)
    e_t_real = jnp.take(emb_E_real, ent_type, axis=0)  # [BS, 501, D]
    e_t_img = jnp.take(emb_E_img, ent_type, axis=0)
    r_real = jnp.take(emb_R_real, rel, axis=0)
    r_img = jnp.take(emb_R_img, rel, axis=0)
    h_real = e_sub_real * d_real - e_sub_img * d_img
    t_real = e_t_real * d_real[:, None, :] - e_t_img * d_img[:, None, :]
    h_img = e_sub_real * d_img + e_sub_img * d_real
    t_img = e_t_real * d_img[:, None, :] + e_t_img * d_real[:, None, :]
    out_real = jnp.abs((h_real + r_real)[:, None, :] - t_real).sum(axis=-1)
    out_img = jnp.abs((h_img + r_img)[:, None, :] + t_img).sum(axis=-1)
    type_intes = out_real + out_img  # [BS, 501]
    # CrossEntropyLoss with target class 0 (the positive), mean reduction
    logz = jax.nn.log_softmax(type_intes, axis=1)
    loss = -logz[:, 0]
    return loss.mean()

if __name__ == "__main__":
    import jax
    _d = setup_inputs()
    print(jax.jit(kernel)(*tuple(_d.values())))

</pallas_src>

<mosaic_0001>
#map = affine_map<(d0, d1) -> (0, 0, 0)>
#map1 = affine_map<(d0, d1) -> (0)>
#map2 = affine_map<(d0, d1) -> (0, 0)>
module attributes {stable_mosaic.version = 14 : i64} {
  func.func @_score(%arg0: i32, %arg1: i32, %arg2: memref<1024x4x128xi32, #tpu.memory_space<hbm>>, %arg3: memref<1024xi32, #tpu.memory_space<hbm>>, %arg4: memref<1024xi32, #tpu.memory_space<hbm>>, %arg5: memref<1024x64xf32, #tpu.memory_space<hbm>>, %arg6: memref<1024x64xf32, #tpu.memory_space<hbm>>, %arg7: memref<1000000x64xf32, #tpu.memory_space<hbm>>, %arg8: memref<1000000x64xf32, #tpu.memory_space<hbm>>, %arg9: memref<1000x64xf32, #tpu.memory_space<hbm>>, %arg10: memref<1000x64xf32, #tpu.memory_space<hbm>>, %arg11: memref<1024x512xf32, #tpu.memory_space<hbm>>, %arg12: memref<32x4x128xi32, #tpu.memory_space<vmem>>, %arg13: memref<4x128x64xf32, #tpu.memory_space<vmem>>, %arg14: memref<4x128x64xf32, #tpu.memory_space<vmem>>, %arg15: memref<32xi32, #tpu.memory_space<vmem>>, %arg16: memref<32xi32, #tpu.memory_space<vmem>>, %arg17: memref<32x64xf32, #tpu.memory_space<vmem>>, %arg18: memref<32x64xf32, #tpu.memory_space<vmem>>, %arg19: memref<32x64xf32, #tpu.memory_space<vmem>>, %arg20: memref<32x64xf32, #tpu.memory_space<vmem>>, %arg21: memref<32x64xf32, #tpu.memory_space<vmem>>, %arg22: memref<32x64xf32, #tpu.memory_space<vmem>>, %arg23: memref<32x64xf32, #tpu.memory_space<vmem>>, %arg24: memref<32x64xf32, #tpu.memory_space<vmem>>, %arg25: memref<32x512xf32, #tpu.memory_space<vmem>>, %arg26: memref<!tpu.dma_semaphore, #tpu.memory_space<semaphore_mem>>, %arg27: memref<!tpu.dma_semaphore, #tpu.memory_space<semaphore_mem>>, %arg28: memref<!tpu.dma_semaphore, #tpu.memory_space<semaphore_mem>>, %arg29: memref<!tpu.dma_semaphore, #tpu.memory_space<semaphore_mem>>, %arg30: memref<!tpu.dma_semaphore, #tpu.memory_space<semaphore_mem>>, %arg31: memref<!tpu.dma_semaphore, #tpu.memory_space<semaphore_mem>>, %arg32: memref<!tpu.dma_semaphore, #tpu.memory_space<semaphore_mem>>, %arg33: memref<!tpu.dma_semaphore, #tpu.memory_space<semaphore_mem>>, %arg34: memref<!tpu.dma_semaphore, #tpu.memory_space<semaphore_mem>>) attributes {dimension_semantics = [#tpu.dimension_semantics<core_parallel>, #tpu.dimension_semantics<subcore_parallel>], iteration_bounds = array<i64: 2, 16>, scalar_prefetch = 0 : i64, scratch_operands = 23 : i64, tpu.core_type = #tpu.core_type<sc_vector_subcore>, window_params = [{transform_indices = #map}, {transform_indices = #map1}, {transform_indices = #map1}, {transform_indices = #map2}, {transform_indices = #map2}, {transform_indices = #map2}, {transform_indices = #map2}, {transform_indices = #map2}, {transform_indices = #map2}, {transform_indices = #map2}]} {
    %mul3A = arith.constant 2 : i32
    %mul3A_0 = arith.muli %arg1, %mul3A : i32
    %add3A = arith.addi %mul3A_0, %arg0 : i32
    %mul3A_1 = arith.constant 32 : i32
    %mul3A_2 = arith.muli %add3A, %mul3A_1 : i32
    "tpu.region"() ({
      %run_scoped3A = tpu.sem_alloc : memref<!tpu.dma_semaphore, #tpu.memory_space<semaphore_mem>>
      %dma_start3A_120 = arith.constant 0 : i32
      %dma_start3A_121 = arith.constant 0 : i32
      %dma_start3A_122 = tpu.memref_slice %arg2[%mul3A_2, %dma_start3A_120, %dma_start3A_121] : memref<1024x4x128xi32, #tpu.memory_space<hbm>> -> memref<32x4x128xi32, #tpu.memory_space<hbm>>
      %dma_start3A_123 = arith.constant 0 : i32
      %dma_start3A_124 = arith.constant 0 : i32
      %dma_start3A_125 = tpu.memref_slice %arg2[%mul3A_2, %dma_start3A_123, %dma_start3A_124] : memref<1024x4x128xi32, #tpu.memory_space<hbm>> -> memref<32x4x128xi32, #tpu.memory_space<hbm>>
      tpu.enqueue_dma source(%dma_start3A_125 : memref<32x4x128xi32, #tpu.memory_space<hbm>>) target(%arg12 : memref<32x4x128xi32, #tpu.memory_space<vmem>>) target_semaphore(%run_scoped3A : memref<!tpu.dma_semaphore, #tpu.memory_space<semaphore_mem>>)
      %dma_wait3A_126 = arith.constant 0 : i32
      %dma_wait3A_127 = arith.constant 0 : i32
      %dma_wait3A_128 = tpu.memref_slice %arg2[%mul3A_2, %dma_wait3A_126, %dma_wait3A_127] : memref<1024x4x128xi32, #tpu.memory_space<hbm>> -> memref<32x4x128xi32, #tpu.memory_space<hbm>>
      %dma_wait3A_129 = arith.constant 0 : i32
      %dma_wait3A_130 = arith.constant 0 : i32
      %dma_wait3A_131 = tpu.memref_slice %arg2[%mul3A_2, %dma_wait3A_129, %dma_wait3A_130] : memref<1024x4x128xi32, #tpu.memory_space<hbm>> -> memref<32x4x128xi32, #tpu.memory_space<hbm>>
      tpu.wait_dma2 semaphore(%run_scoped3A : memref<!tpu.dma_semaphore, #tpu.memory_space<semaphore_mem>>) src(%dma_wait3A_131 : memref<32x4x128xi32, #tpu.memory_space<hbm>>) dst(%arg12 : memref<32x4x128xi32, #tpu.memory_space<vmem>>)
      tpu.yield
    }) : () -> ()
    "tpu.region"() ({
      %run_scoped3A = tpu.sem_alloc : memref<!tpu.dma_semaphore, #tpu.memory_space<semaphore_mem>>
      %dma_start3A_120 = tpu.memref_slice %arg3[%mul3A_2] : memref<1024xi32, #tpu.memory_space<hbm>> -> memref<32xi32, #tpu.memory_space<hbm>>
      %dma_start3A_121 = tpu.memref_slice %arg3[%mul3A_2] : memref<1024xi32, #tpu.memory_space<hbm>> -> memref<32xi32, #tpu.memory_space<hbm>>
      tpu.enqueue_dma source(%dma_start3A_121 : memref<32xi32, #tpu.memory_space<hbm>>) target(%arg15 : memref<32xi32, #tpu.memory_space<vmem>>) target_semaphore(%run_scoped3A : memref<!tpu.dma_semaphore, #tpu.memory_space<semaphore_mem>>)
      %dma_wait3A_122 = tpu.memref_slice %arg3[%mul3A_2] : memref<1024xi32, #tpu.memory_space<hbm>> -> memref<32xi32, #tpu.memory_space<hbm>>
      %dma_wait3A_123 = tpu.memref_slice %arg3[%mul3A_2] : memref<1024xi32, #tpu.memory_space<hbm>> -> memref<32xi32, #tpu.memory_space<hbm>>
      tpu.wait_dma2 semaphore(%run_scoped3A : memref<!tpu.dma_semaphore, #tpu.memory_space<semaphore_mem>>) src(%dma_wait3A_123 : memref<32xi32, #tpu.memory_space<hbm>>) dst(%arg15 : memref<32xi32, #tpu.memory_space<vmem>>)
      tpu.yield
    }) : () -> ()
    "tpu.region"() ({
      %run_scoped3A = tpu.sem_alloc : memref<!tpu.dma_semaphore, #tpu.memory_space<semaphore_mem>>
      %dma_start3A_120 = tpu.memref_slice %arg4[%mul3A_2] : memref<1024xi32, #tpu.memory_space<hbm>> -> memref<32xi32, #tpu.memory_space<hbm>>
      %dma_start3A_121 = tpu.memref_slice %arg4[%mul3A_2] : memref<1024xi32, #tpu.memory_space<hbm>> -> memref<32xi32, #tpu.memory_space<hbm>>
      tpu.enqueue_dma source(%dma_start3A_121 : memref<32xi32, #tpu.memory_space<hbm>>) target(%arg16 : memref<32xi32, #tpu.memory_space<vmem>>) target_semaphore(%run_scoped3A : memref<!tpu.dma_semaphore, #tpu.memory_space<semaphore_mem>>)
      %dma_wait3A_122 = tpu.memref_slice %arg4[%mul3A_2] : memref<1024xi32, #tpu.memory_space<hbm>> -> memref<32xi32, #tpu.memory_space<hbm>>
      %dma_wait3A_123 = tpu.memref_slice %arg4[%mul3A_2] : memref<1024xi32, #tpu.memory_space<hbm>> -> memref<32xi32, #tpu.memory_space<hbm>>
      tpu.wait_dma2 semaphore(%run_scoped3A : memref<!tpu.dma_semaphore, #tpu.memory_space<semaphore_mem>>) src(%dma_wait3A_123 : memref<32xi32, #tpu.memory_space<hbm>>) dst(%arg16 : memref<32xi32, #tpu.memory_space<vmem>>)
      tpu.yield
    }) : () -> ()
    "tpu.region"() ({
      %run_scoped3A = tpu.sem_alloc : memref<!tpu.dma_semaphore, #tpu.memory_space<semaphore_mem>>
      %dma_start3A_120 = arith.constant 0 : i32
      %dma_start3A_121 = tpu.memref_slice %arg5[%mul3A_2, %dma_start3A_120] : memref<1024x64xf32, #tpu.memory_space<hbm>> -> memref<32x64xf32, #tpu.memory_space<hbm>>
      %dma_start3A_122 = arith.constant 0 : i32
      %dma_start3A_123 = tpu.memref_slice %arg5[%mul3A_2, %dma_start3A_122] : memref<1024x64xf32, #tpu.memory_space<hbm>> -> memref<32x64xf32, #tpu.memory_space<hbm>>
      tpu.enqueue_dma source(%dma_start3A_123 : memref<32x64xf32, #tpu.memory_space<hbm>>) target(%arg21 : memref<32x64xf32, #tpu.memory_space<vmem>>) target_semaphore(%run_scoped3A : memref<!tpu.dma_semaphore, #tpu.memory_space<semaphore_mem>>)
      %dma_wait3A_124 = arith.constant 0 : i32
      %dma_wait3A_125 = tpu.memref_slice %arg5[%mul3A_2, %dma_wait3A_124] : memref<1024x64xf32, #tpu.memory_space<hbm>> -> memref<32x64xf32, #tpu.memory_space<hbm>>
      %dma_wait3A_126 = arith.constant 0 : i32
      %dma_wait3A_127 = tpu.memref_slice %arg5[%mul3A_2, %dma_wait3A_126] : memref<1024x64xf32, #tpu.memory_space<hbm>> -> memref<32x64xf32, #tpu.memory_space<hbm>>
      tpu.wait_dma2 semaphore(%run_scoped3A : memref<!tpu.dma_semaphore, #tpu.memory_space<semaphore_mem>>) src(%dma_wait3A_127 : memref<32x64xf32, #tpu.memory_space<hbm>>) dst(%arg21 : memref<32x64xf32, #tpu.memory_space<vmem>>)
      tpu.yield
    }) : () -> ()
    "tpu.region"() ({
      %run_scoped3A = tpu.sem_alloc : memref<!tpu.dma_semaphore, #tpu.memory_space<semaphore_mem>>
      %dma_start3A_120 = arith.constant 0 : i32
      %dma_start3A_121 = tpu.memref_slice %arg6[%mul3A_2, %dma_start3A_120] : memref<1024x64xf32, #tpu.memory_space<hbm>> -> memref<32x64xf32, #tpu.memory_space<hbm>>
      %dma_start3A_122 = arith.constant 0 : i32
      %dma_start3A_123 = tpu.memref_slice %arg6[%mul3A_2, %dma_start3A_122] : memref<1024x64xf32, #tpu.memory_space<hbm>> -> memref<32x64xf32, #tpu.memory_space<hbm>>
      tpu.enqueue_dma source(%dma_start3A_123 : memref<32x64xf32, #tpu.memory_space<hbm>>) target(%arg22 : memref<32x64xf32, #tpu.memory_space<vmem>>) target_semaphore(%run_scoped3A : memref<!tpu.dma_semaphore, #tpu.memory_space<semaphore_mem>>)
      %dma_wait3A_124 = arith.constant 0 : i32
      %dma_wait3A_125 = tpu.memref_slice %arg6[%mul3A_2, %dma_wait3A_124] : memref<1024x64xf32, #tpu.memory_space<hbm>> -> memref<32x64xf32, #tpu.memory_space<hbm>>
      %dma_wait3A_126 = arith.constant 0 : i32
      %dma_wait3A_127 = tpu.memref_slice %arg6[%mul3A_2, %dma_wait3A_126] : memref<1024x64xf32, #tpu.memory_space<hbm>> -> memref<32x64xf32, #tpu.memory_space<hbm>>
      tpu.wait_dma2 semaphore(%run_scoped3A : memref<!tpu.dma_semaphore, #tpu.memory_space<semaphore_mem>>) src(%dma_wait3A_127 : memref<32x64xf32, #tpu.memory_space<hbm>>) dst(%arg22 : memref<32x64xf32, #tpu.memory_space<vmem>>)
      tpu.yield
    }) : () -> ()
    %dma_start3A = arith.constant 0 : i32
    %dma_start3A_3 = arith.constant 0 : i32
    %dma_start3A_4 = tpu.memref_slice %arg7[%dma_start3A, %dma_start3A_3] : memref<1000000x64xf32, #tpu.memory_space<hbm>> -> memref<1000000x64xf32, #tpu.memory_space<hbm>>
    tpu.enqueue_indirect_dma source(%dma_start3A_4 : memref<1000000x64xf32, #tpu.memory_space<hbm>>) target(%arg17 : memref<32x64xf32, #tpu.memory_space<vmem>>) offsets(%arg15 : memref<32xi32, #tpu.memory_space<vmem>>) semaphore(%arg34 : memref<!tpu.dma_semaphore, #tpu.memory_space<semaphore_mem>>)
    %dma_wait3A = arith.constant 0 : i32
    %dma_wait3A_5 = arith.constant 0 : i32
    %dma_wait3A_6 = tpu.memref_slice %arg7[%dma_wait3A, %dma_wait3A_5] : memref<1000000x64xf32, #tpu.memory_space<hbm>> -> memref<1000000x64xf32, #tpu.memory_space<hbm>>
    tpu.wait_indirect_dma semaphore(%arg34 : memref<!tpu.dma_semaphore, #tpu.memory_space<semaphore_mem>>) src(%dma_wait3A_6 : memref<1000000x64xf32, #tpu.memory_space<hbm>>) dst(%arg17 : memref<32x64xf32, #tpu.memory_space<vmem>>)
    %dma_start3A_7 = arith.constant 0 : i32
    %dma_start3A_8 = arith.constant 0 : i32
    %dma_start3A_9 = tpu.memref_slice %arg8[%dma_start3A_7, %dma_start3A_8] : memref<1000000x64xf32, #tpu.memory_space<hbm>> -> memref<1000000x64xf32, #tpu.memory_space<hbm>>
    tpu.enqueue_indirect_dma source(%dma_start3A_9 : memref<1000000x64xf32, #tpu.memory_space<hbm>>) target(%arg18 : memref<32x64xf32, #tpu.memory_space<vmem>>) offsets(%arg15 : memref<32xi32, #tpu.memory_space<vmem>>) semaphore(%arg34 : memref<!tpu.dma_semaphore, #tpu.memory_space<semaphore_mem>>)
    %dma_wait3A_10 = arith.constant 0 : i32
    %dma_wait3A_11 = arith.constant 0 : i32
    %dma_wait3A_12 = tpu.memref_slice %arg8[%dma_wait3A_10, %dma_wait3A_11] : memref<1000000x64xf32, #tpu.memory_space<hbm>> -> memref<1000000x64xf32, #tpu.memory_space<hbm>>
    tpu.wait_indirect_dma semaphore(%arg34 : memref<!tpu.dma_semaphore, #tpu.memory_space<semaphore_mem>>) src(%dma_wait3A_12 : memref<1000000x64xf32, #tpu.memory_space<hbm>>) dst(%arg18 : memref<32x64xf32, #tpu.memory_space<vmem>>)
    %dma_start3A_13 = arith.constant 0 : i32
    %dma_start3A_14 = arith.constant 0 : i32
    %dma_start3A_15 = tpu.memref_slice %arg9[%dma_start3A_13, %dma_start3A_14] : memref<1000x64xf32, #tpu.memory_space<hbm>> -> memref<1000x64xf32, #tpu.memory_space<hbm>>
    tpu.enqueue_indirect_dma source(%dma_start3A_15 : memref<1000x64xf32, #tpu.memory_space<hbm>>) target(%arg19 : memref<32x64xf32, #tpu.memory_space<vmem>>) offsets(%arg16 : memref<32xi32, #tpu.memory_space<vmem>>) semaphore(%arg34 : memref<!tpu.dma_semaphore, #tpu.memory_space<semaphore_mem>>)
    %dma_wait3A_16 = arith.constant 0 : i32
    %dma_wait3A_17 = arith.constant 0 : i32
    %dma_wait3A_18 = tpu.memref_slice %arg9[%dma_wait3A_16, %dma_wait3A_17] : memref<1000x64xf32, #tpu.memory_space<hbm>> -> memref<1000x64xf32, #tpu.memory_space<hbm>>
    tpu.wait_indirect_dma semaphore(%arg34 : memref<!tpu.dma_semaphore, #tpu.memory_space<semaphore_mem>>) src(%dma_wait3A_18 : memref<1000x64xf32, #tpu.memory_space<hbm>>) dst(%arg19 : memref<32x64xf32, #tpu.memory_space<vmem>>)
    %dma_start3A_19 = arith.constant 0 : i32
    %dma_start3A_20 = arith.constant 0 : i32
    %dma_start3A_21 = tpu.memref_slice %arg10[%dma_start3A_19, %dma_start3A_20] : memref<1000x64xf32, #tpu.memory_space<hbm>> -> memref<1000x64xf32, #tpu.memory_space<hbm>>
    tpu.enqueue_indirect_dma source(%dma_start3A_21 : memref<1000x64xf32, #tpu.memory_space<hbm>>) target(%arg20 : memref<32x64xf32, #tpu.memory_space<vmem>>) offsets(%arg16 : memref<32xi32, #tpu.memory_space<vmem>>) semaphore(%arg34 : memref<!tpu.dma_semaphore, #tpu.memory_space<semaphore_mem>>)
    %dma_wait3A_22 = arith.constant 0 : i32
    %dma_wait3A_23 = arith.constant 0 : i32
    %dma_wait3A_24 = tpu.memref_slice %arg10[%dma_wait3A_22, %dma_wait3A_23] : memref<1000x64xf32, #tpu.memory_space<hbm>> -> memref<1000x64xf32, #tpu.memory_space<hbm>>
    tpu.wait_indirect_dma semaphore(%arg34 : memref<!tpu.dma_semaphore, #tpu.memory_space<semaphore_mem>>) src(%dma_wait3A_24 : memref<1000x64xf32, #tpu.memory_space<hbm>>) dst(%arg20 : memref<32x64xf32, #tpu.memory_space<vmem>>)
    %scan3A = arith.constant 0 : i32
    %scan3A_25 = arith.constant 0 : i32
    %scan3A_26 = arith.constant 32 : i32
    %scan3A_27 = arith.addi %scan3A_25, %scan3A_26 : i32
    %scan3A_28 = arith.constant 1 : i32
    scf.for %scan3A_120 = %scan3A_25 to %scan3A_27 step %scan3A_28  : i32 {
      %get3A = arith.index_cast %scan3A_120 : i32 to index
      %get3A_121 = arith.constant 0 : index
      %get3A_122 = tpu.vector_load %arg21[%get3A, %get3A_121] {strides = array<i32>} : memref<32x64xf32, #tpu.memory_space<vmem>>, vector<16xf32>,
      %get3A_123 = arith.index_cast %scan3A_120 : i32 to index
      %get3A_124 = arith.constant 0 : index
      %get3A_125 = tpu.vector_load %arg22[%get3A_123, %get3A_124] {strides = array<i32>} : memref<32x64xf32, #tpu.memory_space<vmem>>, vector<16xf32>,
      %get3A_126 = arith.index_cast %scan3A_120 : i32 to index
      %get3A_127 = arith.constant 0 : index
      %get3A_128 = tpu.vector_load %arg17[%get3A_126, %get3A_127] {strides = array<i32>} : memref<32x64xf32, #tpu.memory_space<vmem>>, vector<16xf32>,
      %get3A_129 = arith.index_cast %scan3A_120 : i32 to index
      %get3A_130 = arith.constant 0 : index
      %get3A_131 = tpu.vector_load %arg18[%get3A_129, %get3A_130] {strides = array<i32>} : memref<32x64xf32, #tpu.memory_space<vmem>>, vector<16xf32>,
      %mul3A_132 = arith.mulf %get3A_128, %get3A_122 : vector<16xf32>
      %mul3A_133 = arith.mulf %get3A_131, %get3A_125 : vector<16xf32>
      %sub3A = arith.subf %mul3A_132, %mul3A_133 : vector<16xf32>
      %get3A_134 = arith.index_cast %scan3A_120 : i32 to index
      %get3A_135 = arith.constant 0 : index
      %get3A_136 = tpu.vector_load %arg19[%get3A_134, %get3A_135] {strides = array<i32>} : memref<32x64xf32, #tpu.memory_space<vmem>>, vector<16xf32>,
      %add3A_137 = arith.addf %sub3A, %get3A_136 : vector<16xf32>
      %swap3A = arith.index_cast %scan3A_120 : i32 to index
      %swap3A_138 = arith.constant 0 : index
      %swap3A_139 = tpu.vector_load %arg23[%swap3A, %swap3A_138] {strides = array<i32>} : memref<32x64xf32, #tpu.memory_space<vmem>>, vector<16xf32>,
      tpu.vector_store %arg23[%swap3A, %swap3A_138], %add3A_137 {strides = array<i32>} : memref<32x64xf32, #tpu.memory_space<vmem>>, vector<16xf32>,
      %mul3A_140 = arith.mulf %get3A_128, %get3A_125 : vector<16xf32>
      %mul3A_141 = arith.mulf %get3A_131, %get3A_122 : vector<16xf32>
      %add3A_142 = arith.addf %mul3A_140, %mul3A_141 : vector<16xf32>
      %get3A_143 = arith.index_cast %scan3A_120 : i32 to index
      %get3A_144 = arith.constant 0 : index
      %get3A_145 = tpu.vector_load %arg20[%get3A_143, %get3A_144] {strides = array<i32>} : memref<32x64xf32, #tpu.memory_space<vmem>>, vector<16xf32>,
      %add3A_146 = arith.addf %add3A_142, %get3A_145 : vector<16xf32>
      %swap3A_147 = arith.index_cast %scan3A_120 : i32 to index
      %swap3A_148 = arith.constant 0 : index
      %swap3A_149 = tpu.vector_load %arg24[%swap3A_147, %swap3A_148] {strides = array<i32>} : memref<32x64xf32, #tpu.memory_space<vmem>>, vector<16xf32>,
      tpu.vector_store %arg24[%swap3A_147, %swap3A_148], %add3A_146 {strides = array<i32>} : memref<32x64xf32, #tpu.memory_space<vmem>>, vector<16xf32>,
      %get3A_150 = arith.index_cast %scan3A_120 : i32 to index
      %get3A_151 = arith.constant 16 : index
      %get3A_152 = tpu.vector_load %arg21[%get3A_150, %get3A_151] {strides = array<i32>} : memref<32x64xf32, #tpu.memory_space<vmem>>, vector<16xf32>,
      %get3A_153 = arith.index_cast %scan3A_120 : i32 to index
      %get3A_154 = arith.constant 16 : index
      %get3A_155 = tpu.vector_load %arg22[%get3A_153, %get3A_154] {strides = array<i32>} : memref<32x64xf32, #tpu.memory_space<vmem>>, vector<16xf32>,
      %get3A_156 = arith.index_cast %scan3A_120 : i32 to index
      %get3A_157 = arith.constant 16 : index
      %get3A_158 = tpu.vector_load %arg17[%get3A_156, %get3A_157] {strides = array<i32>} : memref<32x64xf32, #tpu.memory_space<vmem>>, vector<16xf32>,
      %get3A_159 = arith.index_cast %scan3A_120 : i32 to index
      %get3A_160 = arith.constant 16 : index
      %get3A_161 = tpu.vector_load %arg18[%get3A_159, %get3A_160] {strides = array<i32>} : memref<32x64xf32, #tpu.memory_space<vmem>>, vector<16xf32>,
      %mul3A_162 = arith.mulf %get3A_158, %get3A_152 : vector<16xf32>
      %mul3A_163 = arith.mulf %get3A_161, %get3A_155 : vector<16xf32>
      %sub3A_164 = arith.subf %mul3A_162, %mul3A_163 : vector<16xf32>
      %get3A_165 = arith.index_cast %scan3A_120 : i32 to index
      %get3A_166 = arith.constant 16 : index
      %get3A_167 = tpu.vector_load %arg19[%get3A_165, %get3A_166] {strides = array<i32>} : memref<32x64xf32, #tpu.memory_space<vmem>>, vector<16xf32>,
      %add3A_168 = arith.addf %sub3A_164, %get3A_167 : vector<16xf32>
      %swap3A_169 = arith.index_cast %scan3A_120 : i32 to index
      %swap3A_170 = arith.constant 16 : index
      %swap3A_171 = tpu.vector_load %arg23[%swap3A_169, %swap3A_170] {strides = array<i32>} : memref<32x64xf32, #tpu.memory_space<vmem>>, vector<16xf32>,
      tpu.vector_store %arg23[%swap3A_169, %swap3A_170], %add3A_168 {strides = array<i32>} : memref<32x64xf32, #tpu.memory_space<vmem>>, vector<16xf32>,
      %mul3A_172 = arith.mulf %get3A_158, %get3A_155 : vector<16xf32>
      %mul3A_173 = arith.mulf %get3A_161, %get3A_152 : vector<16xf32>
      %add3A_174 = arith.addf %mul3A_172, %mul3A_173 : vector<16xf32>
      %get3A_175 = arith.index_cast %scan3A_120 : i32 to index
      %get3A_176 = arith.constant 16 : index
      %get3A_177 = tpu.vector_load %arg20[%get3A_175, %get3A_176] {strides = array<i32>} : memref<32x64xf32, #tpu.memory_space<vmem>>, vector<16xf32>,
      %add3A_178 = arith.addf %add3A_174, %get3A_177 : vector<16xf32>
      %swap3A_179 = arith.index_cast %scan3A_120 : i32 to index
      %swap3A_180 = arith.constant 16 : index
      %swap3A_181 = tpu.vector_load %arg24[%swap3A_179, %swap3A_180] {strides = array<i32>} : memref<32x64xf32, #tpu.memory_space<vmem>>, vector<16xf32>,
      tpu.vector_store %arg24[%swap3A_179, %swap3A_180], %add3A_178 {strides = array<i32>} : memref<32x64xf32, #tpu.memory_space<vmem>>, vector<16xf32>,
      %get3A_182 = arith.index_cast %scan3A_120 : i32 to index
      %get3A_183 = arith.constant 32 : index
      %get3A_184 = tpu.vector_load %arg21[%get3A_182, %get3A_183] {strides = array<i32>} : memref<32x64xf32, #tpu.memory_space<vmem>>, vector<16xf32>,
      %get3A_185 = arith.index_cast %scan3A_120 : i32 to index
      %get3A_186 = arith.constant 32 : index
      %get3A_187 = tpu.vector_load %arg22[%get3A_185, %get3A_186] {strides = array<i32>} : memref<32x64xf32, #tpu.memory_space<vmem>>, vector<16xf32>,
      %get3A_188 = arith.index_cast %scan3A_120 : i32 to index
      %get3A_189 = arith.constant 32 : index
      %get3A_190 = tpu.vector_load %arg17[%get3A_188, %get3A_189] {strides = array<i32>} : memref<32x64xf32, #tpu.memory_space<vmem>>, vector<16xf32>,
      %get3A_191 = arith.index_cast %scan3A_120 : i32 to index
      %get3A_192 = arith.constant 32 : index
      %get3A_193 = tpu.vector_load %arg18[%get3A_191, %get3A_192] {strides = array<i32>} : memref<32x64xf32, #tpu.memory_space<vmem>>, vector<16xf32>,
      %mul3A_194 = arith.mulf %get3A_190, %get3A_184 : vector<16xf32>
      %mul3A_195 = arith.mulf %get3A_193, %get3A_187 : vector<16xf32>
      %sub3A_196 = arith.subf %mul3A_194, %mul3A_195 : vector<16xf32>
      %get3A_197 = arith.index_cast %scan3A_120 : i32 to index
      %get3A_198 = arith.constant 32 : index
      %get3A_199 = tpu.vector_load %arg19[%get3A_197, %get3A_198] {strides = array<i32>} : memref<32x64xf32, #tpu.memory_space<vmem>>, vector<16xf32>,
      %add3A_200 = arith.addf %sub3A_196, %get3A_199 : vector<16xf32>
      %swap3A_201 = arith.index_cast %scan3A_120 : i32 to index
      %swap3A_202 = arith.constant 32 : index
      %swap3A_203 = tpu.vector_load %arg23[%swap3A_201, %swap3A_202] {strides = array<i32>} : memref<32x64xf32, #tpu.memory_space<vmem>>, vector<16xf32>,
      tpu.vector_store %arg23[%swap3A_201, %swap3A_202], %add3A_200 {strides = array<i32>} : memref<32x64xf32, #tpu.memory_space<vmem>>, vector<16xf32>,
      %mul3A_204 = arith.mulf %get3A_190, %get3A_187 : vector<16xf32>
      %mul3A_205 = arith.mulf %get3A_193, %get3A_184 : vector<16xf32>
      %add3A_206 = arith.addf %mul3A_204, %mul3A_205 : vector<16xf32>
      %get3A_207 = arith.index_cast %scan3A_120 : i32 to index
      %get3A_208 = arith.constant 32 : index
      %get3A_209 = tpu.vector_load %arg20[%get3A_207, %get3A_208] {strides = array<i32>} : memref<32x64xf32, #tpu.memory_space<vmem>>, vector<16xf32>,
      %add3A_210 = arith.addf %add3A_206, %get3A_209 : vector<16xf32>
      %swap3A_211 = arith.index_cast %scan3A_120 : i32 to index
      %swap3A_212 = arith.constant 32 : index
      %swap3A_213 = tpu.vector_load %arg24[%swap3A_211, %swap3A_212] {strides = array<i32>} : memref<32x64xf32, #tpu.memory_space<vmem>>, vector<16xf32>,
      tpu.vector_store %arg24[%swap3A_211, %swap3A_212], %add3A_210 {strides = array<i32>} : memref<32x64xf32, #tpu.memory_space<vmem>>, vector<16xf32>,
      %get3A_214 = arith.index_cast %scan3A_120 : i32 to index
      %get3A_215 = arith.constant 48 : index
      %get3A_216 = tpu.vector_load %arg21[%get3A_214, %get3A_215] {strides = array<i32>} : memref<32x64xf32, #tpu.memory_space<vmem>>, vector<16xf32>,
      %get3A_217 = arith.index_cast %scan3A_120 : i32 to index
      %get3A_218 = arith.constant 48 : index
      %get3A_219 = tpu.vector_load %arg22[%get3A_217, %get3A_218] {strides = array<i32>} : memref<32x64xf32, #tpu.memory_space<vmem>>, vector<16xf32>,
      %get3A_220 = arith.index_cast %scan3A_120 : i32 to index
      %get3A_221 = arith.constant 48 : index
      %get3A_222 = tpu.vector_load %arg17[%get3A_220, %get3A_221] {strides = array<i32>} : memref<32x64xf32, #tpu.memory_space<vmem>>, vector<16xf32>,
      %get3A_223 = arith.index_cast %scan3A_120 : i32 to index
      %get3A_224 = arith.constant 48 : index
      %get3A_225 = tpu.vector_load %arg18[%get3A_223, %get3A_224] {strides = array<i32>} : memref<32x64xf32, #tpu.memory_space<vmem>>, vector<16xf32>,
      %mul3A_226 = arith.mulf %get3A_222, %get3A_216 : vector<16xf32>
      %mul3A_227 = arith.mulf %get3A_225, %get3A_219 : vector<16xf32>
      %sub3A_228 = arith.subf %mul3A_226, %mul3A_227 : vector<16xf32>
      %get3A_229 = arith.index_cast %scan3A_120 : i32 to index
      %get3A_230 = arith.constant 48 : index
      %get3A_231 = tpu.vector_load %arg19[%get3A_229, %get3A_230] {strides = array<i32>} : memref<32x64xf32, #tpu.memory_space<vmem>>, vector<16xf32>,
      %add3A_232 = arith.addf %sub3A_228, %get3A_231 : vector<16xf32>
      %swap3A_233 = arith.index_cast %scan3A_120 : i32 to index
      %swap3A_234 = arith.constant 48 : index
      %swap3A_235 = tpu.vector_load %arg23[%swap3A_233, %swap3A_234] {strides = array<i32>} : memref<32x64xf32, #tpu.memory_space<vmem>>, vector<16xf32>,
      tpu.vector_store %arg23[%swap3A_233, %swap3A_234], %add3A_232 {strides = array<i32>} : memref<32x64xf32, #tpu.memory_space<vmem>>, vector<16xf32>,
      %mul3A_236 = arith.mulf %get3A_222, %get3A_219 : vector<16xf32>
      %mul3A_237 = arith.mulf %get3A_225, %get3A_216 : vector<16xf32>
      %add3A_238 = arith.addf %mul3A_236, %mul3A_237 : vector<16xf32>
      %get3A_239 = arith.index_cast %scan3A_120 : i32 to index
      %get3A_240 = arith.constant 48 : index
      %get3A_241 = tpu.vector_load %arg20[%get3A_239, %get3A_240] {strides = array<i32>} : memref<32x64xf32, #tpu.memory_space<vmem>>, vector<16xf32>,
      %add3A_242 = arith.addf %add3A_238, %get3A_241 : vector<16xf32>
      %swap3A_243 = arith.index_cast %scan3A_120 : i32 to index
      %swap3A_244 = arith.constant 48 : index
      %swap3A_245 = tpu.vector_load %arg24[%swap3A_243, %swap3A_244] {strides = array<i32>} : memref<32x64xf32, #tpu.memory_space<vmem>>, vector<16xf32>,
      tpu.vector_store %arg24[%swap3A_243, %swap3A_244], %add3A_242 {strides = array<i32>} : memref<32x64xf32, #tpu.memory_space<vmem>>, vector<16xf32>,
    }
    %scan3A_29 = arith.constant 32 : i32
    %div3A = arith.constant 0 : i32
    %div3A_30 = arith.constant 4 : i32
    %div3A_31 = arith.divsi %div3A, %div3A_30 : i32
    %rem3A = arith.constant 0 : i32
    %rem3A_32 = arith.constant 4 : i32
    %rem3A_33 = arith.remsi %rem3A, %rem3A_32 : i32
    %dma_start3A_34 = arith.constant 0 : i32
    %dma_start3A_35 = arith.constant 0 : i32
    %dma_start3A_36 = arith.constant 0 : i32
    %dma_start3A_37 = tpu.memref_slice %arg13[%dma_start3A_34, %dma_start3A_35, %dma_start3A_36] : memref<4x128x64xf32, #tpu.memory_space<vmem>> -> memref<1x128x64xf32, #tpu.memory_space<vmem>>
    %dma_start3A_38 = tpu.memref_squeeze %dma_start3A_37 : memref<1x128x64xf32, #tpu.memory_space<vmem>> -> memref<128x64xf32, #tpu.memory_space<vmem>>
    %dma_start3A_39 = arith.constant 0 : i32
    %dma_start3A_40 = tpu.memref_slice %arg12[%div3A_31, %rem3A_33, %dma_start3A_39] : memref<32x4x128xi32, #tpu.memory_space<vmem>> -> memref<1x1x128xi32, #tpu.memory_space<vmem>>
    %dma_start3A_41 = tpu.memref_squeeze %dma_start3A_40 : memref<1x1x128xi32, #tpu.memory_space<vmem>> -> memref<128xi32, #tpu.memory_space<vmem>>
    %dma_start3A_42 = arith.constant 0 : i32
    %dma_start3A_43 = arith.constant 0 : i32
    %dma_start3A_44 = tpu.memref_slice %arg7[%dma_start3A_42, %dma_start3A_43] : memref<1000000x64xf32, #tpu.memory_space<hbm>> -> memref<1000000x64xf32, #tpu.memory_space<hbm>>
    tpu.enqueue_indirect_dma source(%dma_start3A_44 : memref<1000000x64xf32, #tpu.memory_space<hbm>>) target(%dma_start3A_38 : memref<128x64xf32, #tpu.memory_space<vmem>>) offsets(%dma_start3A_41 : memref<128xi32, #tpu.memory_space<vmem>>) semaphore(%arg26 : memref<!tpu.dma_semaphore, #tpu.memory_space<semaphore_mem>>)
    %dma_start3A_45 = arith.constant 0 : i32
    %dma_start3A_46 = arith.constant 0 : i32
    %dma_start3A_47 = arith.constant 0 : i32
    %dma_start3A_48 = tpu.memref_slice %arg14[%dma_start3A_45, %dma_start3A_46, %dma_start3A_47] : memref<4x128x64xf32, #tpu.memory_space<vmem>> -> memref<1x128x64xf32, #tpu.memory_space<vmem>>
    %dma_start3A_49 = tpu.memref_squeeze %dma_start3A_48 : memref<1x128x64xf32, #tpu.memory_space<vmem>> -> memref<128x64xf32, #tpu.memory_space<vmem>>
    %dma_start3A_50 = arith.constant 0 : i32
    %dma_start3A_51 = tpu.memref_slice %arg12[%div3A_31, %rem3A_33, %dma_start3A_50] : memref<32x4x128xi32, #tpu.memory_space<vmem>> -> memref<1x1x128xi32, #tpu.memory_space<vmem>>
    %dma_start3A_52 = tpu.memref_squeeze %dma_start3A_51 : memref<1x1x128xi32, #tpu.memory_space<vmem>> -> memref<128xi32, #tpu.memory_space<vmem>>
    %dma_start3A_53 = arith.constant 0 : i32
    %dma_start3A_54 = arith.constant 0 : i32
    %dma_start3A_55 = tpu.memref_slice %arg8[%dma_start3A_53, %dma_start3A_54] : memref<1000000x64xf32, #tpu.memory_space<hbm>> -> memref<1000000x64xf32, #tpu.memory_space<hbm>>
    tpu.enqueue_indirect_dma source(%dma_start3A_55 : memref<1000000x64xf32, #tpu.memory_space<hbm>>) target(%dma_start3A_49 : memref<128x64xf32, #tpu.memory_space<vmem>>) offsets(%dma_start3A_52 : memref<128xi32, #tpu.memory_space<vmem>>) semaphore(%arg27 : memref<!tpu.dma_semaphore, #tpu.memory_space<semaphore_mem>>)
    %div3A_56 = arith.constant 1 : i32
    %div3A_57 = arith.constant 4 : i32
    %div3A_58 = arith.divsi %div3A_56, %div3A_57 : i32
    %rem3A_59 = arith.constant 1 : i32
    %rem3A_60 = arith.constant 4 : i32
    %rem3A_61 = arith.remsi %rem3A_59, %rem3A_60 : i32
    %dma_start3A_62 = arith.constant 1 : i32
    %dma_start3A_63 = arith.constant 0 : i32
    %dma_start3A_64 = arith.constant 0 : i32
    %dma_start3A_65 = tpu.memref_slice %arg13[%dma_start3A_62, %dma_start3A_63, %dma_start3A_64] : memref<4x128x64xf32, #tpu.memory_space<vmem>> -> memref<1x128x64xf32, #tpu.memory_space<vmem>>
    %dma_start3A_66 = tpu.memref_squeeze %dma_start3A_65 : memref<1x128x64xf32, #tpu.memory_space<vmem>> -> memref<128x64xf32, #tpu.memory_space<vmem>>
    %dma_start3A_67 = arith.constant 0 : i32
    %dma_start3A_68 = tpu.memref_slice %arg12[%div3A_58, %rem3A_61, %dma_start3A_67] : memref<32x4x128xi32, #tpu.memory_space<vmem>> -> memref<1x1x128xi32, #tpu.memory_space<vmem>>
    %dma_start3A_69 = tpu.memref_squeeze %dma_start3A_68 : memref<1x1x128xi32, #tpu.memory_space<vmem>> -> memref<128xi32, #tpu.memory_space<vmem>>
    %dma_start3A_70 = arith.constant 0 : i32
    %dma_start3A_71 = arith.constant 0 : i32
    %dma_start3A_72 = tpu.memref_slice %arg7[%dma_start3A_70, %dma_start3A_71] : memref<1000000x64xf32, #tpu.memory_space<hbm>> -> memref<1000000x64xf32, #tpu.memory_space<hbm>>
    tpu.enqueue_indirect_dma source(%dma_start3A_72 : memref<1000000x64xf32, #tpu.memory_space<hbm>>) target(%dma_start3A_66 : memref<128x64xf32, #tpu.memory_space<vmem>>) offsets(%dma_start3A_69 : memref<128xi32, #tpu.memory_space<vmem>>) semaphore(%arg28 : memref<!tpu.dma_semaphore, #tpu.memory_space<semaphore_mem>>)
    %dma_start3A_73 = arith.constant 1 : i32
    %dma_start3A_74 = arith.constant 0 : i32
    %dma_start3A_75 = arith.constant 0 : i32
    %dma_start3A_76 = tpu.memref_slice %arg14[%dma_start3A_73, %dma_start3A_74, %dma_start3A_75] : memref<4x128x64xf32, #tpu.memory_space<vmem>> -> memref<1x128x64xf32, #tpu.memory_space<vmem>>
    %dma_start3A_77 = tpu.memref_squeeze %dma_start3A_76 : memref<1x128x64xf32, #tpu.memory_space<vmem>> -> memref<128x64xf32, #tpu.memory_space<vmem>>
    %dma_start3A_78 = arith.constant 0 : i32
    %dma_start3A_79 = tpu.memref_slice %arg12[%div3A_58, %rem3A_61, %dma_start3A_78] : memref<32x4x128xi32, #tpu.memory_space<vmem>> -> memref<1x1x128xi32, #tpu.memory_space<vmem>>
    %dma_start3A_80 = tpu.memref_squeeze %dma_start3A_79 : memref<1x1x128xi32, #tpu.memory_space<vmem>> -> memref<128xi32, #tpu.memory_space<vmem>>
    %dma_start3A_81 = arith.constant 0 : i32
    %dma_start3A_82 = arith.constant 0 : i32
    %dma_start3A_83 = tpu.memref_slice %arg8[%dma_start3A_81, %dma_start3A_82] : memref<1000000x64xf32, #tpu.memory_space<hbm>> -> memref<1000000x64xf32, #tpu.memory_space<hbm>>
    tpu.enqueue_indirect_dma source(%dma_start3A_83 : memref<1000000x64xf32, #tpu.memory_space<hbm>>) target(%dma_start3A_77 : memref<128x64xf32, #tpu.memory_space<vmem>>) offsets(%dma_start3A_80 : memref<128xi32, #tpu.memory_space<vmem>>) semaphore(%arg29 : memref<!tpu.dma_semaphore, #tpu.memory_space<semaphore_mem>>)
    %div3A_84 = arith.constant 2 : i32
    %div3A_85 = arith.constant 4 : i32
    %div3A_86 = arith.divsi %div3A_84, %div3A_85 : i32
    %rem3A_87 = arith.constant 2 : i32
    %rem3A_88 = arith.constant 4 : i32
    %rem3A_89 = arith.remsi %rem3A_87, %rem3A_88 : i32
    %dma_start3A_90 = arith.constant 2 : i32
    %dma_start3A_91 = arith.constant 0 : i32
    %dma_start3A_92 = arith.constant 0 : i32
    %dma_start3A_93 = tpu.memref_slice %arg13[%dma_start3A_90, %dma_start3A_91, %dma_start3A_92] : memref<4x128x64xf32, #tpu.memory_space<vmem>> -> memref<1x128x64xf32, #tpu.memory_space<vmem>>
    %dma_start3A_94 = tpu.memref_squeeze %dma_start3A_93 : memref<1x128x64xf32, #tpu.memory_space<vmem>> -> memref<128x64xf32, #tpu.memory_space<vmem>>
    %dma_start3A_95 = arith.constant 0 : i32
    %dma_start3A_96 = tpu.memref_slice %arg12[%div3A_86, %rem3A_89, %dma_start3A_95] : memref<32x4x128xi32, #tpu.memory_space<vmem>> -> memref<1x1x128xi32, #tpu.memory_space<vmem>>
    %dma_start3A_97 = tpu.memref_squeeze %dma_start3A_96 : memref<1x1x128xi32, #tpu.memory_space<vmem>> -> memref<128xi32, #tpu.memory_space<vmem>>
    %dma_start3A_98 = arith.constant 0 : i32
    %dma_start3A_99 = arith.constant 0 : i32
    %dma_start3A_100 = tpu.memref_slice %arg7[%dma_start3A_98, %dma_start3A_99] : memref<1000000x64xf32, #tpu.memory_space<hbm>> -> memref<1000000x64xf32, #tpu.memory_space<hbm>>
    tpu.enqueue_indirect_dma source(%dma_start3A_100 : memref<1000000x64xf32, #tpu.memory_space<hbm>>) target(%dma_start3A_94 : memref<128x64xf32, #tpu.memory_space<vmem>>) offsets(%dma_start3A_97 : memref<128xi32, #tpu.memory_space<vmem>>) semaphore(%arg30 : memref<!tpu.dma_semaphore, #tpu.memory_space<semaphore_mem>>)
    %dma_start3A_101 = arith.constant 2 : i32
    %dma_start3A_102 = arith.constant 0 : i32
    %dma_start3A_103 = arith.constant 0 : i32
    %dma_start3A_104 = tpu.memref_slice %arg14[%dma_start3A_101, %dma_start3A_102, %dma_start3A_103] : memref<4x128x64xf32, #tpu.memory_space<vmem>> -> memref<1x128x64xf32, #tpu.memory_space<vmem>>
    %dma_start3A_105 = tpu.memref_squeeze %dma_start3A_104 : memref<1x128x64xf32, #tpu.memory_space<vmem>> -> memref<128x64xf32, #tpu.memory_space<vmem>>
    %dma_start3A_106 = arith.constant 0 : i32
    %dma_start3A_107 = tpu.memref_slice %arg12[%div3A_86, %rem3A_89, %dma_start3A_106] : memref<32x4x128xi32, #tpu.memory_space<vmem>> -> memref<1x1x128xi32, #tpu.memory_space<vmem>>
    %dma_start3A_108 = tpu.memref_squeeze %dma_start3A_107 : memref<1x1x128xi32, #tpu.memory_space<vmem>> -> memref<128xi32, #tpu.memory_space<vmem>>
    %dma_start3A_109 = arith.constant 0 : i32
    %dma_start3A_110 = arith.constant 0 : i32
    %dma_start3A_111 = tpu.memref_slice %arg8[%dma_start3A_109, %dma_start3A_110] : memref<1000000x64xf32, #tpu.memory_space<hbm>> -> memref<1000000x64xf32, #tpu.memory_space<hbm>>
    tpu.enqueue_indirect_dma source(%dma_start3A_111 : memref<1000000x64xf32, #tpu.memory_space<hbm>>) target(%dma_start3A_105 : memref<128x64xf32, #tpu.memory_space<vmem>>) offsets(%dma_start3A_108 : memref<128xi32, #tpu.memory_space<vmem>>) semaphore(%arg31 : memref<!tpu.dma_semaphore, #tpu.memory_space<semaphore_mem>>)
    %iota3A = tpu.iota {dimensions = array<i32: 0>} : vector<16xi32>
    %eq3A = arith.constant 0 : i32
    %eq3A_112 = vector.broadcast %eq3A : i32 to vector<16xi32>
    %eq3A_113 = arith.cmpi eq, %iota3A, %eq3A_112 : vector<16xi32>
    %scan3A_114 = arith.constant 0 : i32
    %scan3A_115 = arith.constant 0 : i32
    %scan3A_116 = arith.constant 32 : i32
    %scan3A_117 = arith.addi %scan3A_115, %scan3A_116 : i32
    %scan3A_118 = arith.constant 1 : i32
    scf.for %scan3A_120 = %scan3A_115 to %scan3A_117 step %scan3A_118  : i32 {
      %mul3A_121 = arith.constant 4 : i32
      %mul3A_122 = arith.muli %mul3A_121, %scan3A_120 : i32
      %add3A_123 = arith.constant 3 : i32
      %add3A_124 = arith.addi %mul3A_122, %add3A_123 : i32
      %lt3A = arith.constant 128 : i32
      %lt3A_125 = arith.cmpi slt, %add3A_124, %lt3A : i32
      %convert_element_type3A = arith.extui %lt3A_125 : i1 to i32
      %cond3A = arith.constant 0 : i32
      %cond3A_126 = arith.cmpi ne, %convert_element_type3A, %cond3A : i32
      scf.if %cond3A_126 {
        %add3A_506 = arith.constant 3 : i32
        %add3A_507 = arith.addi %mul3A_122, %add3A_506 : i32
        %div3A_508 = arith.constant 4 : i32
        %div3A_509 = arith.divsi %add3A_507, %div3A_508 : i32
        %rem3A_510 = arith.constant 4 : i32
        %rem3A_511 = arith.remsi %add3A_507, %rem3A_510 : i32
        %dma_start3A_512 = arith.constant 3 : i32
        %dma_start3A_513 = arith.constant 0 : i32
        %dma_start3A_514 = arith.constant 0 : i32
        %dma_start3A_515 = tpu.memref_slice %arg13[%dma_start3A_512, %dma_start3A_513, %dma_start3A_514] : memref<4x128x64xf32, #tpu.memory_space<vmem>> -> memref<1x128x64xf32, #tpu.memory_space<vmem>>
        %dma_start3A_516 = tpu.memref_squeeze %dma_start3A_515 : memref<1x128x64xf32, #tpu.memory_space<vmem>> -> memref<128x64xf32, #tpu.memory_space<vmem>>
        %dma_start3A_517 = arith.constant 0 : i32
        %dma_start3A_518 = tpu.memref_slice %arg12[%div3A_509, %rem3A_511, %dma_start3A_517] : memref<32x4x128xi32, #tpu.memory_space<vmem>> -> memref<1x1x128xi32, #tpu.memory_space<vmem>>
        %dma_start3A_519 = tpu.memref_squeeze %dma_start3A_518 : memref<1x1x128xi32, #tpu.memory_space<vmem>> -> memref<128xi32, #tpu.memory_space<vmem>>
        %dma_start3A_520 = arith.constant 0 : i32
        %dma_start3A_521 = arith.constant 0 : i32
        %dma_start3A_522 = tpu.memref_slice %arg7[%dma_start3A_520, %dma_start3A_521] : memref<1000000x64xf32, #tpu.memory_space<hbm>> -> memref<1000000x64xf32, #tpu.memory_space<hbm>>
        tpu.enqueue_indirect_dma source(%dma_start3A_522 : memref<1000000x64xf32, #tpu.memory_space<hbm>>) target(%dma_start3A_516 : memref<128x64xf32, #tpu.memory_space<vmem>>) offsets(%dma_start3A_519 : memref<128xi32, #tpu.memory_space<vmem>>) semaphore(%arg32 : memref<!tpu.dma_semaphore, #tpu.memory_space<semaphore_mem>>)
        %dma_start3A_523 = arith.constant 3 : i32
        %dma_start3A_524 = arith.constant 0 : i32
        %dma_start3A_525 = arith.constant 0 : i32
        %dma_start3A_526 = tpu.memref_slice %arg14[%dma_start3A_523, %dma_start3A_524, %dma_start3A_525] : memref<4x128x64xf32, #tpu.memory_space<vmem>> -> memref<1x128x64xf32, #tpu.memory_space<vmem>>
        %dma_start3A_527 = tpu.memref_squeeze %dma_start3A_526 : memref<1x128x64xf32, #tpu.memory_space<vmem>> -> memref<128x64xf32, #tpu.memory_space<vmem>>
        %dma_start3A_528 = arith.constant 0 : i32
        %dma_start3A_529 = tpu.memref_slice %arg12[%div3A_509, %rem3A_511, %dma_start3A_528] : memref<32x4x128xi32, #tpu.memory_space<vmem>> -> memref<1x1x128xi32, #tpu.memory_space<vmem>>
        %dma_start3A_530 = tpu.memref_squeeze %dma_start3A_529 : memref<1x1x128xi32, #tpu.memory_space<vmem>> -> memref<128xi32, #tpu.memory_space<vmem>>
        %dma_start3A_531 = arith.constant 0 : i32
        %dma_start3A_532 = arith.constant 0 : i32
        %dma_start3A_533 = tpu.memref_slice %arg8[%dma_start3A_531, %dma_start3A_532] : memref<1000000x64xf32, #tpu.memory_space<hbm>> -> memref<1000000x64xf32, #tpu.memory_space<hbm>>
        tpu.enqueue_indirect_dma source(%dma_start3A_533 : memref<1000000x64xf32, #tpu.memory_space<hbm>>) target(%dma_start3A_527 : memref<128x64xf32, #tpu.memory_space<vmem>>) offsets(%dma_start3A_530 : memref<128xi32, #tpu.memory_space<vmem>>) semaphore(%arg33 : memref<!tpu.dma_semaphore, #tpu.memory_space<semaphore_mem>>)
      } else {
      }
      %div3A_127 = arith.constant 4 : i32
      %div3A_128 = arith.divsi %mul3A_122, %div3A_127 : i32
      %rem3A_129 = arith.constant 4 : i32
      %rem3A_130 = arith.remsi %mul3A_122, %rem3A_129 : i32
      %dma_wait3A_131 = arith.constant 0 : i32
      %dma_wait3A_132 = arith.constant 0 : i32
      %dma_wait3A_133 = arith.constant 0 : i32
      %dma_wait3A_134 = tpu.memref_slice %arg13[%dma_wait3A_131, %dma_wait3A_132, %dma_wait3A_133] : memref<4x128x64xf32, #tpu.memory_space<vmem>> -> memref<1x128x64xf32, #tpu.memory_space<vmem>>
      %dma_wait3A_135 = tpu.memref_squeeze %dma_wait3A_134 : memref<1x128x64xf32, #tpu.memory_space<vmem>> -> memref<128x64xf32, #tpu.memory_space<vmem>>
      %dma_wait3A_136 = arith.constant 0 : i32
      %dma_wait3A_137 = tpu.memref_slice %arg12[%div3A_128, %rem3A_130, %dma_wait3A_136] : memref<32x4x128xi32, #tpu.memory_space<vmem>> -> memref<1x1x128xi32, #tpu.memory_space<vmem>>
      %dma_wait3A_138 = tpu.memref_squeeze %dma_wait3A_137 : memref<1x1x128xi32, #tpu.memory_space<vmem>> -> memref<128xi32, #tpu.memory_space<vmem>>
      %dma_wait3A_139 = arith.constant 0 : i32
      %dma_wait3A_140 = arith.constant 0 : i32
      %dma_wait3A_141 = tpu.memref_slice %arg7[%dma_wait3A_139, %dma_wait3A_140] : memref<1000000x64xf32, #tpu.memory_space<hbm>> -> memref<1000000x64xf32, #tpu.memory_space<hbm>>
      tpu.wait_indirect_dma semaphore(%arg26 : memref<!tpu.dma_semaphore, #tpu.memory_space<semaphore_mem>>) src(%dma_wait3A_141 : memref<1000000x64xf32, #tpu.memory_space<hbm>>) dst(%dma_wait3A_135 : memref<128x64xf32, #tpu.memory_space<vmem>>)
      %dma_wait3A_142 = arith.constant 0 : i32
      %dma_wait3A_143 = arith.constant 0 : i32
      %dma_wait3A_144 = arith.constant 0 : i32
      %dma_wait3A_145 = tpu.memref_slice %arg14[%dma_wait3A_142, %dma_wait3A_143, %dma_wait3A_144] : memref<4x128x64xf32, #tpu.memory_space<vmem>> -> memref<1x128x64xf32, #tpu.memory_space<vmem>>
      %dma_wait3A_146 = tpu.memref_squeeze %dma_wait3A_145 : memref<1x128x64xf32, #tpu.memory_space<vmem>> -> memref<128x64xf32, #tpu.memory_space<vmem>>
      %dma_wait3A_147 = arith.constant 0 : i32
      %dma_wait3A_148 = tpu.memref_slice %arg12[%div3A_128, %rem3A_130, %dma_wait3A_147] : memref<32x4x128xi32, #tpu.memory_space<vmem>> -> memref<1x1x128xi32, #tpu.memory_space<vmem>>
      %dma_wait3A_149 = tpu.memref_squeeze %dma_wait3A_148 : memref<1x1x128xi32, #tpu.memory_space<vmem>> -> memref<128xi32, #tpu.memory_space<vmem>>
      %dma_wait3A_150 = arith.constant 0 : i32
      %dma_wait3A_151 = arith.constant 0 : i32
      %dma_wait3A_152 = tpu.memref_slice %arg8[%dma_wait3A_150, %dma_wait3A_151] : memref<1000000x64xf32, #tpu.memory_space<hbm>> -> memref<1000000x64xf32, #tpu.memory_space<hbm>>
      tpu.wait_indirect_dma semaphore(%arg27 : memref<!tpu.dma_semaphore, #tpu.memory_space<semaphore_mem>>) src(%dma_wait3A_152 : memref<1000000x64xf32, #tpu.memory_space<hbm>>) dst(%dma_wait3A_146 : memref<128x64xf32, #tpu.memory_space<vmem>>)
      %div3A_153 = arith.constant 4 : i32
      %div3A_154 = arith.divsi %mul3A_122, %div3A_153 : i32
      %rem3A_155 = arith.constant 4 : i32
      %rem3A_156 = arith.remsi %mul3A_122, %rem3A_155 : i32
      %mul3A_157 = arith.constant 128 : i32
      %mul3A_158 = arith.muli %rem3A_156, %mul3A_157 : i32
      %broadcast_in_dim3A = vector.broadcast %div3A_154 : i32 to vector<16xi32>
      %get3A = arith.index_cast %div3A_154 : i32 to index
      %get3A_159 = arith.constant 0 : index
      %get3A_160 = tpu.vector_load %arg21[%get3A, %get3A_159] {strides = array<i32>} : memref<32x64xf32, #tpu.memory_space<vmem>>, vector<16xf32>,
      %get3A_161 = arith.index_cast %div3A_154 : i32 to index
      %get3A_162 = arith.constant 16 : index
      %get3A_163 = tpu.vector_load %arg21[%get3A_161, %get3A_162] {strides = array<i32>} : memref<32x64xf32, #tpu.memory_space<vmem>>, vector<16xf32>,
      %get3A_164 = arith.index_cast %div3A_154 : i32 to index
      %get3A_165 = arith.constant 32 : index
      %get3A_166 = tpu.vector_load %arg21[%get3A_164, %get3A_165] {strides = array<i32>} : memref<32x64xf32, #tpu.memory_space<vmem>>, vector<16xf32>,
      %get3A_167 = arith.index_cast %div3A_154 : i32 to index
      %get3A_168 = arith.constant 48 : index
      %get3A_169 = tpu.vector_load %arg21[%get3A_167, %get3A_168] {strides = array<i32>} : memref<32x64xf32, #tpu.memory_space<vmem>>, vector<16xf32>,
      %get3A_170 = arith.index_cast %div3A_154 : i32 to index
      %get3A_171 = arith.constant 0 : index
      %get3A_172 = tpu.vector_load %arg22[%get3A_170, %get3A_171] {strides = array<i32>} : memref<32x64xf32, #tpu.memory_space<vmem>>, vector<16xf32>,
      %get3A_173 = arith.index_cast %div3A_154 : i32 to index
      %get3A_174 = arith.constant 16 : index
      %get3A_175 = tpu.vector_load %arg22[%get3A_173, %get3A_174] {strides = array<i32>} : memref<32x64xf32, #tpu.memory_space<vmem>>, vector<16xf32>,
      %get3A_176 = arith.index_cast %div3A_154 : i32 to index
      %get3A_177 = arith.constant 32 : index
      %get3A_178 = tpu.vector_load %arg22[%get3A_176, %get3A_177] {strides = array<i32>} : memref<32x64xf32, #tpu.memory_space<vmem>>, vector<16xf32>,
      %get3A_179 = arith.index_cast %div3A_154 : i32 to index
      %get3A_180 = arith.constant 48 : index
      %get3A_181 = tpu.vector_load %arg22[%get3A_179, %get3A_180] {strides = array<i32>} : memref<32x64xf32, #tpu.memory_space<vmem>>, vector<16xf32>,
      %get3A_182 = arith.index_cast %div3A_154 : i32 to index
      %get3A_183 = arith.constant 0 : index
      %get3A_184 = tpu.vector_load %arg23[%get3A_182, %get3A_183] {strides = array<i32>} : memref<32x64xf32, #tpu.memory_space<vmem>>, vector<16xf32>,
      %get3A_185 = arith.index_cast %div3A_154 : i32 to index
      %get3A_186 = arith.constant 16 : index
      %get3A_187 = tpu.vector_load %arg23[%get3A_185, %get3A_186] {strides = array<i32>} : memref<32x64xf32, #tpu.memory_space<vmem>>, vector<16xf32>,
      %get3A_188 = arith.index_cast %div3A_154 : i32 to index
      %get3A_189 = arith.constant 32 : index
      %get3A_190 = tpu.vector_load %arg23[%get3A_188, %get3A_189] {strides = array<i32>} : memref<32x64xf32, #tpu.memory_space<vmem>>, vector<16xf32>,
      %get3A_191 = arith.index_cast %div3A_154 : i32 to index
      %get3A_192 = arith.constant 48 : index
      %get3A_193 = tpu.vector_load %arg23[%get3A_191, %get3A_192] {strides = array<i32>} : memref<32x64xf32, #tpu.memory_space<vmem>>, vector<16xf32>,
      %get3A_194 = arith.index_cast %div3A_154 : i32 to index
      %get3A_195 = arith.constant 0 : index
      %get3A_196 = tpu.vector_load %arg24[%get3A_194, %get3A_195] {strides = array<i32>} : memref<32x64xf32, #tpu.memory_space<vmem>>, vector<16xf32>,
      %get3A_197 = arith.index_cast %div3A_154 : i32 to index
      %get3A_198 = arith.constant 16 : index
      %get3A_199 = tpu.vector_load %arg24[%get3A_197, %get3A_198] {strides = array<i32>} : memref<32x64xf32, #tpu.memory_space<vmem>>, vector<16xf32>,
      %get3A_200 = arith.index_cast %div3A_154 : i32 to index
      %get3A_201 = arith.constant 32 : index
      %get3A_202 = tpu.vector_load %arg24[%get3A_200, %get3A_201] {strides = array<i32>} : memref<32x64xf32, #tpu.memory_space<vmem>>, vector<16xf32>,
      %get3A_203 = arith.index_cast %div3A_154 : i32 to index
      %get3A_204 = arith.constant 48 : index
      %get3A_205 = tpu.vector_load %arg24[%get3A_203, %get3A_204] {strides = array<i32>} : memref<32x64xf32, #tpu.memory_space<vmem>>, vector<16xf32>,
      %scan3A_206 = arith.constant 0 : i32
      %scan3A_207 = arith.constant 0 : i32
      %scan3A_208 = arith.constant 128 : i32
      %scan3A_209 = arith.addi %scan3A_207, %scan3A_208 : i32
      %scan3A_210 = arith.constant 8 : i32
      scf.for %scan3A_506 = %scan3A_207 to %scan3A_209 step %scan3A_210  : i32 {
        %broadcast_in_dim3A_507 = arith.constant 0.000000e+00 : f32
        %broadcast_in_dim3A_508 = vector.broadcast %broadcast_in_dim3A_507 : f32 to vector<16xf32>
        %get3A_509 = arith.constant 0 : i32
        %get3A_510 = arith.index_cast %get3A_509 : i32 to index
        %get3A_511 = arith.index_cast %scan3A_506 : i32 to index
        %get3A_512 = arith.constant 0 : index
        %get3A_513 = tpu.vector_load %arg13[%get3A_510, %get3A_511, %get3A_512] {strides = array<i32>} : memref<4x128x64xf32, #tpu.memory_space<vmem>>, vector<16xf32>,
        %get3A_514 = arith.constant 0 : i32
        %get3A_515 = arith.index_cast %get3A_514 : i32 to index
        %get3A_516 = arith.index_cast %scan3A_506 : i32 to index
        %get3A_517 = arith.constant 0 : index
        %get3A_518 = tpu.vector_load %arg14[%get3A_515, %get3A_516, %get3A_517] {strides = array<i32>} : memref<4x128x64xf32, #tpu.memory_space<vmem>>, vector<16xf32>,
        %mul3A_519 = arith.mulf %get3A_513, %get3A_160 : vector<16xf32>
        %sub3A = arith.subf %get3A_184, %mul3A_519 : vector<16xf32>
        %mul3A_520 = arith.mulf %get3A_518, %get3A_172 : vector<16xf32>
        %add3A_521 = arith.addf %sub3A, %mul3A_520 : vector<16xf32>
        %mul3A_522 = arith.mulf %get3A_513, %get3A_172 : vector<16xf32>
        %add3A_523 = arith.addf %get3A_196, %mul3A_522 : vector<16xf32>
        %mul3A_524 = arith.mulf %get3A_518, %get3A_160 : vector<16xf32>
        %add3A_525 = arith.addf %add3A_523, %mul3A_524 : vector<16xf32>
        %abs3A = math.absf %add3A_521 : vector<16xf32>
        %add3A_526 = arith.addf %broadcast_in_dim3A_508, %abs3A : vector<16xf32>
        %abs3A_527 = math.absf %add3A_525 : vector<16xf32>
        %add3A_528 = arith.addf %add3A_526, %abs3A_527 : vector<16xf32>
        %get3A_529 = arith.constant 0 : i32
        %get3A_530 = arith.index_cast %get3A_529 : i32 to index
        %get3A_531 = arith.index_cast %scan3A_506 : i32 to index
        %get3A_532 = arith.constant 16 : index
        %get3A_533 = tpu.vector_load %arg13[%get3A_530, %get3A_531, %get3A_532] {strides = array<i32>} : memref<4x128x64xf32, #tpu.memory_space<vmem>>, vector<16xf32>,
        %get3A_534 = arith.constant 0 : i32
        %get3A_535 = arith.index_cast %get3A_534 : i32 to index
        %get3A_536 = arith.index_cast %scan3A_506 : i32 to index
        %get3A_537 = arith.constant 16 : index
        %get3A_538 = tpu.vector_load %arg14[%get3A_535, %get3A_536, %get3A_537] {strides = array<i32>} : memref<4x128x64xf32, #tpu.memory_space<vmem>>, vector<16xf32>,
        %mul3A_539 = arith.mulf %get3A_533, %get3A_163 : vector<16xf32>
        %sub3A_540 = arith.subf %get3A_187, %mul3A_539 : vector<16xf32>
        %mul3A_541 = arith.mulf %get3A_538, %get3A_175 : vector<16xf32>
        %add3A_542 = arith.addf %sub3A_540, %mul3A_541 : vector<16xf32>
        %mul3A_543 = arith.mulf %get3A_533, %get3A_175 : vector<16xf32>
        %add3A_544 = arith.addf %get3A_199, %mul3A_543 : vector<16xf32>
        %mul3A_545 = arith.mulf %get3A_538, %get3A_163 : vector<16xf32>
        %add3A_546 = arith.addf %add3A_544, %mul3A_545 : vector<16xf32>
        %abs3A_547 = math.absf %add3A_542 : vector<16xf32>
        %add3A_548 = arith.addf %add3A_528, %abs3A_547 : vector<16xf32>
        %abs3A_549 = math.absf %add3A_546 : vector<16xf32>
        %add3A_550 = arith.addf %add3A_548, %abs3A_549 : vector<16xf32>
        %get3A_551 = arith.constant 0 : i32
        %get3A_552 = arith.index_cast %get3A_551 : i32 to index
        %get3A_553 = arith.index_cast %scan3A_506 : i32 to index
        %get3A_554 = arith.constant 32 : index
        %get3A_555 = tpu.vector_load %arg13[%get3A_552, %get3A_553, %get3A_554] {strides = array<i32>} : memref<4x128x64xf32, #tpu.memory_space<vmem>>, vector<16xf32>,
        %get3A_556 = arith.constant 0 : i32
        %get3A_557 = arith.index_cast %get3A_556 : i32 to index
        %get3A_558 = arith.index_cast %scan3A_506 : i32 to index
        %get3A_559 = arith.constant 32 : index
        %get3A_560 = tpu.vector_load %arg14[%get3A_557, %get3A_558, %get3A_559] {strides = array<i32>} : memref<4x128x64xf32, #tpu.memory_space<vmem>>, vector<16xf32>,
        %mul3A_561 = arith.mulf %get3A_555, %get3A_166 : vector<16xf32>
        %sub3A_562 = arith.subf %get3A_190, %mul3A_561 : vector<16xf32>
        %mul3A_563 = arith.mulf %get3A_560, %get3A_178 : vector<16xf32>
        %add3A_564 = arith.addf %sub3A_562, %mul3A_563 : vector<16xf32>
        %mul3A_565 = arith.mulf %get3A_555, %get3A_178 : vector<16xf32>
        %add3A_566 = arith.addf %get3A_202, %mul3A_565 : vector<16xf32>
        %mul3A_567 = arith.mulf %get3A_560, %get3A_166 : vector<16xf32>
        %add3A_568 = arith.addf %add3A_566, %mul3A_567 : vector<16xf32>
        %abs3A_569 = math.absf %add3A_564 : vector<16xf32>
        %add3A_570 = arith.addf %add3A_550, %abs3A_569 : vector<16xf32>
        %abs3A_571 = math.absf %add3A_568 : vector<16xf32>
        %add3A_572 = arith.addf %add3A_570, %abs3A_571 : vector<16xf32>
        %get3A_573 = arith.constant 0 : i32
        %get3A_574 = arith.index_cast %get3A_573 : i32 to index
        %get3A_575 = arith.index_cast %scan3A_506 : i32 to index
        %get3A_576 = arith.constant 48 : index
        %get3A_577 = tpu.vector_load %arg13[%get3A_574, %get3A_575, %get3A_576] {strides = array<i32>} : memref<4x128x64xf32, #tpu.memory_space<vmem>>, vector<16xf32>,
        %get3A_578 = arith.constant 0 : i32
        %get3A_579 = arith.index_cast %get3A_578 : i32 to index
        %get3A_580 = arith.index_cast %scan3A_506 : i32 to index
        %get3A_581 = arith.constant 48 : index
        %get3A_582 = tpu.vector_load %arg14[%get3A_579, %get3A_580, %get3A_581] {strides = array<i32>} : memref<4x128x64xf32, #tpu.memory_space<vmem>>, vector<16xf32>,
        %mul3A_583 = arith.mulf %get3A_577, %get3A_169 : vector<16xf32>
        %sub3A_584 = arith.subf %get3A_193, %mul3A_583 : vector<16xf32>
        %mul3A_585 = arith.mulf %get3A_582, %get3A_181 : vector<16xf32>
        %add3A_586 = arith.addf %sub3A_584, %mul3A_585 : vector<16xf32>
        %mul3A_587 = arith.mulf %get3A_577, %get3A_181 : vector<16xf32>
        %add3A_588 = arith.addf %get3A_205, %mul3A_587 : vector<16xf32>
        %mul3A_589 = arith.mulf %get3A_582, %get3A_169 : vector<16xf32>
        %add3A_590 = arith.addf %add3A_588, %mul3A_589 : vector<16xf32>
        %abs3A_591 = math.absf %add3A_586 : vector<16xf32>
        %add3A_592 = arith.addf %add3A_572, %abs3A_591 : vector<16xf32>
        %abs3A_593 = math.absf %add3A_590 : vector<16xf32>
        %add3A_594 = arith.addf %add3A_592, %abs3A_593 : vector<16xf32>
        %reduce_sum3A = arith.constant true
        %reduce_sum3A_595 = vector.broadcast %reduce_sum3A : i1 to vector<16xi1>
        %reduce_sum3A_596 = tpu.scan <sum>, %add3A_594 masked %reduce_sum3A_595 : vector<16xf32>, vector<16xi1> -> vector<16xf32>
        %reduce_sum3A_597 = vector.extract %reduce_sum3A_596[15] : f32 from vector<16xf32>
        %broadcast_in_dim3A_598 = vector.broadcast %reduce_sum3A_597 : f32 to vector<16xf32>
        %add3A_599 = arith.addi %mul3A_158, %scan3A_506 : i32
        %broadcast_in_dim3A_600 = vector.broadcast %add3A_599 : i32 to vector<16xi32>
        tpu.vector_store_idx %arg25[%broadcast_in_dim3A, %broadcast_in_dim3A_600], %broadcast_in_dim3A_598 masked %eq3A_113 : memref<32x512xf32, #tpu.memory_space<vmem>>[vector<16xi32>, vector<16xi32>], vector<16xf32>, vector<16xi1>
        %scan3A_601 = arith.constant 1 : i32
        %scan3A_602 = arith.addi %scan3A_506, %scan3A_601 : i32
        %broadcast_in_dim3A_603 = arith.constant 0.000000e+00 : f32
        %broadcast_in_dim3A_604 = vector.broadcast %broadcast_in_dim3A_603 : f32 to vector<16xf32>
        %get3A_605 = arith.constant 0 : i32
        %get3A_606 = arith.index_cast %get3A_605 : i32 to index
        %get3A_607 = arith.index_cast %scan3A_602 : i32 to index
        %get3A_608 = arith.constant 0 : index
        %get3A_609 = tpu.vector_load %arg13[%get3A_606, %get3A_607, %get3A_608] {strides = array<i32>} : memref<4x128x64xf32, #tpu.memory_space<vmem>>, vector<16xf32>,
        %get3A_610 = arith.constant 0 : i32
        %get3A_611 = arith.index_cast %get3A_610 : i32 to index
        %get3A_612 = arith.index_cast %scan3A_602 : i32 to index
        %get3A_613 = arith.constant 0 : index
        %get3A_614 = tpu.vector_load %arg14[%get3A_611, %get3A_612, %get3A_613] {strides = array<i32>} : memref<4x128x64xf32, #tpu.memory_space<vmem>>, vector<16xf32>,
        %mul3A_615 = arith.mulf %get3A_609, %get3A_160 : vector<16xf32>
        %sub3A_616 = arith.subf %get3A_184, %mul3A_615 : vector<16xf32>
        %mul3A_617 = arith.mulf %get3A_614, %get3A_172 : vector<16xf32>
        %add3A_618 = arith.addf %sub3A_616, %mul3A_617 : vector<16xf32>
        %mul3A_619 = arith.mulf %get3A_609, %get3A_172 : vector<16xf32>
        %add3A_620 = arith.addf %get3A_196, %mul3A_619 : vector<16xf32>
        %mul3A_621 = arith.mulf %get3A_614, %get3A_160 : vector<16xf32>
        %add3A_622 = arith.addf %add3A_620, %mul3A_621 : vector<16xf32>
        %abs3A_623 = math.absf %add3A_618 : vector<16xf32>
        %add3A_624 = arith.addf %broadcast_in_dim3A_604, %abs3A_623 : vector<16xf32>
        %abs3A_625 = math.absf %add3A_622 : vector<16xf32>
        %add3A_626 = arith.addf %add3A_624, %abs3A_625 : vector<16xf32>
        %get3A_627 = arith.constant 0 : i32
        %get3A_628 = arith.index_cast %get3A_627 : i32 to index
        %get3A_629 = arith.index_cast %scan3A_602 : i32 to index
        %get3A_630 = arith.constant 16 : index
        %get3A_631 = tpu.vector_load %arg13[%get3A_628, %get3A_629, %get3A_630] {strides = array<i32>} : memref<4x128x64xf32, #tpu.memory_space<vmem>>, vector<16xf32>,
        %get3A_632 = arith.constant 0 : i32
        %get3A_633 = arith.index_cast %get3A_632 : i32 to index
        %get3A_634 = arith.index_cast %scan3A_602 : i32 to index
        %get3A_635 = arith.constant 16 : index
        %get3A_636 = tpu.vector_load %arg14[%get3A_633, %get3A_634, %get3A_635] {strides = array<i32>} : memref<4x128x64xf32, #tpu.memory_space<vmem>>, vector<16xf32>,
        %mul3A_637 = arith.mulf %get3A_631, %get3A_163 : vector<16xf32>
        %sub3A_638 = arith.subf %get3A_187, %mul3A_637 : vector<16xf32>
        %mul3A_639 = arith.mulf %get3A_636, %get3A_175 : vector<16xf32>
        %add3A_640 = arith.addf %sub3A_638, %mul3A_639 : vector<16xf32>
        %mul3A_641 = arith.mulf %get3A_631, %get3A_175 : vector<16xf32>
        %add3A_642 = arith.addf %get3A_199, %mul3A_641 : vector<16xf32>
        %mul3A_643 = arith.mulf %get3A_636, %get3A_163 : vector<16xf32>
        %add3A_644 = arith.addf %add3A_642, %mul3A_643 : vector<16xf32>
        %abs3A_645 = math.absf %add3A_640 : vector<16xf32>
        %add3A_646 = arith.addf %add3A_626, %abs3A_645 : vector<16xf32>
        %abs3A_647 = math.absf %add3A_644 : vector<16xf32>
        %add3A_648 = arith.addf %add3A_646, %abs3A_647 : vector<16xf32>
        %get3A_649 = arith.constant 0 : i32
        %get3A_650 = arith.index_cast %get3A_649 : i32 to index
        %get3A_651 = arith.index_cast %scan3A_602 : i32 to index
        %get3A_652 = arith.constant 32 : index
        %get3A_653 = tpu.vector_load %arg13[%get3A_650, %get3A_651, %get3A_652] {strides = array<i32>} : memref<4x128x64xf32, #tpu.memory_space<vmem>>, vector<16xf32>,
        %get3A_654 = arith.constant 0 : i32
        %get3A_655 = arith.index_cast %get3A_654 : i32 to index
        %get3A_656 = arith.index_cast %scan3A_602 : i32 to index
        %get3A_657 = arith.constant 32 : index
        %get3A_658 = tpu.vector_load %arg14[%get3A_655, %get3A_656, %get3A_657] {strides = array<i32>} : memref<4x128x64xf32, #tpu.memory_space<vmem>>, vector<16xf32>,
        %mul3A_659 = arith.mulf %get3A_653, %get3A_166 : vector<16xf32>
        %sub3A_660 = arith.subf %get3A_190, %mul3A_659 : vector<16xf32>
        %mul3A_661 = arith.mulf %get3A_658, %get3A_178 : vector<16xf32>
        %add3A_662 = arith.addf %sub3A_660, %mul3A_661 : vector<16xf32>
        %mul3A_663 = arith.mulf %get3A_653, %get3A_178 : vector<16xf32>
        %add3A_664 = arith.addf %get3A_202, %mul3A_663 : vector<16xf32>
        %mul3A_665 = arith.mulf %get3A_658, %get3A_166 : vector<16xf32>
        %add3A_666 = arith.addf %add3A_664, %mul3A_665 : vector<16xf32>
        %abs3A_667 = math.absf %add3A_662 : vector<16xf32>
        %add3A_668 = arith.addf %add3A_648, %abs3A_667 : vector<16xf32>
        %abs3A_669 = math.absf %add3A_666 : vector<16xf32>
        %add3A_670 = arith.addf %add3A_668, %abs3A_669 : vector<16xf32>
        %get3A_671 = arith.constant 0 : i32
        %get3A_672 = arith.index_cast %get3A_671 : i32 to index
        %get3A_673 = arith.index_cast %scan3A_602 : i32 to index
        %get3A_674 = arith.constant 48 : index
        %get3A_675 = tpu.vector_load %arg13[%get3A_672, %get3A_673, %get3A_674] {strides = array<i32>} : memref<4x128x64xf32, #tpu.memory_space<vmem>>, vector<16xf32>,
        %get3A_676 = arith.constant 0 : i32
        %get3A_677 = arith.index_cast %get3A_676 : i32 to index
        %get3A_678 = arith.index_cast %scan3A_602 : i32 to index
        %get3A_679 = arith.constant 48 : index
        %get3A_680 = tpu.vector_load %arg14[%get3A_677, %get3A_678, %get3A_679] {strides = array<i32>} : memref<4x128x64xf32, #tpu.memory_space<vmem>>, vector<16xf32>,
        %mul3A_681 = arith.mulf %get3A_675, %get3A_169 : vector<16xf32>
        %sub3A_682 = arith.subf %get3A_193, %mul3A_681 : vector<16xf32>
        %mul3A_683 = arith.mulf %get3A_680, %get3A_181 : vector<16xf32>
        %add3A_684 = arith.addf %sub3A_682, %mul3A_683 : vector<16xf32>
        %mul3A_685 = arith.mulf %get3A_675, %get3A_181 : vector<16xf32>
        %add3A_686 = arith.addf %get3A_205, %mul3A_685 : vector<16xf32>
        %mul3A_687 = arith.mulf %get3A_680, %get3A_169 : vector<16xf32>
        %add3A_688 = arith.addf %add3A_686, %mul3A_687 : vector<16xf32>
        %abs3A_689 = math.absf %add3A_684 : vector<16xf32>
        %add3A_690 = arith.addf %add3A_670, %abs3A_689 : vector<16xf32>
        %abs3A_691 = math.absf %add3A_688 : vector<16xf32>
        %add3A_692 = arith.addf %add3A_690, %abs3A_691 : vector<16xf32>
        %reduce_sum3A_693 = arith.constant true
        %reduce_sum3A_694 = vector.broadcast %reduce_sum3A_693 : i1 to vector<16xi1>
        %reduce_sum3A_695 = tpu.scan <sum>, %add3A_692 masked %reduce_sum3A_694 : vector<16xf32>, vector<16xi1> -> vector<16xf32>
        %reduce_sum3A_696 = vector.extract %reduce_sum3A_695[15] : f32 from vector<16xf32>
        %broadcast_in_dim3A_697 = vector.broadcast %reduce_sum3A_696 : f32 to vector<16xf32>
        %add3A_698 = arith.addi %mul3A_158, %scan3A_602 : i32
        %broadcast_in_dim3A_699 = vector.broadcast %add3A_698 : i32 to vector<16xi32>
        tpu.vector_store_idx %arg25[%broadcast_in_dim3A, %broadcast_in_dim3A_699], %broadcast_in_dim3A_697 masked %eq3A_113 : memref<32x512xf32, #tpu.memory_space<vmem>>[vector<16xi32>, vector<16xi32>], vector<16xf32>, vector<16xi1>
        %scan3A_700 = arith.constant 2 : i32
        %scan3A_701 = arith.addi %scan3A_506, %scan3A_700 : i32
        %broadcast_in_dim3A_702 = arith.constant 0.000000e+00 : f32
        %broadcast_in_dim3A_703 = vector.broadcast %broadcast_in_dim3A_702 : f32 to vector<16xf32>
        %get3A_704 = arith.constant 0 : i32
        %get3A_705 = arith.index_cast %get3A_704 : i32 to index
        %get3A_706 = arith.index_cast %scan3A_701 : i32 to index
        %get3A_707 = arith.constant 0 : index
        %get3A_708 = tpu.vector_load %arg13[%get3A_705, %get3A_706, %get3A_707] {strides = array<i32>} : memref<4x128x64xf32, #tpu.memory_space<vmem>>, vector<16xf32>,
        %get3A_709 = arith.constant 0 : i32
        %get3A_710 = arith.index_cast %get3A_709 : i32 to index
        %get3A_711 = arith.index_cast %scan3A_701 : i32 to index
        %get3A_712 = arith.constant 0 : index
        %get3A_713 = tpu.vector_load %arg14[%get3A_710, %get3A_711, %get3A_712] {strides = array<i32>} : memref<4x128x64xf32, #tpu.memory_space<vmem>>, vector<16xf32>,
        %mul3A_714 = arith.mulf %get3A_708, %get3A_160 : vector<16xf32>
        %sub3A_715 = arith.subf %get3A_184, %mul3A_714 : vector<16xf32>
        %mul3A_716 = arith.mulf %get3A_713, %get3A_172 : vector<16xf32>
        %add3A_717 = arith.addf %sub3A_715, %mul3A_716 : vector<16xf32>
        %mul3A_718 = arith.mulf %get3A_708, %get3A_172 : vector<16xf32>
        %add3A_719 = arith.addf %get3A_196, %mul3A_718 : vector<16xf32>
        %mul3A_720 = arith.mulf %get3A_713, %get3A_160 : vector<16xf32>
        %add3A_721 = arith.addf %add3A_719, %mul3A_720 : vector<16xf32>
        %abs3A_722 = math.absf %add3A_717 : vector<16xf32>
        %add3A_723 = arith.addf %broadcast_in_dim3A_703, %abs3A_722 : vector<16xf32>
        %abs3A_724 = math.absf %add3A_721 : vector<16xf32>
        %add3A_725 = arith.addf %add3A_723, %abs3A_724 : vector<16xf32>
        %get3A_726 = arith.constant 0 : i32
        %get3A_727 = arith.index_cast %get3A_726 : i32 to index
        %get3A_728 = arith.index_cast %scan3A_701 : i32 to index
        %get3A_729 = arith.constant 16 : index
        %get3A_730 = tpu.vector_load %arg13[%get3A_727, %get3A_728, %get3A_729] {strides = array<i32>} : memref<4x128x64xf32, #tpu.memory_space<vmem>>, vector<16xf32>,
        %get3A_731 = arith.constant 0 : i32
        %get3A_732 = arith.index_cast %get3A_731 : i32 to index
        %get3A_733 = arith.index_cast %scan3A_701 : i32 to index
        %get3A_734 = arith.constant 16 : index
        %get3A_735 = tpu.vector_load %arg14[%get3A_732, %get3A_733, %get3A_734] {strides = array<i32>} : memref<4x128x64xf32, #tpu.memory_space<vmem>>, vector<16xf32>,
        %mul3A_736 = arith.mulf %get3A_730, %get3A_163 : vector<16xf32>
        %sub3A_737 = arith.subf %get3A_187, %mul3A_736 : vector<16xf32>
        %mul3A_738 = arith.mulf %get3A_735, %get3A_175 : vector<16xf32>
        %add3A_739 = arith.addf %sub3A_737, %mul3A_738 : vector<16xf32>
        %mul3A_740 = arith.mulf %get3A_730, %get3A_175 : vector<16xf32>
        %add3A_741 = arith.addf %get3A_199, %mul3A_740 : vector<16xf32>
        %mul3A_742 = arith.mulf %get3A_735, %get3A_163 : vector<16xf32>
        %add3A_743 = arith.addf %add3A_741, %mul3A_742 : vector<16xf32>
        %abs3A_744 = math.absf %add3A_739 : vector<16xf32>
        %add3A_745 = arith.addf %add3A_725, %abs3A_744 : vector<16xf32>
        %abs3A_746 = math.absf %add3A_743 : vector<16xf32>
        %add3A_747 = arith.addf %add3A_745, %abs3A_746 : vector<16xf32>
        %get3A_748 = arith.constant 0 : i32
        %get3A_749 = arith.index_cast %get3A_748 : i32 to index
        %get3A_750 = arith.index_cast %scan3A_701 : i32 to index
        %get3A_751 = arith.constant 32 : index
        %get3A_752 = tpu.vector_load %arg13[%get3A_749, %get3A_750, %get3A_751] {strides = array<i32>} : memref<4x128x64xf32, #tpu.memory_space<vmem>>, vector<16xf32>,
        %get3A_753 = arith.constant 0 : i32
        %get3A_754 = arith.index_cast %get3A_753 : i32 to index
        %get3A_755 = arith.index_cast %scan3A_701 : i32 to index
        %get3A_756 = arith.constant 32 : index
        %get3A_757 = tpu.vector_load %arg14[%get3A_754, %get3A_755, %get3A_756] {strides = array<i32>} : memref<4x128x64xf32, #tpu.memory_space<vmem>>, vector<16xf32>,
        %mul3A_758 = arith.mulf %get3A_752, %get3A_166 : vector<16xf32>
        %sub3A_759 = arith.subf %get3A_190, %mul3A_758 : vector<16xf32>
        %mul3A_760 = arith.mulf %get3A_757, %get3A_178 : vector<16xf32>
        %add3A_761 = arith.addf %sub3A_759, %mul3A_760 : vector<16xf32>
        %mul3A_762 = arith.mulf %get3A_752, %get3A_178 : vector<16xf32>
        %add3A_763 = arith.addf %get3A_202, %mul3A_762 : vector<16xf32>
        %mul3A_764 = arith.mulf %get3A_757, %get3A_166 : vector<16xf32>
        %add3A_765 = arith.addf %add3A_763, %mul3A_764 : vector<16xf32>
        %abs3A_766 = math.absf %add3A_761 : vector<16xf32>
        %add3A_767 = arith.addf %add3A_747, %abs3A_766 : vector<16xf32>
        %abs3A_768 = math.absf %add3A_765 : vector<16xf32>
        %add3A_769 = arith.addf %add3A_767, %abs3A_768 : vector<16xf32>
        %get3A_770 = arith.constant 0 : i32
        %get3A_771 = arith.index_cast %get3A_770 : i32 to index
        %get3A_772 = arith.index_cast %scan3A_701 : i32 to index
        %get3A_773 = arith.constant 48 : index
        %get3A_774 = tpu.vector_load %arg13[%get3A_771, %get3A_772, %get3A_773] {strides = array<i32>} : memref<4x128x64xf32, #tpu.memory_space<vmem>>, vector<16xf32>,
        %get3A_775 = arith.constant 0 : i32
        %get3A_776 = arith.index_cast %get3A_775 : i32 to index
        %get3A_777 = arith.index_cast %scan3A_701 : i32 to index
        %get3A_778 = arith.constant 48 : index
        %get3A_779 = tpu.vector_load %arg14[%get3A_776, %get3A_777, %get3A_778] {strides = array<i32>} : memref<4x128x64xf32, #tpu.memory_space<vmem>>, vector<16xf32>,
        %mul3A_780 = arith.mulf %get3A_774, %get3A_169 : vector<16xf32>
        %sub3A_781 = arith.subf %get3A_193, %mul3A_780 : vector<16xf32>
        %mul3A_782 = arith.mulf %get3A_779, %get3A_181 : vector<16xf32>
        %add3A_783 = arith.addf %sub3A_781, %mul3A_782 : vector<16xf32>
        %mul3A_784 = arith.mulf %get3A_774, %get3A_181 : vector<16xf32>
        %add3A_785 = arith.addf %get3A_205, %mul3A_784 : vector<16xf32>
        %mul3A_786 = arith.mulf %get3A_779, %get3A_169 : vector<16xf32>
        %add3A_787 = arith.addf %add3A_785, %mul3A_786 : vector<16xf32>
        %abs3A_788 = math.absf %add3A_783 : vector<16xf32>
        %add3A_789 = arith.addf %add3A_769, %abs3A_788 : vector<16xf32>
        %abs3A_790 = math.absf %add3A_787 : vector<16xf32>
        %add3A_791 = arith.addf %add3A_789, %abs3A_790 : vector<16xf32>
        %reduce_sum3A_792 = arith.constant true
        %reduce_sum3A_793 = vector.broadcast %reduce_sum3A_792 : i1 to vector<16xi1>
        %reduce_sum3A_794 = tpu.scan <sum>, %add3A_791 masked %reduce_sum3A_793 : vector<16xf32>, vector<16xi1> -> vector<16xf32>
        %reduce_sum3A_795 = vector.extract %reduce_sum3A_794[15] : f32 from vector<16xf32>
        %broadcast_in_dim3A_796 = vector.broadcast %reduce_sum3A_795 : f32 to vector<16xf32>
        %add3A_797 = arith.addi %mul3A_158, %scan3A_701 : i32
        %broadcast_in_dim3A_798 = vector.broadcast %add3A_797 : i32 to vector<16xi32>
        tpu.vector_store_idx %arg25[%broadcast_in_dim3A, %broadcast_in_dim3A_798], %broadcast_in_dim3A_796 masked %eq3A_113 : memref<32x512xf32, #tpu.memory_space<vmem>>[vector<16xi32>, vector<16xi32>], vector<16xf32>, vector<16xi1>
        %scan3A_799 = arith.constant 3 : i32
        %scan3A_800 = arith.addi %scan3A_506, %scan3A_799 : i32
        %broadcast_in_dim3A_801 = arith.constant 0.000000e+00 : f32
        %broadcast_in_dim3A_802 = vector.broadcast %broadcast_in_dim3A_801 : f32 to vector<16xf32>
        %get3A_803 = arith.constant 0 : i32
        %get3A_804 = arith.index_cast %get3A_803 : i32 to index
        %get3A_805 = arith.index_cast %scan3A_800 : i32 to index
        %get3A_806 = arith.constant 0 : index
        %get3A_807 = tpu.vector_load %arg13[%get3A_804, %get3A_805, %get3A_806] {strides = array<i32>} : memref<4x128x64xf32, #tpu.memory_space<vmem>>, vector<16xf32>,
        %get3A_808 = arith.constant 0 : i32
        %get3A_809 = arith.index_cast %get3A_808 : i32 to index
        %get3A_810 = arith.index_cast %scan3A_800 : i32 to index
        %get3A_811 = arith.constant 0 : index
        %get3A_812 = tpu.vector_load %arg14[%get3A_809, %get3A_810, %get3A_811] {strides = array<i32>} : memref<4x128x64xf32, #tpu.memory_space<vmem>>, vector<16xf32>,
        %mul3A_813 = arith.mulf %get3A_807, %get3A_160 : vector<16xf32>
        %sub3A_814 = arith.subf %get3A_184, %mul3A_813 : vector<16xf32>
        %mul3A_815 = arith.mulf %get3A_812, %get3A_172 : vector<16xf32>
        %add3A_816 = arith.addf %sub3A_814, %mul3A_815 : vector<16xf32>
        %mul3A_817 = arith.mulf %get3A_807, %get3A_172 : vector<16xf32>
        %add3A_818 = arith.addf %get3A_196, %mul3A_817 : vector<16xf32>
        %mul3A_819 = arith.mulf %get3A_812, %get3A_160 : vector<16xf32>
        %add3A_820 = arith.addf %add3A_818, %mul3A_819 : vector<16xf32>
        %abs3A_821 = math.absf %add3A_816 : vector<16xf32>
        %add3A_822 = arith.addf %broadcast_in_dim3A_802, %abs3A_821 : vector<16xf32>
        %abs3A_823 = math.absf %add3A_820 : vector<16xf32>
        %add3A_824 = arith.addf %add3A_822, %abs3A_823 : vector<16xf32>
        %get3A_825 = arith.constant 0 : i32
        %get3A_826 = arith.index_cast %get3A_825 : i32 to index
        %get3A_827 = arith.index_cast %scan3A_800 : i32 to index
        %get3A_828 = arith.constant 16 : index
        %get3A_829 = tpu.vector_load %arg13[%get3A_826, %get3A_827, %get3A_828] {strides = array<i32>} : memref<4x128x64xf32, #tpu.memory_space<vmem>>, vector<16xf32>,
        %get3A_830 = arith.constant 0 : i32
        %get3A_831 = arith.index_cast %get3A_830 : i32 to index
        %get3A_832 = arith.index_cast %scan3A_800 : i32 to index
        %get3A_833 = arith.constant 16 : index
        %get3A_834 = tpu.vector_load %arg14[%get3A_831, %get3A_832, %get3A_833] {strides = array<i32>} : memref<4x128x64xf32, #tpu.memory_space<vmem>>, vector<16xf32>,
        %mul3A_835 = arith.mulf %get3A_829, %get3A_163 : vector<16xf32>
        %sub3A_836 = arith.subf %get3A_187, %mul3A_835 : vector<16xf32>
        %mul3A_837 = arith.mulf %get3A_834, %get3A_175 : vector<16xf32>
        %add3A_838 = arith.addf %sub3A_836, %mul3A_837 : vector<16xf32>
        %mul3A_839 = arith.mulf %get3A_829, %get3A_175 : vector<16xf32>
        %add3A_840 = arith.addf %get3A_199, %mul3A_839 : vector<16xf32>
        %mul3A_841 = arith.mulf %get3A_834, %get3A_163 : vector<16xf32>
        %add3A_842 = arith.addf %add3A_840, %mul3A_841 : vector<16xf32>
        %abs3A_843 = math.absf %add3A_838 : vector<16xf32>
        %add3A_844 = arith.addf %add3A_824, %abs3A_843 : vector<16xf32>
        %abs3A_845 = math.absf %add3A_842 : vector<16xf32>
        %add3A_846 = arith.addf %add3A_844, %abs3A_845 : vector<16xf32>
        %get3A_847 = arith.constant 0 : i32
        %get3A_848 = arith.index_cast %get3A_847 : i32 to index
        %get3A_849 = arith.index_cast %scan3A_800 : i32 to index
        %get3A_850 = arith.constant 32 : index
        %get3A_851 = tpu.vector_load %arg13[%get3A_848, %get3A_849, %get3A_850] {strides = array<i32>} : memref<4x128x64xf32, #tpu.memory_space<vmem>>, vector<16xf32>,
        %get3A_852 = arith.constant 0 : i32
        %get3A_853 = arith.index_cast %get3A_852 : i32 to index
        %get3A_854 = arith.index_cast %scan3A_800 : i32 to index
        %get3A_855 = arith.constant 32 : index
        %get3A_856 = tpu.vector_load %arg14[%get3A_853, %get3A_854, %get3A_855] {strides = array<i32>} : memref<4x128x64xf32, #tpu.memory_space<vmem>>, vector<16xf32>,
        %mul3A_857 = arith.mulf %get3A_851, %get3A_166 : vector<16xf32>
        %sub3A_858 = arith.subf %get3A_190, %mul3A_857 : vector<16xf32>
        %mul3A_859 = arith.mulf %get3A_856, %get3A_178 : vector<16xf32>
        %add3A_860 = arith.addf %sub3A_858, %mul3A_859 : vector<16xf32>
        %mul3A_861 = arith.mulf %get3A_851, %get3A_178 : vector<16xf32>
        %add3A_862 = arith.addf %get3A_202, %mul3A_861 : vector<16xf32>
        %mul3A_863 = arith.mulf %get3A_856, %get3A_166 : vector<16xf32>
        %add3A_864 = arith.addf %add3A_862, %mul3A_863 : vector<16xf32>
        %abs3A_865 = math.absf %add3A_860 : vector<16xf32>
        %add3A_866 = arith.addf %add3A_846, %abs3A_865 : vector<16xf32>
        %abs3A_867 = math.absf %add3A_864 : vector<16xf32>
        %add3A_868 = arith.addf %add3A_866, %abs3A_867 : vector<16xf32>
        %get3A_869 = arith.constant 0 : i32
        %get3A_870 = arith.index_cast %get3A_869 : i32 to index
        %get3A_871 = arith.index_cast %scan3A_800 : i32 to index
        %get3A_872 = arith.constant 48 : index
        %get3A_873 = tpu.vector_load %arg13[%get3A_870, %get3A_871, %get3A_872] {strides = array<i32>} : memref<4x128x64xf32, #tpu.memory_space<vmem>>, vector<16xf32>,
        %get3A_874 = arith.constant 0 : i32
        %get3A_875 = arith.index_cast %get3A_874 : i32 to index
        %get3A_876 = arith.index_cast %scan3A_800 : i32 to index
        %get3A_877 = arith.constant 48 : index
        %get3A_878 = tpu.vector_load %arg14[%get3A_875, %get3A_876, %get3A_877] {strides = array<i32>} : memref<4x128x64xf32, #tpu.memory_space<vmem>>, vector<16xf32>,
        %mul3A_879 = arith.mulf %get3A_873, %get3A_169 : vector<16xf32>
        %sub3A_880 = arith.subf %get3A_193, %mul3A_879 : vector<16xf32>
        %mul3A_881 = arith.mulf %get3A_878, %get3A_181 : vector<16xf32>
        %add3A_882 = arith.addf %sub3A_880, %mul3A_881 : vector<16xf32>
        %mul3A_883 = arith.mulf %get3A_873, %get3A_181 : vector<16xf32>
        %add3A_884 = arith.addf %get3A_205, %mul3A_883 : vector<16xf32>
        %mul3A_885 = arith.mulf %get3A_878, %get3A_169 : vector<16xf32>
        %add3A_886 = arith.addf %add3A_884, %mul3A_885 : vector<16xf32>
        %abs3A_887 = math.absf %add3A_882 : vector<16xf32>
        %add3A_888 = arith.addf %add3A_868, %abs3A_887 : vector<16xf32>
        %abs3A_889 = math.absf %add3A_886 : vector<16xf32>
        %add3A_890 = arith.addf %add3A_888, %abs3A_889 : vector<16xf32>
        %reduce_sum3A_891 = arith.constant true
        %reduce_sum3A_892 = vector.broadcast %reduce_sum3A_891 : i1 to vector<16xi1>
        %reduce_sum3A_893 = tpu.scan <sum>, %add3A_890 masked %reduce_sum3A_892 : vector<16xf32>, vector<16xi1> -> vector<16xf32>
        %reduce_sum3A_894 = vector.extract %reduce_sum3A_893[15] : f32 from vector<16xf32>
        %broadcast_in_dim3A_895 = vector.broadcast %reduce_sum3A_894 : f32 to vector<16xf32>
        %add3A_896 = arith.addi %mul3A_158, %scan3A_800 : i32
        %broadcast_in_dim3A_897 = vector.broadcast %add3A_896 : i32 to vector<16xi32>
        tpu.vector_store_idx %arg25[%broadcast_in_dim3A, %broadcast_in_dim3A_897], %broadcast_in_dim3A_895 masked %eq3A_113 : memref<32x512xf32, #tpu.memory_space<vmem>>[vector<16xi32>, vector<16xi32>], vector<16xf32>, vector<16xi1>
        %scan3A_898 = arith.constant 4 : i32
        %scan3A_899 = arith.addi %scan3A_506, %scan3A_898 : i32
        %broadcast_in_dim3A_900 = arith.constant 0.000000e+00 : f32
        %broadcast_in_dim3A_901 = vector.broadcast %broadcast_in_dim3A_900 : f32 to vector<16xf32>
        %get3A_902 = arith.constant 0 : i32
        %get3A_903 = arith.index_cast %get3A_902 : i32 to index
        %get3A_904 = arith.index_cast %scan3A_899 : i32 to index
        %get3A_905 = arith.constant 0 : index
        %get3A_906 = tpu.vector_load %arg13[%get3A_903, %get3A_904, %get3A_905] {strides = array<i32>} : memref<4x128x64xf32, #tpu.memory_space<vmem>>, vector<16xf32>,
        %get3A_907 = arith.constant 0 : i32
        %get3A_908 = arith.index_cast %get3A_907 : i32 to index
        %get3A_909 = arith.index_cast %scan3A_899 : i32 to index
        %get3A_910 = arith.constant 0 : index
        %get3A_911 = tpu.vector_load %arg14[%get3A_908, %get3A_909, %get3A_910] {strides = array<i32>} : memref<4x128x64xf32, #tpu.memory_space<vmem>>, vector<16xf32>,
        %mul3A_912 = arith.mulf %get3A_906, %get3A_160 : vector<16xf32>
        %sub3A_913 = arith.subf %get3A_184, %mul3A_912 : vector<16xf32>
        %mul3A_914 = arith.mulf %get3A_911, %get3A_172 : vector<16xf32>
        %add3A_915 = arith.addf %sub3A_913, %mul3A_914 : vector<16xf32>
        %mul3A_916 = arith.mulf %get3A_906, %get3A_172 : vector<16xf32>
        %add3A_917 = arith.addf %get3A_196, %mul3A_916 : vector<16xf32>
        %mul3A_918 = arith.mulf %get3A_911, %get3A_160 : vector<16xf32>
        %add3A_919 = arith.addf %add3A_917, %mul3A_918 : vector<16xf32>
        %abs3A_920 = math.absf %add3A_915 : vector<16xf32>
        %add3A_921 = arith.addf %broadcast_in_dim3A_901, %abs3A_920 : vector<16xf32>
        %abs3A_922 = math.absf %add3A_919 : vector<16xf32>
        %add3A_923 = arith.addf %add3A_921, %abs3A_922 : vector<16xf32>
        %get3A_924 = arith.constant 0 : i32
        %get3A_925 = arith.index_cast %get3A_924 : i32 to index
        %get3A_926 = arith.index_cast %scan3A_899 : i32 to index
        %get3A_927 = arith.constant 16 : index
        %get3A_928 = tpu.vector_load %arg13[%get3A_925, %get3A_926, %get3A_927] {strides = array<i32>} : memref<4x128x64xf32, #tpu.memory_space<vmem>>, vector<16xf32>,
        %get3A_929 = arith.constant 0 : i32
        %get3A_930 = arith.index_cast %get3A_929 : i32 to index
        %get3A_931 = arith.index_cast %scan3A_899 : i32 to index
        %get3A_932 = arith.constant 16 : index
        %get3A_933 = tpu.vector_load %arg14[%get3A_930, %get3A_931, %get3A_932] {strides = array<i32>} : memref<4x128x64xf32, #tpu.memory_space<vmem>>, vector<16xf32>,
        %mul3A_934 = arith.mulf %get3A_928, %get3A_163 : vector<16xf32>
        %sub3A_935 = arith.subf %get3A_187, %mul3A_934 : vector<16xf32>
        %mul3A_936 = arith.mulf %get3A_933, %get3A_175 : vector<16xf32>
        %add3A_937 = arith.addf %sub3A_935, %mul3A_936 : vector<16xf32>
        %mul3A_938 = arith.mulf %get3A_928, %get3A_175 : vector<16xf32>
        %add3A_939 = arith.addf %get3A_199, %mul3A_938 : vector<16xf32>
        %mul3A_940 = arith.mulf %get3A_933, %get3A_163 : vector<16xf32>
        %add3A_941 = arith.addf %add3A_939, %mul3A_940 : vector<16xf32>
        %abs3A_942 = math.absf %add3A_937 : vector<16xf32>
        %add3A_943 = arith.addf %add3A_923, %abs3A_942 : vector<16xf32>
        %abs3A_944 = math.absf %add3A_941 : vector<16xf32>
        %add3A_945 = arith.addf %add3A_943, %abs3A_944 : vector<16xf32>
        %get3A_946 = arith.constant 0 : i32
        %get3A_947 = arith.index_cast %get3A_946 : i32 to index
        %get3A_948 = arith.index_cast %scan3A_899 : i32 to index
        %get3A_949 = arith.constant 32 : index
        %get3A_950 = tpu.vector_load %arg13[%get3A_947, %get3A_948, %get3A_949] {strides = array<i32>} : memref<4x128x64xf32, #tpu.memory_space<vmem>>, vector<16xf32>,
        %get3A_951 = arith.constant 0 : i32
        %get3A_952 = arith.index_cast %get3A_951 : i32 to index
        %get3A_953 = arith.index_cast %scan3A_899 : i32 to index
        %get3A_954 = arith.constant 32 : index
        %get3A_955 = tpu.vector_load %arg14[%get3A_952, %get3A_953, %get3A_954] {strides = array<i32>} : memref<4x128x64xf32, #tpu.memory_space<vmem>>, vector<16xf32>,
        %mul3A_956 = arith.mulf %get3A_950, %get3A_166 : vector<16xf32>
        %sub3A_957 = arith.subf %get3A_190, %mul3A_956 : vector<16xf32>
        %mul3A_958 = arith.mulf %get3A_955, %get3A_178 : vector<16xf32>
        %add3A_959 = arith.addf %sub3A_957, %mul3A_958 : vector<16xf32>
        %mul3A_960 = arith.mulf %get3A_950, %get3A_178 : vector<16xf32>
        %add3A_961 = arith.addf %get3A_202, %mul3A_960 : vector<16xf32>
        %mul3A_962 = arith.mulf %get3A_955, %get3A_166 : vector<16xf32>
        %add3A_963 = arith.addf %add3A_961, %mul3A_962 : vector<16xf32>
        %abs3A_964 = math.absf %add3A_959 : vector<16xf32>
        %add3A_965 = arith.addf %add3A_945, %abs3A_964 : vector<16xf32>
        %abs3A_966 = math.absf %add3A_963 : vector<16xf32>
        %add3A_967 = arith.addf %add3A_965, %abs3A_966 : vector<16xf32>
        %get3A_968 = arith.constant 0 : i32
        %get3A_969 = arith.index_cast %get3A_968 : i32 to index
        %get3A_970 = arith.index_cast %scan3A_899 : i32 to index
        %get3A_971 = arith.constant 48 : index
        %get3A_972 = tpu.vector_load %arg13[%get3A_969, %get3A_970, %get3A_971] {strides = array<i32>} : memref<4x128x64xf32, #tpu.memory_space<vmem>>, vector<16xf32>,
        %get3A_973 = arith.constant 0 : i32
        %get3A_974 = arith.index_cast %get3A_973 : i32 to index
        %get3A_975 = arith.index_cast %scan3A_899 : i32 to index
        %get3A_976 = arith.constant 48 : index
        %get3A_977 = tpu.vector_load %arg14[%get3A_974, %get3A_975, %get3A_976] {strides = array<i32>} : memref<4x128x64xf32, #tpu.memory_space<vmem>>, vector<16xf32>,
        %mul3A_978 = arith.mulf %get3A_972, %get3A_169 : vector<16xf32>
        %sub3A_979 = arith.subf %get3A_193, %mul3A_978 : vector<16xf32>
        %mul3A_980 = arith.mulf %get3A_977, %get3A_181 : vector<16xf32>
        %add3A_981 = arith.addf %sub3A_979, %mul3A_980 : vector<16xf32>
        %mul3A_982 = arith.mulf %get3A_972, %get3A_181 : vector<16xf32>
        %add3A_983 = arith.addf %get3A_205, %mul3A_982 : vector<16xf32>
        %mul3A_984 = arith.mulf %get3A_977, %get3A_169 : vector<16xf32>
        %add3A_985 = arith.addf %add3A_983, %mul3A_984 : vector<16xf32>
        %abs3A_986 = math.absf %add3A_981 : vector<16xf32>
        %add3A_987 = arith.addf %add3A_967, %abs3A_986 : vector<16xf32>
        %abs3A_988 = math.absf %add3A_985 : vector<16xf32>
        %add3A_989 = arith.addf %add3A_987, %abs3A_988 : vector<16xf32>
        %reduce_sum3A_990 = arith.constant true
        %reduce_sum3A_991 = vector.broadcast %reduce_sum3A_990 : i1 to vector<16xi1>
        %reduce_sum3A_992 = tpu.scan <sum>, %add3A_989 masked %reduce_sum3A_991 : vector<16xf32>, vector<16xi1> -> vector<16xf32>
        %reduce_sum3A_993 = vector.extract %reduce_sum3A_992[15] : f32 from vector<16xf32>
        %broadcast_in_dim3A_994 = vector.broadcast %reduce_sum3A_993 : f32 to vector<16xf32>
        %add3A_995 = arith.addi %mul3A_158, %scan3A_899 : i32
        %broadcast_in_dim3A_996 = vector.broadcast %add3A_995 : i32 to vector<16xi32>
        tpu.vector_store_idx %arg25[%broadcast_in_dim3A, %broadcast_in_dim3A_996], %broadcast_in_dim3A_994 masked %eq3A_113 : memref<32x512xf32, #tpu.memory_space<vmem>>[vector<16xi32>, vector<16xi32>], vector<16xf32>, vector<16xi1>
        %scan3A_997 = arith.constant 5 : i32
        %scan3A_998 = arith.addi %scan3A_506, %scan3A_997 : i32
        %broadcast_in_dim3A_999 = arith.constant 0.000000e+00 : f32
        %broadcast_in_dim3A_1000 = vector.broadcast %broadcast_in_dim3A_999 : f32 to vector<16xf32>
        %get3A_1001 = arith.constant 0 : i32
        %get3A_1002 = arith.index_cast %get3A_1001 : i32 to index
        %get3A_1003 = arith.index_cast %scan3A_998 : i32 to index
        %get3A_1004 = arith.constant 0 : index
        %get3A_1005 = tpu.vector_load %arg13[%get3A_1002, %get3A_1003, %get3A_1004] {strides = array<i32>} : memref<4x128x64xf32, #tpu.memory_space<vmem>>, vector<16xf32>,
        %get3A_1006 = arith.constant 0 : i32
        %get3A_1007 = arith.index_cast %get3A_1006 : i32 to index
        %get3A_1008 = arith.index_cast %scan3A_998 : i32 to index
        %get3A_1009 = arith.constant 0 : index
        %get3A_1010 = tpu.vector_load %arg14[%get3A_1007, %get3A_1008, %get3A_1009] {strides = array<i32>} : memref<4x128x64xf32, #tpu.memory_space<vmem>>, vector<16xf32>,
        %mul3A_1011 = arith.mulf %get3A_1005, %get3A_160 : vector<16xf32>
        %sub3A_1012 = arith.subf %get3A_184, %mul3A_1011 : vector<16xf32>
        %mul3A_1013 = arith.mulf %get3A_1010, %get3A_172 : vector<16xf32>
        %add3A_1014 = arith.addf %sub3A_1012, %mul3A_1013 : vector<16xf32>
        %mul3A_1015 = arith.mulf %get3A_1005, %get3A_172 : vector<16xf32>
        %add3A_1016 = arith.addf %get3A_196, %mul3A_1015 : vector<16xf32>
        %mul3A_1017 = arith.mulf %get3A_1010, %get3A_160 : vector<16xf32>
        %add3A_1018 = arith.addf %add3A_1016, %mul3A_1017 : vector<16xf32>
        %abs3A_1019 = math.absf %add3A_1014 : vector<16xf32>
        %add3A_1020 = arith.addf %broadcast_in_dim3A_1000, %abs3A_1019 : vector<16xf32>
        %abs3A_1021 = math.absf %add3A_1018 : vector<16xf32>
        %add3A_1022 = arith.addf %add3A_1020, %abs3A_1021 : vector<16xf32>
        %get3A_1023 = arith.constant 0 : i32
        %get3A_1024 = arith.index_cast %get3A_1023 : i32 to index
        %get3A_1025 = arith.index_cast %scan3A_998 : i32 to index
        %get3A_1026 = arith.constant 16 : index
        %get3A_1027 = tpu.vector_load %arg13[%get3A_1024, %get3A_1025, %get3A_1026] {strides = array<i32>} : memref<4x128x64xf32, #tpu.memory_space<vmem>>, vector<16xf32>,
        %get3A_1028 = arith.constant 0 : i32
        %get3A_1029 = arith.index_cast %get3A_1028 : i32 to index
        %get3A_1030 = arith.index_cast %scan3A_998 : i32 to index
        %get3A_1031 = arith.constant 16 : index
        %get3A_1032 = tpu.vector_load %arg14[%get3A_1029, %get3A_1030, %get3A_1031] {strides = array<i32>} : memref<4x128x64xf32, #tpu.memory_space<vmem>>, vector<16xf32>,
        %mul3A_1033 = arith.mulf %get3A_1027, %get3A_163 : vector<16xf32>
        %sub3A_1034 = arith.subf %get3A_187, %mul3A_1033 : vector<16xf32>
        %mul3A_1035 = arith.mulf %get3A_1032, %get3A_175 : vector<16xf32>
        %add3A_1036 = arith.addf %sub3A_1034, %mul3A_1035 : vector<16xf32>
        %mul3A_1037 = arith.mulf %get3A_1027, %get3A_175 : vector<16xf32>
        %add3A_1038 = arith.addf %get3A_199, %mul3A_1037 : vector<16xf32>
        %mul3A_1039 = arith.mulf %get3A_1032, %get3A_163 : vector<16xf32>
        %add3A_1040 = arith.addf %add3A_1038, %mul3A_1039 : vector<16xf32>
        %abs3A_1041 = math.absf %add3A_1036 : vector<16xf32>
        %add3A_1042 = arith.addf %add3A_1022, %abs3A_1041 : vector<16xf32>
        %abs3A_1043 = math.absf %add3A_1040 : vector<16xf32>
        %add3A_1044 = arith.addf %add3A_1042, %abs3A_1043 : vector<16xf32>
        %get3A_1045 = arith.constant 0 : i32
        %get3A_1046 = arith.index_cast %get3A_1045 : i32 to index
        %get3A_1047 = arith.index_cast %scan3A_998 : i32 to index
        %get3A_1048 = arith.constant 32 : index
        %get3A_1049 = tpu.vector_load %arg13[%get3A_1046, %get3A_1047, %get3A_1048] {strides = array<i32>} : memref<4x128x64xf32, #tpu.memory_space<vmem>>, vector<16xf32>,
        %get3A_1050 = arith.constant 0 : i32
        %get3A_1051 = arith.index_cast %get3A_1050 : i32 to index
        %get3A_1052 = arith.index_cast %scan3A_998 : i32 to index
        %get3A_1053 = arith.constant 32 : index
        %get3A_1054 = tpu.vector_load %arg14[%get3A_1051, %get3A_1052, %get3A_1053] {strides = array<i32>} : memref<4x128x64xf32, #tpu.memory_space<vmem>>, vector<16xf32>,
        %mul3A_1055 = arith.mulf %get3A_1049, %get3A_166 : vector<16xf32>
        %sub3A_1056 = arith.subf %get3A_190, %mul3A_1055 : vector<16xf32>
        %mul3A_1057 = arith.mulf %get3A_1054, %get3A_178 : vector<16xf32>
        %add3A_1058 = arith.addf %sub3A_1056, %mul3A_1057 : vector<16xf32>
        %mul3A_1059 = arith.mulf %get3A_1049, %get3A_178 : vector<16xf32>
        %add3A_1060 = arith.addf %get3A_202, %mul3A_1059 : vector<16xf32>
        %mul3A_1061 = arith.mulf %get3A_1054, %get3A_166 : vector<16xf32>
        %add3A_1062 = arith.addf %add3A_1060, %mul3A_1061 : vector<16xf32>
        %abs3A_1063 = math.absf %add3A_1058 : vector<16xf32>
        %add3A_1064 = arith.addf %add3A_1044, %abs3A_1063 : vector<16xf32>
        %abs3A_1065 = math.absf %add3A_1062 : vector<16xf32>
        %add3A_1066 = arith.addf %add3A_1064, %abs3A_1065 : vector<16xf32>
        %get3A_1067 = arith.constant 0 : i32
        %get3A_1068 = arith.index_cast %get3A_1067 : i32 to index
        %get3A_1069 = arith.index_cast %scan3A_998 : i32 to index
        %get3A_1070 = arith.constant 48 : index
        %get3A_1071 = tpu.vector_load %arg13[%get3A_1068, %get3A_1069, %get3A_1070] {strides = array<i32>} : memref<4x128x64xf32, #tpu.memory_space<vmem>>, vector<16xf32>,
        %get3A_1072 = arith.constant 0 : i32
        %get3A_1073 = arith.index_cast %get3A_1072 : i32 to index
        %get3A_1074 = arith.index_cast %scan3A_998 : i32 to index
        %get3A_1075 = arith.constant 48 : index
        %get3A_1076 = tpu.vector_load %arg14[%get3A_1073, %get3A_1074, %get3A_1075] {strides = array<i32>} : memref<4x128x64xf32, #tpu.memory_space<vmem>>, vector<16xf32>,
        %mul3A_1077 = arith.mulf %get3A_1071, %get3A_169 : vector<16xf32>
        %sub3A_1078 = arith.subf %get3A_193, %mul3A_1077 : vector<16xf32>
        %mul3A_1079 = arith.mulf %get3A_1076, %get3A_181 : vector<16xf32>
        %add3A_1080 = arith.addf %sub3A_1078, %mul3A_1079 : vector<16xf32>
        %mul3A_1081 = arith.mulf %get3A_1071, %get3A_181 : vector<16xf32>
        %add3A_1082 = arith.addf %get3A_205, %mul3A_1081 : vector<16xf32>
        %mul3A_1083 = arith.mulf %get3A_1076, %get3A_169 : vector<16xf32>
        %add3A_1084 = arith.addf %add3A_1082, %mul3A_1083 : vector<16xf32>
        %abs3A_1085 = math.absf %add3A_1080 : vector<16xf32>
        %add3A_1086 = arith.addf %add3A_1066, %abs3A_1085 : vector<16xf32>
        %abs3A_1087 = math.absf %add3A_1084 : vector<16xf32>
        %add3A_1088 = arith.addf %add3A_1086, %abs3A_1087 : vector<16xf32>
        %reduce_sum3A_1089 = arith.constant true
        %reduce_sum3A_1090 = vector.broadcast %reduce_sum3A_1089 : i1 to vector<16xi1>
        %reduce_sum3A_1091 = tpu.scan <sum>, %add3A_1088 masked %reduce_sum3A_1090 : vector<16xf32>, vector<16xi1> -> vector<16xf32>
        %reduce_sum3A_1092 = vector.extract %reduce_sum3A_1091[15] : f32 from vector<16xf32>
        %broadcast_in_dim3A_1093 = vector.broadcast %reduce_sum3A_1092 : f32 to vector<16xf32>
        %add3A_1094 = arith.addi %mul3A_158, %scan3A_998 : i32
        %broadcast_in_dim3A_1095 = vector.broadcast %add3A_1094 : i32 to vector<16xi32>
        tpu.vector_store_idx %arg25[%broadcast_in_dim3A, %broadcast_in_dim3A_1095], %broadcast_in_dim3A_1093 masked %eq3A_113 : memref<32x512xf32, #tpu.memory_space<vmem>>[vector<16xi32>, vector<16xi32>], vector<16xf32>, vector<16xi1>
        %scan3A_1096 = arith.constant 6 : i32
        %scan3A_1097 = arith.addi %scan3A_506, %scan3A_1096 : i32
        %broadcast_in_dim3A_1098 = arith.constant 0.000000e+00 : f32
        %broadcast_in_dim3A_1099 = vector.broadcast %broadcast_in_dim3A_1098 : f32 to vector<16xf32>
        %get3A_1100 = arith.constant 0 : i32
        %get3A_1101 = arith.index_cast %get3A_1100 : i32 to index
        %get3A_1102 = arith.index_cast %scan3A_1097 : i32 to index
        %get3A_1103 = arith.constant 0 : index
        %get3A_1104 = tpu.vector_load %arg13[%get3A_1101, %get3A_1102, %get3A_1103] {strides = array<i32>} : memref<4x128x64xf32, #tpu.memory_space<vmem>>, vector<16xf32>,
        %get3A_1105 = arith.constant 0 : i32
        %get3A_1106 = arith.index_cast %get3A_1105 : i32 to index
        %get3A_1107 = arith.index_cast %scan3A_1097 : i32 to index
        %get3A_1108 = arith.constant 0 : index
        %get3A_1109 = tpu.vector_load %arg14[%get3A_1106, %get3A_1107, %get3A_1108] {strides = array<i32>} : memref<4x128x64xf32, #tpu.memory_space<vmem>>, vector<16xf32>,
        %mul3A_1110 = arith.mulf %get3A_1104, %get3A_160 : vector<16xf32>
        %sub3A_1111 = arith.subf %get3A_184, %mul3A_1110 : vector<16xf32>
        %mul3A_1112 = arith.mulf %get3A_1109, %get3A_172 : vector<16xf32>
        %add3A_1113 = arith.addf %sub3A_1111, %mul3A_1112 : vector<16xf32>
        %mul3A_1114 = arith.mulf %get3A_1104, %get3A_172 : vector<16xf32>
        %add3A_1115 = arith.addf %get3A_196, %mul3A_1114 : vector<16xf32>
        %mul3A_1116 = arith.mulf %get3A_1109, %get3A_160 : vector<16xf32>
        %add3A_1117 = arith.addf %add3A_1115, %mul3A_1116 : vector<16xf32>
        %abs3A_1118 = math.absf %add3A_1113 : vector<16xf32>
        %add3A_1119 = arith.addf %broadcast_in_dim3A_1099, %abs3A_1118 : vector<16xf32>
        %abs3A_1120 = math.absf %add3A_1117 : vector<16xf32>
        %add3A_1121 = arith.addf %add3A_1119, %abs3A_1120 : vector<16xf32>
        %get3A_1122 = arith.constant 0 : i32
        %get3A_1123 = arith.index_cast %get3A_1122 : i32 to index
        %get3A_1124 = arith.index_cast %scan3A_1097 : i32 to index
        %get3A_1125 = arith.constant 16 : index
        %get3A_1126 = tpu.vector_load %arg13[%get3A_1123, %get3A_1124, %get3A_1125] {strides = array<i32>} : memref<4x128x64xf32, #tpu.memory_space<vmem>>, vector<16xf32>,
        %get3A_1127 = arith.constant 0 : i32
        %get3A_1128 = arith.index_cast %get3A_1127 : i32 to index
        %get3A_1129 = arith.index_cast %scan3A_1097 : i32 to index
        %get3A_1130 = arith.constant 16 : index
        %get3A_1131 = tpu.vector_load %arg14[%get3A_1128, %get3A_1129, %get3A_1130] {strides = array<i32>} : memref<4x128x64xf32, #tpu.memory_space<vmem>>, vector<16xf32>,
        %mul3A_1132 = arith.mulf %get3A_1126, %get3A_163 : vector<16xf32>
        %sub3A_1133 = arith.subf %get3A_187, %mul3A_1132 : vector<16xf32>
        %mul3A_1134 = arith.mulf %get3A_1131, %get3A_175 : vector<16xf32>
        %add3A_1135 = arith.addf %sub3A_1133, %mul3A_1134 : vector<16xf32>
        %mul3A_1136 = arith.mulf %get3A_1126, %get3A_175 : vector<16xf32>
        %add3A_1137 = arith.addf %get3A_199, %mul3A_1136 : vector<16xf32>
        %mul3A_1138 = arith.mulf %get3A_1131, %get3A_163 : vector<16xf32>
        %add3A_1139 = arith.addf %add3A_1137, %mul3A_1138 : vector<16xf32>
        %abs3A_1140 = math.absf %add3A_1135 : vector<16xf32>
        %add3A_1141 = arith.addf %add3A_1121, %abs3A_1140 : vector<16xf32>
        %abs3A_1142 = math.absf %add3A_1139 : vector<16xf32>
        %add3A_1143 = arith.addf %add3A_1141, %abs3A_1142 : vector<16xf32>
        %get3A_1144 = arith.constant 0 : i32
        %get3A_1145 = arith.index_cast %get3A_1144 : i32 to index
        %get3A_1146 = arith.index_cast %scan3A_1097 : i32 to index
        %get3A_1147 = arith.constant 32 : index
        %get3A_1148 = tpu.vector_load %arg13[%get3A_1145, %get3A_1146, %get3A_1147] {strides = array<i32>} : memref<4x128x64xf32, #tpu.memory_space<vmem>>, vector<16xf32>,
        %get3A_1149 = arith.constant 0 : i32
        %get3A_1150 = arith.index_cast %get3A_1149 : i32 to index
        %get3A_1151 = arith.index_cast %scan3A_1097 : i32 to index
        %get3A_1152 = arith.constant 32 : index
        %get3A_1153 = tpu.vector_load %arg14[%get3A_1150, %get3A_1151, %get3A_1152] {strides = array<i32>} : memref<4x128x64xf32, #tpu.memory_space<vmem>>, vector<16xf32>,
        %mul3A_1154 = arith.mulf %get3A_1148, %get3A_166 : vector<16xf32>
        %sub3A_1155 = arith.subf %get3A_190, %mul3A_1154 : vector<16xf32>
        %mul3A_1156 = arith.mulf %get3A_1153, %get3A_178 : vector<16xf32>
        %add3A_1157 = arith.addf %sub3A_1155, %mul3A_1156 : vector<16xf32>
        %mul3A_1158 = arith.mulf %get3A_1148, %get3A_178 : vector<16xf32>
        %add3A_1159 = arith.addf %get3A_202, %mul3A_1158 : vector<16xf32>
        %mul3A_1160 = arith.mulf %get3A_1153, %get3A_166 : vector<16xf32>
        %add3A_1161 = arith.addf %add3A_1159, %mul3A_1160 : vector<16xf32>
        %abs3A_1162 = math.absf %add3A_1157 : vector<16xf32>
        %add3A_1163 = arith.addf %add3A_1143, %abs3A_1162 : vector<16xf32>
        %abs3A_1164 = math.absf %add3A_1161 : vector<16xf32>
        %add3A_1165 = arith.addf %add3A_1163, %abs3A_1164 : vector<16xf32>
        %get3A_1166 = arith.constant 0 : i32
        %get3A_1167 = arith.index_cast %get3A_1166 : i32 to index
        %get3A_1168 = arith.index_cast %scan3A_1097 : i32 to index
        %get3A_1169 = arith.constant 48 : index
        %get3A_1170 = tpu.vector_load %arg13[%get3A_1167, %get3A_1168, %get3A_1169] {strides = array<i32>} : memref<4x128x64xf32, #tpu.memory_space<vmem>>, vector<16xf32>,
        %get3A_1171 = arith.constant 0 : i32
        %get3A_1172 = arith.index_cast %get3A_1171 : i32 to index
        %get3A_1173 = arith.index_cast %scan3A_1097 : i32 to index
        %get3A_1174 = arith.constant 48 : index
        %get3A_1175 = tpu.vector_load %arg14[%get3A_1172, %get3A_1173, %get3A_1174] {strides = array<i32>} : memref<4x128x64xf32, #tpu.memory_space<vmem>>, vector<16xf32>,
        %mul3A_1176 = arith.mulf %get3A_1170, %get3A_169 : vector<16xf32>
        %sub3A_1177 = arith.subf %get3A_193, %mul3A_1176 : vector<16xf32>
        %mul3A_1178 = arith.mulf %get3A_1175, %get3A_181 : vector<16xf32>
        %add3A_1179 = arith.addf %sub3A_1177, %mul3A_1178 : vector<16xf32>
        %mul3A_1180 = arith.mulf %get3A_1170, %get3A_181 : vector<16xf32>
        %add3A_1181 = arith.addf %get3A_205, %mul3A_1180 : vector<16xf32>
        %mul3A_1182 = arith.mulf %get3A_1175, %get3A_169 : vector<16xf32>
        %add3A_1183 = arith.addf %add3A_1181, %mul3A_1182 : vector<16xf32>
        %abs3A_1184 = math.absf %add3A_1179 : vector<16xf32>
        %add3A_1185 = arith.addf %add3A_1165, %abs3A_1184 : vector<16xf32>
        %abs3A_1186 = math.absf %add3A_1183 : vector<16xf32>
        %add3A_1187 = arith.addf %add3A_1185, %abs3A_1186 : vector<16xf32>
        %reduce_sum3A_1188 = arith.constant true
        %reduce_sum3A_1189 = vector.broadcast %reduce_sum3A_1188 : i1 to vector<16xi1>
        %reduce_sum3A_1190 = tpu.scan <sum>, %add3A_1187 masked %reduce_sum3A_1189 : vector<16xf32>, vector<16xi1> -> vector<16xf32>
        %reduce_sum3A_1191 = vector.extract %reduce_sum3A_1190[15] : f32 from vector<16xf32>
        %broadcast_in_dim3A_1192 = vector.broadcast %reduce_sum3A_1191 : f32 to vector<16xf32>
        %add3A_1193 = arith.addi %mul3A_158, %scan3A_1097 : i32
        %broadcast_in_dim3A_1194 = vector.broadcast %add3A_1193 : i32 to vector<16xi32>
        tpu.vector_store_idx %arg25[%broadcast_in_dim3A, %broadcast_in_dim3A_1194], %broadcast_in_dim3A_1192 masked %eq3A_113 : memref<32x512xf32, #tpu.memory_space<vmem>>[vector<16xi32>, vector<16xi32>], vector<16xf32>, vector<16xi1>
        %scan3A_1195 = arith.constant 7 : i32
        %scan3A_1196 = arith.addi %scan3A_506, %scan3A_1195 : i32
        %broadcast_in_dim3A_1197 = arith.constant 0.000000e+00 : f32
        %broadcast_in_dim3A_1198 = vector.broadcast %broadcast_in_dim3A_1197 : f32 to vector<16xf32>
        %get3A_1199 = arith.constant 0 : i32
        %get3A_1200 = arith.index_cast %get3A_1199 : i32 to index
        %get3A_1201 = arith.index_cast %scan3A_1196 : i32 to index
        %get3A_1202 = arith.constant 0 : index
        %get3A_1203 = tpu.vector_load %arg13[%get3A_1200, %get3A_1201, %get3A_1202] {strides = array<i32>} : memref<4x128x64xf32, #tpu.memory_space<vmem>>, vector<16xf32>,
        %get3A_1204 = arith.constant 0 : i32
        %get3A_1205 = arith.index_cast %get3A_1204 : i32 to index
        %get3A_1206 = arith.index_cast %scan3A_1196 : i32 to index
        %get3A_1207 = arith.constant 0 : index
        %get3A_1208 = tpu.vector_load %arg14[%get3A_1205, %get3A_1206, %get3A_1207] {strides = array<i32>} : memref<4x128x64xf32, #tpu.memory_space<vmem>>, vector<16xf32>,
        %mul3A_1209 = arith.mulf %get3A_1203, %get3A_160 : vector<16xf32>
        %sub3A_1210 = arith.subf %get3A_184, %mul3A_1209 : vector<16xf32>
        %mul3A_1211 = arith.mulf %get3A_1208, %get3A_172 : vector<16xf32>
        %add3A_1212 = arith.addf %sub3A_1210, %mul3A_1211 : vector<16xf32>
        %mul3A_1213 = arith.mulf %get3A_1203, %get3A_172 : vector<16xf32>
        %add3A_1214 = arith.addf %get3A_196, %mul3A_1213 : vector<16xf32>
        %mul3A_1215 = arith.mulf %get3A_1208, %get3A_160 : vector<16xf32>
        %add3A_1216 = arith.addf %add3A_1214, %mul3A_1215 : vector<16xf32>
        %abs3A_1217 = math.absf %add3A_1212 : vector<16xf32>
        %add3A_1218 = arith.addf %broadcast_in_dim3A_1198, %abs3A_1217 : vector<16xf32>
        %abs3A_1219 = math.absf %add3A_1216 : vector<16xf32>
        %add3A_1220 = arith.addf %add3A_1218, %abs3A_1219 : vector<16xf32>
        %get3A_1221 = arith.constant 0 : i32
        %get3A_1222 = arith.index_cast %get3A_1221 : i32 to index
        %get3A_1223 = arith.index_cast %scan3A_1196 : i32 to index
        %get3A_1224 = arith.constant 16 : index
        %get3A_1225 = tpu.vector_load %arg13[%get3A_1222, %get3A_1223, %get3A_1224] {strides = array<i32>} : memref<4x128x64xf32, #tpu.memory_space<vmem>>, vector<16xf32>,
        %get3A_1226 = arith.constant 0 : i32
        %get3A_1227 = arith.index_cast %get3A_1226 : i32 to index
        %get3A_1228 = arith.index_cast %scan3A_1196 : i32 to index
        %get3A_1229 = arith.constant 16 : index
        %get3A_1230 = tpu.vector_load %arg14[%get3A_1227, %get3A_1228, %get3A_1229] {strides = array<i32>} : memref<4x128x64xf32, #tpu.memory_space<vmem>>, vector<16xf32>,
        %mul3A_1231 = arith.mulf %get3A_1225, %get3A_163 : vector<16xf32>
        %sub3A_1232 = arith.subf %get3A_187, %mul3A_1231 : vector<16xf32>
        %mul3A_1233 = arith.mulf %get3A_1230, %get3A_175 : vector<16xf32>
        %add3A_1234 = arith.addf %sub3A_1232, %mul3A_1233 : vector<16xf32>
        %mul3A_1235 = arith.mulf %get3A_1225, %get3A_175 : vector<16xf32>
        %add3A_1236 = arith.addf %get3A_199, %mul3A_1235 : vector<16xf32>
        %mul3A_1237 = arith.mulf %get3A_1230, %get3A_163 : vector<16xf32>
        %add3A_1238 = arith.addf %add3A_1236, %mul3A_1237 : vector<16xf32>
        %abs3A_1239 = math.absf %add3A_1234 : vector<16xf32>
        %add3A_1240 = arith.addf %add3A_1220, %abs3A_1239 : vector<16xf32>
        %abs3A_1241 = math.absf %add3A_1238 : vector<16xf32>
        %add3A_1242 = arith.addf %add3A_1240, %abs3A_1241 : vector<16xf32>
        %get3A_1243 = arith.constant 0 : i32
        %get3A_1244 = arith.index_cast %get3A_1243 : i32 to index
        %get3A_1245 = arith.index_cast %scan3A_1196 : i32 to index
        %get3A_1246 = arith.constant 32 : index
        %get3A_1247 = tpu.vector_load %arg13[%get3A_1244, %get3A_1245, %get3A_1246] {strides = array<i32>} : memref<4x128x64xf32, #tpu.memory_space<vmem>>, vector<16xf32>,
        %get3A_1248 = arith.constant 0 : i32
        %get3A_1249 = arith.index_cast %get3A_1248 : i32 to index
        %get3A_1250 = arith.index_cast %scan3A_1196 : i32 to index
        %get3A_1251 = arith.constant 32 : index
        %get3A_1252 = tpu.vector_load %arg14[%get3A_1249, %get3A_1250, %get3A_1251] {strides = array<i32>} : memref<4x128x64xf32, #tpu.memory_space<vmem>>, vector<16xf32>,
        %mul3A_1253 = arith.mulf %get3A_1247, %get3A_166 : vector<16xf32>
        %sub3A_1254 = arith.subf %get3A_190, %mul3A_1253 : vector<16xf32>
        %mul3A_1255 = arith.mulf %get3A_1252, %get3A_178 : vector<16xf32>
        %add3A_1256 = arith.addf %sub3A_1254, %mul3A_1255 : vector<16xf32>
        %mul3A_1257 = arith.mulf %get3A_1247, %get3A_178 : vector<16xf32>
        %add3A_1258 = arith.addf %get3A_202, %mul3A_1257 : vector<16xf32>
        %mul3A_1259 = arith.mulf %get3A_1252, %get3A_166 : vector<16xf32>
        %add3A_1260 = arith.addf %add3A_1258, %mul3A_1259 : vector<16xf32>
        %abs3A_1261 = math.absf %add3A_1256 : vector<16xf32>
        %add3A_1262 = arith.addf %add3A_1242, %abs3A_1261 : vector<16xf32>
        %abs3A_1263 = math.absf %add3A_1260 : vector<16xf32>
        %add3A_1264 = arith.addf %add3A_1262, %abs3A_1263 : vector<16xf32>
        %get3A_1265 = arith.constant 0 : i32
        %get3A_1266 = arith.index_cast %get3A_1265 : i32 to index
        %get3A_1267 = arith.index_cast %scan3A_1196 : i32 to index
        %get3A_1268 = arith.constant 48 : index
        %get3A_1269 = tpu.vector_load %arg13[%get3A_1266, %get3A_1267, %get3A_1268] {strides = array<i32>} : memref<4x128x64xf32, #tpu.memory_space<vmem>>, vector<16xf32>,
        %get3A_1270 = arith.constant 0 : i32
        %get3A_1271 = arith.index_cast %get3A_1270 : i32 to index
        %get3A_1272 = arith.index_cast %scan3A_1196 : i32 to index
        %get3A_1273 = arith.constant 48 : index
        %get3A_1274 = tpu.vector_load %arg14[%get3A_1271, %get3A_1272, %get3A_1273] {strides = array<i32>} : memref<4x128x64xf32, #tpu.memory_space<vmem>>, vector<16xf32>,
        %mul3A_1275 = arith.mulf %get3A_1269, %get3A_169 : vector<16xf32>
        %sub3A_1276 = arith.subf %get3A_193, %mul3A_1275 : vector<16xf32>
        %mul3A_1277 = arith.mulf %get3A_1274, %get3A_181 : vector<16xf32>
        %add3A_1278 = arith.addf %sub3A_1276, %mul3A_1277 : vector<16xf32>
        %mul3A_1279 = arith.mulf %get3A_1269, %get3A_181 : vector<16xf32>
        %add3A_1280 = arith.addf %get3A_205, %mul3A_1279 : vector<16xf32>
        %mul3A_1281 = arith.mulf %get3A_1274, %get3A_169 : vector<16xf32>
        %add3A_1282 = arith.addf %add3A_1280, %mul3A_1281 : vector<16xf32>
        %abs3A_1283 = math.absf %add3A_1278 : vector<16xf32>
        %add3A_1284 = arith.addf %add3A_1264, %abs3A_1283 : vector<16xf32>
        %abs3A_1285 = math.absf %add3A_1282 : vector<16xf32>
        %add3A_1286 = arith.addf %add3A_1284, %abs3A_1285 : vector<16xf32>
        %reduce_sum3A_1287 = arith.constant true
        %reduce_sum3A_1288 = vector.broadcast %reduce_sum3A_1287 : i1 to vector<16xi1>
        %reduce_sum3A_1289 = tpu.scan <sum>, %add3A_1286 masked %reduce_sum3A_1288 : vector<16xf32>, vector<16xi1> -> vector<16xf32>
        %reduce_sum3A_1290 = vector.extract %reduce_sum3A_1289[15] : f32 from vector<16xf32>
        %broadcast_in_dim3A_1291 = vector.broadcast %reduce_sum3A_1290 : f32 to vector<16xf32>
        %add3A_1292 = arith.addi %mul3A_158, %scan3A_1196 : i32
        %broadcast_in_dim3A_1293 = vector.broadcast %add3A_1292 : i32 to vector<16xi32>
        tpu.vector_store_idx %arg25[%broadcast_in_dim3A, %broadcast_in_dim3A_1293], %broadcast_in_dim3A_1291 masked %eq3A_113 : memref<32x512xf32, #tpu.memory_space<vmem>>[vector<16xi32>, vector<16xi32>], vector<16xf32>, vector<16xi1>
      }
      %scan3A_211 = arith.constant 128 : i32
      %mul3A_212 = arith.constant 4 : i32
      %mul3A_213 = arith.muli %mul3A_212, %scan3A_120 : i32
      %add3A_214 = arith.constant 1 : i32
      %add3A_215 = arith.addi %mul3A_213, %add3A_214 : i32
      %add3A_216 = arith.constant 3 : i32
      %add3A_217 = arith.addi %add3A_215, %add3A_216 : i32
      %lt3A_218 = arith.constant 128 : i32
      %lt3A_219 = arith.cmpi slt, %add3A_217, %lt3A_218 : i32
      %convert_element_type3A_220 = arith.extui %lt3A_219 : i1 to i32
      %cond3A_221 = arith.constant 0 : i32
      %cond3A_222 = arith.cmpi ne, %convert_element_type3A_220, %cond3A_221 : i32
      scf.if %cond3A_222 {
        %add3A_506 = arith.constant 3 : i32
        %add3A_507 = arith.addi %add3A_215, %add3A_506 : i32
        %div3A_508 = arith.constant 4 : i32
        %div3A_509 = arith.divsi %add3A_507, %div3A_508 : i32
        %rem3A_510 = arith.constant 4 : i32
        %rem3A_511 = arith.remsi %add3A_507, %rem3A_510 : i32
        %dma_start3A_512 = arith.constant 0 : i32
        %dma_start3A_513 = arith.constant 0 : i32
        %dma_start3A_514 = arith.constant 0 : i32
        %dma_start3A_515 = tpu.memref_slice %arg13[%dma_start3A_512, %dma_start3A_513, %dma_start3A_514] : memref<4x128x64xf32, #tpu.memory_space<vmem>> -> memref<1x128x64xf32, #tpu.memory_space<vmem>>
        %dma_start3A_516 = tpu.memref_squeeze %dma_start3A_515 : memref<1x128x64xf32, #tpu.memory_space<vmem>> -> memref<128x64xf32, #tpu.memory_space<vmem>>
        %dma_start3A_517 = arith.constant 0 : i32
        %dma_start3A_518 = tpu.memref_slice %arg12[%div3A_509, %rem3A_511, %dma_start3A_517] : memref<32x4x128xi32, #tpu.memory_space<vmem>> -> memref<1x1x128xi32, #tpu.memory_space<vmem>>
        %dma_start3A_519 = tpu.memref_squeeze %dma_start3A_518 : memref<1x1x128xi32, #tpu.memory_space<vmem>> -> memref<128xi32, #tpu.memory_space<vmem>>
        %dma_start3A_520 = arith.constant 0 : i32
        %dma_start3A_521 = arith.constant 0 : i32
        %dma_start3A_522 = tpu.memref_slice %arg7[%dma_start3A_520, %dma_start3A_521] : memref<1000000x64xf32, #tpu.memory_space<hbm>> -> memref<1000000x64xf32, #tpu.memory_space<hbm>>
        tpu.enqueue_indirect_dma source(%dma_start3A_522 : memref<1000000x64xf32, #tpu.memory_space<hbm>>) target(%dma_start3A_516 : memref<128x64xf32, #tpu.memory_space<vmem>>) offsets(%dma_start3A_519 : memref<128xi32, #tpu.memory_space<vmem>>) semaphore(%arg26 : memref<!tpu.dma_semaphore, #tpu.memory_space<semaphore_mem>>)
        %dma_start3A_523 = arith.constant 0 : i32
        %dma_start3A_524 = arith.constant 0 : i32
        %dma_start3A_525 = arith.constant 0 : i32
        %dma_start3A_526 = tpu.memref_slice %arg14[%dma_start3A_523, %dma_start3A_524, %dma_start3A_525] : memref<4x128x64xf32, #tpu.memory_space<vmem>> -> memref<1x128x64xf32, #tpu.memory_space<vmem>>
        %dma_start3A_527 = tpu.memref_squeeze %dma_start3A_526 : memref<1x128x64xf32, #tpu.memory_space<vmem>> -> memref<128x64xf32, #tpu.memory_space<vmem>>
        %dma_start3A_528 = arith.constant 0 : i32
        %dma_start3A_529 = tpu.memref_slice %arg12[%div3A_509, %rem3A_511, %dma_start3A_528] : memref<32x4x128xi32, #tpu.memory_space<vmem>> -> memref<1x1x128xi32, #tpu.memory_space<vmem>>
        %dma_start3A_530 = tpu.memref_squeeze %dma_start3A_529 : memref<1x1x128xi32, #tpu.memory_space<vmem>> -> memref<128xi32, #tpu.memory_space<vmem>>
        %dma_start3A_531 = arith.constant 0 : i32
        %dma_start3A_532 = arith.constant 0 : i32
        %dma_start3A_533 = tpu.memref_slice %arg8[%dma_start3A_531, %dma_start3A_532] : memref<1000000x64xf32, #tpu.memory_space<hbm>> -> memref<1000000x64xf32, #tpu.memory_space<hbm>>
        tpu.enqueue_indirect_dma source(%dma_start3A_533 : memref<1000000x64xf32, #tpu.memory_space<hbm>>) target(%dma_start3A_527 : memref<128x64xf32, #tpu.memory_space<vmem>>) offsets(%dma_start3A_530 : memref<128xi32, #tpu.memory_space<vmem>>) semaphore(%arg27 : memref<!tpu.dma_semaphore, #tpu.memory_space<semaphore_mem>>)
      } else {
      }
      %div3A_223 = arith.constant 4 : i32
      %div3A_224 = arith.divsi %add3A_215, %div3A_223 : i32
      %rem3A_225 = arith.constant 4 : i32
      %rem3A_226 = arith.remsi %add3A_215, %rem3A_225 : i32
      %dma_wait3A_227 = arith.constant 1 : i32
      %dma_wait3A_228 = arith.constant 0 : i32
      %dma_wait3A_229 = arith.constant 0 : i32
      %dma_wait3A_230 = tpu.memref_slice %arg13[%dma_wait3A_227, %dma_wait3A_228, %dma_wait3A_229] : memref<4x128x64xf32, #tpu.memory_space<vmem>> -> memref<1x128x64xf32, #tpu.memory_space<vmem>>
      %dma_wait3A_231 = tpu.memref_squeeze %dma_wait3A_230 : memref<1x128x64xf32, #tpu.memory_space<vmem>> -> memref<128x64xf32, #tpu.memory_space<vmem>>
      %dma_wait3A_232 = arith.constant 0 : i32
      %dma_wait3A_233 = tpu.memref_slice %arg12[%div3A_224, %rem3A_226, %dma_wait3A_232] : memref<32x4x128xi32, #tpu.memory_space<vmem>> -> memref<1x1x128xi32, #tpu.memory_space<vmem>>
      %dma_wait3A_234 = tpu.memref_squeeze %dma_wait3A_233 : memref<1x1x128xi32, #tpu.memory_space<vmem>> -> memref<128xi32, #tpu.memory_space<vmem>>
      %dma_wait3A_235 = arith.constant 0 : i32
      %dma_wait3A_236 = arith.constant 0 : i32
      %dma_wait3A_237 = tpu.memref_slice %arg7[%dma_wait3A_235, %dma_wait3A_236] : memref<1000000x64xf32, #tpu.memory_space<hbm>> -> memref<1000000x64xf32, #tpu.memory_space<hbm>>
      tpu.wait_indirect_dma semaphore(%arg28 : memref<!tpu.dma_semaphore, #tpu.memory_space<semaphore_mem>>) src(%dma_wait3A_237 : memref<1000000x64xf32, #tpu.memory_space<hbm>>) dst(%dma_wait3A_231 : memref<128x64xf32, #tpu.memory_space<vmem>>)
      %dma_wait3A_238 = arith.constant 1 : i32
      %dma_wait3A_239 = arith.constant 0 : i32
      %dma_wait3A_240 = arith.constant 0 : i32
      %dma_wait3A_241 = tpu.memref_slice %arg14[%dma_wait3A_238, %dma_wait3A_239, %dma_wait3A_240] : memref<4x128x64xf32, #tpu.memory_space<vmem>> -> memref<1x128x64xf32, #tpu.memory_space<vmem>>
      %dma_wait3A_242 = tpu.memref_squeeze %dma_wait3A_241 : memref<1x128x64xf32, #tpu.memory_space<vmem>> -> memref<128x64xf32, #tpu.memory_space<vmem>>
      %dma_wait3A_243 = arith.constant 0 : i32
      %dma_wait3A_244 = tpu.memref_slice %arg12[%div3A_224, %rem3A_226, %dma_wait3A_243] : memref<32x4x128xi32, #tpu.memory_space<vmem>> -> memref<1x1x128xi32, #tpu.memory_space<vmem>>
      %dma_wait3A_245 = tpu.memref_squeeze %dma_wait3A_244 : memref<1x1x128xi32, #tpu.memory_space<vmem>> -> memref<128xi32, #tpu.memory_space<vmem>>
      %dma_wait3A_246 = arith.constant 0 : i32
      %dma_wait3A_247 = arith.constant 0 : i32
      %dma_wait3A_248 = tpu.memref_slice %arg8[%dma_wait3A_246, %dma_wait3A_247] : memref<1000000x64xf32, #tpu.memory_space<hbm>> -> memref<1000000x64xf32, #tpu.memory_space<hbm>>
      tpu.wait_indirect_dma semaphore(%arg29 : memref<!tpu.dma_semaphore, #tpu.memory_space<semaphore_mem>>) src(%dma_wait3A_248 : memref<1000000x64xf32, #tpu.memory_space<hbm>>) dst(%dma_wait3A_242 : memref<128x64xf32, #tpu.memory_space<vmem>>)
      %div3A_249 = arith.constant 4 : i32
      %div3A_250 = arith.divsi %add3A_215, %div3A_249 : i32
      %rem3A_251 = arith.constant 4 : i32
      %rem3A_252 = arith.remsi %add3A_215, %rem3A_251 : i32
      %mul3A_253 = arith.constant 128 : i32
      %mul3A_254 = arith.muli %rem3A_252, %mul3A_253 : i32
      %broadcast_in_dim3A_255 = vector.broadcast %div3A_250 : i32 to vector<16xi32>
      %get3A_256 = arith.index_cast %div3A_250 : i32 to index
      %get3A_257 = arith.constant 0 : index
      %get3A_258 = tpu.vector_load %arg21[%get3A_256, %get3A_257] {strides = array<i32>} : memref<32x64xf32, #tpu.memory_space<vmem>>, vector<16xf32>,
      %get3A_259 = arith.index_cast %div3A_250 : i32 to index
      %get3A_260 = arith.constant 16 : index
      %get3A_261 = tpu.vector_load %arg21[%get3A_259, %get3A_260] {strides = array<i32>} : memref<32x64xf32, #tpu.memory_space<vmem>>, vector<16xf32>,
      %get3A_262 = arith.index_cast %div3A_250 : i32 to index
      %get3A_263 = arith.constant 32 : index
      %get3A_264 = tpu.vector_load %arg21[%get3A_262, %get3A_263] {strides = array<i32>} : memref<32x64xf32, #tpu.memory_space<vmem>>, vector<16xf32>,
      %get3A_265 = arith.index_cast %div3A_250 : i32 to index
      %get3A_266 = arith.constant 48 : index
      %get3A_267 = tpu.vector_load %arg21[%get3A_265, %get3A_266] {strides = array<i32>} : memref<32x64xf32, #tpu.memory_space<vmem>>, vector<16xf32>,
      %get3A_268 = arith.index_cast %div3A_250 : i32 to index
      %get3A_269 = arith.constant 0 : index
      %get3A_270 = tpu.vector_load %arg22[%get3A_268, %get3A_269] {strides = array<i32>} : memref<32x64xf32, #tpu.memory_space<vmem>>, vector<16xf32>,
      %get3A_271 = arith.index_cast %div3A_250 : i32 to index
      %get3A_272 = arith.constant 16 : index
      %get3A_273 = tpu.vector_load %arg22[%get3A_271, %get3A_272] {strides = array<i32>} : memref<32x64xf32, #tpu.memory_space<vmem>>, vector<16xf32>,
      %get3A_274 = arith.index_cast %div3A_250 : i32 to index
      %get3A_275 = arith.constant 32 : index
      %get3A_276 = tpu.vector_load %arg22[%get3A_274, %get3A_275] {strides = array<i32>} : memref<32x64xf32, #tpu.memory_space<vmem>>, vector<16xf32>,
      %get3A_277 = arith.index_cast %div3A_250 : i32 to index
      %get3A_278 = arith.constant 48 : index
      %get3A_279 = tpu.vector_load %arg22[%get3A_277, %get3A_278] {strides = array<i32>} : memref<32x64xf32, #tpu.memory_space<vmem>>, vector<16xf32>,
      %get3A_280 = arith.index_cast %div3A_250 : i32 to index
      %get3A_281 = arith.constant 0 : index
      %get3A_282 = tpu.vector_load %arg23[%get3A_280, %get3A_281] {strides = array<i32>} : memref<32x64xf32, #tpu.memory_space<vmem>>, vector<16xf32>,
      %get3A_283 = arith.index_cast %div3A_250 : i32 to index
      %get3A_284 = arith.constant 16 : index
      %get3A_285 = tpu.vector_load %arg23[%get3A_283, %get3A_284] {strides = array<i32>} : memref<32x64xf32, #tpu.memory_space<vmem>>, vector<16xf32>,
      %get3A_286 = arith.index_cast %div3A_250 : i32 to index
      %get3A_287 = arith.constant 32 : index
      %get3A_288 = tpu.vector_load %arg23[%get3A_286, %get3A_287] {strides = array<i32>} : memref<32x64xf32, #tpu.memory_space<vmem>>, vector<16xf32>,
      %get3A_289 = arith.index_cast %div3A_250 : i32 to index
      %get3A_290 = arith.constant 48 : index
      %get3A_291 = tpu.vector_load %arg23[%get3A_289, %get3A_290] {strides = array<i32>} : memref<32x64xf32, #tpu.memory_space<vmem>>, vector<16xf32>,
      %get3A_292 = arith.index_cast %div3A_250 : i32 to index
      %get3A_293 = arith.constant 0 : index
      %get3A_294 = tpu.vector_load %arg24[%get3A_292, %get3A_293] {strides = array<i32>} : memref<32x64xf32, #tpu.memory_space<vmem>>, vector<16xf32>,
      %get3A_295 = arith.index_cast %div3A_250 : i32 to index
      %get3A_296 = arith.constant 16 : index
      %get3A_297 = tpu.vector_load %arg24[%get3A_295, %get3A_296] {strides = array<i32>} : memref<32x64xf32, #tpu.memory_space<vmem>>, vector<16xf32>,
      %get3A_298 = arith.index_cast %div3A_250 : i32 to index
      %get3A_299 = arith.constant 32 : index
      %get3A_300 = tpu.vector_load %arg24[%get3A_298, %get3A_299] {strides = array<i32>} : memref<32x64xf32, #tpu.memory_space<vmem>>, vector<16xf32>,
      %get3A_301 = arith.index_cast %div3A_250 : i32 to index
      %get3A_302 = arith.constant 48 : index
      %get3A_303 = tpu.vector_load %arg24[%get3A_301, %get3A_302] {strides = array<i32>} : memref<32x64xf32, #tpu.memory_space<vmem>>, vector<16xf32>,
      %scan3A_304 = arith.constant 0 : i32
      %scan3A_305 = arith.constant 0 : i32
      %scan3A_306 = arith.constant 128 : i32
      %scan3A_307 = arith.addi %scan3A_305, %scan3A_306 : i32
      %scan3A_308 = arith.constant 8 : i32
      scf.for %scan3A_506 = %scan3A_305 to %scan3A_307 step %scan3A_308  : i32 {
        %broadcast_in_dim3A_507 = arith.constant 0.000000e+00 : f32
        %broadcast_in_dim3A_508 = vector.broadcast %broadcast_in_dim3A_507 : f32 to vector<16xf32>
        %get3A_509 = arith.constant 1 : i32
        %get3A_510 = arith.index_cast %get3A_509 : i32 to index
        %get3A_511 = arith.index_cast %scan3A_506 : i32 to index
        %get3A_512 = arith.constant 0 : index
        %get3A_513 = tpu.vector_load %arg13[%get3A_510, %get3A_511, %get3A_512] {strides = array<i32>} : memref<4x128x64xf32, #tpu.memory_space<vmem>>, vector<16xf32>,
        %get3A_514 = arith.constant 1 : i32
        %get3A_515 = arith.index_cast %get3A_514 : i32 to index
        %get3A_516 = arith.index_cast %scan3A_506 : i32 to index
        %get3A_517 = arith.constant 0 : index
        %get3A_518 = tpu.vector_load %arg14[%get3A_515, %get3A_516, %get3A_517] {strides = array<i32>} : memref<4x128x64xf32, #tpu.memory_space<vmem>>, vector<16xf32>,
        %mul3A_519 = arith.mulf %get3A_513, %get3A_258 : vector<16xf32>
        %sub3A = arith.subf %get3A_282, %mul3A_519 : vector<16xf32>
        %mul3A_520 = arith.mulf %get3A_518, %get3A_270 : vector<16xf32>
        %add3A_521 = arith.addf %sub3A, %mul3A_520 : vector<16xf32>
        %mul3A_522 = arith.mulf %get3A_513, %get3A_270 : vector<16xf32>
        %add3A_523 = arith.addf %get3A_294, %mul3A_522 : vector<16xf32>
        %mul3A_524 = arith.mulf %get3A_518, %get3A_258 : vector<16xf32>
        %add3A_525 = arith.addf %add3A_523, %mul3A_524 : vector<16xf32>
        %abs3A = math.absf %add3A_521 : vector<16xf32>
        %add3A_526 = arith.addf %broadcast_in_dim3A_508, %abs3A : vector<16xf32>
        %abs3A_527 = math.absf %add3A_525 : vector<16xf32>
        %add3A_528 = arith.addf %add3A_526, %abs3A_527 : vector<16xf32>
        %get3A_529 = arith.constant 1 : i32
        %get3A_530 = arith.index_cast %get3A_529 : i32 to index
        %get3A_531 = arith.index_cast %scan3A_506 : i32 to index
        %get3A_532 = arith.constant 16 : index
        %get3A_533 = tpu.vector_load %arg13[%get3A_530, %get3A_531, %get3A_532] {strides = array<i32>} : memref<4x128x64xf32, #tpu.memory_space<vmem>>, vector<16xf32>,
        %get3A_534 = arith.constant 1 : i32
        %get3A_535 = arith.index_cast %get3A_534 : i32 to index
        %get3A_536 = arith.index_cast %scan3A_506 : i32 to index
        %get3A_537 = arith.constant 16 : index
        %get3A_538 = tpu.vector_load %arg14[%get3A_535, %get3A_536, %get3A_537] {strides = array<i32>} : memref<4x128x64xf32, #tpu.memory_space<vmem>>, vector<16xf32>,
        %mul3A_539 = arith.mulf %get3A_533, %get3A_261 : vector<16xf32>
        %sub3A_540 = arith.subf %get3A_285, %mul3A_539 : vector<16xf32>
        %mul3A_541 = arith.mulf %get3A_538, %get3A_273 : vector<16xf32>
        %add3A_542 = arith.addf %sub3A_540, %mul3A_541 : vector<16xf32>
        %mul3A_543 = arith.mulf %get3A_533, %get3A_273 : vector<16xf32>
        %add3A_544 = arith.addf %get3A_297, %mul3A_543 : vector<16xf32>
        %mul3A_545 = arith.mulf %get3A_538, %get3A_261 : vector<16xf32>
        %add3A_546 = arith.addf %add3A_544, %mul3A_545 : vector<16xf32>
        %abs3A_547 = math.absf %add3A_542 : vector<16xf32>
        %add3A_548 = arith.addf %add3A_528, %abs3A_547 : vector<16xf32>
        %abs3A_549 = math.absf %add3A_546 : vector<16xf32>
        %add3A_550 = arith.addf %add3A_548, %abs3A_549 : vector<16xf32>
        %get3A_551 = arith.constant 1 : i32
        %get3A_552 = arith.index_cast %get3A_551 : i32 to index
        %get3A_553 = arith.index_cast %scan3A_506 : i32 to index
        %get3A_554 = arith.constant 32 : index
        %get3A_555 = tpu.vector_load %arg13[%get3A_552, %get3A_553, %get3A_554] {strides = array<i32>} : memref<4x128x64xf32, #tpu.memory_space<vmem>>, vector<16xf32>,
        %get3A_556 = arith.constant 1 : i32
        %get3A_557 = arith.index_cast %get3A_556 : i32 to index
        %get3A_558 = arith.index_cast %scan3A_506 : i32 to index
        %get3A_559 = arith.constant 32 : index
        %get3A_560 = tpu.vector_load %arg14[%get3A_557, %get3A_558, %get3A_559] {strides = array<i32>} : memref<4x128x64xf32, #tpu.memory_space<vmem>>, vector<16xf32>,
        %mul3A_561 = arith.mulf %get3A_555, %get3A_264 : vector<16xf32>
        %sub3A_562 = arith.subf %get3A_288, %mul3A_561 : vector<16xf32>
        %mul3A_563 = arith.mulf %get3A_560, %get3A_276 : vector<16xf32>
        %add3A_564 = arith.addf %sub3A_562, %mul3A_563 : vector<16xf32>
        %mul3A_565 = arith.mulf %get3A_555, %get3A_276 : vector<16xf32>
        %add3A_566 = arith.addf %get3A_300, %mul3A_565 : vector<16xf32>
        %mul3A_567 = arith.mulf %get3A_560, %get3A_264 : vector<16xf32>
        %add3A_568 = arith.addf %add3A_566, %mul3A_567 : vector<16xf32>
        %abs3A_569 = math.absf %add3A_564 : vector<16xf32>
        %add3A_570 = arith.addf %add3A_550, %abs3A_569 : vector<16xf32>
        %abs3A_571 = math.absf %add3A_568 : vector<16xf32>
        %add3A_572 = arith.addf %add3A_570, %abs3A_571 : vector<16xf32>
        %get3A_573 = arith.constant 1 : i32
        %get3A_574 = arith.index_cast %get3A_573 : i32 to index
        %get3A_575 = arith.index_cast %scan3A_506 : i32 to index
        %get3A_576 = arith.constant 48 : index
        %get3A_577 = tpu.vector_load %arg13[%get3A_574, %get3A_575, %get3A_576] {strides = array<i32>} : memref<4x128x64xf32, #tpu.memory_space<vmem>>, vector<16xf32>,
        %get3A_578 = arith.constant 1 : i32
        %get3A_579 = arith.index_cast %get3A_578 : i32 to index
        %get3A_580 = arith.index_cast %scan3A_506 : i32 to index
        %get3A_581 = arith.constant 48 : index
        %get3A_582 = tpu.vector_load %arg14[%get3A_579, %get3A_580, %get3A_581] {strides = array<i32>} : memref<4x128x64xf32, #tpu.memory_space<vmem>>, vector<16xf32>,
        %mul3A_583 = arith.mulf %get3A_577, %get3A_267 : vector<16xf32>
        %sub3A_584 = arith.subf %get3A_291, %mul3A_583 : vector<16xf32>
        %mul3A_585 = arith.mulf %get3A_582, %get3A_279 : vector<16xf32>
        %add3A_586 = arith.addf %sub3A_584, %mul3A_585 : vector<16xf32>
        %mul3A_587 = arith.mulf %get3A_577, %get3A_279 : vector<16xf32>
        %add3A_588 = arith.addf %get3A_303, %mul3A_587 : vector<16xf32>
        %mul3A_589 = arith.mulf %get3A_582, %get3A_267 : vector<16xf32>
        %add3A_590 = arith.addf %add3A_588, %mul3A_589 : vector<16xf32>
        %abs3A_591 = math.absf %add3A_586 : vector<16xf32>
        %add3A_592 = arith.addf %add3A_572, %abs3A_591 : vector<16xf32>
        %abs3A_593 = math.absf %add3A_590 : vector<16xf32>
        %add3A_594 = arith.addf %add3A_592, %abs3A_593 : vector<16xf32>
        %reduce_sum3A = arith.constant true
        %reduce_sum3A_595 = vector.broadcast %reduce_sum3A : i1 to vector<16xi1>
        %reduce_sum3A_596 = tpu.scan <sum>, %add3A_594 masked %reduce_sum3A_595 : vector<16xf32>, vector<16xi1> -> vector<16xf32>
        %reduce_sum3A_597 = vector.extract %reduce_sum3A_596[15] : f32 from vector<16xf32>
        %broadcast_in_dim3A_598 = vector.broadcast %reduce_sum3A_597 : f32 to vector<16xf32>
        %add3A_599 = arith.addi %mul3A_254, %scan3A_506 : i32
        %broadcast_in_dim3A_600 = vector.broadcast %add3A_599 : i32 to vector<16xi32>
        tpu.vector_store_idx %arg25[%broadcast_in_dim3A_255, %broadcast_in_dim3A_600], %broadcast_in_dim3A_598 masked %eq3A_113 : memref<32x512xf32, #tpu.memory_space<vmem>>[vector<16xi32>, vector<16xi32>], vector<16xf32>, vector<16xi1>
        %scan3A_601 = arith.constant 1 : i32
        %scan3A_602 = arith.addi %scan3A_506, %scan3A_601 : i32
        %broadcast_in_dim3A_603 = arith.constant 0.000000e+00 : f32
        %broadcast_in_dim3A_604 = vector.broadcast %broadcast_in_dim3A_603 : f32 to vector<16xf32>
        %get3A_605 = arith.constant 1 : i32
        %get3A_606 = arith.index_cast %get3A_605 : i32 to index
        %get3A_607 = arith.index_cast %scan3A_602 : i32 to index
        %get3A_608 = arith.constant 0 : index
        %get3A_609 = tpu.vector_load %arg13[%get3A_606, %get3A_607, %get3A_608] {strides = array<i32>} : memref<4x128x64xf32, #tpu.memory_space<vmem>>, vector<16xf32>,
        %get3A_610 = arith.constant 1 : i32
        %get3A_611 = arith.index_cast %get3A_610 : i32 to index
        %get3A_612 = arith.index_cast %scan3A_602 : i32 to index
        %get3A_613 = arith.constant 0 : index
        %get3A_614 = tpu.vector_load %arg14[%get3A_611, %get3A_612, %get3A_613] {strides = array<i32>} : memref<4x128x64xf32, #tpu.memory_space<vmem>>, vector<16xf32>,
        %mul3A_615 = arith.mulf %get3A_609, %get3A_258 : vector<16xf32>
        %sub3A_616 = arith.subf %get3A_282, %mul3A_615 : vector<16xf32>
        %mul3A_617 = arith.mulf %get3A_614, %get3A_270 : vector<16xf32>
        %add3A_618 = arith.addf %sub3A_616, %mul3A_617 : vector<16xf32>
        %mul3A_619 = arith.mulf %get3A_609, %get3A_270 : vector<16xf32>
        %add3A_620 = arith.addf %get3A_294, %mul3A_619 : vector<16xf32>
        %mul3A_621 = arith.mulf %get3A_614, %get3A_258 : vector<16xf32>
        %add3A_622 = arith.addf %add3A_620, %mul3A_621 : vector<16xf32>
        %abs3A_623 = math.absf %add3A_618 : vector<16xf32>
        %add3A_624 = arith.addf %broadcast_in_dim3A_604, %abs3A_623 : vector<16xf32>
        %abs3A_625 = math.absf %add3A_622 : vector<16xf32>
        %add3A_626 = arith.addf %add3A_624, %abs3A_625 : vector<16xf32>
        %get3A_627 = arith.constant 1 : i32
        %get3A_628 = arith.index_cast %get3A_627 : i32 to index
        %get3A_629 = arith.index_cast %scan3A_602 : i32 to index
        %get3A_630 = arith.constant 16 : index
        %get3A_631 = tpu.vector_load %arg13[%get3A_628, %get3A_629, %get3A_630] {strides = array<i32>} : memref<4x128x64xf32, #tpu.memory_space<vmem>>, vector<16xf32>,
        %get3A_632 = arith.constant 1 : i32
        %get3A_633 = arith.index_cast %get3A_632 : i32 to index
        %get3A_634 = arith.index_cast %scan3A_602 : i32 to index
        %get3A_635 = arith.constant 16 : index
        %get3A_636 = tpu.vector_load %arg14[%get3A_633, %get3A_634, %get3A_635] {strides = array<i32>} : memref<4x128x64xf32, #tpu.memory_space<vmem>>, vector<16xf32>,
        %mul3A_637 = arith.mulf %get3A_631, %get3A_261 : vector<16xf32>
        %sub3A_638 = arith.subf %get3A_285, %mul3A_637 : vector<16xf32>
        %mul3A_639 = arith.mulf %get3A_636, %get3A_273 : vector<16xf32>
        %add3A_640 = arith.addf %sub3A_638, %mul3A_639 : vector<16xf32>
        %mul3A_641 = arith.mulf %get3A_631, %get3A_273 : vector<16xf32>
        %add3A_642 = arith.addf %get3A_297, %mul3A_641 : vector<16xf32>
        %mul3A_643 = arith.mulf %get3A_636, %get3A_261 : vector<16xf32>
        %add3A_644 = arith.addf %add3A_642, %mul3A_643 : vector<16xf32>
        %abs3A_645 = math.absf %add3A_640 : vector<16xf32>
        %add3A_646 = arith.addf %add3A_626, %abs3A_645 : vector<16xf32>
        %abs3A_647 = math.absf %add3A_644 : vector<16xf32>
        %add3A_648 = arith.addf %add3A_646, %abs3A_647 : vector<16xf32>
        %get3A_649 = arith.constant 1 : i32
        %get3A_650 = arith.index_cast %get3A_649 : i32 to index
        %get3A_651 = arith.index_cast %scan3A_602 : i32 to index
        %get3A_652 = arith.constant 32 : index
        %get3A_653 = tpu.vector_load %arg13[%get3A_650, %get3A_651, %get3A_652] {strides = array<i32>} : memref<4x128x64xf32, #tpu.memory_space<vmem>>, vector<16xf32>,
        %get3A_654 = arith.constant 1 : i32
        %get3A_655 = arith.index_cast %get3A_654 : i32 to index
        %get3A_656 = arith.index_cast %scan3A_602 : i32 to index
        %get3A_657 = arith.constant 32 : index
        %get3A_658 = tpu.vector_load %arg14[%get3A_655, %get3A_656, %get3A_657] {strides = array<i32>} : memref<4x128x64xf32, #tpu.memory_space<vmem>>, vector<16xf32>,
        %mul3A_659 = arith.mulf %get3A_653, %get3A_264 : vector<16xf32>
        %sub3A_660 = arith.subf %get3A_288, %mul3A_659 : vector<16xf32>
        %mul3A_661 = arith.mulf %get3A_658, %get3A_276 : vector<16xf32>
        %add3A_662 = arith.addf %sub3A_660, %mul3A_661 : vector<16xf32>
        %mul3A_663 = arith.mulf %get3A_653, %get3A_276 : vector<16xf32>
        %add3A_664 = arith.addf %get3A_300, %mul3A_663 : vector<16xf32>
        %mul3A_665 = arith.mulf %get3A_658, %get3A_264 : vector<16xf32>
        %add3A_666 = arith.addf %add3A_664, %mul3A_665 : vector<16xf32>
        %abs3A_667 = math.absf %add3A_662 : vector<16xf32>
        %add3A_668 = arith.addf %add3A_648, %abs3A_667 : vector<16xf32>
        %abs3A_669 = math.absf %add3A_666 : vector<16xf32>
        %add3A_670 = arith.addf %add3A_668, %abs3A_669 : vector<16xf32>
        %get3A_671 = arith.constant 1 : i32
        %get3A_672 = arith.index_cast %get3A_671 : i32 to index
        %get3A_673 = arith.index_cast %scan3A_602 : i32 to index
        %get3A_674 = arith.constant 48 : index
        %get3A_675 = tpu.vector_load %arg13[%get3A_672, %get3A_673, %get3A_674] {strides = array<i32>} : memref<4x128x64xf32, #tpu.memory_space<vmem>>, vector<16xf32>,
        %get3A_676 = arith.constant 1 : i32
        %get3A_677 = arith.index_cast %get3A_676 : i32 to index
        %get3A_678 = arith.index_cast %scan3A_602 : i32 to index
        %get3A_679 = arith.constant 48 : index
        %get3A_680 = tpu.vector_load %arg14[%get3A_677, %get3A_678, %get3A_679] {strides = array<i32>} : memref<4x128x64xf32, #tpu.memory_space<vmem>>, vector<16xf32>,
        %mul3A_681 = arith.mulf %get3A_675, %get3A_267 : vector<16xf32>
        %sub3A_682 = arith.subf %get3A_291, %mul3A_681 : vector<16xf32>
        %mul3A_683 = arith.mulf %get3A_680, %get3A_279 : vector<16xf32>
        %add3A_684 = arith.addf %sub3A_682, %mul3A_683 : vector<16xf32>
        %mul3A_685 = arith.mulf %get3A_675, %get3A_279 : vector<16xf32>
        %add3A_686 = arith.addf %get3A_303, %mul3A_685 : vector<16xf32>
        %mul3A_687 = arith.mulf %get3A_680, %get3A_267 : vector<16xf32>
        %add3A_688 = arith.addf %add3A_686, %mul3A_687 : vector<16xf32>
        %abs3A_689 = math.absf %add3A_684 : vector<16xf32>
        %add3A_690 = arith.addf %add3A_670, %abs3A_689 : vector<16xf32>
        %abs3A_691 = math.absf %add3A_688 : vector<16xf32>
        %add3A_692 = arith.addf %add3A_690, %abs3A_691 : vector<16xf32>
        %reduce_sum3A_693 = arith.constant true
        %reduce_sum3A_694 = vector.broadcast %reduce_sum3A_693 : i1 to vector<16xi1>
        %reduce_sum3A_695 = tpu.scan <sum>, %add3A_692 masked %reduce_sum3A_694 : vector<16xf32>, vector<16xi1> -> vector<16xf32>
        %reduce_sum3A_696 = vector.extract %reduce_sum3A_695[15] : f32 from vector<16xf32>
        %broadcast_in_dim3A_697 = vector.broadcast %reduce_sum3A_696 : f32 to vector<16xf32>
        %add3A_698 = arith.addi %mul3A_254, %scan3A_602 : i32
        %broadcast_in_dim3A_699 = vector.broadcast %add3A_698 : i32 to vector<16xi32>
        tpu.vector_store_idx %arg25[%broadcast_in_dim3A_255, %broadcast_in_dim3A_699], %broadcast_in_dim3A_697 masked %eq3A_113 : memref<32x512xf32, #tpu.memory_space<vmem>>[vector<16xi32>, vector<16xi32>], vector<16xf32>, vector<16xi1>
        %scan3A_700 = arith.constant 2 : i32
        %scan3A_701 = arith.addi %scan3A_506, %scan3A_700 : i32
        %broadcast_in_dim3A_702 = arith.constant 0.000000e+00 : f32
        %broadcast_in_dim3A_703 = vector.broadcast %broadcast_in_dim3A_702 : f32 to vector<16xf32>
        %get3A_704 = arith.constant 1 : i32
        %get3A_705 = arith.index_cast %get3A_704 : i32 to index
        %get3A_706 = arith.index_cast %scan3A_701 : i32 to index
        %get3A_707 = arith.constant 0 : index
        %get3A_708 = tpu.vector_load %arg13[%get3A_705, %get3A_706, %get3A_707] {strides = array<i32>} : memref<4x128x64xf32, #tpu.memory_space<vmem>>, vector<16xf32>,
        %get3A_709 = arith.constant 1 : i32
        %get3A_710 = arith.index_cast %get3A_709 : i32 to index
        %get3A_711 = arith.index_cast %scan3A_701 : i32 to index
        %get3A_712 = arith.constant 0 : index
        %get3A_713 = tpu.vector_load %arg14[%get3A_710, %get3A_711, %get3A_712] {strides = array<i32>} : memref<4x128x64xf32, #tpu.memory_space<vmem>>, vector<16xf32>,
        %mul3A_714 = arith.mulf %get3A_708, %get3A_258 : vector<16xf32>
        %sub3A_715 = arith.subf %get3A_282, %mul3A_714 : vector<16xf32>
        %mul3A_716 = arith.mulf %get3A_713, %get3A_270 : vector<16xf32>
        %add3A_717 = arith.addf %sub3A_715, %mul3A_716 : vector<16xf32>
        %mul3A_718 = arith.mulf %get3A_708, %get3A_270 : vector<16xf32>
        %add3A_719 = arith.addf %get3A_294, %mul3A_718 : vector<16xf32>
        %mul3A_720 = arith.mulf %get3A_713, %get3A_258 : vector<16xf32>
        %add3A_721 = arith.addf %add3A_719, %mul3A_720 : vector<16xf32>
        %abs3A_722 = math.absf %add3A_717 : vector<16xf32>
        %add3A_723 = arith.addf %broadcast_in_dim3A_703, %abs3A_722 : vector<16xf32>
        %abs3A_724 = math.absf %add3A_721 : vector<16xf32>
        %add3A_725 = arith.addf %add3A_723, %abs3A_724 : vector<16xf32>
        %get3A_726 = arith.constant 1 : i32
        %get3A_727 = arith.index_cast %get3A_726 : i32 to index
        %get3A_728 = arith.index_cast %scan3A_701 : i32 to index
        %get3A_729 = arith.constant 16 : index
        %get3A_730 = tpu.vector_load %arg13[%get3A_727, %get3A_728, %get3A_729] {strides = array<i32>} : memref<4x128x64xf32, #tpu.memory_space<vmem>>, vector<16xf32>,
        %get3A_731 = arith.constant 1 : i32
        %get3A_732 = arith.index_cast %get3A_731 : i32 to index
        %get3A_733 = arith.index_cast %scan3A_701 : i32 to index
        %get3A_734 = arith.constant 16 : index
        %get3A_735 = tpu.vector_load %arg14[%get3A_732, %get3A_733, %get3A_734] {strides = array<i32>} : memref<4x128x64xf32, #tpu.memory_space<vmem>>, vector<16xf32>,
        %mul3A_736 = arith.mulf %get3A_730, %get3A_261 : vector<16xf32>
        %sub3A_737 = arith.subf %get3A_285, %mul3A_736 : vector<16xf32>
        %mul3A_738 = arith.mulf %get3A_735, %get3A_273 : vector<16xf32>
        %add3A_739 = arith.addf %sub3A_737, %mul3A_738 : vector<16xf32>
        %mul3A_740 = arith.mulf %get3A_730, %get3A_273 : vector<16xf32>
        %add3A_741 = arith.addf %get3A_297, %mul3A_740 : vector<16xf32>
        %mul3A_742 = arith.mulf %get3A_735, %get3A_261 : vector<16xf32>
        %add3A_743 = arith.addf %add3A_741, %mul3A_742 : vector<16xf32>
        %abs3A_744 = math.absf %add3A_739 : vector<16xf32>
        %add3A_745 = arith.addf %add3A_725, %abs3A_744 : vector<16xf32>
        %abs3A_746 = math.absf %add3A_743 : vector<16xf32>
        %add3A_747 = arith.addf %add3A_745, %abs3A_746 : vector<16xf32>
        %get3A_748 = arith.constant 1 : i32
        %get3A_749 = arith.index_cast %get3A_748 : i32 to index
        %get3A_750 = arith.index_cast %scan3A_701 : i32 to index
        %get3A_751 = arith.constant 32 : index
        %get3A_752 = tpu.vector_load %arg13[%get3A_749, %get3A_750, %get3A_751] {strides = array<i32>} : memref<4x128x64xf32, #tpu.memory_space<vmem>>, vector<16xf32>,
        %get3A_753 = arith.constant 1 : i32
        %get3A_754 = arith.index_cast %get3A_753 : i32 to index
        %get3A_755 = arith.index_cast %scan3A_701 : i32 to index
        %get3A_756 = arith.constant 32 : index
        %get3A_757 = tpu.vector_load %arg14[%get3A_754, %get3A_755, %get3A_756] {strides = array<i32>} : memref<4x128x64xf32, #tpu.memory_space<vmem>>, vector<16xf32>,
        %mul3A_758 = arith.mulf %get3A_752, %get3A_264 : vector<16xf32>
        %sub3A_759 = arith.subf %get3A_288, %mul3A_758 : vector<16xf32>
        %mul3A_760 = arith.mulf %get3A_757, %get3A_276 : vector<16xf32>
        %add3A_761 = arith.addf %sub3A_759, %mul3A_760 : vector<16xf32>
        %mul3A_762 = arith.mulf %get3A_752, %get3A_276 : vector<16xf32>
        %add3A_763 = arith.addf %get3A_300, %mul3A_762 : vector<16xf32>
        %mul3A_764 = arith.mulf %get3A_757, %get3A_264 : vector<16xf32>
        %add3A_765 = arith.addf %add3A_763, %mul3A_764 : vector<16xf32>
        %abs3A_766 = math.absf %add3A_761 : vector<16xf32>
        %add3A_767 = arith.addf %add3A_747, %abs3A_766 : vector<16xf32>
        %abs3A_768 = math.absf %add3A_765 : vector<16xf32>
        %add3A_769 = arith.addf %add3A_767, %abs3A_768 : vector<16xf32>
        %get3A_770 = arith.constant 1 : i32
        %get3A_771 = arith.index_cast %get3A_770 : i32 to index
        %get3A_772 = arith.index_cast %scan3A_701 : i32 to index
        %get3A_773 = arith.constant 48 : index
        %get3A_774 = tpu.vector_load %arg13[%get3A_771, %get3A_772, %get3A_773] {strides = array<i32>} : memref<4x128x64xf32, #tpu.memory_space<vmem>>, vector<16xf32>,
        %get3A_775 = arith.constant 1 : i32
        %get3A_776 = arith.index_cast %get3A_775 : i32 to index
        %get3A_777 = arith.index_cast %scan3A_701 : i32 to index
        %get3A_778 = arith.constant 48 : index
        %get3A_779 = tpu.vector_load %arg14[%get3A_776, %get3A_777, %get3A_778] {strides = array<i32>} : memref<4x128x64xf32, #tpu.memory_space<vmem>>, vector<16xf32>,
        %mul3A_780 = arith.mulf %get3A_774, %get3A_267 : vector<16xf32>
        %sub3A_781 = arith.subf %get3A_291, %mul3A_780 : vector<16xf32>
        %mul3A_782 = arith.mulf %get3A_779, %get3A_279 : vector<16xf32>
        %add3A_783 = arith.addf %sub3A_781, %mul3A_782 : vector<16xf32>
        %mul3A_784 = arith.mulf %get3A_774, %get3A_279 : vector<16xf32>
        %add3A_785 = arith.addf %get3A_303, %mul3A_784 : vector<16xf32>
        %mul3A_786 = arith.mulf %get3A_779, %get3A_267 : vector<16xf32>
        %add3A_787 = arith.addf %add3A_785, %mul3A_786 : vector<16xf32>
        %abs3A_788 = math.absf %add3A_783 : vector<16xf32>
        %add3A_789 = arith.addf %add3A_769, %abs3A_788 : vector<16xf32>
        %abs3A_790 = math.absf %add3A_787 : vector<16xf32>
        %add3A_791 = arith.addf %add3A_789, %abs3A_790 : vector<16xf32>
        %reduce_sum3A_792 = arith.constant true
        %reduce_sum3A_793 = vector.broadcast %reduce_sum3A_792 : i1 to vector<16xi1>
        %reduce_sum3A_794 = tpu.scan <sum>, %add3A_791 masked %reduce_sum3A_793 : vector<16xf32>, vector<16xi1> -> vector<16xf32>
        %reduce_sum3A_795 = vector.extract %reduce_sum3A_794[15] : f32 from vector<16xf32>
        %broadcast_in_dim3A_796 = vector.broadcast %reduce_sum3A_795 : f32 to vector<16xf32>
        %add3A_797 = arith.addi %mul3A_254, %scan3A_701 : i32
        %broadcast_in_dim3A_798 = vector.broadcast %add3A_797 : i32 to vector<16xi32>
        tpu.vector_store_idx %arg25[%broadcast_in_dim3A_255, %broadcast_in_dim3A_798], %broadcast_in_dim3A_796 masked %eq3A_113 : memref<32x512xf32, #tpu.memory_space<vmem>>[vector<16xi32>, vector<16xi32>], vector<16xf32>, vector<16xi1>
        %scan3A_799 = arith.constant 3 : i32
        %scan3A_800 = arith.addi %scan3A_506, %scan3A_799 : i32
        %broadcast_in_dim3A_801 = arith.constant 0.000000e+00 : f32
        %broadcast_in_dim3A_802 = vector.broadcast %broadcast_in_dim3A_801 : f32 to vector<16xf32>
        %get3A_803 = arith.constant 1 : i32
        %get3A_804 = arith.index_cast %get3A_803 : i32 to index
        %get3A_805 = arith.index_cast %scan3A_800 : i32 to index
        %get3A_806 = arith.constant 0 : index
        %get3A_807 = tpu.vector_load %arg13[%get3A_804, %get3A_805, %get3A_806] {strides = array<i32>} : memref<4x128x64xf32, #tpu.memory_space<vmem>>, vector<16xf32>,
        %get3A_808 = arith.constant 1 : i32
        %get3A_809 = arith.index_cast %get3A_808 : i32 to index
        %get3A_810 = arith.index_cast %scan3A_800 : i32 to index
        %get3A_811 = arith.constant 0 : index
        %get3A_812 = tpu.vector_load %arg14[%get3A_809, %get3A_810, %get3A_811] {strides = array<i32>} : memref<4x128x64xf32, #tpu.memory_space<vmem>>, vector<16xf32>,
        %mul3A_813 = arith.mulf %get3A_807, %get3A_258 : vector<16xf32>
        %sub3A_814 = arith.subf %get3A_282, %mul3A_813 : vector<16xf32>
        %mul3A_815 = arith.mulf %get3A_812, %get3A_270 : vector<16xf32>
        %add3A_816 = arith.addf %sub3A_814, %mul3A_815 : vector<16xf32>
        %mul3A_817 = arith.mulf %get3A_807, %get3A_270 : vector<16xf32>
        %add3A_818 = arith.addf %get3A_294, %mul3A_817 : vector<16xf32>
        %mul3A_819 = arith.mulf %get3A_812, %get3A_258 : vector<16xf32>
        %add3A_820 = arith.addf %add3A_818, %mul3A_819 : vector<16xf32>
        %abs3A_821 = math.absf %add3A_816 : vector<16xf32>
        %add3A_822 = arith.addf %broadcast_in_dim3A_802, %abs3A_821 : vector<16xf32>
        %abs3A_823 = math.absf %add3A_820 : vector<16xf32>
        %add3A_824 = arith.addf %add3A_822, %abs3A_823 : vector<16xf32>
        %get3A_825 = arith.constant 1 : i32
        %get3A_826 = arith.index_cast %get3A_825 : i32 to index
        %get3A_827 = arith.index_cast %scan3A_800 : i32 to index
        %get3A_828 = arith.constant 16 : index
        %get3A_829 = tpu.vector_load %arg13[%get3A_826, %get3A_827, %get3A_828] {strides = array<i32>} : memref<4x128x64xf32, #tpu.memory_space<vmem>>, vector<16xf32>,
        %get3A_830 = arith.constant 1 : i32
        %get3A_831 = arith.index_cast %get3A_830 : i32 to index
        %get3A_832 = arith.index_cast %scan3A_800 : i32 to index
        %get3A_833 = arith.constant 16 : index
        %get3A_834 = tpu.vector_load %arg14[%get3A_831, %get3A_832, %get3A_833] {strides = array<i32>} : memref<4x128x64xf32, #tpu.memory_space<vmem>>, vector<16xf32>,
        %mul3A_835 = arith.mulf %get3A_829, %get3A_261 : vector<16xf32>
        %sub3A_836 = arith.subf %get3A_285, %mul3A_835 : vector<16xf32>
        %mul3A_837 = arith.mulf %get3A_834, %get3A_273 : vector<16xf32>
        %add3A_838 = arith.addf %sub3A_836, %mul3A_837 : vector<16xf32>
        %mul3A_839 = arith.mulf %get3A_829, %get3A_273 : vector<16xf32>
        %add3A_840 = arith.addf %get3A_297, %mul3A_839 : vector<16xf32>
        %mul3A_841 = arith.mulf %get3A_834, %get3A_261 : vector<16xf32>
        %add3A_842 = arith.addf %add3A_840, %mul3A_841 : vector<16xf32>
        %abs3A_843 = math.absf %add3A_838 : vector<16xf32>
        %add3A_844 = arith.addf %add3A_824, %abs3A_843 : vector<16xf32>
        %abs3A_845 = math.absf %add3A_842 : vector<16xf32>
        %add3A_846 = arith.addf %add3A_844, %abs3A_845 : vector<16xf32>
        %get3A_847 = arith.constant 1 : i32
        %get3A_848 = arith.index_cast %get3A_847 : i32 to index
        %get3A_849 = arith.index_cast %scan3A_800 : i32 to index
        %get3A_850 = arith.constant 32 : index
        %get3A_851 = tpu.vector_load %arg13[%get3A_848, %get3A_849, %get3A_850] {strides = array<i32>} : memref<4x128x64xf32, #tpu.memory_space<vmem>>, vector<16xf32>,
        %get3A_852 = arith.constant 1 : i32
        %get3A_853 = arith.index_cast %get3A_852 : i32 to index
        %get3A_854 = arith.index_cast %scan3A_800 : i32 to index
        %get3A_855 = arith.constant 32 : index
        %get3A_856 = tpu.vector_load %arg14[%get3A_853, %get3A_854, %get3A_855] {strides = array<i32>} : memref<4x128x64xf32, #tpu.memory_space<vmem>>, vector<16xf32>,
        %mul3A_857 = arith.mulf %get3A_851, %get3A_264 : vector<16xf32>
        %sub3A_858 = arith.subf %get3A_288, %mul3A_857 : vector<16xf32>
        %mul3A_859 = arith.mulf %get3A_856, %get3A_276 : vector<16xf32>
        %add3A_860 = arith.addf %sub3A_858, %mul3A_859 : vector<16xf32>
        %mul3A_861 = arith.mulf %get3A_851, %get3A_276 : vector<16xf32>
        %add3A_862 = arith.addf %get3A_300, %mul3A_861 : vector<16xf32>
        %mul3A_863 = arith.mulf %get3A_856, %get3A_264 : vector<16xf32>
        %add3A_864 = arith.addf %add3A_862, %mul3A_863 : vector<16xf32>
        %abs3A_865 = math.absf %add3A_860 : vector<16xf32>
        %add3A_866 = arith.addf %add3A_846, %abs3A_865 : vector<16xf32>
        %abs3A_867 = math.absf %add3A_864 : vector<16xf32>
        %add3A_868 = arith.addf %add3A_866, %abs3A_867 : vector<16xf32>
        %get3A_869 = arith.constant 1 : i32
        %get3A_870 = arith.index_cast %get3A_869 : i32 to index
        %get3A_871 = arith.index_cast %scan3A_800 : i32 to index
        %get3A_872 = arith.constant 48 : index
        %get3A_873 = tpu.vector_load %arg13[%get3A_870, %get3A_871, %get3A_872] {strides = array<i32>} : memref<4x128x64xf32, #tpu.memory_space<vmem>>, vector<16xf32>,
        %get3A_874 = arith.constant 1 : i32
        %get3A_875 = arith.index_cast %get3A_874 : i32 to index
        %get3A_876 = arith.index_cast %scan3A_800 : i32 to index
        %get3A_877 = arith.constant 48 : index
        %get3A_878 = tpu.vector_load %arg14[%get3A_875, %get3A_876, %get3A_877] {strides = array<i32>} : memref<4x128x64xf32, #tpu.memory_space<vmem>>, vector<16xf32>,
        %mul3A_879 = arith.mulf %get3A_873, %get3A_267 : vector<16xf32>
        %sub3A_880 = arith.subf %get3A_291, %mul3A_879 : vector<16xf32>
        %mul3A_881 = arith.mulf %get3A_878, %get3A_279 : vector<16xf32>
        %add3A_882 = arith.addf %sub3A_880, %mul3A_881 : vector<16xf32>
        %mul3A_883 = arith.mulf %get3A_873, %get3A_279 : vector<16xf32>
        %add3A_884 = arith.addf %get3A_303, %mul3A_883 : vector<16xf32>
        %mul3A_885 = arith.mulf %get3A_878, %get3A_267 : vector<16xf32>
        %add3A_886 = arith.addf %add3A_884, %mul3A_885 : vector<16xf32>
        %abs3A_887 = math.absf %add3A_882 : vector<16xf32>
        %add3A_888 = arith.addf %add3A_868, %abs3A_887 : vector<16xf32>
        %abs3A_889 = math.absf %add3A_886 : vector<16xf32>
        %add3A_890 = arith.addf %add3A_888, %abs3A_889 : vector<16xf32>
        %reduce_sum3A_891 = arith.constant true
        %reduce_sum3A_892 = vector.broadcast %reduce_sum3A_891 : i1 to vector<16xi1>
        %reduce_sum3A_893 = tpu.scan <sum>, %add3A_890 masked %reduce_sum3A_892 : vector<16xf32>, vector<16xi1> -> vector<16xf32>
        %reduce_sum3A_894 = vector.extract %reduce_sum3A_893[15] : f32 from vector<16xf32>
        %broadcast_in_dim3A_895 = vector.broadcast %reduce_sum3A_894 : f32 to vector<16xf32>
        %add3A_896 = arith.addi %mul3A_254, %scan3A_800 : i32
        %broadcast_in_dim3A_897 = vector.broadcast %add3A_896 : i32 to vector<16xi32>
        tpu.vector_store_idx %arg25[%broadcast_in_dim3A_255, %broadcast_in_dim3A_897], %broadcast_in_dim3A_895 masked %eq3A_113 : memref<32x512xf32, #tpu.memory_space<vmem>>[vector<16xi32>, vector<16xi32>], vector<16xf32>, vector<16xi1>
        %scan3A_898 = arith.constant 4 : i32
        %scan3A_899 = arith.addi %scan3A_506, %scan3A_898 : i32
        %broadcast_in_dim3A_900 = arith.constant 0.000000e+00 : f32
        %broadcast_in_dim3A_901 = vector.broadcast %broadcast_in_dim3A_900 : f32 to vector<16xf32>
        %get3A_902 = arith.constant 1 : i32
        %get3A_903 = arith.index_cast %get3A_902 : i32 to index
        %get3A_904 = arith.index_cast %scan3A_899 : i32 to index
        %get3A_905 = arith.constant 0 : index
        %get3A_906 = tpu.vector_load %arg13[%get3A_903, %get3A_904, %get3A_905] {strides = array<i32>} : memref<4x128x64xf32, #tpu.memory_space<vmem>>, vector<16xf32>,
        %get3A_907 = arith.constant 1 : i32
        %get3A_908 = arith.index_cast %get3A_907 : i32 to index
        %get3A_909 = arith.index_cast %scan3A_899 : i32 to index
        %get3A_910 = arith.constant 0 : index
        %get3A_911 = tpu.vector_load %arg14[%get3A_908, %get3A_909, %get3A_910] {strides = array<i32>} : memref<4x128x64xf32, #tpu.memory_space<vmem>>, vector<16xf32>,
        %mul3A_912 = arith.mulf %get3A_906, %get3A_258 : vector<16xf32>
        %sub3A_913 = arith.subf %get3A_282, %mul3A_912 : vector<16xf32>
        %mul3A_914 = arith.mulf %get3A_911, %get3A_270 : vector<16xf32>
        %add3A_915 = arith.addf %sub3A_913, %mul3A_914 : vector<16xf32>
        %mul3A_916 = arith.mulf %get3A_906, %get3A_270 : vector<16xf32>
        %add3A_917 = arith.addf %get3A_294, %mul3A_916 : vector<16xf32>
        %mul3A_918 = arith.mulf %get3A_911, %get3A_258 : vector<16xf32>
        %add3A_919 = arith.addf %add3A_917, %mul3A_918 : vector<16xf32>
        %abs3A_920 = math.absf %add3A_915 : vector<16xf32>
        %add3A_921 = arith.addf %broadcast_in_dim3A_901, %abs3A_920 : vector<16xf32>
        %abs3A_922 = math.absf %add3A_919 : vector<16xf32>
        %add3A_923 = arith.addf %add3A_921, %abs3A_922 : vector<16xf32>
        %get3A_924 = arith.constant 1 : i32
        %get3A_925 = arith.index_cast %get3A_924 : i32 to index
        %get3A_926 = arith.index_cast %scan3A_899 : i32 to index
        %get3A_927 = arith.constant 16 : index
        %get3A_928 = tpu.vector_load %arg13[%get3A_925, %get3A_926, %get3A_927] {strides = array<i32>} : memref<4x128x64xf32, #tpu.memory_space<vmem>>, vector<16xf32>,
        %get3A_929 = arith.constant 1 : i32
        %get3A_930 = arith.index_cast %get3A_929 : i32 to index
        %get3A_931 = arith.index_cast %scan3A_899 : i32 to index
        %get3A_932 = arith.constant 16 : index
        %get3A_933 = tpu.vector_load %arg14[%get3A_930, %get3A_931, %get3A_932] {strides = array<i32>} : memref<4x128x64xf32, #tpu.memory_space<vmem>>, vector<16xf32>,
        %mul3A_934 = arith.mulf %get3A_928, %get3A_261 : vector<16xf32>
        %sub3A_935 = arith.subf %get3A_285, %mul3A_934 : vector<16xf32>
        %mul3A_936 = arith.mulf %get3A_933, %get3A_273 : vector<16xf32>
        %add3A_937 = arith.addf %sub3A_935, %mul3A_936 : vector<16xf32>
        %mul3A_938 = arith.mulf %get3A_928, %get3A_273 : vector<16xf32>
        %add3A_939 = arith.addf %get3A_297, %mul3A_938 : vector<16xf32>
        %mul3A_940 = arith.mulf %get3A_933, %get3A_261 : vector<16xf32>
        %add3A_941 = arith.addf %add3A_939, %mul3A_940 : vector<16xf32>
        %abs3A_942 = math.absf %add3A_937 : vector<16xf32>
        %add3A_943 = arith.addf %add3A_923, %abs3A_942 : vector<16xf32>
        %abs3A_944 = math.absf %add3A_941 : vector<16xf32>
        %add3A_945 = arith.addf %add3A_943, %abs3A_944 : vector<16xf32>
        %get3A_946 = arith.constant 1 : i32
        %get3A_947 = arith.index_cast %get3A_946 : i32 to index
        %get3A_948 = arith.index_cast %scan3A_899 : i32 to index
        %get3A_949 = arith.constant 32 : index
        %get3A_950 = tpu.vector_load %arg13[%get3A_947, %get3A_948, %get3A_949] {strides = array<i32>} : memref<4x128x64xf32, #tpu.memory_space<vmem>>, vector<16xf32>,
        %get3A_951 = arith.constant 1 : i32
        %get3A_952 = arith.index_cast %get3A_951 : i32 to index
        %get3A_953 = arith.index_cast %scan3A_899 : i32 to index
        %get3A_954 = arith.constant 32 : index
        %get3A_955 = tpu.vector_load %arg14[%get3A_952, %get3A_953, %get3A_954] {strides = array<i32>} : memref<4x128x64xf32, #tpu.memory_space<vmem>>, vector<16xf32>,
        %mul3A_956 = arith.mulf %get3A_950, %get3A_264 : vector<16xf32>
        %sub3A_957 = arith.subf %get3A_288, %mul3A_956 : vector<16xf32>
        %mul3A_958 = arith.mulf %get3A_955, %get3A_276 : vector<16xf32>
        %add3A_959 = arith.addf %sub3A_957, %mul3A_958 : vector<16xf32>
        %mul3A_960 = arith.mulf %get3A_950, %get3A_276 : vector<16xf32>
        %add3A_961 = arith.addf %get3A_300, %mul3A_960 : vector<16xf32>
        %mul3A_962 = arith.mulf %get3A_955, %get3A_264 : vector<16xf32>
        %add3A_963 = arith.addf %add3A_961, %mul3A_962 : vector<16xf32>
        %abs3A_964 = math.absf %add3A_959 : vector<16xf32>
        %add3A_965 = arith.addf %add3A_945, %abs3A_964 : vector<16xf32>
        %abs3A_966 = math.absf %add3A_963 : vector<16xf32>
        %add3A_967 = arith.addf %add3A_965, %abs3A_966 : vector<16xf32>
        %get3A_968 = arith.constant 1 : i32
        %get3A_969 = arith.index_cast %get3A_968 : i32 to index
        %get3A_970 = arith.index_cast %scan3A_899 : i32 to index
        %get3A_971 = arith.constant 48 : index
        %get3A_972 = tpu.vector_load %arg13[%get3A_969, %get3A_970, %get3A_971] {strides = array<i32>} : memref<4x128x64xf32, #tpu.memory_space<vmem>>, vector<16xf32>,
        %get3A_973 = arith.constant 1 : i32
        %get3A_974 = arith.index_cast %get3A_973 : i32 to index
        %get3A_975 = arith.index_cast %scan3A_899 : i32 to index
        %get3A_976 = arith.constant 48 : index
        %get3A_977 = tpu.vector_load %arg14[%get3A_974, %get3A_975, %get3A_976] {strides = array<i32>} : memref<4x128x64xf32, #tpu.memory_space<vmem>>, vector<16xf32>,
        %mul3A_978 = arith.mulf %get3A_972, %get3A_267 : vector<16xf32>
        %sub3A_979 = arith.subf %get3A_291, %mul3A_978 : vector<16xf32>
        %mul3A_980 = arith.mulf %get3A_977, %get3A_279 : vector<16xf32>
        %add3A_981 = arith.addf %sub3A_979, %mul3A_980 : vector<16xf32>
        %mul3A_982 = arith.mulf %get3A_972, %get3A_279 : vector<16xf32>
        %add3A_983 = arith.addf %get3A_303, %mul3A_982 : vector<16xf32>
        %mul3A_984 = arith.mulf %get3A_977, %get3A_267 : vector<16xf32>
        %add3A_985 = arith.addf %add3A_983, %mul3A_984 : vector<16xf32>
        %abs3A_986 = math.absf %add3A_981 : vector<16xf32>
        %add3A_987 = arith.addf %add3A_967, %abs3A_986 : vector<16xf32>
        %abs3A_988 = math.absf %add3A_985 : vector<16xf32>
        %add3A_989 = arith.addf %add3A_987, %abs3A_988 : vector<16xf32>
        %reduce_sum3A_990 = arith.constant true
        %reduce_sum3A_991 = vector.broadcast %reduce_sum3A_990 : i1 to vector<16xi1>
        %reduce_sum3A_992 = tpu.scan <sum>, %add3A_989 masked %reduce_sum3A_991 : vector<16xf32>, vector<16xi1> -> vector<16xf32>
        %reduce_sum3A_993 = vector.extract %reduce_sum3A_992[15] : f32 from vector<16xf32>
        %broadcast_in_dim3A_994 = vector.broadcast %reduce_sum3A_993 : f32 to vector<16xf32>
        %add3A_995 = arith.addi %mul3A_254, %scan3A_899 : i32
        %broadcast_in_dim3A_996 = vector.broadcast %add3A_995 : i32 to vector<16xi32>
        tpu.vector_store_idx %arg25[%broadcast_in_dim3A_255, %broadcast_in_dim3A_996], %broadcast_in_dim3A_994 masked %eq3A_113 : memref<32x512xf32, #tpu.memory_space<vmem>>[vector<16xi32>, vector<16xi32>], vector<16xf32>, vector<16xi1>
        %scan3A_997 = arith.constant 5 : i32
        %scan3A_998 = arith.addi %scan3A_506, %scan3A_997 : i32
        %broadcast_in_dim3A_999 = arith.constant 0.000000e+00 : f32
        %broadcast_in_dim3A_1000 = vector.broadcast %broadcast_in_dim3A_999 : f32 to vector<16xf32>
        %get3A_1001 = arith.constant 1 : i32
        %get3A_1002 = arith.index_cast %get3A_1001 : i32 to index
        %get3A_1003 = arith.index_cast %scan3A_998 : i32 to index
        %get3A_1004 = arith.constant 0 : index
        %get3A_1005 = tpu.vector_load %arg13[%get3A_1002, %get3A_1003, %get3A_1004] {strides = array<i32>} : memref<4x128x64xf32, #tpu.memory_space<vmem>>, vector<16xf32>,
        %get3A_1006 = arith.constant 1 : i32
        %get3A_1007 = arith.index_cast %get3A_1006 : i32 to index
        %get3A_1008 = arith.index_cast %scan3A_998 : i32 to index
        %get3A_1009 = arith.constant 0 : index
        %get3A_1010 = tpu.vector_load %arg14[%get3A_1007, %get3A_1008, %get3A_1009] {strides = array<i32>} : memref<4x128x64xf32, #tpu.memory_space<vmem>>, vector<16xf32>,
        %mul3A_1011 = arith.mulf %get3A_1005, %get3A_258 : vector<16xf32>
        %sub3A_1012 = arith.subf %get3A_282, %mul3A_1011 : vector<16xf32>
        %mul3A_1013 = arith.mulf %get3A_1010, %get3A_270 : vector<16xf32>
        %add3A_1014 = arith.addf %sub3A_1012, %mul3A_1013 : vector<16xf32>
        %mul3A_1015 = arith.mulf %get3A_1005, %get3A_270 : vector<16xf32>
        %add3A_1016 = arith.addf %get3A_294, %mul3A_1015 : vector<16xf32>
        %mul3A_1017 = arith.mulf %get3A_1010, %get3A_258 : vector<16xf32>
        %add3A_1018 = arith.addf %add3A_1016, %mul3A_1017 : vector<16xf32>
        %abs3A_1019 = math.absf %add3A_1014 : vector<16xf32>
        %add3A_1020 = arith.addf %broadcast_in_dim3A_1000, %abs3A_1019 : vector<16xf32>
        %abs3A_1021 = math.absf %add3A_1018 : vector<16xf32>
        %add3A_1022 = arith.addf %add3A_1020, %abs3A_1021 : vector<16xf32>
        %get3A_1023 = arith.constant 1 : i32
        %get3A_1024 = arith.index_cast %get3A_1023 : i32 to index
        %get3A_1025 = arith.index_cast %scan3A_998 : i32 to index
        %get3A_1026 = arith.constant 16 : index
        %get3A_1027 = tpu.vector_load %arg13[%get3A_1024, %get3A_1025, %get3A_1026] {strides = array<i32>} : memref<4x128x64xf32, #tpu.memory_space<vmem>>, vector<16xf32>,
        %get3A_1028 = arith.constant 1 : i32
        %get3A_1029 = arith.index_cast %get3A_1028 : i32 to index
        %get3A_1030 = arith.index_cast %scan3A_998 : i32 to index
        %get3A_1031 = arith.constant 16 : index
        %get3A_1032 = tpu.vector_load %arg14[%get3A_1029, %get3A_1030, %get3A_1031] {strides = array<i32>} : memref<4x128x64xf32, #tpu.memory_space<vmem>>, vector<16xf32>,
        %mul3A_1033 = arith.mulf %get3A_1027, %get3A_261 : vector<16xf32>
        %sub3A_1034 = arith.subf %get3A_285, %mul3A_1033 : vector<16xf32>
        %mul3A_1035 = arith.mulf %get3A_1032, %get3A_273 : vector<16xf32>
        %add3A_1036 = arith.addf %sub3A_1034, %mul3A_1035 : vector<16xf32>
        %mul3A_1037 = arith.mulf %get3A_1027, %get3A_273 : vector<16xf32>
        %add3A_1038 = arith.addf %get3A_297, %mul3A_1037 : vector<16xf32>
        %mul3A_1039 = arith.mulf %get3A_1032, %get3A_261 : vector<16xf32>
        %add3A_1040 = arith.addf %add3A_1038, %mul3A_1039 : vector<16xf32>
        %abs3A_1041 = math.absf %add3A_1036 : vector<16xf32>
        %add3A_1042 = arith.addf %add3A_1022, %abs3A_1041 : vector<16xf32>
        %abs3A_1043 = math.absf %add3A_1040 : vector<16xf32>
        %add3A_1044 = arith.addf %add3A_1042, %abs3A_1043 : vector<16xf32>
        %get3A_1045 = arith.constant 1 : i32
        %get3A_1046 = arith.index_cast %get3A_1045 : i32 to index
        %get3A_1047 = arith.index_cast %scan3A_998 : i32 to index
        %get3A_1048 = arith.constant 32 : index
        %get3A_1049 = tpu.vector_load %arg13[%get3A_1046, %get3A_1047, %get3A_1048] {strides = array<i32>} : memref<4x128x64xf32, #tpu.memory_space<vmem>>, vector<16xf32>,
        %get3A_1050 = arith.constant 1 : i32
        %get3A_1051 = arith.index_cast %get3A_1050 : i32 to index
        %get3A_1052 = arith.index_cast %scan3A_998 : i32 to index
        %get3A_1053 = arith.constant 32 : index
        %get3A_1054 = tpu.vector_load %arg14[%get3A_1051, %get3A_1052, %get3A_1053] {strides = array<i32>} : memref<4x128x64xf32, #tpu.memory_space<vmem>>, vector<16xf32>,
        %mul3A_1055 = arith.mulf %get3A_1049, %get3A_264 : vector<16xf32>
        %sub3A_1056 = arith.subf %get3A_288, %mul3A_1055 : vector<16xf32>
        %mul3A_1057 = arith.mulf %get3A_1054, %get3A_276 : vector<16xf32>
        %add3A_1058 = arith.addf %sub3A_1056, %mul3A_1057 : vector<16xf32>
        %mul3A_1059 = arith.mulf %get3A_1049, %get3A_276 : vector<16xf32>
        %add3A_1060 = arith.addf %get3A_300, %mul3A_1059 : vector<16xf32>
        %mul3A_1061 = arith.mulf %get3A_1054, %get3A_264 : vector<16xf32>
        %add3A_1062 = arith.addf %add3A_1060, %mul3A_1061 : vector<16xf32>
        %abs3A_1063 = math.absf %add3A_1058 : vector<16xf32>
        %add3A_1064 = arith.addf %add3A_1044, %abs3A_1063 : vector<16xf32>
        %abs3A_1065 = math.absf %add3A_1062 : vector<16xf32>
        %add3A_1066 = arith.addf %add3A_1064, %abs3A_1065 : vector<16xf32>
        %get3A_1067 = arith.constant 1 : i32
        %get3A_1068 = arith.index_cast %get3A_1067 : i32 to index
        %get3A_1069 = arith.index_cast %scan3A_998 : i32 to index
        %get3A_1070 = arith.constant 48 : index
        %get3A_1071 = tpu.vector_load %arg13[%get3A_1068, %get3A_1069, %get3A_1070] {strides = array<i32>} : memref<4x128x64xf32, #tpu.memory_space<vmem>>, vector<16xf32>,
        %get3A_1072 = arith.constant 1 : i32
        %get3A_1073 = arith.index_cast %get3A_1072 : i32 to index
        %get3A_1074 = arith.index_cast %scan3A_998 : i32 to index
        %get3A_1075 = arith.constant 48 : index
        %get3A_1076 = tpu.vector_load %arg14[%get3A_1073, %get3A_1074, %get3A_1075] {strides = array<i32>} : memref<4x128x64xf32, #tpu.memory_space<vmem>>, vector<16xf32>,
        %mul3A_1077 = arith.mulf %get3A_1071, %get3A_267 : vector<16xf32>
        %sub3A_1078 = arith.subf %get3A_291, %mul3A_1077 : vector<16xf32>
        %mul3A_1079 = arith.mulf %get3A_1076, %get3A_279 : vector<16xf32>
        %add3A_1080 = arith.addf %sub3A_1078, %mul3A_1079 : vector<16xf32>
        %mul3A_1081 = arith.mulf %get3A_1071, %get3A_279 : vector<16xf32>
        %add3A_1082 = arith.addf %get3A_303, %mul3A_1081 : vector<16xf32>
        %mul3A_1083 = arith.mulf %get3A_1076, %get3A_267 : vector<16xf32>
        %add3A_1084 = arith.addf %add3A_1082, %mul3A_1083 : vector<16xf32>
        %abs3A_1085 = math.absf %add3A_1080 : vector<16xf32>
        %add3A_1086 = arith.addf %add3A_1066, %abs3A_1085 : vector<16xf32>
        %abs3A_1087 = math.absf %add3A_1084 : vector<16xf32>
        %add3A_1088 = arith.addf %add3A_1086, %abs3A_1087 : vector<16xf32>
        %reduce_sum3A_1089 = arith.constant true
        %reduce_sum3A_1090 = vector.broadcast %reduce_sum3A_1089 : i1 to vector<16xi1>
        %reduce_sum3A_1091 = tpu.scan <sum>, %add3A_1088 masked %reduce_sum3A_1090 : vector<16xf32>, vector<16xi1> -> vector<16xf32>
        %reduce_sum3A_1092 = vector.extract %reduce_sum3A_1091[15] : f32 from vector<16xf32>
        %broadcast_in_dim3A_1093 = vector.broadcast %reduce_sum3A_1092 : f32 to vector<16xf32>
        %add3A_1094 = arith.addi %mul3A_254, %scan3A_998 : i32
        %broadcast_in_dim3A_1095 = vector.broadcast %add3A_1094 : i32 to vector<16xi32>
        tpu.vector_store_idx %arg25[%broadcast_in_dim3A_255, %broadcast_in_dim3A_1095], %broadcast_in_dim3A_1093 masked %eq3A_113 : memref<32x512xf32, #tpu.memory_space<vmem>>[vector<16xi32>, vector<16xi32>], vector<16xf32>, vector<16xi1>
        %scan3A_1096 = arith.constant 6 : i32
        %scan3A_1097 = arith.addi %scan3A_506, %scan3A_1096 : i32
        %broadcast_in_dim3A_1098 = arith.constant 0.000000e+00 : f32
        %broadcast_in_dim3A_1099 = vector.broadcast %broadcast_in_dim3A_1098 : f32 to vector<16xf32>
        %get3A_1100 = arith.constant 1 : i32
        %get3A_1101 = arith.index_cast %get3A_1100 : i32 to index
        %get3A_1102 = arith.index_cast %scan3A_1097 : i32 to index
        %get3A_1103 = arith.constant 0 : index
        %get3A_1104 = tpu.vector_load %arg13[%get3A_1101, %get3A_1102, %get3A_1103] {strides = array<i32>} : memref<4x128x64xf32, #tpu.memory_space<vmem>>, vector<16xf32>,
        %get3A_1105 = arith.constant 1 : i32
        %get3A_1106 = arith.index_cast %get3A_1105 : i32 to index
        %get3A_1107 = arith.index_cast %scan3A_1097 : i32 to index
        %get3A_1108 = arith.constant 0 : index
        %get3A_1109 = tpu.vector_load %arg14[%get3A_1106, %get3A_1107, %get3A_1108] {strides = array<i32>} : memref<4x128x64xf32, #tpu.memory_space<vmem>>, vector<16xf32>,
        %mul3A_1110 = arith.mulf %get3A_1104, %get3A_258 : vector<16xf32>
        %sub3A_1111 = arith.subf %get3A_282, %mul3A_1110 : vector<16xf32>
        %mul3A_1112 = arith.mulf %get3A_1109, %get3A_270 : vector<16xf32>
        %add3A_1113 = arith.addf %sub3A_1111, %mul3A_1112 : vector<16xf32>
        %mul3A_1114 = arith.mulf %get3A_1104, %get3A_270 : vector<16xf32>
        %add3A_1115 = arith.addf %get3A_294, %mul3A_1114 : vector<16xf32>
        %mul3A_1116 = arith.mulf %get3A_1109, %get3A_258 : vector<16xf32>
        %add3A_1117 = arith.addf %add3A_1115, %mul3A_1116 : vector<16xf32>
        %abs3A_1118 = math.absf %add3A_1113 : vector<16xf32>
        %add3A_1119 = arith.addf %broadcast_in_dim3A_1099, %abs3A_1118 : vector<16xf32>
        %abs3A_1120 = math.absf %add3A_1117 : vector<16xf32>
        %add3A_1121 = arith.addf %add3A_1119, %abs3A_1120 : vector<16xf32>
        %get3A_1122 = arith.constant 1 : i32
        %get3A_1123 = arith.index_cast %get3A_1122 : i32 to index
        %get3A_1124 = arith.index_cast %scan3A_1097 : i32 to index
        %get3A_1125 = arith.constant 16 : index
        %get3A_1126 = tpu.vector_load %arg13[%get3A_1123, %get3A_1124, %get3A_1125] {strides = array<i32>} : memref<4x128x64xf32, #tpu.memory_space<vmem>>, vector<16xf32>,
        %get3A_1127 = arith.constant 1 : i32
        %get3A_1128 = arith.index_cast %get3A_1127 : i32 to index
        %get3A_1129 = arith.index_cast %scan3A_1097 : i32 to index
        %get3A_1130 = arith.constant 16 : index
        %get3A_1131 = tpu.vector_load %arg14[%get3A_1128, %get3A_1129, %get3A_1130] {strides = array<i32>} : memref<4x128x64xf32, #tpu.memory_space<vmem>>, vector<16xf32>,
        %mul3A_1132 = arith.mulf %get3A_1126, %get3A_261 : vector<16xf32>
        %sub3A_1133 = arith.subf %get3A_285, %mul3A_1132 : vector<16xf32>
        %mul3A_1134 = arith.mulf %get3A_1131, %get3A_273 : vector<16xf32>
        %add3A_1135 = arith.addf %sub3A_1133, %mul3A_1134 : vector<16xf32>
        %mul3A_1136 = arith.mulf %get3A_1126, %get3A_273 : vector<16xf32>
        %add3A_1137 = arith.addf %get3A_297, %mul3A_1136 : vector<16xf32>
        %mul3A_1138 = arith.mulf %get3A_1131, %get3A_261 : vector<16xf32>
        %add3A_1139 = arith.addf %add3A_1137, %mul3A_1138 : vector<16xf32>
        %abs3A_1140 = math.absf %add3A_1135 : vector<16xf32>
        %add3A_1141 = arith.addf %add3A_1121, %abs3A_1140 : vector<16xf32>
        %abs3A_1142 = math.absf %add3A_1139 : vector<16xf32>
        %add3A_1143 = arith.addf %add3A_1141, %abs3A_1142 : vector<16xf32>
        %get3A_1144 = arith.constant 1 : i32
        %get3A_1145 = arith.index_cast %get3A_1144 : i32 to index
        %get3A_1146 = arith.index_cast %scan3A_1097 : i32 to index
        %get3A_1147 = arith.constant 32 : index
        %get3A_1148 = tpu.vector_load %arg13[%get3A_1145, %get3A_1146, %get3A_1147] {strides = array<i32>} : memref<4x128x64xf32, #tpu.memory_space<vmem>>, vector<16xf32>,
        %get3A_1149 = arith.constant 1 : i32
        %get3A_1150 = arith.index_cast %get3A_1149 : i32 to index
        %get3A_1151 = arith.index_cast %scan3A_1097 : i32 to index
        %get3A_1152 = arith.constant 32 : index
        %get3A_1153 = tpu.vector_load %arg14[%get3A_1150, %get3A_1151, %get3A_1152] {strides = array<i32>} : memref<4x128x64xf32, #tpu.memory_space<vmem>>, vector<16xf32>,
        %mul3A_1154 = arith.mulf %get3A_1148, %get3A_264 : vector<16xf32>
        %sub3A_1155 = arith.subf %get3A_288, %mul3A_1154 : vector<16xf32>
        %mul3A_1156 = arith.mulf %get3A_1153, %get3A_276 : vector<16xf32>
        %add3A_1157 = arith.addf %sub3A_1155, %mul3A_1156 : vector<16xf32>
        %mul3A_1158 = arith.mulf %get3A_1148, %get3A_276 : vector<16xf32>
        %add3A_1159 = arith.addf %get3A_300, %mul3A_1158 : vector<16xf32>
        %mul3A_1160 = arith.mulf %get3A_1153, %get3A_264 : vector<16xf32>
        %add3A_1161 = arith.addf %add3A_1159, %mul3A_1160 : vector<16xf32>
        %abs3A_1162 = math.absf %add3A_1157 : vector<16xf32>
        %add3A_1163 = arith.addf %add3A_1143, %abs3A_1162 : vector<16xf32>
        %abs3A_1164 = math.absf %add3A_1161 : vector<16xf32>
        %add3A_1165 = arith.addf %add3A_1163, %abs3A_1164 : vector<16xf32>
        %get3A_1166 = arith.constant 1 : i32
        %get3A_1167 = arith.index_cast %get3A_1166 : i32 to index
        %get3A_1168 = arith.index_cast %scan3A_1097 : i32 to index
        %get3A_1169 = arith.constant 48 : index
        %get3A_1170 = tpu.vector_load %arg13[%get3A_1167, %get3A_1168, %get3A_1169] {strides = array<i32>} : memref<4x128x64xf32, #tpu.memory_space<vmem>>, vector<16xf32>,
        %get3A_1171 = arith.constant 1 : i32
        %get3A_1172 = arith.index_cast %get3A_1171 : i32 to index
        %get3A_1173 = arith.index_cast %scan3A_1097 : i32 to index
        %get3A_1174 = arith.constant 48 : index
        %get3A_1175 = tpu.vector_load %arg14[%get3A_1172, %get3A_1173, %get3A_1174] {strides = array<i32>} : memref<4x128x64xf32, #tpu.memory_space<vmem>>, vector<16xf32>,
        %mul3A_1176 = arith.mulf %get3A_1170, %get3A_267 : vector<16xf32>
        %sub3A_1177 = arith.subf %get3A_291, %mul3A_1176 : vector<16xf32>
        %mul3A_1178 = arith.mulf %get3A_1175, %get3A_279 : vector<16xf32>
        %add3A_1179 = arith.addf %sub3A_1177, %mul3A_1178 : vector<16xf32>
        %mul3A_1180 = arith.mulf %get3A_1170, %get3A_279 : vector<16xf32>
        %add3A_1181 = arith.addf %get3A_303, %mul3A_1180 : vector<16xf32>
        %mul3A_1182 = arith.mulf %get3A_1175, %get3A_267 : vector<16xf32>
        %add3A_1183 = arith.addf %add3A_1181, %mul3A_1182 : vector<16xf32>
        %abs3A_1184 = math.absf %add3A_1179 : vector<16xf32>
        %add3A_1185 = arith.addf %add3A_1165, %abs3A_1184 : vector<16xf32>
        %abs3A_1186 = math.absf %add3A_1183 : vector<16xf32>
        %add3A_1187 = arith.addf %add3A_1185, %abs3A_1186 : vector<16xf32>
        %reduce_sum3A_1188 = arith.constant true
        %reduce_sum3A_1189 = vector.broadcast %reduce_sum3A_1188 : i1 to vector<16xi1>
        %reduce_sum3A_1190 = tpu.scan <sum>, %add3A_1187 masked %reduce_sum3A_1189 : vector<16xf32>, vector<16xi1> -> vector<16xf32>
        %reduce_sum3A_1191 = vector.extract %reduce_sum3A_1190[15] : f32 from vector<16xf32>
        %broadcast_in_dim3A_1192 = vector.broadcast %reduce_sum3A_1191 : f32 to vector<16xf32>
        %add3A_1193 = arith.addi %mul3A_254, %scan3A_1097 : i32
        %broadcast_in_dim3A_1194 = vector.broadcast %add3A_1193 : i32 to vector<16xi32>
        tpu.vector_store_idx %arg25[%broadcast_in_dim3A_255, %broadcast_in_dim3A_1194], %broadcast_in_dim3A_1192 masked %eq3A_113 : memref<32x512xf32, #tpu.memory_space<vmem>>[vector<16xi32>, vector<16xi32>], vector<16xf32>, vector<16xi1>
        %scan3A_1195 = arith.constant 7 : i32
        %scan3A_1196 = arith.addi %scan3A_506, %scan3A_1195 : i32
        %broadcast_in_dim3A_1197 = arith.constant 0.000000e+00 : f32
        %broadcast_in_dim3A_1198 = vector.broadcast %broadcast_in_dim3A_1197 : f32 to vector<16xf32>
        %get3A_1199 = arith.constant 1 : i32
        %get3A_1200 = arith.index_cast %get3A_1199 : i32 to index
        %get3A_1201 = arith.index_cast %scan3A_1196 : i32 to index
        %get3A_1202 = arith.constant 0 : index
        %get3A_1203 = tpu.vector_load %arg13[%get3A_1200, %get3A_1201, %get3A_1202] {strides = array<i32>} : memref<4x128x64xf32, #tpu.memory_space<vmem>>, vector<16xf32>,
        %get3A_1204 = arith.constant 1 : i32
        %get3A_1205 = arith.index_cast %get3A_1204 : i32 to index
        %get3A_1206 = arith.index_cast %scan3A_1196 : i32 to index
        %get3A_1207 = arith.constant 0 : index
        %get3A_1208 = tpu.vector_load %arg14[%get3A_1205, %get3A_1206, %get3A_1207] {strides = array<i32>} : memref<4x128x64xf32, #tpu.memory_space<vmem>>, vector<16xf32>,
        %mul3A_1209 = arith.mulf %get3A_1203, %get3A_258 : vector<16xf32>
        %sub3A_1210 = arith.subf %get3A_282, %mul3A_1209 : vector<16xf32>
        %mul3A_1211 = arith.mulf %get3A_1208, %get3A_270 : vector<16xf32>
        %add3A_1212 = arith.addf %sub3A_1210, %mul3A_1211 : vector<16xf32>
        %mul3A_1213 = arith.mulf %get3A_1203, %get3A_270 : vector<16xf32>
        %add3A_1214 = arith.addf %get3A_294, %mul3A_1213 : vector<16xf32>
        %mul3A_1215 = arith.mulf %get3A_1208, %get3A_258 : vector<16xf32>
        %add3A_1216 = arith.addf %add3A_1214, %mul3A_1215 : vector<16xf32>
        %abs3A_1217 = math.absf %add3A_1212 : vector<16xf32>
        %add3A_1218 = arith.addf %broadcast_in_dim3A_1198, %abs3A_1217 : vector<16xf32>
        %abs3A_1219 = math.absf %add3A_1216 : vector<16xf32>
        %add3A_1220 = arith.addf %add3A_1218, %abs3A_1219 : vector<16xf32>
        %get3A_1221 = arith.constant 1 : i32
        %get3A_1222 = arith.index_cast %get3A_1221 : i32 to index
        %get3A_1223 = arith.index_cast %scan3A_1196 : i32 to index
        %get3A_1224 = arith.constant 16 : index
        %get3A_1225 = tpu.vector_load %arg13[%get3A_1222, %get3A_1223, %get3A_1224] {strides = array<i32>} : memref<4x128x64xf32, #tpu.memory_space<vmem>>, vector<16xf32>,
        %get3A_1226 = arith.constant 1 : i32
        %get3A_1227 = arith.index_cast %get3A_1226 : i32 to index
        %get3A_1228 = arith.index_cast %scan3A_1196 : i32 to index
        %get3A_1229 = arith.constant 16 : index
        %get3A_1230 = tpu.vector_load %arg14[%get3A_1227, %get3A_1228, %get3A_1229] {strides = array<i32>} : memref<4x128x64xf32, #tpu.memory_space<vmem>>, vector<16xf32>,
        %mul3A_1231 = arith.mulf %get3A_1225, %get3A_261 : vector<16xf32>
        %sub3A_1232 = arith.subf %get3A_285, %mul3A_1231 : vector<16xf32>
        %mul3A_1233 = arith.mulf %get3A_1230, %get3A_273 : vector<16xf32>
        %add3A_1234 = arith.addf %sub3A_1232, %mul3A_1233 : vector<16xf32>
        %mul3A_1235 = arith.mulf %get3A_1225, %get3A_273 : vector<16xf32>
        %add3A_1236 = arith.addf %get3A_297, %mul3A_1235 : vector<16xf32>
        %mul3A_1237 = arith.mulf %get3A_1230, %get3A_261 : vector<16xf32>
        %add3A_1238 = arith.addf %add3A_1236, %mul3A_1237 : vector<16xf32>
        %abs3A_1239 = math.absf %add3A_1234 : vector<16xf32>
        %add3A_1240 = arith.addf %add3A_1220, %abs3A_1239 : vector<16xf32>
        %abs3A_1241 = math.absf %add3A_1238 : vector<16xf32>
        %add3A_1242 = arith.addf %add3A_1240, %abs3A_1241 : vector<16xf32>
        %get3A_1243 = arith.constant 1 : i32
        %get3A_1244 = arith.index_cast %get3A_1243 : i32 to index
        %get3A_1245 = arith.index_cast %scan3A_1196 : i32 to index
        %get3A_1246 = arith.constant 32 : index
        %get3A_1247 = tpu.vector_load %arg13[%get3A_1244, %get3A_1245, %get3A_1246] {strides = array<i32>} : memref<4x128x64xf32, #tpu.memory_space<vmem>>, vector<16xf32>,
        %get3A_1248 = arith.constant 1 : i32
        %get3A_1249 = arith.index_cast %get3A_1248 : i32 to index
        %get3A_1250 = arith.index_cast %scan3A_1196 : i32 to index
        %get3A_1251 = arith.constant 32 : index
        %get3A_1252 = tpu.vector_load %arg14[%get3A_1249, %get3A_1250, %get3A_1251] {strides = array<i32>} : memref<4x128x64xf32, #tpu.memory_space<vmem>>, vector<16xf32>,
        %mul3A_1253 = arith.mulf %get3A_1247, %get3A_264 : vector<16xf32>
        %sub3A_1254 = arith.subf %get3A_288, %mul3A_1253 : vector<16xf32>
        %mul3A_1255 = arith.mulf %get3A_1252, %get3A_276 : vector<16xf32>
        %add3A_1256 = arith.addf %sub3A_1254, %mul3A_1255 : vector<16xf32>
        %mul3A_1257 = arith.mulf %get3A_1247, %get3A_276 : vector<16xf32>
        %add3A_1258 = arith.addf %get3A_300, %mul3A_1257 : vector<16xf32>
        %mul3A_1259 = arith.mulf %get3A_1252, %get3A_264 : vector<16xf32>
        %add3A_1260 = arith.addf %add3A_1258, %mul3A_1259 : vector<16xf32>
        %abs3A_1261 = math.absf %add3A_1256 : vector<16xf32>
        %add3A_1262 = arith.addf %add3A_1242, %abs3A_1261 : vector<16xf32>
        %abs3A_1263 = math.absf %add3A_1260 : vector<16xf32>
        %add3A_1264 = arith.addf %add3A_1262, %abs3A_1263 : vector<16xf32>
        %get3A_1265 = arith.constant 1 : i32
        %get3A_1266 = arith.index_cast %get3A_1265 : i32 to index
        %get3A_1267 = arith.index_cast %scan3A_1196 : i32 to index
        %get3A_1268 = arith.constant 48 : index
        %get3A_1269 = tpu.vector_load %arg13[%get3A_1266, %get3A_1267, %get3A_1268] {strides = array<i32>} : memref<4x128x64xf32, #tpu.memory_space<vmem>>, vector<16xf32>,
        %get3A_1270 = arith.constant 1 : i32
        %get3A_1271 = arith.index_cast %get3A_1270 : i32 to index
        %get3A_1272 = arith.index_cast %scan3A_1196 : i32 to index
        %get3A_1273 = arith.constant 48 : index
        %get3A_1274 = tpu.vector_load %arg14[%get3A_1271, %get3A_1272, %get3A_1273] {strides = array<i32>} : memref<4x128x64xf32, #tpu.memory_space<vmem>>, vector<16xf32>,
        %mul3A_1275 = arith.mulf %get3A_1269, %get3A_267 : vector<16xf32>
        %sub3A_1276 = arith.subf %get3A_291, %mul3A_1275 : vector<16xf32>
        %mul3A_1277 = arith.mulf %get3A_1274, %get3A_279 : vector<16xf32>
        %add3A_1278 = arith.addf %sub3A_1276, %mul3A_1277 : vector<16xf32>
        %mul3A_1279 = arith.mulf %get3A_1269, %get3A_279 : vector<16xf32>
        %add3A_1280 = arith.addf %get3A_303, %mul3A_1279 : vector<16xf32>
        %mul3A_1281 = arith.mulf %get3A_1274, %get3A_267 : vector<16xf32>
        %add3A_1282 = arith.addf %add3A_1280, %mul3A_1281 : vector<16xf32>
        %abs3A_1283 = math.absf %add3A_1278 : vector<16xf32>
        %add3A_1284 = arith.addf %add3A_1264, %abs3A_1283 : vector<16xf32>
        %abs3A_1285 = math.absf %add3A_1282 : vector<16xf32>
        %add3A_1286 = arith.addf %add3A_1284, %abs3A_1285 : vector<16xf32>
        %reduce_sum3A_1287 = arith.constant true
        %reduce_sum3A_1288 = vector.broadcast %reduce_sum3A_1287 : i1 to vector<16xi1>
        %reduce_sum3A_1289 = tpu.scan <sum>, %add3A_1286 masked %reduce_sum3A_1288 : vector<16xf32>, vector<16xi1> -> vector<16xf32>
        %reduce_sum3A_1290 = vector.extract %reduce_sum3A_1289[15] : f32 from vector<16xf32>
        %broadcast_in_dim3A_1291 = vector.broadcast %reduce_sum3A_1290 : f32 to vector<16xf32>
        %add3A_1292 = arith.addi %mul3A_254, %scan3A_1196 : i32
        %broadcast_in_dim3A_1293 = vector.broadcast %add3A_1292 : i32 to vector<16xi32>
        tpu.vector_store_idx %arg25[%broadcast_in_dim3A_255, %broadcast_in_dim3A_1293], %broadcast_in_dim3A_1291 masked %eq3A_113 : memref<32x512xf32, #tpu.memory_space<vmem>>[vector<16xi32>, vector<16xi32>], vector<16xf32>, vector<16xi1>
      }
      %scan3A_309 = arith.constant 128 : i32
      %mul3A_310 = arith.constant 4 : i32
      %mul3A_311 = arith.muli %mul3A_310, %scan3A_120 : i32
      %add3A_312 = arith.constant 2 : i32
      %add3A_313 = arith.addi %mul3A_311, %add3A_312 : i32
      %add3A_314 = arith.constant 3 : i32
      %add3A_315 = arith.addi %add3A_313, %add3A_314 : i32
      %lt3A_316 = arith.constant 128 : i32
      %lt3A_317 = arith.cmpi slt, %add3A_315, %lt3A_316 : i32
      %convert_element_type3A_318 = arith.extui %lt3A_317 : i1 to i32
      %cond3A_319 = arith.constant 0 : i32
      %cond3A_320 = arith.cmpi ne, %convert_element_type3A_318, %cond3A_319 : i32
      scf.if %cond3A_320 {
        %add3A_506 = arith.constant 3 : i32
        %add3A_507 = arith.addi %add3A_313, %add3A_506 : i32
        %div3A_508 = arith.constant 4 : i32
        %div3A_509 = arith.divsi %add3A_507, %div3A_508 : i32
        %rem3A_510 = arith.constant 4 : i32
        %rem3A_511 = arith.remsi %add3A_507, %rem3A_510 : i32
        %dma_start3A_512 = arith.constant 1 : i32
        %dma_start3A_513 = arith.constant 0 : i32
        %dma_start3A_514 = arith.constant 0 : i32
        %dma_start3A_515 = tpu.memref_slice %arg13[%dma_start3A_512, %dma_start3A_513, %dma_start3A_514] : memref<4x128x64xf32, #tpu.memory_space<vmem>> -> memref<1x128x64xf32, #tpu.memory_space<vmem>>
        %dma_start3A_516 = tpu.memref_squeeze %dma_start3A_515 : memref<1x128x64xf32, #tpu.memory_space<vmem>> -> memref<128x64xf32, #tpu.memory_space<vmem>>
        %dma_start3A_517 = arith.constant 0 : i32
        %dma_start3A_518 = tpu.memref_slice %arg12[%div3A_509, %rem3A_511, %dma_start3A_517] : memref<32x4x128xi32, #tpu.memory_space<vmem>> -> memref<1x1x128xi32, #tpu.memory_space<vmem>>
        %dma_start3A_519 = tpu.memref_squeeze %dma_start3A_518 : memref<1x1x128xi32, #tpu.memory_space<vmem>> -> memref<128xi32, #tpu.memory_space<vmem>>
        %dma_start3A_520 = arith.constant 0 : i32
        %dma_start3A_521 = arith.constant 0 : i32
        %dma_start3A_522 = tpu.memref_slice %arg7[%dma_start3A_520, %dma_start3A_521] : memref<1000000x64xf32, #tpu.memory_space<hbm>> -> memref<1000000x64xf32, #tpu.memory_space<hbm>>
        tpu.enqueue_indirect_dma source(%dma_start3A_522 : memref<1000000x64xf32, #tpu.memory_space<hbm>>) target(%dma_start3A_516 : memref<128x64xf32, #tpu.memory_space<vmem>>) offsets(%dma_start3A_519 : memref<128xi32, #tpu.memory_space<vmem>>) semaphore(%arg28 : memref<!tpu.dma_semaphore, #tpu.memory_space<semaphore_mem>>)
        %dma_start3A_523 = arith.constant 1 : i32
        %dma_start3A_524 = arith.constant 0 : i32
        %dma_start3A_525 = arith.constant 0 : i32
        %dma_start3A_526 = tpu.memref_slice %arg14[%dma_start3A_523, %dma_start3A_524, %dma_start3A_525] : memref<4x128x64xf32, #tpu.memory_space<vmem>> -> memref<1x128x64xf32, #tpu.memory_space<vmem>>
        %dma_start3A_527 = tpu.memref_squeeze %dma_start3A_526 : memref<1x128x64xf32, #tpu.memory_space<vmem>> -> memref<128x64xf32, #tpu.memory_space<vmem>>
        %dma_start3A_528 = arith.constant 0 : i32
        %dma_start3A_529 = tpu.memref_slice %arg12[%div3A_509, %rem3A_511, %dma_start3A_528] : memref<32x4x128xi32, #tpu.memory_space<vmem>> -> memref<1x1x128xi32, #tpu.memory_space<vmem>>
        %dma_start3A_530 = tpu.memref_squeeze %dma_start3A_529 : memref<1x1x128xi32, #tpu.memory_space<vmem>> -> memref<128xi32, #tpu.memory_space<vmem>>
        %dma_start3A_531 = arith.constant 0 : i32
        %dma_start3A_532 = arith.constant 0 : i32
        %dma_start3A_533 = tpu.memref_slice %arg8[%dma_start3A_531, %dma_start3A_532] : memref<1000000x64xf32, #tpu.memory_space<hbm>> -> memref<1000000x64xf32, #tpu.memory_space<hbm>>
        tpu.enqueue_indirect_dma source(%dma_start3A_533 : memref<1000000x64xf32, #tpu.memory_space<hbm>>) target(%dma_start3A_527 : memref<128x64xf32, #tpu.memory_space<vmem>>) offsets(%dma_start3A_530 : memref<128xi32, #tpu.memory_space<vmem>>) semaphore(%arg29 : memref<!tpu.dma_semaphore, #tpu.memory_space<semaphore_mem>>)
      } else {
      }
      %div3A_321 = arith.constant 4 : i32
      %div3A_322 = arith.divsi %add3A_313, %div3A_321 : i32
      %rem3A_323 = arith.constant 4 : i32
      %rem3A_324 = arith.remsi %add3A_313, %rem3A_323 : i32
      %dma_wait3A_325 = arith.constant 2 : i32
      %dma_wait3A_326 = arith.constant 0 : i32
      %dma_wait3A_327 = arith.constant 0 : i32
      %dma_wait3A_328 = tpu.memref_slice %arg13[%dma_wait3A_325, %dma_wait3A_326, %dma_wait3A_327] : memref<4x128x64xf32, #tpu.memory_space<vmem>> -> memref<1x128x64xf32, #tpu.memory_space<vmem>>
      %dma_wait3A_329 = tpu.memref_squeeze %dma_wait3A_328 : memref<1x128x64xf32, #tpu.memory_space<vmem>> -> memref<128x64xf32, #tpu.memory_space<vmem>>
      %dma_wait3A_330 = arith.constant 0 : i32
      %dma_wait3A_331 = tpu.memref_slice %arg12[%div3A_322, %rem3A_324, %dma_wait3A_330] : memref<32x4x128xi32, #tpu.memory_space<vmem>> -> memref<1x1x128xi32, #tpu.memory_space<vmem>>
      %dma_wait3A_332 = tpu.memref_squeeze %dma_wait3A_331 : memref<1x1x128xi32, #tpu.memory_space<vmem>> -> memref<128xi32, #tpu.memory_space<vmem>>
      %dma_wait3A_333 = arith.constant 0 : i32
      %dma_wait3A_334 = arith.constant 0 : i32
      %dma_wait3A_335 = tpu.memref_slice %arg7[%dma_wait3A_333, %dma_wait3A_334] : memref<1000000x64xf32, #tpu.memory_space<hbm>> -> memref<1000000x64xf32, #tpu.memory_space<hbm>>
      tpu.wait_indirect_dma semaphore(%arg30 : memref<!tpu.dma_semaphore, #tpu.memory_space<semaphore_mem>>) src(%dma_wait3A_335 : memref<1000000x64xf32, #tpu.memory_space<hbm>>) dst(%dma_wait3A_329 : memref<128x64xf32, #tpu.memory_space<vmem>>)
      %dma_wait3A_336 = arith.constant 2 : i32
      %dma_wait3A_337 = arith.constant 0 : i32
      %dma_wait3A_338 = arith.constant 0 : i32
      %dma_wait3A_339 = tpu.memref_slice %arg14[%dma_wait3A_336, %dma_wait3A_337, %dma_wait3A_338] : memref<4x128x64xf32, #tpu.memory_space<vmem>> -> memref<1x128x64xf32, #tpu.memory_space<vmem>>
      %dma_wait3A_340 = tpu.memref_squeeze %dma_wait3A_339 : memref<1x128x64xf32, #tpu.memory_space<vmem>> -> memref<128x64xf32, #tpu.memory_space<vmem>>
      %dma_wait3A_341 = arith.constant 0 : i32
      %dma_wait3A_342 = tpu.memref_slice %arg12[%div3A_322, %rem3A_324, %dma_wait3A_341] : memref<32x4x128xi32, #tpu.memory_space<vmem>> -> memref<1x1x128xi32, #tpu.memory_space<vmem>>
      %dma_wait3A_343 = tpu.memref_squeeze %dma_wait3A_342 : memref<1x1x128xi32, #tpu.memory_space<vmem>> -> memref<128xi32, #tpu.memory_space<vmem>>
      %dma_wait3A_344 = arith.constant 0 : i32
      %dma_wait3A_345 = arith.constant 0 : i32
      %dma_wait3A_346 = tpu.memref_slice %arg8[%dma_wait3A_344, %dma_wait3A_345] : memref<1000000x64xf32, #tpu.memory_space<hbm>> -> memref<1000000x64xf32, #tpu.memory_space<hbm>>
      tpu.wait_indirect_dma semaphore(%arg31 : memref<!tpu.dma_semaphore, #tpu.memory_space<semaphore_mem>>) src(%dma_wait3A_346 : memref<1000000x64xf32, #tpu.memory_space<hbm>>) dst(%dma_wait3A_340 : memref<128x64xf32, #tpu.memory_space<vmem>>)
      %div3A_347 = arith.constant 4 : i32
      %div3A_348 = arith.divsi %add3A_313, %div3A_347 : i32
      %rem3A_349 = arith.constant 4 : i32
      %rem3A_350 = arith.remsi %add3A_313, %rem3A_349 : i32
      %mul3A_351 = arith.constant 128 : i32
      %mul3A_352 = arith.muli %rem3A_350, %mul3A_351 : i32
      %broadcast_in_dim3A_353 = vector.broadcast %div3A_348 : i32 to vector<16xi32>
      %get3A_354 = arith.index_cast %div3A_348 : i32 to index
      %get3A_355 = arith.constant 0 : index
      %get3A_356 = tpu.vector_load %arg21[%get3A_354, %get3A_355] {strides = array<i32>} : memref<32x64xf32, #tpu.memory_space<vmem>>, vector<16xf32>,
      %get3A_357 = arith.index_cast %div3A_348 : i32 to index
      %get3A_358 = arith.constant 16 : index
      %get3A_359 = tpu.vector_load %arg21[%get3A_357, %get3A_358] {strides = array<i32>} : memref<32x64xf32, #tpu.memory_space<vmem>>, vector<16xf32>,
      %get3A_360 = arith.index_cast %div3A_348 : i32 to index
      %get3A_361 = arith.constant 32 : index
      %get3A_362 = tpu.vector_load %arg21[%get3A_360, %get3A_361] {strides = array<i32>} : memref<32x64xf32, #tpu.memory_space<vmem>>, vector<16xf32>,
      %get3A_363 = arith.index_cast %div3A_348 : i32 to index
      %get3A_364 = arith.constant 48 : index
      %get3A_365 = tpu.vector_load %arg21[%get3A_363, %get3A_364] {strides = array<i32>} : memref<32x64xf32, #tpu.memory_space<vmem>>, vector<16xf32>,
      %get3A_366 = arith.index_cast %div3A_348 : i32 to index
      %get3A_367 = arith.constant 0 : index
      %get3A_368 = tpu.vector_load %arg22[%get3A_366, %get3A_367] {strides = array<i32>} : memref<32x64xf32, #tpu.memory_space<vmem>>, vector<16xf32>,
      %get3A_369 = arith.index_cast %div3A_348 : i32 to index
      %get3A_370 = arith.constant 16 : index
      %get3A_371 = tpu.vector_load %arg22[%get3A_369, %get3A_370] {strides = array<i32>} : memref<32x64xf32, #tpu.memory_space<vmem>>, vector<16xf32>,
      %get3A_372 = arith.index_cast %div3A_348 : i32 to index
      %get3A_373 = arith.constant 32 : index
      %get3A_374 = tpu.vector_load %arg22[%get3A_372, %get3A_373] {strides = array<i32>} : memref<32x64xf32, #tpu.memory_space<vmem>>, vector<16xf32>,
      %get3A_375 = arith.index_cast %div3A_348 : i32 to index
      %get3A_376 = arith.constant 48 : index
      %get3A_377 = tpu.vector_load %arg22[%get3A_375, %get3A_376] {strides = array<i32>} : memref<32x64xf32, #tpu.memory_space<vmem>>, vector<16xf32>,
      %get3A_378 = arith.index_cast %div3A_348 : i32 to index
      %get3A_379 = arith.constant 0 : index
      %get3A_380 = tpu.vector_load %arg23[%get3A_378, %get3A_379] {strides = array<i32>} : memref<32x64xf32, #tpu.memory_space<vmem>>, vector<16xf32>,
      %get3A_381 = arith.index_cast %div3A_348 : i32 to index
      %get3A_382 = arith.constant 16 : index
      %get3A_383 = tpu.vector_load %arg23[%get3A_381, %get3A_382] {strides = array<i32>} : memref<32x64xf32, #tpu.memory_space<vmem>>, vector<16xf32>,
      %get3A_384 = arith.index_cast %div3A_348 : i32 to index
      %get3A_385 = arith.constant 32 : index
      %get3A_386 = tpu.vector_load %arg23[%get3A_384, %get3A_385] {strides = array<i32>} : memref<32x64xf32, #tpu.memory_space<vmem>>, vector<16xf32>,
      %get3A_387 = arith.index_cast %div3A_348 : i32 to index
      %get3A_388 = arith.constant 48 : index
      %get3A_389 = tpu.vector_load %arg23[%get3A_387, %get3A_388] {strides = array<i32>} : memref<32x64xf32, #tpu.memory_space<vmem>>, vector<16xf32>,
      %get3A_390 = arith.index_cast %div3A_348 : i32 to index
      %get3A_391 = arith.constant 0 : index
      %get3A_392 = tpu.vector_load %arg24[%get3A_390, %get3A_391] {strides = array<i32>} : memref<32x64xf32, #tpu.memory_space<vmem>>, vector<16xf32>,
      %get3A_393 = arith.index_cast %div3A_348 : i32 to index
      %get3A_394 = arith.constant 16 : index
      %get3A_395 = tpu.vector_load %arg24[%get3A_393, %get3A_394] {strides = array<i32>} : memref<32x64xf32, #tpu.memory_space<vmem>>, vector<16xf32>,
      %get3A_396 = arith.index_cast %div3A_348 : i32 to index
      %get3A_397 = arith.constant 32 : index
      %get3A_398 = tpu.vector_load %arg24[%get3A_396, %get3A_397] {strides = array<i32>} : memref<32x64xf32, #tpu.memory_space<vmem>>, vector<16xf32>,
      %get3A_399 = arith.index_cast %div3A_348 : i32 to index
      %get3A_400 = arith.constant 48 : index
      %get3A_401 = tpu.vector_load %arg24[%get3A_399, %get3A_400] {strides = array<i32>} : memref<32x64xf32, #tpu.memory_space<vmem>>, vector<16xf32>,
      %scan3A_402 = arith.constant 0 : i32
      %scan3A_403 = arith.constant 0 : i32
      %scan3A_404 = arith.constant 128 : i32
      %scan3A_405 = arith.addi %scan3A_403, %scan3A_404 : i32
      %scan3A_406 = arith.constant 8 : i32
      scf.for %scan3A_506 = %scan3A_403 to %scan3A_405 step %scan3A_406  : i32 {
        %broadcast_in_dim3A_507 = arith.constant 0.000000e+00 : f32
        %broadcast_in_dim3A_508 = vector.broadcast %broadcast_in_dim3A_507 : f32 to vector<16xf32>
        %get3A_509 = arith.constant 2 : i32
        %get3A_510 = arith.index_cast %get3A_509 : i32 to index
        %get3A_511 = arith.index_cast %scan3A_506 : i32 to index
        %get3A_512 = arith.constant 0 : index
        %get3A_513 = tpu.vector_load %arg13[%get3A_510, %get3A_511, %get3A_512] {strides = array<i32>} : memref<4x128x64xf32, #tpu.memory_space<vmem>>, vector<16xf32>,
        %get3A_514 = arith.constant 2 : i32
        %get3A_515 = arith.index_cast %get3A_514 : i32 to index
        %get3A_516 = arith.index_cast %scan3A_506 : i32 to index
        %get3A_517 = arith.constant 0 : index
        %get3A_518 = tpu.vector_load %arg14[%get3A_515, %get3A_516, %get3A_517] {strides = array<i32>} : memref<4x128x64xf32, #tpu.memory_space<vmem>>, vector<16xf32>,
        %mul3A_519 = arith.mulf %get3A_513, %get3A_356 : vector<16xf32>
        %sub3A = arith.subf %get3A_380, %mul3A_519 : vector<16xf32>
        %mul3A_520 = arith.mulf %get3A_518, %get3A_368 : vector<16xf32>
        %add3A_521 = arith.addf %sub3A, %mul3A_520 : vector<16xf32>
        %mul3A_522 = arith.mulf %get3A_513, %get3A_368 : vector<16xf32>
        %add3A_523 = arith.addf %get3A_392, %mul3A_522 : vector<16xf32>
        %mul3A_524 = arith.mulf %get3A_518, %get3A_356 : vector<16xf32>
        %add3A_525 = arith.addf %add3A_523, %mul3A_524 : vector<16xf32>
        %abs3A = math.absf %add3A_521 : vector<16xf32>
        %add3A_526 = arith.addf %broadcast_in_dim3A_508, %abs3A : vector<16xf32>
        %abs3A_527 = math.absf %add3A_525 : vector<16xf32>
        %add3A_528 = arith.addf %add3A_526, %abs3A_527 : vector<16xf32>
        %get3A_529 = arith.constant 2 : i32
        %get3A_530 = arith.index_cast %get3A_529 : i32 to index
        %get3A_531 = arith.index_cast %scan3A_506 : i32 to index
        %get3A_532 = arith.constant 16 : index
        %get3A_533 = tpu.vector_load %arg13[%get3A_530, %get3A_531, %get3A_532] {strides = array<i32>} : memref<4x128x64xf32, #tpu.memory_space<vmem>>, vector<16xf32>,
        %get3A_534 = arith.constant 2 : i32
        %get3A_535 = arith.index_cast %get3A_534 : i32 to index
        %get3A_536 = arith.index_cast %scan3A_506 : i32 to index
        %get3A_537 = arith.constant 16 : index
        %get3A_538 = tpu.vector_load %arg14[%get3A_535, %get3A_536, %get3A_537] {strides = array<i32>} : memref<4x128x64xf32, #tpu.memory_space<vmem>>, vector<16xf32>,
        %mul3A_539 = arith.mulf %get3A_533, %get3A_359 : vector<16xf32>
        %sub3A_540 = arith.subf %get3A_383, %mul3A_539 : vector<16xf32>
        %mul3A_541 = arith.mulf %get3A_538, %get3A_371 : vector<16xf32>
        %add3A_542 = arith.addf %sub3A_540, %mul3A_541 : vector<16xf32>
        %mul3A_543 = arith.mulf %get3A_533, %get3A_371 : vector<16xf32>
        %add3A_544 = arith.addf %get3A_395, %mul3A_543 : vector<16xf32>
        %mul3A_545 = arith.mulf %get3A_538, %get3A_359 : vector<16xf32>
        %add3A_546 = arith.addf %add3A_544, %mul3A_545 : vector<16xf32>
        %abs3A_547 = math.absf %add3A_542 : vector<16xf32>
        %add3A_548 = arith.addf %add3A_528, %abs3A_547 : vector<16xf32>
        %abs3A_549 = math.absf %add3A_546 : vector<16xf32>
        %add3A_550 = arith.addf %add3A_548, %abs3A_549 : vector<16xf32>
        %get3A_551 = arith.constant 2 : i32
        %get3A_552 = arith.index_cast %get3A_551 : i32 to index
        %get3A_553 = arith.index_cast %scan3A_506 : i32 to index
        %get3A_554 = arith.constant 32 : index
        %get3A_555 = tpu.vector_load %arg13[%get3A_552, %get3A_553, %get3A_554] {strides = array<i32>} : memref<4x128x64xf32, #tpu.memory_space<vmem>>, vector<16xf32>,
        %get3A_556 = arith.constant 2 : i32
        %get3A_557 = arith.index_cast %get3A_556 : i32 to index
        %get3A_558 = arith.index_cast %scan3A_506 : i32 to index
        %get3A_559 = arith.constant 32 : index
        %get3A_560 = tpu.vector_load %arg14[%get3A_557, %get3A_558, %get3A_559] {strides = array<i32>} : memref<4x128x64xf32, #tpu.memory_space<vmem>>, vector<16xf32>,
        %mul3A_561 = arith.mulf %get3A_555, %get3A_362 : vector<16xf32>
        %sub3A_562 = arith.subf %get3A_386, %mul3A_561 : vector<16xf32>
        %mul3A_563 = arith.mulf %get3A_560, %get3A_374 : vector<16xf32>
        %add3A_564 = arith.addf %sub3A_562, %mul3A_563 : vector<16xf32>
        %mul3A_565 = arith.mulf %get3A_555, %get3A_374 : vector<16xf32>
        %add3A_566 = arith.addf %get3A_398, %mul3A_565 : vector<16xf32>
        %mul3A_567 = arith.mulf %get3A_560, %get3A_362 : vector<16xf32>
        %add3A_568 = arith.addf %add3A_566, %mul3A_567 : vector<16xf32>
        %abs3A_569 = math.absf %add3A_564 : vector<16xf32>
        %add3A_570 = arith.addf %add3A_550, %abs3A_569 : vector<16xf32>
        %abs3A_571 = math.absf %add3A_568 : vector<16xf32>
        %add3A_572 = arith.addf %add3A_570, %abs3A_571 : vector<16xf32>
        %get3A_573 = arith.constant 2 : i32
        %get3A_574 = arith.index_cast %get3A_573 : i32 to index
        %get3A_575 = arith.index_cast %scan3A_506 : i32 to index
        %get3A_576 = arith.constant 48 : index
        %get3A_577 = tpu.vector_load %arg13[%get3A_574, %get3A_575, %get3A_576] {strides = array<i32>} : memref<4x128x64xf32, #tpu.memory_space<vmem>>, vector<16xf32>,
        %get3A_578 = arith.constant 2 : i32
        %get3A_579 = arith.index_cast %get3A_578 : i32 to index
        %get3A_580 = arith.index_cast %scan3A_506 : i32 to index
        %get3A_581 = arith.constant 48 : index
        %get3A_582 = tpu.vector_load %arg14[%get3A_579, %get3A_580, %get3A_581] {strides = array<i32>} : memref<4x128x64xf32, #tpu.memory_space<vmem>>, vector<16xf32>,
        %mul3A_583 = arith.mulf %get3A_577, %get3A_365 : vector<16xf32>
        %sub3A_584 = arith.subf %get3A_389, %mul3A_583 : vector<16xf32>
        %mul3A_585 = arith.mulf %get3A_582, %get3A_377 : vector<16xf32>
        %add3A_586 = arith.addf %sub3A_584, %mul3A_585 : vector<16xf32>
        %mul3A_587 = arith.mulf %get3A_577, %get3A_377 : vector<16xf32>
        %add3A_588 = arith.addf %get3A_401, %mul3A_587 : vector<16xf32>
        %mul3A_589 = arith.mulf %get3A_582, %get3A_365 : vector<16xf32>
        %add3A_590 = arith.addf %add3A_588, %mul3A_589 : vector<16xf32>
        %abs3A_591 = math.absf %add3A_586 : vector<16xf32>
        %add3A_592 = arith.addf %add3A_572, %abs3A_591 : vector<16xf32>
        %abs3A_593 = math.absf %add3A_590 : vector<16xf32>
        %add3A_594 = arith.addf %add3A_592, %abs3A_593 : vector<16xf32>
        %reduce_sum3A = arith.constant true
        %reduce_sum3A_595 = vector.broadcast %reduce_sum3A : i1 to vector<16xi1>
        %reduce_sum3A_596 = tpu.scan <sum>, %add3A_594 masked %reduce_sum3A_595 : vector<16xf32>, vector<16xi1> -> vector<16xf32>
        %reduce_sum3A_597 = vector.extract %reduce_sum3A_596[15] : f32 from vector<16xf32>
        %broadcast_in_dim3A_598 = vector.broadcast %reduce_sum3A_597 : f32 to vector<16xf32>
        %add3A_599 = arith.addi %mul3A_352, %scan3A_506 : i32
        %broadcast_in_dim3A_600 = vector.broadcast %add3A_599 : i32 to vector<16xi32>
        tpu.vector_store_idx %arg25[%broadcast_in_dim3A_353, %broadcast_in_dim3A_600], %broadcast_in_dim3A_598 masked %eq3A_113 : memref<32x512xf32, #tpu.memory_space<vmem>>[vector<16xi32>, vector<16xi32>], vector<16xf32>, vector<16xi1>
        %scan3A_601 = arith.constant 1 : i32
        %scan3A_602 = arith.addi %scan3A_506, %scan3A_601 : i32
        %broadcast_in_dim3A_603 = arith.constant 0.000000e+00 : f32
        %broadcast_in_dim3A_604 = vector.broadcast %broadcast_in_dim3A_603 : f32 to vector<16xf32>
        %get3A_605 = arith.constant 2 : i32
        %get3A_606 = arith.index_cast %get3A_605 : i32 to index
        %get3A_607 = arith.index_cast %scan3A_602 : i32 to index
        %get3A_608 = arith.constant 0 : index
        %get3A_609 = tpu.vector_load %arg13[%get3A_606, %get3A_607, %get3A_608] {strides = array<i32>} : memref<4x128x64xf32, #tpu.memory_space<vmem>>, vector<16xf32>,
        %get3A_610 = arith.constant 2 : i32
        %get3A_611 = arith.index_cast %get3A_610 : i32 to index
        %get3A_612 = arith.index_cast %scan3A_602 : i32 to index
        %get3A_613 = arith.constant 0 : index
        %get3A_614 = tpu.vector_load %arg14[%get3A_611, %get3A_612, %get3A_613] {strides = array<i32>} : memref<4x128x64xf32, #tpu.memory_space<vmem>>, vector<16xf32>,
        %mul3A_615 = arith.mulf %get3A_609, %get3A_356 : vector<16xf32>
        %sub3A_616 = arith.subf %get3A_380, %mul3A_615 : vector<16xf32>
        %mul3A_617 = arith.mulf %get3A_614, %get3A_368 : vector<16xf32>
        %add3A_618 = arith.addf %sub3A_616, %mul3A_617 : vector<16xf32>
        %mul3A_619 = arith.mulf %get3A_609, %get3A_368 : vector<16xf32>
        %add3A_620 = arith.addf %get3A_392, %mul3A_619 : vector<16xf32>
        %mul3A_621 = arith.mulf %get3A_614, %get3A_356 : vector<16xf32>
        %add3A_622 = arith.addf %add3A_620, %mul3A_621 : vector<16xf32>
        %abs3A_623 = math.absf %add3A_618 : vector<16xf32>
        %add3A_624 = arith.addf %broadcast_in_dim3A_604, %abs3A_623 : vector<16xf32>
        %abs3A_625 = math.absf %add3A_622 : vector<16xf32>
        %add3A_626 = arith.addf %add3A_624, %abs3A_625 : vector<16xf32>
        %get3A_627 = arith.constant 2 : i32
        %get3A_628 = arith.index_cast %get3A_627 : i32 to index
        %get3A_629 = arith.index_cast %scan3A_602 : i32 to index
        %get3A_630 = arith.constant 16 : index
        %get3A_631 = tpu.vector_load %arg13[%get3A_628, %get3A_629, %get3A_630] {strides = array<i32>} : memref<4x128x64xf32, #tpu.memory_space<vmem>>, vector<16xf32>,
        %get3A_632 = arith.constant 2 : i32
        %get3A_633 = arith.index_cast %get3A_632 : i32 to index
        %get3A_634 = arith.index_cast %scan3A_602 : i32 to index
        %get3A_635 = arith.constant 16 : index
        %get3A_636 = tpu.vector_load %arg14[%get3A_633, %get3A_634, %get3A_635] {strides = array<i32>} : memref<4x128x64xf32, #tpu.memory_space<vmem>>, vector<16xf32>,
        %mul3A_637 = arith.mulf %get3A_631, %get3A_359 : vector<16xf32>
        %sub3A_638 = arith.subf %get3A_383, %mul3A_637 : vector<16xf32>
        %mul3A_639 = arith.mulf %get3A_636, %get3A_371 : vector<16xf32>
        %add3A_640 = arith.addf %sub3A_638, %mul3A_639 : vector<16xf32>
        %mul3A_641 = arith.mulf %get3A_631, %get3A_371 : vector<16xf32>
        %add3A_642 = arith.addf %get3A_395, %mul3A_641 : vector<16xf32>
        %mul3A_643 = arith.mulf %get3A_636, %get3A_359 : vector<16xf32>
        %add3A_644 = arith.addf %add3A_642, %mul3A_643 : vector<16xf32>
        %abs3A_645 = math.absf %add3A_640 : vector<16xf32>
        %add3A_646 = arith.addf %add3A_626, %abs3A_645 : vector<16xf32>
        %abs3A_647 = math.absf %add3A_644 : vector<16xf32>
        %add3A_648 = arith.addf %add3A_646, %abs3A_647 : vector<16xf32>
        %get3A_649 = arith.constant 2 : i32
        %get3A_650 = arith.index_cast %get3A_649 : i32 to index
        %get3A_651 = arith.index_cast %scan3A_602 : i32 to index
        %get3A_652 = arith.constant 32 : index
        %get3A_653 = tpu.vector_load %arg13[%get3A_650, %get3A_651, %get3A_652] {strides = array<i32>} : memref<4x128x64xf32, #tpu.memory_space<vmem>>, vector<16xf32>,
        %get3A_654 = arith.constant 2 : i32
        %get3A_655 = arith.index_cast %get3A_654 : i32 to index
        %get3A_656 = arith.index_cast %scan3A_602 : i32 to index
        %get3A_657 = arith.constant 32 : index
        %get3A_658 = tpu.vector_load %arg14[%get3A_655, %get3A_656, %get3A_657] {strides = array<i32>} : memref<4x128x64xf32, #tpu.memory_space<vmem>>, vector<16xf32>,
        %mul3A_659 = arith.mulf %get3A_653, %get3A_362 : vector<16xf32>
        %sub3A_660 = arith.subf %get3A_386, %mul3A_659 : vector<16xf32>
        %mul3A_661 = arith.mulf %get3A_658, %get3A_374 : vector<16xf32>
        %add3A_662 = arith.addf %sub3A_660, %mul3A_661 : vector<16xf32>
        %mul3A_663 = arith.mulf %get3A_653, %get3A_374 : vector<16xf32>
        %add3A_664 = arith.addf %get3A_398, %mul3A_663 : vector<16xf32>
        %mul3A_665 = arith.mulf %get3A_658, %get3A_362 : vector<16xf32>
        %add3A_666 = arith.addf %add3A_664, %mul3A_665 : vector<16xf32>
        %abs3A_667 = math.absf %add3A_662 : vector<16xf32>
        %add3A_668 = arith.addf %add3A_648, %abs3A_667 : vector<16xf32>
        %abs3A_669 = math.absf %add3A_666 : vector<16xf32>
        %add3A_670 = arith.addf %add3A_668, %abs3A_669 : vector<16xf32>
        %get3A_671 = arith.constant 2 : i32
        %get3A_672 = arith.index_cast %get3A_671 : i32 to index
        %get3A_673 = arith.index_cast %scan3A_602 : i32 to index
        %get3A_674 = arith.constant 48 : index
        %get3A_675 = tpu.vector_load %arg13[%get3A_672, %get3A_673, %get3A_674] {strides = array<i32>} : memref<4x128x64xf32, #tpu.memory_space<vmem>>, vector<16xf32>,
        %get3A_676 = arith.constant 2 : i32
        %get3A_677 = arith.index_cast %get3A_676 : i32 to index
        %get3A_678 = arith.index_cast %scan3A_602 : i32 to index
        %get3A_679 = arith.constant 48 : index
        %get3A_680 = tpu.vector_load %arg14[%get3A_677, %get3A_678, %get3A_679] {strides = array<i32>} : memref<4x128x64xf32, #tpu.memory_space<vmem>>, vector<16xf32>,
        %mul3A_681 = arith.mulf %get3A_675, %get3A_365 : vector<16xf32>
        %sub3A_682 = arith.subf %get3A_389, %mul3A_681 : vector<16xf32>
        %mul3A_683 = arith.mulf %get3A_680, %get3A_377 : vector<16xf32>
        %add3A_684 = arith.addf %sub3A_682, %mul3A_683 : vector<16xf32>
        %mul3A_685 = arith.mulf %get3A_675, %get3A_377 : vector<16xf32>
        %add3A_686 = arith.addf %get3A_401, %mul3A_685 : vector<16xf32>
        %mul3A_687 = arith.mulf %get3A_680, %get3A_365 : vector<16xf32>
        %add3A_688 = arith.addf %add3A_686, %mul3A_687 : vector<16xf32>
        %abs3A_689 = math.absf %add3A_684 : vector<16xf32>
        %add3A_690 = arith.addf %add3A_670, %abs3A_689 : vector<16xf32>
        %abs3A_691 = math.absf %add3A_688 : vector<16xf32>
        %add3A_692 = arith.addf %add3A_690, %abs3A_691 : vector<16xf32>
        %reduce_sum3A_693 = arith.constant true
        %reduce_sum3A_694 = vector.broadcast %reduce_sum3A_693 : i1 to vector<16xi1>
        %reduce_sum3A_695 = tpu.scan <sum>, %add3A_692 masked %reduce_sum3A_694 : vector<16xf32>, vector<16xi1> -> vector<16xf32>
        %reduce_sum3A_696 = vector.extract %reduce_sum3A_695[15] : f32 from vector<16xf32>
        %broadcast_in_dim3A_697 = vector.broadcast %reduce_sum3A_696 : f32 to vector<16xf32>
        %add3A_698 = arith.addi %mul3A_352, %scan3A_602 : i32
        %broadcast_in_dim3A_699 = vector.broadcast %add3A_698 : i32 to vector<16xi32>
        tpu.vector_store_idx %arg25[%broadcast_in_dim3A_353, %broadcast_in_dim3A_699], %broadcast_in_dim3A_697 masked %eq3A_113 : memref<32x512xf32, #tpu.memory_space<vmem>>[vector<16xi32>, vector<16xi32>], vector<16xf32>, vector<16xi1>
        %scan3A_700 = arith.constant 2 : i32
        %scan3A_701 = arith.addi %scan3A_506, %scan3A_700 : i32
        %broadcast_in_dim3A_702 = arith.constant 0.000000e+00 : f32
        %broadcast_in_dim3A_703 = vector.broadcast %broadcast_in_dim3A_702 : f32 to vector<16xf32>
        %get3A_704 = arith.constant 2 : i32
        %get3A_705 = arith.index_cast %get3A_704 : i32 to index
        %get3A_706 = arith.index_cast %scan3A_701 : i32 to index
        %get3A_707 = arith.constant 0 : index
        %get3A_708 = tpu.vector_load %arg13[%get3A_705, %get3A_706, %get3A_707] {strides = array<i32>} : memref<4x128x64xf32, #tpu.memory_space<vmem>>, vector<16xf32>,
        %get3A_709 = arith.constant 2 : i32
        %get3A_710 = arith.index_cast %get3A_709 : i32 to index
        %get3A_711 = arith.index_cast %scan3A_701 : i32 to index
        %get3A_712 = arith.constant 0 : index
        %get3A_713 = tpu.vector_load %arg14[%get3A_710, %get3A_711, %get3A_712] {strides = array<i32>} : memref<4x128x64xf32, #tpu.memory_space<vmem>>, vector<16xf32>,
        %mul3A_714 = arith.mulf %get3A_708, %get3A_356 : vector<16xf32>
        %sub3A_715 = arith.subf %get3A_380, %mul3A_714 : vector<16xf32>
        %mul3A_716 = arith.mulf %get3A_713, %get3A_368 : vector<16xf32>
        %add3A_717 = arith.addf %sub3A_715, %mul3A_716 : vector<16xf32>
        %mul3A_718 = arith.mulf %get3A_708, %get3A_368 : vector<16xf32>
        %add3A_719 = arith.addf %get3A_392, %mul3A_718 : vector<16xf32>
        %mul3A_720 = arith.mulf %get3A_713, %get3A_356 : vector<16xf32>
        %add3A_721 = arith.addf %add3A_719, %mul3A_720 : vector<16xf32>
        %abs3A_722 = math.absf %add3A_717 : vector<16xf32>
        %add3A_723 = arith.addf %broadcast_in_dim3A_703, %abs3A_722 : vector<16xf32>
        %abs3A_724 = math.absf %add3A_721 : vector<16xf32>
        %add3A_725 = arith.addf %add3A_723, %abs3A_724 : vector<16xf32>
        %get3A_726 = arith.constant 2 : i32
        %get3A_727 = arith.index_cast %get3A_726 : i32 to index
        %get3A_728 = arith.index_cast %scan3A_701 : i32 to index
        %get3A_729 = arith.constant 16 : index
        %get3A_730 = tpu.vector_load %arg13[%get3A_727, %get3A_728, %get3A_729] {strides = array<i32>} : memref<4x128x64xf32, #tpu.memory_space<vmem>>, vector<16xf32>,
        %get3A_731 = arith.constant 2 : i32
        %get3A_732 = arith.index_cast %get3A_731 : i32 to index
        %get3A_733 = arith.index_cast %scan3A_701 : i32 to index
        %get3A_734 = arith.constant 16 : index
        %get3A_735 = tpu.vector_load %arg14[%get3A_732, %get3A_733, %get3A_734] {strides = array<i32>} : memref<4x128x64xf32, #tpu.memory_space<vmem>>, vector<16xf32>,
        %mul3A_736 = arith.mulf %get3A_730, %get3A_359 : vector<16xf32>
        %sub3A_737 = arith.subf %get3A_383, %mul3A_736 : vector<16xf32>
        %mul3A_738 = arith.mulf %get3A_735, %get3A_371 : vector<16xf32>
        %add3A_739 = arith.addf %sub3A_737, %mul3A_738 : vector<16xf32>
        %mul3A_740 = arith.mulf %get3A_730, %get3A_371 : vector<16xf32>
        %add3A_741 = arith.addf %get3A_395, %mul3A_740 : vector<16xf32>
        %mul3A_742 = arith.mulf %get3A_735, %get3A_359 : vector<16xf32>
        %add3A_743 = arith.addf %add3A_741, %mul3A_742 : vector<16xf32>
        %abs3A_744 = math.absf %add3A_739 : vector<16xf32>
        %add3A_745 = arith.addf %add3A_725, %abs3A_744 : vector<16xf32>
        %abs3A_746 = math.absf %add3A_743 : vector<16xf32>
        %add3A_747 = arith.addf %add3A_745, %abs3A_746 : vector<16xf32>
        %get3A_748 = arith.constant 2 : i32
        %get3A_749 = arith.index_cast %get3A_748 : i32 to index
        %get3A_750 = arith.index_cast %scan3A_701 : i32 to index
        %get3A_751 = arith.constant 32 : index
        %get3A_752 = tpu.vector_load %arg13[%get3A_749, %get3A_750, %get3A_751] {strides = array<i32>} : memref<4x128x64xf32, #tpu.memory_space<vmem>>, vector<16xf32>,
        %get3A_753 = arith.constant 2 : i32
        %get3A_754 = arith.index_cast %get3A_753 : i32 to index
        %get3A_755 = arith.index_cast %scan3A_701 : i32 to index
        %get3A_756 = arith.constant 32 : index
        %get3A_757 = tpu.vector_load %arg14[%get3A_754, %get3A_755, %get3A_756] {strides = array<i32>} : memref<4x128x64xf32, #tpu.memory_space<vmem>>, vector<16xf32>,
        %mul3A_758 = arith.mulf %get3A_752, %get3A_362 : vector<16xf32>
        %sub3A_759 = arith.subf %get3A_386, %mul3A_758 : vector<16xf32>
        %mul3A_760 = arith.mulf %get3A_757, %get3A_374 : vector<16xf32>
        %add3A_761 = arith.addf %sub3A_759, %mul3A_760 : vector<16xf32>
        %mul3A_762 = arith.mulf %get3A_752, %get3A_374 : vector<16xf32>
        %add3A_763 = arith.addf %get3A_398, %mul3A_762 : vector<16xf32>
        %mul3A_764 = arith.mulf %get3A_757, %get3A_362 : vector<16xf32>
        %add3A_765 = arith.addf %add3A_763, %mul3A_764 : vector<16xf32>
        %abs3A_766 = math.absf %add3A_761 : vector<16xf32>
        %add3A_767 = arith.addf %add3A_747, %abs3A_766 : vector<16xf32>
        %abs3A_768 = math.absf %add3A_765 : vector<16xf32>
        %add3A_769 = arith.addf %add3A_767, %abs3A_768 : vector<16xf32>
        %get3A_770 = arith.constant 2 : i32
        %get3A_771 = arith.index_cast %get3A_770 : i32 to index
        %get3A_772 = arith.index_cast %scan3A_701 : i32 to index
        %get3A_773 = arith.constant 48 : index
        %get3A_774 = tpu.vector_load %arg13[%get3A_771, %get3A_772, %get3A_773] {strides = array<i32>} : memref<4x128x64xf32, #tpu.memory_space<vmem>>, vector<16xf32>,
        %get3A_775 = arith.constant 2 : i32
        %get3A_776 = arith.index_cast %get3A_775 : i32 to index
        %get3A_777 = arith.index_cast %scan3A_701 : i32 to index
        %get3A_778 = arith.constant 48 : index
        %get3A_779 = tpu.vector_load %arg14[%get3A_776, %get3A_777, %get3A_778] {strides = array<i32>} : memref<4x128x64xf32, #tpu.memory_space<vmem>>, vector<16xf32>,
        %mul3A_780 = arith.mulf %get3A_774, %get3A_365 : vector<16xf32>
        %sub3A_781 = arith.subf %get3A_389, %mul3A_780 : vector<16xf32>
        %mul3A_782 = arith.mulf %get3A_779, %get3A_377 : vector<16xf32>
        %add3A_783 = arith.addf %sub3A_781, %mul3A_782 : vector<16xf32>
        %mul3A_784 = arith.mulf %get3A_774, %get3A_377 : vector<16xf32>
        %add3A_785 = arith.addf %get3A_401, %mul3A_784 : vector<16xf32>
        %mul3A_786 = arith.mulf %get3A_779, %get3A_365 : vector<16xf32>
        %add3A_787 = arith.addf %add3A_785, %mul3A_786 : vector<16xf32>
        %abs3A_788 = math.absf %add3A_783 : vector<16xf32>
        %add3A_789 = arith.addf %add3A_769, %abs3A_788 : vector<16xf32>
        %abs3A_790 = math.absf %add3A_787 : vector<16xf32>
        %add3A_791 = arith.addf %add3A_789, %abs3A_790 : vector<16xf32>
        %reduce_sum3A_792 = arith.constant true
        %reduce_sum3A_793 = vector.broadcast %reduce_sum3A_792 : i1 to vector<16xi1>
        %reduce_sum3A_794 = tpu.scan <sum>, %add3A_791 masked %reduce_sum3A_793 : vector<16xf32>, vector<16xi1> -> vector<16xf32>
        %reduce_sum3A_795 = vector.extract %reduce_sum3A_794[15] : f32 from vector<16xf32>
        %broadcast_in_dim3A_796 = vector.broadcast %reduce_sum3A_795 : f32 to vector<16xf32>
        %add3A_797 = arith.addi %mul3A_352, %scan3A_701 : i32
        %broadcast_in_dim3A_798 = vector.broadcast %add3A_797 : i32 to vector<16xi32>
        tpu.vector_store_idx %arg25[%broadcast_in_dim3A_353, %broadcast_in_dim3A_798], %broadcast_in_dim3A_796 masked %eq3A_113 : memref<32x512xf32, #tpu.memory_space<vmem>>[vector<16xi32>, vector<16xi32>], vector<16xf32>, vector<16xi1>
        %scan3A_799 = arith.constant 3 : i32
        %scan3A_800 = arith.addi %scan3A_506, %scan3A_799 : i32
        %broadcast_in_dim3A_801 = arith.constant 0.000000e+00 : f32
        %broadcast_in_dim3A_802 = vector.broadcast %broadcast_in_dim3A_801 : f32 to vector<16xf32>
        %get3A_803 = arith.constant 2 : i32
        %get3A_804 = arith.index_cast %get3A_803 : i32 to index
        %get3A_805 = arith.index_cast %scan3A_800 : i32 to index
        %get3A_806 = arith.constant 0 : index
        %get3A_807 = tpu.vector_load %arg13[%get3A_804, %get3A_805, %get3A_806] {strides = array<i32>} : memref<4x128x64xf32, #tpu.memory_space<vmem>>, vector<16xf32>,
        %get3A_808 = arith.constant 2 : i32
        %get3A_809 = arith.index_cast %get3A_808 : i32 to index
        %get3A_810 = arith.index_cast %scan3A_800 : i32 to index
        %get3A_811 = arith.constant 0 : index
        %get3A_812 = tpu.vector_load %arg14[%get3A_809, %get3A_810, %get3A_811] {strides = array<i32>} : memref<4x128x64xf32, #tpu.memory_space<vmem>>, vector<16xf32>,
        %mul3A_813 = arith.mulf %get3A_807, %get3A_356 : vector<16xf32>
        %sub3A_814 = arith.subf %get3A_380, %mul3A_813 : vector<16xf32>
        %mul3A_815 = arith.mulf %get3A_812, %get3A_368 : vector<16xf32>
        %add3A_816 = arith.addf %sub3A_814, %mul3A_815 : vector<16xf32>
        %mul3A_817 = arith.mulf %get3A_807, %get3A_368 : vector<16xf32>
        %add3A_818 = arith.addf %get3A_392, %mul3A_817 : vector<16xf32>
        %mul3A_819 = arith.mulf %get3A_812, %get3A_356 : vector<16xf32>
        %add3A_820 = arith.addf %add3A_818, %mul3A_819 : vector<16xf32>
        %abs3A_821 = math.absf %add3A_816 : vector<16xf32>
        %add3A_822 = arith.addf %broadcast_in_dim3A_802, %abs3A_821 : vector<16xf32>
        %abs3A_823 = math.absf %add3A_820 : vector<16xf32>
        %add3A_824 = arith.addf %add3A_822, %abs3A_823 : vector<16xf32>
        %get3A_825 = arith.constant 2 : i32
        %get3A_826 = arith.index_cast %get3A_825 : i32 to index
        %get3A_827 = arith.index_cast %scan3A_800 : i32 to index
        %get3A_828 = arith.constant 16 : index
        %get3A_829 = tpu.vector_load %arg13[%get3A_826, %get3A_827, %get3A_828] {strides = array<i32>} : memref<4x128x64xf32, #tpu.memory_space<vmem>>, vector<16xf32>,
        %get3A_830 = arith.constant 2 : i32
        %get3A_831 = arith.index_cast %get3A_830 : i32 to index
        %get3A_832 = arith.index_cast %scan3A_800 : i32 to index
        %get3A_833 = arith.constant 16 : index
        %get3A_834 = tpu.vector_load %arg14[%get3A_831, %get3A_832, %get3A_833] {strides = array<i32>} : memref<4x128x64xf32, #tpu.memory_space<vmem>>, vector<16xf32>,
        %mul3A_835 = arith.mulf %get3A_829, %get3A_359 : vector<16xf32>
        %sub3A_836 = arith.subf %get3A_383, %mul3A_835 : vector<16xf32>
        %mul3A_837 = arith.mulf %get3A_834, %get3A_371 : vector<16xf32>
        %add3A_838 = arith.addf %sub3A_836, %mul3A_837 : vector<16xf32>
        %mul3A_839 = arith.mulf %get3A_829, %get3A_371 : vector<16xf32>
        %add3A_840 = arith.addf %get3A_395, %mul3A_839 : vector<16xf32>
        %mul3A_841 = arith.mulf %get3A_834, %get3A_359 : vector<16xf32>
        %add3A_842 = arith.addf %add3A_840, %mul3A_841 : vector<16xf32>
        %abs3A_843 = math.absf %add3A_838 : vector<16xf32>
        %add3A_844 = arith.addf %add3A_824, %abs3A_843 : vector<16xf32>
        %abs3A_845 = math.absf %add3A_842 : vector<16xf32>
        %add3A_846 = arith.addf %add3A_844, %abs3A_845 : vector<16xf32>
        %get3A_847 = arith.constant 2 : i32
        %get3A_848 = arith.index_cast %get3A_847 : i32 to index
        %get3A_849 = arith.index_cast %scan3A_800 : i32 to index
        %get3A_850 = arith.constant 32 : index
        %get3A_851 = tpu.vector_load %arg13[%get3A_848, %get3A_849, %get3A_850] {strides = array<i32>} : memref<4x128x64xf32, #tpu.memory_space<vmem>>, vector<16xf32>,
        %get3A_852 = arith.constant 2 : i32
        %get3A_853 = arith.index_cast %get3A_852 : i32 to index
        %get3A_854 = arith.index_cast %scan3A_800 : i32 to index
        %get3A_855 = arith.constant 32 : index
        %get3A_856 = tpu.vector_load %arg14[%get3A_853, %get3A_854, %get3A_855] {strides = array<i32>} : memref<4x128x64xf32, #tpu.memory_space<vmem>>, vector<16xf32>,
        %mul3A_857 = arith.mulf %get3A_851, %get3A_362 : vector<16xf32>
        %sub3A_858 = arith.subf %get3A_386, %mul3A_857 : vector<16xf32>
        %mul3A_859 = arith.mulf %get3A_856, %get3A_374 : vector<16xf32>
        %add3A_860 = arith.addf %sub3A_858, %mul3A_859 : vector<16xf32>
        %mul3A_861 = arith.mulf %get3A_851, %get3A_374 : vector<16xf32>
        %add3A_862 = arith.addf %get3A_398, %mul3A_861 : vector<16xf32>
        %mul3A_863 = arith.mulf %get3A_856, %get3A_362 : vector<16xf32>
        %add3A_864 = arith.addf %add3A_862, %mul3A_863 : vector<16xf32>
        %abs3A_865 = math.absf %add3A_860 : vector<16xf32>
        %add3A_866 = arith.addf %add3A_846, %abs3A_865 : vector<16xf32>
        %abs3A_867 = math.absf %add3A_864 : vector<16xf32>
        %add3A_868 = arith.addf %add3A_866, %abs3A_867 : vector<16xf32>
        %get3A_869 = arith.constant 2 : i32
        %get3A_870 = arith.index_cast %get3A_869 : i32 to index
        %get3A_871 = arith.index_cast %scan3A_800 : i32 to index
        %get3A_872 = arith.constant 48 : index
        %get3A_873 = tpu.vector_load %arg13[%get3A_870, %get3A_871, %get3A_872] {strides = array<i32>} : memref<4x128x64xf32, #tpu.memory_space<vmem>>, vector<16xf32>,
        %get3A_874 = arith.constant 2 : i32
        %get3A_875 = arith.index_cast %get3A_874 : i32 to index
        %get3A_876 = arith.index_cast %scan3A_800 : i32 to index
        %get3A_877 = arith.constant 48 : index
        %get3A_878 = tpu.vector_load %arg14[%get3A_875, %get3A_876, %get3A_877] {strides = array<i32>} : memref<4x128x64xf32, #tpu.memory_space<vmem>>, vector<16xf32>,
        %mul3A_879 = arith.mulf %get3A_873, %get3A_365 : vector<16xf32>
        %sub3A_880 = arith.subf %get3A_389, %mul3A_879 : vector<16xf32>
        %mul3A_881 = arith.mulf %get3A_878, %get3A_377 : vector<16xf32>
        %add3A_882 = arith.addf %sub3A_880, %mul3A_881 : vector<16xf32>
        %mul3A_883 = arith.mulf %get3A_873, %get3A_377 : vector<16xf32>
        %add3A_884 = arith.addf %get3A_401, %mul3A_883 : vector<16xf32>
        %mul3A_885 = arith.mulf %get3A_878, %get3A_365 : vector<16xf32>
        %add3A_886 = arith.addf %add3A_884, %mul3A_885 : vector<16xf32>
        %abs3A_887 = math.absf %add3A_882 : vector<16xf32>
        %add3A_888 = arith.addf %add3A_868, %abs3A_887 : vector<16xf32>
        %abs3A_889 = math.absf %add3A_886 : vector<16xf32>
        %add3A_890 = arith.addf %add3A_888, %abs3A_889 : vector<16xf32>
        %reduce_sum3A_891 = arith.constant true
        %reduce_sum3A_892 = vector.broadcast %reduce_sum3A_891 : i1 to vector<16xi1>
        %reduce_sum3A_893 = tpu.scan <sum>, %add3A_890 masked %reduce_sum3A_892 : vector<16xf32>, vector<16xi1> -> vector<16xf32>
        %reduce_sum3A_894 = vector.extract %reduce_sum3A_893[15] : f32 from vector<16xf32>
        %broadcast_in_dim3A_895 = vector.broadcast %reduce_sum3A_894 : f32 to vector<16xf32>
        %add3A_896 = arith.addi %mul3A_352, %scan3A_800 : i32
        %broadcast_in_dim3A_897 = vector.broadcast %add3A_896 : i32 to vector<16xi32>
        tpu.vector_store_idx %arg25[%broadcast_in_dim3A_353, %broadcast_in_dim3A_897], %broadcast_in_dim3A_895 masked %eq3A_113 : memref<32x512xf32, #tpu.memory_space<vmem>>[vector<16xi32>, vector<16xi32>], vector<16xf32>, vector<16xi1>
        %scan3A_898 = arith.constant 4 : i32
        %scan3A_899 = arith.addi %scan3A_506, %scan3A_898 : i32
        %broadcast_in_dim3A_900 = arith.constant 0.000000e+00 : f32
        %broadcast_in_dim3A_901 = vector.broadcast %broadcast_in_dim3A_900 : f32 to vector<16xf32>
        %get3A_902 = arith.constant 2 : i32
        %get3A_903 = arith.index_cast %get3A_902 : i32 to index
        %get3A_904 = arith.index_cast %scan3A_899 : i32 to index
        %get3A_905 = arith.constant 0 : index
        %get3A_906 = tpu.vector_load %arg13[%get3A_903, %get3A_904, %get3A_905] {strides = array<i32>} : memref<4x128x64xf32, #tpu.memory_space<vmem>>, vector<16xf32>,
        %get3A_907 = arith.constant 2 : i32
        %get3A_908 = arith.index_cast %get3A_907 : i32 to index
        %get3A_909 = arith.index_cast %scan3A_899 : i32 to index
        %get3A_910 = arith.constant 0 : index
        %get3A_911 = tpu.vector_load %arg14[%get3A_908, %get3A_909, %get3A_910] {strides = array<i32>} : memref<4x128x64xf32, #tpu.memory_space<vmem>>, vector<16xf32>,
        %mul3A_912 = arith.mulf %get3A_906, %get3A_356 : vector<16xf32>
        %sub3A_913 = arith.subf %get3A_380, %mul3A_912 : vector<16xf32>
        %mul3A_914 = arith.mulf %get3A_911, %get3A_368 : vector<16xf32>
        %add3A_915 = arith.addf %sub3A_913, %mul3A_914 : vector<16xf32>
        %mul3A_916 = arith.mulf %get3A_906, %get3A_368 : vector<16xf32>
        %add3A_917 = arith.addf %get3A_392, %mul3A_916 : vector<16xf32>
        %mul3A_918 = arith.mulf %get3A_911, %get3A_356 : vector<16xf32>
        %add3A_919 = arith.addf %add3A_917, %mul3A_918 : vector<16xf32>
        %abs3A_920 = math.absf %add3A_915 : vector<16xf32>
        %add3A_921 = arith.addf %broadcast_in_dim3A_901, %abs3A_920 : vector<16xf32>
        %abs3A_922 = math.absf %add3A_919 : vector<16xf32>
        %add3A_923 = arith.addf %add3A_921, %abs3A_922 : vector<16xf32>
        %get3A_924 = arith.constant 2 : i32
        %get3A_925 = arith.index_cast %get3A_924 : i32 to index
        %get3A_926 = arith.index_cast %scan3A_899 : i32 to index
        %get3A_927 = arith.constant 16 : index
        %get3A_928 = tpu.vector_load %arg13[%get3A_925, %get3A_926, %get3A_927] {strides = array<i32>} : memref<4x128x64xf32, #tpu.memory_space<vmem>>, vector<16xf32>,
        %get3A_929 = arith.constant 2 : i32
        %get3A_930 = arith.index_cast %get3A_929 : i32 to index
        %get3A_931 = arith.index_cast %scan3A_899 : i32 to index
        %get3A_932 = arith.constant 16 : index
        %get3A_933 = tpu.vector_load %arg14[%get3A_930, %get3A_931, %get3A_932] {strides = array<i32>} : memref<4x128x64xf32, #tpu.memory_space<vmem>>, vector<16xf32>,
        %mul3A_934 = arith.mulf %get3A_928, %get3A_359 : vector<16xf32>
        %sub3A_935 = arith.subf %get3A_383, %mul3A_934 : vector<16xf32>
        %mul3A_936 = arith.mulf %get3A_933, %get3A_371 : vector<16xf32>
        %add3A_937 = arith.addf %sub3A_935, %mul3A_936 : vector<16xf32>
        %mul3A_938 = arith.mulf %get3A_928, %get3A_371 : vector<16xf32>
        %add3A_939 = arith.addf %get3A_395, %mul3A_938 : vector<16xf32>
        %mul3A_940 = arith.mulf %get3A_933, %get3A_359 : vector<16xf32>
        %add3A_941 = arith.addf %add3A_939, %mul3A_940 : vector<16xf32>
        %abs3A_942 = math.absf %add3A_937 : vector<16xf32>
        %add3A_943 = arith.addf %add3A_923, %abs3A_942 : vector<16xf32>
        %abs3A_944 = math.absf %add3A_941 : vector<16xf32>
        %add3A_945 = arith.addf %add3A_943, %abs3A_944 : vector<16xf32>
        %get3A_946 = arith.constant 2 : i32
        %get3A_947 = arith.index_cast %get3A_946 : i32 to index
        %get3A_948 = arith.index_cast %scan3A_899 : i32 to index
        %get3A_949 = arith.constant 32 : index
        %get3A_950 = tpu.vector_load %arg13[%get3A_947, %get3A_948, %get3A_949] {strides = array<i32>} : memref<4x128x64xf32, #tpu.memory_space<vmem>>, vector<16xf32>,
        %get3A_951 = arith.constant 2 : i32
        %get3A_952 = arith.index_cast %get3A_951 : i32 to index
        %get3A_953 = arith.index_cast %scan3A_899 : i32 to index
        %get3A_954 = arith.constant 32 : index
        %get3A_955 = tpu.vector_load %arg14[%get3A_952, %get3A_953, %get3A_954] {strides = array<i32>} : memref<4x128x64xf32, #tpu.memory_space<vmem>>, vector<16xf32>,
        %mul3A_956 = arith.mulf %get3A_950, %get3A_362 : vector<16xf32>
        %sub3A_957 = arith.subf %get3A_386, %mul3A_956 : vector<16xf32>
        %mul3A_958 = arith.mulf %get3A_955, %get3A_374 : vector<16xf32>
        %add3A_959 = arith.addf %sub3A_957, %mul3A_958 : vector<16xf32>
        %mul3A_960 = arith.mulf %get3A_950, %get3A_374 : vector<16xf32>
        %add3A_961 = arith.addf %get3A_398, %mul3A_960 : vector<16xf32>
        %mul3A_962 = arith.mulf %get3A_955, %get3A_362 : vector<16xf32>
        %add3A_963 = arith.addf %add3A_961, %mul3A_962 : vector<16xf32>
        %abs3A_964 = math.absf %add3A_959 : vector<16xf32>
        %add3A_965 = arith.addf %add3A_945, %abs3A_964 : vector<16xf32>
        %abs3A_966 = math.absf %add3A_963 : vector<16xf32>
        %add3A_967 = arith.addf %add3A_965, %abs3A_966 : vector<16xf32>
        %get3A_968 = arith.constant 2 : i32
        %get3A_969 = arith.index_cast %get3A_968 : i32 to index
        %get3A_970 = arith.index_cast %scan3A_899 : i32 to index
        %get3A_971 = arith.constant 48 : index
        %get3A_972 = tpu.vector_load %arg13[%get3A_969, %get3A_970, %get3A_971] {strides = array<i32>} : memref<4x128x64xf32, #tpu.memory_space<vmem>>, vector<16xf32>,
        %get3A_973 = arith.constant 2 : i32
        %get3A_974 = arith.index_cast %get3A_973 : i32 to index
        %get3A_975 = arith.index_cast %scan3A_899 : i32 to index
        %get3A_976 = arith.constant 48 : index
        %get3A_977 = tpu.vector_load %arg14[%get3A_974, %get3A_975, %get3A_976] {strides = array<i32>} : memref<4x128x64xf32, #tpu.memory_space<vmem>>, vector<16xf32>,
        %mul3A_978 = arith.mulf %get3A_972, %get3A_365 : vector<16xf32>
        %sub3A_979 = arith.subf %get3A_389, %mul3A_978 : vector<16xf32>
        %mul3A_980 = arith.mulf %get3A_977, %get3A_377 : vector<16xf32>
        %add3A_981 = arith.addf %sub3A_979, %mul3A_980 : vector<16xf32>
        %mul3A_982 = arith.mulf %get3A_972, %get3A_377 : vector<16xf32>
        %add3A_983 = arith.addf %get3A_401, %mul3A_982 : vector<16xf32>
        %mul3A_984 = arith.mulf %get3A_977, %get3A_365 : vector<16xf32>
        %add3A_985 = arith.addf %add3A_983, %mul3A_984 : vector<16xf32>
        %abs3A_986 = math.absf %add3A_981 : vector<16xf32>
        %add3A_987 = arith.addf %add3A_967, %abs3A_986 : vector<16xf32>
        %abs3A_988 = math.absf %add3A_985 : vector<16xf32>
        %add3A_989 = arith.addf %add3A_987, %abs3A_988 : vector<16xf32>
        %reduce_sum3A_990 = arith.constant true
        %reduce_sum3A_991 = vector.broadcast %reduce_sum3A_990 : i1 to vector<16xi1>
        %reduce_sum3A_992 = tpu.scan <sum>, %add3A_989 masked %reduce_sum3A_991 : vector<16xf32>, vector<16xi1> -> vector<16xf32>
        %reduce_sum3A_993 = vector.extract %reduce_sum3A_992[15] : f32 from vector<16xf32>
        %broadcast_in_dim3A_994 = vector.broadcast %reduce_sum3A_993 : f32 to vector<16xf32>
        %add3A_995 = arith.addi %mul3A_352, %scan3A_899 : i32
        %broadcast_in_dim3A_996 = vector.broadcast %add3A_995 : i32 to vector<16xi32>
        tpu.vector_store_idx %arg25[%broadcast_in_dim3A_353, %broadcast_in_dim3A_996], %broadcast_in_dim3A_994 masked %eq3A_113 : memref<32x512xf32, #tpu.memory_space<vmem>>[vector<16xi32>, vector<16xi32>], vector<16xf32>, vector<16xi1>
        %scan3A_997 = arith.constant 5 : i32
        %scan3A_998 = arith.addi %scan3A_506, %scan3A_997 : i32
        %broadcast_in_dim3A_999 = arith.constant 0.000000e+00 : f32
        %broadcast_in_dim3A_1000 = vector.broadcast %broadcast_in_dim3A_999 : f32 to vector<16xf32>
        %get3A_1001 = arith.constant 2 : i32
        %get3A_1002 = arith.index_cast %get3A_1001 : i32 to index
        %get3A_1003 = arith.index_cast %scan3A_998 : i32 to index
        %get3A_1004 = arith.constant 0 : index
        %get3A_1005 = tpu.vector_load %arg13[%get3A_1002, %get3A_1003, %get3A_1004] {strides = array<i32>} : memref<4x128x64xf32, #tpu.memory_space<vmem>>, vector<16xf32>,
        %get3A_1006 = arith.constant 2 : i32
        %get3A_1007 = arith.index_cast %get3A_1006 : i32 to index
        %get3A_1008 = arith.index_cast %scan3A_998 : i32 to index
        %get3A_1009 = arith.constant 0 : index
        %get3A_1010 = tpu.vector_load %arg14[%get3A_1007, %get3A_1008, %get3A_1009] {strides = array<i32>} : memref<4x128x64xf32, #tpu.memory_space<vmem>>, vector<16xf32>,
        %mul3A_1011 = arith.mulf %get3A_1005, %get3A_356 : vector<16xf32>
        %sub3A_1012 = arith.subf %get3A_380, %mul3A_1011 : vector<16xf32>
        %mul3A_1013 = arith.mulf %get3A_1010, %get3A_368 : vector<16xf32>
        %add3A_1014 = arith.addf %sub3A_1012, %mul3A_1013 : vector<16xf32>
        %mul3A_1015 = arith.mulf %get3A_1005, %get3A_368 : vector<16xf32>
        %add3A_1016 = arith.addf %get3A_392, %mul3A_1015 : vector<16xf32>
        %mul3A_1017 = arith.mulf %get3A_1010, %get3A_356 : vector<16xf32>
        %add3A_1018 = arith.addf %add3A_1016, %mul3A_1017 : vector<16xf32>
        %abs3A_1019 = math.absf %add3A_1014 : vector<16xf32>
        %add3A_1020 = arith.addf %broadcast_in_dim3A_1000, %abs3A_1019 : vector<16xf32>
        %abs3A_1021 = math.absf %add3A_1018 : vector<16xf32>
        %add3A_1022 = arith.addf %add3A_1020, %abs3A_1021 : vector<16xf32>
        %get3A_1023 = arith.constant 2 : i32
        %get3A_1024 = arith.index_cast %get3A_1023 : i32 to index
        %get3A_1025 = arith.index_cast %scan3A_998 : i32 to index
        %get3A_1026 = arith.constant 16 : index
        %get3A_1027 = tpu.vector_load %arg13[%get3A_1024, %get3A_1025, %get3A_1026] {strides = array<i32>} : memref<4x128x64xf32, #tpu.memory_space<vmem>>, vector<16xf32>,
        %get3A_1028 = arith.constant 2 : i32
        %get3A_1029 = arith.index_cast %get3A_1028 : i32 to index
        %get3A_1030 = arith.index_cast %scan3A_998 : i32 to index
        %get3A_1031 = arith.constant 16 : index
        %get3A_1032 = tpu.vector_load %arg14[%get3A_1029, %get3A_1030, %get3A_1031] {strides = array<i32>} : memref<4x128x64xf32, #tpu.memory_space<vmem>>, vector<16xf32>,
        %mul3A_1033 = arith.mulf %get3A_1027, %get3A_359 : vector<16xf32>
        %sub3A_1034 = arith.subf %get3A_383, %mul3A_1033 : vector<16xf32>
        %mul3A_1035 = arith.mulf %get3A_1032, %get3A_371 : vector<16xf32>
        %add3A_1036 = arith.addf %sub3A_1034, %mul3A_1035 : vector<16xf32>
        %mul3A_1037 = arith.mulf %get3A_1027, %get3A_371 : vector<16xf32>
        %add3A_1038 = arith.addf %get3A_395, %mul3A_1037 : vector<16xf32>
        %mul3A_1039 = arith.mulf %get3A_1032, %get3A_359 : vector<16xf32>
        %add3A_1040 = arith.addf %add3A_1038, %mul3A_1039 : vector<16xf32>
        %abs3A_1041 = math.absf %add3A_1036 : vector<16xf32>
        %add3A_1042 = arith.addf %add3A_1022, %abs3A_1041 : vector<16xf32>
        %abs3A_1043 = math.absf %add3A_1040 : vector<16xf32>
        %add3A_1044 = arith.addf %add3A_1042, %abs3A_1043 : vector<16xf32>
        %get3A_1045 = arith.constant 2 : i32
        %get3A_1046 = arith.index_cast %get3A_1045 : i32 to index
        %get3A_1047 = arith.index_cast %scan3A_998 : i32 to index
        %get3A_1048 = arith.constant 32 : index
        %get3A_1049 = tpu.vector_load %arg13[%get3A_1046, %get3A_1047, %get3A_1048] {strides = array<i32>} : memref<4x128x64xf32, #tpu.memory_space<vmem>>, vector<16xf32>,
        %get3A_1050 = arith.constant 2 : i32
        %get3A_1051 = arith.index_cast %get3A_1050 : i32 to index
        %get3A_1052 = arith.index_cast %scan3A_998 : i32 to index
        %get3A_1053 = arith.constant 32 : index
        %get3A_1054 = tpu.vector_load %arg14[%get3A_1051, %get3A_1052, %get3A_1053] {strides = array<i32>} : memref<4x128x64xf32, #tpu.memory_space<vmem>>, vector<16xf32>,
        %mul3A_1055 = arith.mulf %get3A_1049, %get3A_362 : vector<16xf32>
        %sub3A_1056 = arith.subf %get3A_386, %mul3A_1055 : vector<16xf32>
        %mul3A_1057 = arith.mulf %get3A_1054, %get3A_374 : vector<16xf32>
        %add3A_1058 = arith.addf %sub3A_1056, %mul3A_1057 : vector<16xf32>
        %mul3A_1059 = arith.mulf %get3A_1049, %get3A_374 : vector<16xf32>
        %add3A_1060 = arith.addf %get3A_398, %mul3A_1059 : vector<16xf32>
        %mul3A_1061 = arith.mulf %get3A_1054, %get3A_362 : vector<16xf32>
        %add3A_1062 = arith.addf %add3A_1060, %mul3A_1061 : vector<16xf32>
        %abs3A_1063 = math.absf %add3A_1058 : vector<16xf32>
        %add3A_1064 = arith.addf %add3A_1044, %abs3A_1063 : vector<16xf32>
        %abs3A_1065 = math.absf %add3A_1062 : vector<16xf32>
        %add3A_1066 = arith.addf %add3A_1064, %abs3A_1065 : vector<16xf32>
        %get3A_1067 = arith.constant 2 : i32
        %get3A_1068 = arith.index_cast %get3A_1067 : i32 to index
        %get3A_1069 = arith.index_cast %scan3A_998 : i32 to index
        %get3A_1070 = arith.constant 48 : index
        %get3A_1071 = tpu.vector_load %arg13[%get3A_1068, %get3A_1069, %get3A_1070] {strides = array<i32>} : memref<4x128x64xf32, #tpu.memory_space<vmem>>, vector<16xf32>,
        %get3A_1072 = arith.constant 2 : i32
        %get3A_1073 = arith.index_cast %get3A_1072 : i32 to index
        %get3A_1074 = arith.index_cast %scan3A_998 : i32 to index
        %get3A_1075 = arith.constant 48 : index
        %get3A_1076 = tpu.vector_load %arg14[%get3A_1073, %get3A_1074, %get3A_1075] {strides = array<i32>} : memref<4x128x64xf32, #tpu.memory_space<vmem>>, vector<16xf32>,
        %mul3A_1077 = arith.mulf %get3A_1071, %get3A_365 : vector<16xf32>
        %sub3A_1078 = arith.subf %get3A_389, %mul3A_1077 : vector<16xf32>
        %mul3A_1079 = arith.mulf %get3A_1076, %get3A_377 : vector<16xf32>
        %add3A_1080 = arith.addf %sub3A_1078, %mul3A_1079 : vector<16xf32>
        %mul3A_1081 = arith.mulf %get3A_1071, %get3A_377 : vector<16xf32>
        %add3A_1082 = arith.addf %get3A_401, %mul3A_1081 : vector<16xf32>
        %mul3A_1083 = arith.mulf %get3A_1076, %get3A_365 : vector<16xf32>
        %add3A_1084 = arith.addf %add3A_1082, %mul3A_1083 : vector<16xf32>
        %abs3A_1085 = math.absf %add3A_1080 : vector<16xf32>
        %add3A_1086 = arith.addf %add3A_1066, %abs3A_1085 : vector<16xf32>
        %abs3A_1087 = math.absf %add3A_1084 : vector<16xf32>
        %add3A_1088 = arith.addf %add3A_1086, %abs3A_1087 : vector<16xf32>
        %reduce_sum3A_1089 = arith.constant true
        %reduce_sum3A_1090 = vector.broadcast %reduce_sum3A_1089 : i1 to vector<16xi1>
        %reduce_sum3A_1091 = tpu.scan <sum>, %add3A_1088 masked %reduce_sum3A_1090 : vector<16xf32>, vector<16xi1> -> vector<16xf32>
        %reduce_sum3A_1092 = vector.extract %reduce_sum3A_1091[15] : f32 from vector<16xf32>
        %broadcast_in_dim3A_1093 = vector.broadcast %reduce_sum3A_1092 : f32 to vector<16xf32>
        %add3A_1094 = arith.addi %mul3A_352, %scan3A_998 : i32
        %broadcast_in_dim3A_1095 = vector.broadcast %add3A_1094 : i32 to vector<16xi32>
        tpu.vector_store_idx %arg25[%broadcast_in_dim3A_353, %broadcast_in_dim3A_1095], %broadcast_in_dim3A_1093 masked %eq3A_113 : memref<32x512xf32, #tpu.memory_space<vmem>>[vector<16xi32>, vector<16xi32>], vector<16xf32>, vector<16xi1>
        %scan3A_1096 = arith.constant 6 : i32
        %scan3A_1097 = arith.addi %scan3A_506, %scan3A_1096 : i32
        %broadcast_in_dim3A_1098 = arith.constant 0.000000e+00 : f32
        %broadcast_in_dim3A_1099 = vector.broadcast %broadcast_in_dim3A_1098 : f32 to vector<16xf32>
        %get3A_1100 = arith.constant 2 : i32
        %get3A_1101 = arith.index_cast %get3A_1100 : i32 to index
        %get3A_1102 = arith.index_cast %scan3A_1097 : i32 to index
        %get3A_1103 = arith.constant 0 : index
        %get3A_1104 = tpu.vector_load %arg13[%get3A_1101, %get3A_1102, %get3A_1103] {strides = array<i32>} : memref<4x128x64xf32, #tpu.memory_space<vmem>>, vector<16xf32>,
        %get3A_1105 = arith.constant 2 : i32
        %get3A_1106 = arith.index_cast %get3A_1105 : i32 to index
        %get3A_1107 = arith.index_cast %scan3A_1097 : i32 to index
        %get3A_1108 = arith.constant 0 : index
        %get3A_1109 = tpu.vector_load %arg14[%get3A_1106, %get3A_1107, %get3A_1108] {strides = array<i32>} : memref<4x128x64xf32, #tpu.memory_space<vmem>>, vector<16xf32>,
        %mul3A_1110 = arith.mulf %get3A_1104, %get3A_356 : vector<16xf32>
        %sub3A_1111 = arith.subf %get3A_380, %mul3A_1110 : vector<16xf32>
        %mul3A_1112 = arith.mulf %get3A_1109, %get3A_368 : vector<16xf32>
        %add3A_1113 = arith.addf %sub3A_1111, %mul3A_1112 : vector<16xf32>
        %mul3A_1114 = arith.mulf %get3A_1104, %get3A_368 : vector<16xf32>
        %add3A_1115 = arith.addf %get3A_392, %mul3A_1114 : vector<16xf32>
        %mul3A_1116 = arith.mulf %get3A_1109, %get3A_356 : vector<16xf32>
        %add3A_1117 = arith.addf %add3A_1115, %mul3A_1116 : vector<16xf32>
        %abs3A_1118 = math.absf %add3A_1113 : vector<16xf32>
        %add3A_1119 = arith.addf %broadcast_in_dim3A_1099, %abs3A_1118 : vector<16xf32>
        %abs3A_1120 = math.absf %add3A_1117 : vector<16xf32>
        %add3A_1121 = arith.addf %add3A_1119, %abs3A_1120 : vector<16xf32>
        %get3A_1122 = arith.constant 2 : i32
        %get3A_1123 = arith.index_cast %get3A_1122 : i32 to index
        %get3A_1124 = arith.index_cast %scan3A_1097 : i32 to index
        %get3A_1125 = arith.constant 16 : index
        %get3A_1126 = tpu.vector_load %arg13[%get3A_1123, %get3A_1124, %get3A_1125] {strides = array<i32>} : memref<4x128x64xf32, #tpu.memory_space<vmem>>, vector<16xf32>,
        %get3A_1127 = arith.constant 2 : i32
        %get3A_1128 = arith.index_cast %get3A_1127 : i32 to index
        %get3A_1129 = arith.index_cast %scan3A_1097 : i32 to index
        %get3A_1130 = arith.constant 16 : index
        %get3A_1131 = tpu.vector_load %arg14[%get3A_1128, %get3A_1129, %get3A_1130] {strides = array<i32>} : memref<4x128x64xf32, #tpu.memory_space<vmem>>, vector<16xf32>,
        %mul3A_1132 = arith.mulf %get3A_1126, %get3A_359 : vector<16xf32>
        %sub3A_1133 = arith.subf %get3A_383, %mul3A_1132 : vector<16xf32>
        %mul3A_1134 = arith.mulf %get3A_1131, %get3A_371 : vector<16xf32>
        %add3A_1135 = arith.addf %sub3A_1133, %mul3A_1134 : vector<16xf32>
        %mul3A_1136 = arith.mulf %get3A_1126, %get3A_371 : vector<16xf32>
        %add3A_1137 = arith.addf %get3A_395, %mul3A_1136 : vector<16xf32>
        %mul3A_1138 = arith.mulf %get3A_1131, %get3A_359 : vector<16xf32>
        %add3A_1139 = arith.addf %add3A_1137, %mul3A_1138 : vector<16xf32>
        %abs3A_1140 = math.absf %add3A_1135 : vector<16xf32>
        %add3A_1141 = arith.addf %add3A_1121, %abs3A_1140 : vector<16xf32>
        %abs3A_1142 = math.absf %add3A_1139 : vector<16xf32>
        %add3A_1143 = arith.addf %add3A_1141, %abs3A_1142 : vector<16xf32>
        %get3A_1144 = arith.constant 2 : i32
        %get3A_1145 = arith.index_cast %get3A_1144 : i32 to index
        %get3A_1146 = arith.index_cast %scan3A_1097 : i32 to index
        %get3A_1147 = arith.constant 32 : index
        %get3A_1148 = tpu.vector_load %arg13[%get3A_1145, %get3A_1146, %get3A_1147] {strides = array<i32>} : memref<4x128x64xf32, #tpu.memory_space<vmem>>, vector<16xf32>,
        %get3A_1149 = arith.constant 2 : i32
        %get3A_1150 = arith.index_cast %get3A_1149 : i32 to index
        %get3A_1151 = arith.index_cast %scan3A_1097 : i32 to index
        %get3A_1152 = arith.constant 32 : index
        %get3A_1153 = tpu.vector_load %arg14[%get3A_1150, %get3A_1151, %get3A_1152] {strides = array<i32>} : memref<4x128x64xf32, #tpu.memory_space<vmem>>, vector<16xf32>,
        %mul3A_1154 = arith.mulf %get3A_1148, %get3A_362 : vector<16xf32>
        %sub3A_1155 = arith.subf %get3A_386, %mul3A_1154 : vector<16xf32>
        %mul3A_1156 = arith.mulf %get3A_1153, %get3A_374 : vector<16xf32>
        %add3A_1157 = arith.addf %sub3A_1155, %mul3A_1156 : vector<16xf32>
        %mul3A_1158 = arith.mulf %get3A_1148, %get3A_374 : vector<16xf32>
        %add3A_1159 = arith.addf %get3A_398, %mul3A_1158 : vector<16xf32>
        %mul3A_1160 = arith.mulf %get3A_1153, %get3A_362 : vector<16xf32>
        %add3A_1161 = arith.addf %add3A_1159, %mul3A_1160 : vector<16xf32>
        %abs3A_1162 = math.absf %add3A_1157 : vector<16xf32>
        %add3A_1163 = arith.addf %add3A_1143, %abs3A_1162 : vector<16xf32>
        %abs3A_1164 = math.absf %add3A_1161 : vector<16xf32>
        %add3A_1165 = arith.addf %add3A_1163, %abs3A_1164 : vector<16xf32>
        %get3A_1166 = arith.constant 2 : i32
        %get3A_1167 = arith.index_cast %get3A_1166 : i32 to index
        %get3A_1168 = arith.index_cast %scan3A_1097 : i32 to index
        %get3A_1169 = arith.constant 48 : index
        %get3A_1170 = tpu.vector_load %arg13[%get3A_1167, %get3A_1168, %get3A_1169] {strides = array<i32>} : memref<4x128x64xf32, #tpu.memory_space<vmem>>, vector<16xf32>,
        %get3A_1171 = arith.constant 2 : i32
        %get3A_1172 = arith.index_cast %get3A_1171 : i32 to index
        %get3A_1173 = arith.index_cast %scan3A_1097 : i32 to index
        %get3A_1174 = arith.constant 48 : index
        %get3A_1175 = tpu.vector_load %arg14[%get3A_1172, %get3A_1173, %get3A_1174] {strides = array<i32>} : memref<4x128x64xf32, #tpu.memory_space<vmem>>, vector<16xf32>,
        %mul3A_1176 = arith.mulf %get3A_1170, %get3A_365 : vector<16xf32>
        %sub3A_1177 = arith.subf %get3A_389, %mul3A_1176 : vector<16xf32>
        %mul3A_1178 = arith.mulf %get3A_1175, %get3A_377 : vector<16xf32>
        %add3A_1179 = arith.addf %sub3A_1177, %mul3A_1178 : vector<16xf32>
        %mul3A_1180 = arith.mulf %get3A_1170, %get3A_377 : vector<16xf32>
        %add3A_1181 = arith.addf %get3A_401, %mul3A_1180 : vector<16xf32>
        %mul3A_1182 = arith.mulf %get3A_1175, %get3A_365 : vector<16xf32>
        %add3A_1183 = arith.addf %add3A_1181, %mul3A_1182 : vector<16xf32>
        %abs3A_1184 = math.absf %add3A_1179 : vector<16xf32>
        %add3A_1185 = arith.addf %add3A_1165, %abs3A_1184 : vector<16xf32>
        %abs3A_1186 = math.absf %add3A_1183 : vector<16xf32>
        %add3A_1187 = arith.addf %add3A_1185, %abs3A_1186 : vector<16xf32>
        %reduce_sum3A_1188 = arith.constant true
        %reduce_sum3A_1189 = vector.broadcast %reduce_sum3A_1188 : i1 to vector<16xi1>
        %reduce_sum3A_1190 = tpu.scan <sum>, %add3A_1187 masked %reduce_sum3A_1189 : vector<16xf32>, vector<16xi1> -> vector<16xf32>
        %reduce_sum3A_1191 = vector.extract %reduce_sum3A_1190[15] : f32 from vector<16xf32>
        %broadcast_in_dim3A_1192 = vector.broadcast %reduce_sum3A_1191 : f32 to vector<16xf32>
        %add3A_1193 = arith.addi %mul3A_352, %scan3A_1097 : i32
        %broadcast_in_dim3A_1194 = vector.broadcast %add3A_1193 : i32 to vector<16xi32>
        tpu.vector_store_idx %arg25[%broadcast_in_dim3A_353, %broadcast_in_dim3A_1194], %broadcast_in_dim3A_1192 masked %eq3A_113 : memref<32x512xf32, #tpu.memory_space<vmem>>[vector<16xi32>, vector<16xi32>], vector<16xf32>, vector<16xi1>
        %scan3A_1195 = arith.constant 7 : i32
        %scan3A_1196 = arith.addi %scan3A_506, %scan3A_1195 : i32
        %broadcast_in_dim3A_1197 = arith.constant 0.000000e+00 : f32
        %broadcast_in_dim3A_1198 = vector.broadcast %broadcast_in_dim3A_1197 : f32 to vector<16xf32>
        %get3A_1199 = arith.constant 2 : i32
        %get3A_1200 = arith.index_cast %get3A_1199 : i32 to index
        %get3A_1201 = arith.index_cast %scan3A_1196 : i32 to index
        %get3A_1202 = arith.constant 0 : index
        %get3A_1203 = tpu.vector_load %arg13[%get3A_1200, %get3A_1201, %get3A_1202] {strides = array<i32>} : memref<4x128x64xf32, #tpu.memory_space<vmem>>, vector<16xf32>,
        %get3A_1204 = arith.constant 2 : i32
        %get3A_1205 = arith.index_cast %get3A_1204 : i32 to index
        %get3A_1206 = arith.index_cast %scan3A_1196 : i32 to index
        %get3A_1207 = arith.constant 0 : index
        %get3A_1208 = tpu.vector_load %arg14[%get3A_1205, %get3A_1206, %get3A_1207] {strides = array<i32>} : memref<4x128x64xf32, #tpu.memory_space<vmem>>, vector<16xf32>,
        %mul3A_1209 = arith.mulf %get3A_1203, %get3A_356 : vector<16xf32>
        %sub3A_1210 = arith.subf %get3A_380, %mul3A_1209 : vector<16xf32>
        %mul3A_1211 = arith.mulf %get3A_1208, %get3A_368 : vector<16xf32>
        %add3A_1212 = arith.addf %sub3A_1210, %mul3A_1211 : vector<16xf32>
        %mul3A_1213 = arith.mulf %get3A_1203, %get3A_368 : vector<16xf32>
        %add3A_1214 = arith.addf %get3A_392, %mul3A_1213 : vector<16xf32>
        %mul3A_1215 = arith.mulf %get3A_1208, %get3A_356 : vector<16xf32>
        %add3A_1216 = arith.addf %add3A_1214, %mul3A_1215 : vector<16xf32>
        %abs3A_1217 = math.absf %add3A_1212 : vector<16xf32>
        %add3A_1218 = arith.addf %broadcast_in_dim3A_1198, %abs3A_1217 : vector<16xf32>
        %abs3A_1219 = math.absf %add3A_1216 : vector<16xf32>
        %add3A_1220 = arith.addf %add3A_1218, %abs3A_1219 : vector<16xf32>
        %get3A_1221 = arith.constant 2 : i32
        %get3A_1222 = arith.index_cast %get3A_1221 : i32 to index
        %get3A_1223 = arith.index_cast %scan3A_1196 : i32 to index
        %get3A_1224 = arith.constant 16 : index
        %get3A_1225 = tpu.vector_load %arg13[%get3A_1222, %get3A_1223, %get3A_1224] {strides = array<i32>} : memref<4x128x64xf32, #tpu.memory_space<vmem>>, vector<16xf32>,
        %get3A_1226 = arith.constant 2 : i32
        %get3A_1227 = arith.index_cast %get3A_1226 : i32 to index
        %get3A_1228 = arith.index_cast %scan3A_1196 : i32 to index
        %get3A_1229 = arith.constant 16 : index
        %get3A_1230 = tpu.vector_load %arg14[%get3A_1227, %get3A_1228, %get3A_1229] {strides = array<i32>} : memref<4x128x64xf32, #tpu.memory_space<vmem>>, vector<16xf32>,
        %mul3A_1231 = arith.mulf %get3A_1225, %get3A_359 : vector<16xf32>
        %sub3A_1232 = arith.subf %get3A_383, %mul3A_1231 : vector<16xf32>
        %mul3A_1233 = arith.mulf %get3A_1230, %get3A_371 : vector<16xf32>
        %add3A_1234 = arith.addf %sub3A_1232, %mul3A_1233 : vector<16xf32>
        %mul3A_1235 = arith.mulf %get3A_1225, %get3A_371 : vector<16xf32>
        %add3A_1236 = arith.addf %get3A_395, %mul3A_1235 : vector<16xf32>
        %mul3A_1237 = arith.mulf %get3A_1230, %get3A_359 : vector<16xf32>
        %add3A_1238 = arith.addf %add3A_1236, %mul3A_1237 : vector<16xf32>
        %abs3A_1239 = math.absf %add3A_1234 : vector<16xf32>
        %add3A_1240 = arith.addf %add3A_1220, %abs3A_1239 : vector<16xf32>
        %abs3A_1241 = math.absf %add3A_1238 : vector<16xf32>
        %add3A_1242 = arith.addf %add3A_1240, %abs3A_1241 : vector<16xf32>
        %get3A_1243 = arith.constant 2 : i32
        %get3A_1244 = arith.index_cast %get3A_1243 : i32 to index
        %get3A_1245 = arith.index_cast %scan3A_1196 : i32 to index
        %get3A_1246 = arith.constant 32 : index
        %get3A_1247 = tpu.vector_load %arg13[%get3A_1244, %get3A_1245, %get3A_1246] {strides = array<i32>} : memref<4x128x64xf32, #tpu.memory_space<vmem>>, vector<16xf32>,
        %get3A_1248 = arith.constant 2 : i32
        %get3A_1249 = arith.index_cast %get3A_1248 : i32 to index
        %get3A_1250 = arith.index_cast %scan3A_1196 : i32 to index
        %get3A_1251 = arith.constant 32 : index
        %get3A_1252 = tpu.vector_load %arg14[%get3A_1249, %get3A_1250, %get3A_1251] {strides = array<i32>} : memref<4x128x64xf32, #tpu.memory_space<vmem>>, vector<16xf32>,
        %mul3A_1253 = arith.mulf %get3A_1247, %get3A_362 : vector<16xf32>
        %sub3A_1254 = arith.subf %get3A_386, %mul3A_1253 : vector<16xf32>
        %mul3A_1255 = arith.mulf %get3A_1252, %get3A_374 : vector<16xf32>
        %add3A_1256 = arith.addf %sub3A_1254, %mul3A_1255 : vector<16xf32>
        %mul3A_1257 = arith.mulf %get3A_1247, %get3A_374 : vector<16xf32>
        %add3A_1258 = arith.addf %get3A_398, %mul3A_1257 : vector<16xf32>
        %mul3A_1259 = arith.mulf %get3A_1252, %get3A_362 : vector<16xf32>
        %add3A_1260 = arith.addf %add3A_1258, %mul3A_1259 : vector<16xf32>
        %abs3A_1261 = math.absf %add3A_1256 : vector<16xf32>
        %add3A_1262 = arith.addf %add3A_1242, %abs3A_1261 : vector<16xf32>
        %abs3A_1263 = math.absf %add3A_1260 : vector<16xf32>
        %add3A_1264 = arith.addf %add3A_1262, %abs3A_1263 : vector<16xf32>
        %get3A_1265 = arith.constant 2 : i32
        %get3A_1266 = arith.index_cast %get3A_1265 : i32 to index
        %get3A_1267 = arith.index_cast %scan3A_1196 : i32 to index
        %get3A_1268 = arith.constant 48 : index
        %get3A_1269 = tpu.vector_load %arg13[%get3A_1266, %get3A_1267, %get3A_1268] {strides = array<i32>} : memref<4x128x64xf32, #tpu.memory_space<vmem>>, vector<16xf32>,
        %get3A_1270 = arith.constant 2 : i32
        %get3A_1271 = arith.index_cast %get3A_1270 : i32 to index
        %get3A_1272 = arith.index_cast %scan3A_1196 : i32 to index
        %get3A_1273 = arith.constant 48 : index
        %get3A_1274 = tpu.vector_load %arg14[%get3A_1271, %get3A_1272, %get3A_1273] {strides = array<i32>} : memref<4x128x64xf32, #tpu.memory_space<vmem>>, vector<16xf32>,
        %mul3A_1275 = arith.mulf %get3A_1269, %get3A_365 : vector<16xf32>
        %sub3A_1276 = arith.subf %get3A_389, %mul3A_1275 : vector<16xf32>
        %mul3A_1277 = arith.mulf %get3A_1274, %get3A_377 : vector<16xf32>
        %add3A_1278 = arith.addf %sub3A_1276, %mul3A_1277 : vector<16xf32>
        %mul3A_1279 = arith.mulf %get3A_1269, %get3A_377 : vector<16xf32>
        %add3A_1280 = arith.addf %get3A_401, %mul3A_1279 : vector<16xf32>
        %mul3A_1281 = arith.mulf %get3A_1274, %get3A_365 : vector<16xf32>
        %add3A_1282 = arith.addf %add3A_1280, %mul3A_1281 : vector<16xf32>
        %abs3A_1283 = math.absf %add3A_1278 : vector<16xf32>
        %add3A_1284 = arith.addf %add3A_1264, %abs3A_1283 : vector<16xf32>
        %abs3A_1285 = math.absf %add3A_1282 : vector<16xf32>
        %add3A_1286 = arith.addf %add3A_1284, %abs3A_1285 : vector<16xf32>
        %reduce_sum3A_1287 = arith.constant true
        %reduce_sum3A_1288 = vector.broadcast %reduce_sum3A_1287 : i1 to vector<16xi1>
        %reduce_sum3A_1289 = tpu.scan <sum>, %add3A_1286 masked %reduce_sum3A_1288 : vector<16xf32>, vector<16xi1> -> vector<16xf32>
        %reduce_sum3A_1290 = vector.extract %reduce_sum3A_1289[15] : f32 from vector<16xf32>
        %broadcast_in_dim3A_1291 = vector.broadcast %reduce_sum3A_1290 : f32 to vector<16xf32>
        %add3A_1292 = arith.addi %mul3A_352, %scan3A_1196 : i32
        %broadcast_in_dim3A_1293 = vector.broadcast %add3A_1292 : i32 to vector<16xi32>
        tpu.vector_store_idx %arg25[%broadcast_in_dim3A_353, %broadcast_in_dim3A_1293], %broadcast_in_dim3A_1291 masked %eq3A_113 : memref<32x512xf32, #tpu.memory_space<vmem>>[vector<16xi32>, vector<16xi32>], vector<16xf32>, vector<16xi1>
      }
      %scan3A_407 = arith.constant 128 : i32
      %mul3A_408 = arith.constant 4 : i32
      %mul3A_409 = arith.muli %mul3A_408, %scan3A_120 : i32
      %add3A_410 = arith.constant 3 : i32
      %add3A_411 = arith.addi %mul3A_409, %add3A_410 : i32
      %add3A_412 = arith.constant 3 : i32
      %add3A_413 = arith.addi %add3A_411, %add3A_412 : i32
      %lt3A_414 = arith.constant 128 : i32
      %lt3A_415 = arith.cmpi slt, %add3A_413, %lt3A_414 : i32
      %convert_element_type3A_416 = arith.extui %lt3A_415 : i1 to i32
      %cond3A_417 = arith.constant 0 : i32
      %cond3A_418 = arith.cmpi ne, %convert_element_type3A_416, %cond3A_417 : i32
      scf.if %cond3A_418 {
        %add3A_506 = arith.constant 3 : i32
        %add3A_507 = arith.addi %add3A_411, %add3A_506 : i32
        %div3A_508 = arith.constant 4 : i32
        %div3A_509 = arith.divsi %add3A_507, %div3A_508 : i32
        %rem3A_510 = arith.constant 4 : i32
        %rem3A_511 = arith.remsi %add3A_507, %rem3A_510 : i32
        %dma_start3A_512 = arith.constant 2 : i32
        %dma_start3A_513 = arith.constant 0 : i32
        %dma_start3A_514 = arith.constant 0 : i32
        %dma_start3A_515 = tpu.memref_slice %arg13[%dma_start3A_512, %dma_start3A_513, %dma_start3A_514] : memref<4x128x64xf32, #tpu.memory_space<vmem>> -> memref<1x128x64xf32, #tpu.memory_space<vmem>>
        %dma_start3A_516 = tpu.memref_squeeze %dma_start3A_515 : memref<1x128x64xf32, #tpu.memory_space<vmem>> -> memref<128x64xf32, #tpu.memory_space<vmem>>
        %dma_start3A_517 = arith.constant 0 : i32
        %dma_start3A_518 = tpu.memref_slice %arg12[%div3A_509, %rem3A_511, %dma_start3A_517] : memref<32x4x128xi32, #tpu.memory_space<vmem>> -> memref<1x1x128xi32, #tpu.memory_space<vmem>>
        %dma_start3A_519 = tpu.memref_squeeze %dma_start3A_518 : memref<1x1x128xi32, #tpu.memory_space<vmem>> -> memref<128xi32, #tpu.memory_space<vmem>>
        %dma_start3A_520 = arith.constant 0 : i32
        %dma_start3A_521 = arith.constant 0 : i32
        %dma_start3A_522 = tpu.memref_slice %arg7[%dma_start3A_520, %dma_start3A_521] : memref<1000000x64xf32, #tpu.memory_space<hbm>> -> memref<1000000x64xf32, #tpu.memory_space<hbm>>
        tpu.enqueue_indirect_dma source(%dma_start3A_522 : memref<1000000x64xf32, #tpu.memory_space<hbm>>) target(%dma_start3A_516 : memref<128x64xf32, #tpu.memory_space<vmem>>) offsets(%dma_start3A_519 : memref<128xi32, #tpu.memory_space<vmem>>) semaphore(%arg30 : memref<!tpu.dma_semaphore, #tpu.memory_space<semaphore_mem>>)
        %dma_start3A_523 = arith.constant 2 : i32
        %dma_start3A_524 = arith.constant 0 : i32
        %dma_start3A_525 = arith.constant 0 : i32
        %dma_start3A_526 = tpu.memref_slice %arg14[%dma_start3A_523, %dma_start3A_524, %dma_start3A_525] : memref<4x128x64xf32, #tpu.memory_space<vmem>> -> memref<1x128x64xf32, #tpu.memory_space<vmem>>
        %dma_start3A_527 = tpu.memref_squeeze %dma_start3A_526 : memref<1x128x64xf32, #tpu.memory_space<vmem>> -> memref<128x64xf32, #tpu.memory_space<vmem>>
        %dma_start3A_528 = arith.constant 0 : i32
        %dma_start3A_529 = tpu.memref_slice %arg12[%div3A_509, %rem3A_511, %dma_start3A_528] : memref<32x4x128xi32, #tpu.memory_space<vmem>> -> memref<1x1x128xi32, #tpu.memory_space<vmem>>
        %dma_start3A_530 = tpu.memref_squeeze %dma_start3A_529 : memref<1x1x128xi32, #tpu.memory_space<vmem>> -> memref<128xi32, #tpu.memory_space<vmem>>
        %dma_start3A_531 = arith.constant 0 : i32
        %dma_start3A_532 = arith.constant 0 : i32
        %dma_start3A_533 = tpu.memref_slice %arg8[%dma_start3A_531, %dma_start3A_532] : memref<1000000x64xf32, #tpu.memory_space<hbm>> -> memref<1000000x64xf32, #tpu.memory_space<hbm>>
        tpu.enqueue_indirect_dma source(%dma_start3A_533 : memref<1000000x64xf32, #tpu.memory_space<hbm>>) target(%dma_start3A_527 : memref<128x64xf32, #tpu.memory_space<vmem>>) offsets(%dma_start3A_530 : memref<128xi32, #tpu.memory_space<vmem>>) semaphore(%arg31 : memref<!tpu.dma_semaphore, #tpu.memory_space<semaphore_mem>>)
      } else {
      }
      %div3A_419 = arith.constant 4 : i32
      %div3A_420 = arith.divsi %add3A_411, %div3A_419 : i32
      %rem3A_421 = arith.constant 4 : i32
      %rem3A_422 = arith.remsi %add3A_411, %rem3A_421 : i32
      %dma_wait3A_423 = arith.constant 3 : i32
      %dma_wait3A_424 = arith.constant 0 : i32
      %dma_wait3A_425 = arith.constant 0 : i32
      %dma_wait3A_426 = tpu.memref_slice %arg13[%dma_wait3A_423, %dma_wait3A_424, %dma_wait3A_425] : memref<4x128x64xf32, #tpu.memory_space<vmem>> -> memref<1x128x64xf32, #tpu.memory_space<vmem>>
      %dma_wait3A_427 = tpu.memref_squeeze %dma_wait3A_426 : memref<1x128x64xf32, #tpu.memory_space<vmem>> -> memref<128x64xf32, #tpu.memory_space<vmem>>
      %dma_wait3A_428 = arith.constant 0 : i32
      %dma_wait3A_429 = tpu.memref_slice %arg12[%div3A_420, %rem3A_422, %dma_wait3A_428] : memref<32x4x128xi32, #tpu.memory_space<vmem>> -> memref<1x1x128xi32, #tpu.memory_space<vmem>>
      %dma_wait3A_430 = tpu.memref_squeeze %dma_wait3A_429 : memref<1x1x128xi32, #tpu.memory_space<vmem>> -> memref<128xi32, #tpu.memory_space<vmem>>
      %dma_wait3A_431 = arith.constant 0 : i32
      %dma_wait3A_432 = arith.constant 0 : i32
      %dma_wait3A_433 = tpu.memref_slice %arg7[%dma_wait3A_431, %dma_wait3A_432] : memref<1000000x64xf32, #tpu.memory_space<hbm>> -> memref<1000000x64xf32, #tpu.memory_space<hbm>>
      tpu.wait_indirect_dma semaphore(%arg32 : memref<!tpu.dma_semaphore, #tpu.memory_space<semaphore_mem>>) src(%dma_wait3A_433 : memref<1000000x64xf32, #tpu.memory_space<hbm>>) dst(%dma_wait3A_427 : memref<128x64xf32, #tpu.memory_space<vmem>>)
      %dma_wait3A_434 = arith.constant 3 : i32
      %dma_wait3A_435 = arith.constant 0 : i32
      %dma_wait3A_436 = arith.constant 0 : i32
      %dma_wait3A_437 = tpu.memref_slice %arg14[%dma_wait3A_434, %dma_wait3A_435, %dma_wait3A_436] : memref<4x128x64xf32, #tpu.memory_space<vmem>> -> memref<1x128x64xf32, #tpu.memory_space<vmem>>
      %dma_wait3A_438 = tpu.memref_squeeze %dma_wait3A_437 : memref<1x128x64xf32, #tpu.memory_space<vmem>> -> memref<128x64xf32, #tpu.memory_space<vmem>>
      %dma_wait3A_439 = arith.constant 0 : i32
      %dma_wait3A_440 = tpu.memref_slice %arg12[%div3A_420, %rem3A_422, %dma_wait3A_439] : memref<32x4x128xi32, #tpu.memory_space<vmem>> -> memref<1x1x128xi32, #tpu.memory_space<vmem>>
      %dma_wait3A_441 = tpu.memref_squeeze %dma_wait3A_440 : memref<1x1x128xi32, #tpu.memory_space<vmem>> -> memref<128xi32, #tpu.memory_space<vmem>>
      %dma_wait3A_442 = arith.constant 0 : i32
      %dma_wait3A_443 = arith.constant 0 : i32
      %dma_wait3A_444 = tpu.memref_slice %arg8[%dma_wait3A_442, %dma_wait3A_443] : memref<1000000x64xf32, #tpu.memory_space<hbm>> -> memref<1000000x64xf32, #tpu.memory_space<hbm>>
      tpu.wait_indirect_dma semaphore(%arg33 : memref<!tpu.dma_semaphore, #tpu.memory_space<semaphore_mem>>) src(%dma_wait3A_444 : memref<1000000x64xf32, #tpu.memory_space<hbm>>) dst(%dma_wait3A_438 : memref<128x64xf32, #tpu.memory_space<vmem>>)
      %div3A_445 = arith.constant 4 : i32
      %div3A_446 = arith.divsi %add3A_411, %div3A_445 : i32
      %rem3A_447 = arith.constant 4 : i32
      %rem3A_448 = arith.remsi %add3A_411, %rem3A_447 : i32
      %mul3A_449 = arith.constant 128 : i32
      %mul3A_450 = arith.muli %rem3A_448, %mul3A_449 : i32
      %broadcast_in_dim3A_451 = vector.broadcast %div3A_446 : i32 to vector<16xi32>
      %get3A_452 = arith.index_cast %div3A_446 : i32 to index
      %get3A_453 = arith.constant 0 : index
      %get3A_454 = tpu.vector_load %arg21[%get3A_452, %get3A_453] {strides = array<i32>} : memref<32x64xf32, #tpu.memory_space<vmem>>, vector<16xf32>,
      %get3A_455 = arith.index_cast %div3A_446 : i32 to index
      %get3A_456 = arith.constant 16 : index
      %get3A_457 = tpu.vector_load %arg21[%get3A_455, %get3A_456] {strides = array<i32>} : memref<32x64xf32, #tpu.memory_space<vmem>>, vector<16xf32>,
      %get3A_458 = arith.index_cast %div3A_446 : i32 to index
      %get3A_459 = arith.constant 32 : index
      %get3A_460 = tpu.vector_load %arg21[%get3A_458, %get3A_459] {strides = array<i32>} : memref<32x64xf32, #tpu.memory_space<vmem>>, vector<16xf32>,
      %get3A_461 = arith.index_cast %div3A_446 : i32 to index
      %get3A_462 = arith.constant 48 : index
      %get3A_463 = tpu.vector_load %arg21[%get3A_461, %get3A_462] {strides = array<i32>} : memref<32x64xf32, #tpu.memory_space<vmem>>, vector<16xf32>,
      %get3A_464 = arith.index_cast %div3A_446 : i32 to index
      %get3A_465 = arith.constant 0 : index
      %get3A_466 = tpu.vector_load %arg22[%get3A_464, %get3A_465] {strides = array<i32>} : memref<32x64xf32, #tpu.memory_space<vmem>>, vector<16xf32>,
      %get3A_467 = arith.index_cast %div3A_446 : i32 to index
      %get3A_468 = arith.constant 16 : index
      %get3A_469 = tpu.vector_load %arg22[%get3A_467, %get3A_468] {strides = array<i32>} : memref<32x64xf32, #tpu.memory_space<vmem>>, vector<16xf32>,
      %get3A_470 = arith.index_cast %div3A_446 : i32 to index
      %get3A_471 = arith.constant 32 : index
      %get3A_472 = tpu.vector_load %arg22[%get3A_470, %get3A_471] {strides = array<i32>} : memref<32x64xf32, #tpu.memory_space<vmem>>, vector<16xf32>,
      %get3A_473 = arith.index_cast %div3A_446 : i32 to index
      %get3A_474 = arith.constant 48 : index
      %get3A_475 = tpu.vector_load %arg22[%get3A_473, %get3A_474] {strides = array<i32>} : memref<32x64xf32, #tpu.memory_space<vmem>>, vector<16xf32>,
      %get3A_476 = arith.index_cast %div3A_446 : i32 to index
      %get3A_477 = arith.constant 0 : index
      %get3A_478 = tpu.vector_load %arg23[%get3A_476, %get3A_477] {strides = array<i32>} : memref<32x64xf32, #tpu.memory_space<vmem>>, vector<16xf32>,
      %get3A_479 = arith.index_cast %div3A_446 : i32 to index
      %get3A_480 = arith.constant 16 : index
      %get3A_481 = tpu.vector_load %arg23[%get3A_479, %get3A_480] {strides = array<i32>} : memref<32x64xf32, #tpu.memory_space<vmem>>, vector<16xf32>,
      %get3A_482 = arith.index_cast %div3A_446 : i32 to index
      %get3A_483 = arith.constant 32 : index
      %get3A_484 = tpu.vector_load %arg23[%get3A_482, %get3A_483] {strides = array<i32>} : memref<32x64xf32, #tpu.memory_space<vmem>>, vector<16xf32>,
      %get3A_485 = arith.index_cast %div3A_446 : i32 to index
      %get3A_486 = arith.constant 48 : index
      %get3A_487 = tpu.vector_load %arg23[%get3A_485, %get3A_486] {strides = array<i32>} : memref<32x64xf32, #tpu.memory_space<vmem>>, vector<16xf32>,
      %get3A_488 = arith.index_cast %div3A_446 : i32 to index
      %get3A_489 = arith.constant 0 : index
      %get3A_490 = tpu.vector_load %arg24[%get3A_488, %get3A_489] {strides = array<i32>} : memref<32x64xf32, #tpu.memory_space<vmem>>, vector<16xf32>,
      %get3A_491 = arith.index_cast %div3A_446 : i32 to index
      %get3A_492 = arith.constant 16 : index
      %get3A_493 = tpu.vector_load %arg24[%get3A_491, %get3A_492] {strides = array<i32>} : memref<32x64xf32, #tpu.memory_space<vmem>>, vector<16xf32>,
      %get3A_494 = arith.index_cast %div3A_446 : i32 to index
      %get3A_495 = arith.constant 32 : index
      %get3A_496 = tpu.vector_load %arg24[%get3A_494, %get3A_495] {strides = array<i32>} : memref<32x64xf32, #tpu.memory_space<vmem>>, vector<16xf32>,
      %get3A_497 = arith.index_cast %div3A_446 : i32 to index
      %get3A_498 = arith.constant 48 : index
      %get3A_499 = tpu.vector_load %arg24[%get3A_497, %get3A_498] {strides = array<i32>} : memref<32x64xf32, #tpu.memory_space<vmem>>, vector<16xf32>,
      %scan3A_500 = arith.constant 0 : i32
      %scan3A_501 = arith.constant 0 : i32
      %scan3A_502 = arith.constant 128 : i32
      %scan3A_503 = arith.addi %scan3A_501, %scan3A_502 : i32
      %scan3A_504 = arith.constant 8 : i32
      scf.for %scan3A_506 = %scan3A_501 to %scan3A_503 step %scan3A_504  : i32 {
        %broadcast_in_dim3A_507 = arith.constant 0.000000e+00 : f32
        %broadcast_in_dim3A_508 = vector.broadcast %broadcast_in_dim3A_507 : f32 to vector<16xf32>
        %get3A_509 = arith.constant 3 : i32
        %get3A_510 = arith.index_cast %get3A_509 : i32 to index
        %get3A_511 = arith.index_cast %scan3A_506 : i32 to index
        %get3A_512 = arith.constant 0 : index
        %get3A_513 = tpu.vector_load %arg13[%get3A_510, %get3A_511, %get3A_512] {strides = array<i32>} : memref<4x128x64xf32, #tpu.memory_space<vmem>>, vector<16xf32>,
        %get3A_514 = arith.constant 3 : i32
        %get3A_515 = arith.index_cast %get3A_514 : i32 to index
        %get3A_516 = arith.index_cast %scan3A_506 : i32 to index
        %get3A_517 = arith.constant 0 : index
        %get3A_518 = tpu.vector_load %arg14[%get3A_515, %get3A_516, %get3A_517] {strides = array<i32>} : memref<4x128x64xf32, #tpu.memory_space<vmem>>, vector<16xf32>,
        %mul3A_519 = arith.mulf %get3A_513, %get3A_454 : vector<16xf32>
        %sub3A = arith.subf %get3A_478, %mul3A_519 : vector<16xf32>
        %mul3A_520 = arith.mulf %get3A_518, %get3A_466 : vector<16xf32>
        %add3A_521 = arith.addf %sub3A, %mul3A_520 : vector<16xf32>
        %mul3A_522 = arith.mulf %get3A_513, %get3A_466 : vector<16xf32>
        %add3A_523 = arith.addf %get3A_490, %mul3A_522 : vector<16xf32>
        %mul3A_524 = arith.mulf %get3A_518, %get3A_454 : vector<16xf32>
        %add3A_525 = arith.addf %add3A_523, %mul3A_524 : vector<16xf32>
        %abs3A = math.absf %add3A_521 : vector<16xf32>
        %add3A_526 = arith.addf %broadcast_in_dim3A_508, %abs3A : vector<16xf32>
        %abs3A_527 = math.absf %add3A_525 : vector<16xf32>
        %add3A_528 = arith.addf %add3A_526, %abs3A_527 : vector<16xf32>
        %get3A_529 = arith.constant 3 : i32
        %get3A_530 = arith.index_cast %get3A_529 : i32 to index
        %get3A_531 = arith.index_cast %scan3A_506 : i32 to index
        %get3A_532 = arith.constant 16 : index
        %get3A_533 = tpu.vector_load %arg13[%get3A_530, %get3A_531, %get3A_532] {strides = array<i32>} : memref<4x128x64xf32, #tpu.memory_space<vmem>>, vector<16xf32>,
        %get3A_534 = arith.constant 3 : i32
        %get3A_535 = arith.index_cast %get3A_534 : i32 to index
        %get3A_536 = arith.index_cast %scan3A_506 : i32 to index
        %get3A_537 = arith.constant 16 : index
        %get3A_538 = tpu.vector_load %arg14[%get3A_535, %get3A_536, %get3A_537] {strides = array<i32>} : memref<4x128x64xf32, #tpu.memory_space<vmem>>, vector<16xf32>,
        %mul3A_539 = arith.mulf %get3A_533, %get3A_457 : vector<16xf32>
        %sub3A_540 = arith.subf %get3A_481, %mul3A_539 : vector<16xf32>
        %mul3A_541 = arith.mulf %get3A_538, %get3A_469 : vector<16xf32>
        %add3A_542 = arith.addf %sub3A_540, %mul3A_541 : vector<16xf32>
        %mul3A_543 = arith.mulf %get3A_533, %get3A_469 : vector<16xf32>
        %add3A_544 = arith.addf %get3A_493, %mul3A_543 : vector<16xf32>
        %mul3A_545 = arith.mulf %get3A_538, %get3A_457 : vector<16xf32>
        %add3A_546 = arith.addf %add3A_544, %mul3A_545 : vector<16xf32>
        %abs3A_547 = math.absf %add3A_542 : vector<16xf32>
        %add3A_548 = arith.addf %add3A_528, %abs3A_547 : vector<16xf32>
        %abs3A_549 = math.absf %add3A_546 : vector<16xf32>
        %add3A_550 = arith.addf %add3A_548, %abs3A_549 : vector<16xf32>
        %get3A_551 = arith.constant 3 : i32
        %get3A_552 = arith.index_cast %get3A_551 : i32 to index
        %get3A_553 = arith.index_cast %scan3A_506 : i32 to index
        %get3A_554 = arith.constant 32 : index
        %get3A_555 = tpu.vector_load %arg13[%get3A_552, %get3A_553, %get3A_554] {strides = array<i32>} : memref<4x128x64xf32, #tpu.memory_space<vmem>>, vector<16xf32>,
        %get3A_556 = arith.constant 3 : i32
        %get3A_557 = arith.index_cast %get3A_556 : i32 to index
        %get3A_558 = arith.index_cast %scan3A_506 : i32 to index
        %get3A_559 = arith.constant 32 : index
        %get3A_560 = tpu.vector_load %arg14[%get3A_557, %get3A_558, %get3A_559] {strides = array<i32>} : memref<4x128x64xf32, #tpu.memory_space<vmem>>, vector<16xf32>,
        %mul3A_561 = arith.mulf %get3A_555, %get3A_460 : vector<16xf32>
        %sub3A_562 = arith.subf %get3A_484, %mul3A_561 : vector<16xf32>
        %mul3A_563 = arith.mulf %get3A_560, %get3A_472 : vector<16xf32>
        %add3A_564 = arith.addf %sub3A_562, %mul3A_563 : vector<16xf32>
        %mul3A_565 = arith.mulf %get3A_555, %get3A_472 : vector<16xf32>
        %add3A_566 = arith.addf %get3A_496, %mul3A_565 : vector<16xf32>
        %mul3A_567 = arith.mulf %get3A_560, %get3A_460 : vector<16xf32>
        %add3A_568 = arith.addf %add3A_566, %mul3A_567 : vector<16xf32>
        %abs3A_569 = math.absf %add3A_564 : vector<16xf32>
        %add3A_570 = arith.addf %add3A_550, %abs3A_569 : vector<16xf32>
        %abs3A_571 = math.absf %add3A_568 : vector<16xf32>
        %add3A_572 = arith.addf %add3A_570, %abs3A_571 : vector<16xf32>
        %get3A_573 = arith.constant 3 : i32
        %get3A_574 = arith.index_cast %get3A_573 : i32 to index
        %get3A_575 = arith.index_cast %scan3A_506 : i32 to index
        %get3A_576 = arith.constant 48 : index
        %get3A_577 = tpu.vector_load %arg13[%get3A_574, %get3A_575, %get3A_576] {strides = array<i32>} : memref<4x128x64xf32, #tpu.memory_space<vmem>>, vector<16xf32>,
        %get3A_578 = arith.constant 3 : i32
        %get3A_579 = arith.index_cast %get3A_578 : i32 to index
        %get3A_580 = arith.index_cast %scan3A_506 : i32 to index
        %get3A_581 = arith.constant 48 : index
        %get3A_582 = tpu.vector_load %arg14[%get3A_579, %get3A_580, %get3A_581] {strides = array<i32>} : memref<4x128x64xf32, #tpu.memory_space<vmem>>, vector<16xf32>,
        %mul3A_583 = arith.mulf %get3A_577, %get3A_463 : vector<16xf32>
        %sub3A_584 = arith.subf %get3A_487, %mul3A_583 : vector<16xf32>
        %mul3A_585 = arith.mulf %get3A_582, %get3A_475 : vector<16xf32>
        %add3A_586 = arith.addf %sub3A_584, %mul3A_585 : vector<16xf32>
        %mul3A_587 = arith.mulf %get3A_577, %get3A_475 : vector<16xf32>
        %add3A_588 = arith.addf %get3A_499, %mul3A_587 : vector<16xf32>
        %mul3A_589 = arith.mulf %get3A_582, %get3A_463 : vector<16xf32>
        %add3A_590 = arith.addf %add3A_588, %mul3A_589 : vector<16xf32>
        %abs3A_591 = math.absf %add3A_586 : vector<16xf32>
        %add3A_592 = arith.addf %add3A_572, %abs3A_591 : vector<16xf32>
        %abs3A_593 = math.absf %add3A_590 : vector<16xf32>
        %add3A_594 = arith.addf %add3A_592, %abs3A_593 : vector<16xf32>
        %reduce_sum3A = arith.constant true
        %reduce_sum3A_595 = vector.broadcast %reduce_sum3A : i1 to vector<16xi1>
        %reduce_sum3A_596 = tpu.scan <sum>, %add3A_594 masked %reduce_sum3A_595 : vector<16xf32>, vector<16xi1> -> vector<16xf32>
        %reduce_sum3A_597 = vector.extract %reduce_sum3A_596[15] : f32 from vector<16xf32>
        %broadcast_in_dim3A_598 = vector.broadcast %reduce_sum3A_597 : f32 to vector<16xf32>
        %add3A_599 = arith.addi %mul3A_450, %scan3A_506 : i32
        %broadcast_in_dim3A_600 = vector.broadcast %add3A_599 : i32 to vector<16xi32>
        tpu.vector_store_idx %arg25[%broadcast_in_dim3A_451, %broadcast_in_dim3A_600], %broadcast_in_dim3A_598 masked %eq3A_113 : memref<32x512xf32, #tpu.memory_space<vmem>>[vector<16xi32>, vector<16xi32>], vector<16xf32>, vector<16xi1>
        %scan3A_601 = arith.constant 1 : i32
        %scan3A_602 = arith.addi %scan3A_506, %scan3A_601 : i32
        %broadcast_in_dim3A_603 = arith.constant 0.000000e+00 : f32
        %broadcast_in_dim3A_604 = vector.broadcast %broadcast_in_dim3A_603 : f32 to vector<16xf32>
        %get3A_605 = arith.constant 3 : i32
        %get3A_606 = arith.index_cast %get3A_605 : i32 to index
        %get3A_607 = arith.index_cast %scan3A_602 : i32 to index
        %get3A_608 = arith.constant 0 : index
        %get3A_609 = tpu.vector_load %arg13[%get3A_606, %get3A_607, %get3A_608] {strides = array<i32>} : memref<4x128x64xf32, #tpu.memory_space<vmem>>, vector<16xf32>,
        %get3A_610 = arith.constant 3 : i32
        %get3A_611 = arith.index_cast %get3A_610 : i32 to index
        %get3A_612 = arith.index_cast %scan3A_602 : i32 to index
        %get3A_613 = arith.constant 0 : index
        %get3A_614 = tpu.vector_load %arg14[%get3A_611, %get3A_612, %get3A_613] {strides = array<i32>} : memref<4x128x64xf32, #tpu.memory_space<vmem>>, vector<16xf32>,
        %mul3A_615 = arith.mulf %get3A_609, %get3A_454 : vector<16xf32>
        %sub3A_616 = arith.subf %get3A_478, %mul3A_615 : vector<16xf32>
        %mul3A_617 = arith.mulf %get3A_614, %get3A_466 : vector<16xf32>
        %add3A_618 = arith.addf %sub3A_616, %mul3A_617 : vector<16xf32>
        %mul3A_619 = arith.mulf %get3A_609, %get3A_466 : vector<16xf32>
        %add3A_620 = arith.addf %get3A_490, %mul3A_619 : vector<16xf32>
        %mul3A_621 = arith.mulf %get3A_614, %get3A_454 : vector<16xf32>
        %add3A_622 = arith.addf %add3A_620, %mul3A_621 : vector<16xf32>
        %abs3A_623 = math.absf %add3A_618 : vector<16xf32>
        %add3A_624 = arith.addf %broadcast_in_dim3A_604, %abs3A_623 : vector<16xf32>
        %abs3A_625 = math.absf %add3A_622 : vector<16xf32>
        %add3A_626 = arith.addf %add3A_624, %abs3A_625 : vector<16xf32>
        %get3A_627 = arith.constant 3 : i32
        %get3A_628 = arith.index_cast %get3A_627 : i32 to index
        %get3A_629 = arith.index_cast %scan3A_602 : i32 to index
        %get3A_630 = arith.constant 16 : index
        %get3A_631 = tpu.vector_load %arg13[%get3A_628, %get3A_629, %get3A_630] {strides = array<i32>} : memref<4x128x64xf32, #tpu.memory_space<vmem>>, vector<16xf32>,
        %get3A_632 = arith.constant 3 : i32
        %get3A_633 = arith.index_cast %get3A_632 : i32 to index
        %get3A_634 = arith.index_cast %scan3A_602 : i32 to index
        %get3A_635 = arith.constant 16 : index
        %get3A_636 = tpu.vector_load %arg14[%get3A_633, %get3A_634, %get3A_635] {strides = array<i32>} : memref<4x128x64xf32, #tpu.memory_space<vmem>>, vector<16xf32>,
        %mul3A_637 = arith.mulf %get3A_631, %get3A_457 : vector<16xf32>
        %sub3A_638 = arith.subf %get3A_481, %mul3A_637 : vector<16xf32>
        %mul3A_639 = arith.mulf %get3A_636, %get3A_469 : vector<16xf32>
        %add3A_640 = arith.addf %sub3A_638, %mul3A_639 : vector<16xf32>
        %mul3A_641 = arith.mulf %get3A_631, %get3A_469 : vector<16xf32>
        %add3A_642 = arith.addf %get3A_493, %mul3A_641 : vector<16xf32>
        %mul3A_643 = arith.mulf %get3A_636, %get3A_457 : vector<16xf32>
        %add3A_644 = arith.addf %add3A_642, %mul3A_643 : vector<16xf32>
        %abs3A_645 = math.absf %add3A_640 : vector<16xf32>
        %add3A_646 = arith.addf %add3A_626, %abs3A_645 : vector<16xf32>
        %abs3A_647 = math.absf %add3A_644 : vector<16xf32>
        %add3A_648 = arith.addf %add3A_646, %abs3A_647 : vector<16xf32>
        %get3A_649 = arith.constant 3 : i32
        %get3A_650 = arith.index_cast %get3A_649 : i32 to index
        %get3A_651 = arith.index_cast %scan3A_602 : i32 to index
        %get3A_652 = arith.constant 32 : index
        %get3A_653 = tpu.vector_load %arg13[%get3A_650, %get3A_651, %get3A_652] {strides = array<i32>} : memref<4x128x64xf32, #tpu.memory_space<vmem>>, vector<16xf32>,
        %get3A_654 = arith.constant 3 : i32
        %get3A_655 = arith.index_cast %get3A_654 : i32 to index
        %get3A_656 = arith.index_cast %scan3A_602 : i32 to index
        %get3A_657 = arith.constant 32 : index
        %get3A_658 = tpu.vector_load %arg14[%get3A_655, %get3A_656, %get3A_657] {strides = array<i32>} : memref<4x128x64xf32, #tpu.memory_space<vmem>>, vector<16xf32>,
        %mul3A_659 = arith.mulf %get3A_653, %get3A_460 : vector<16xf32>
        %sub3A_660 = arith.subf %get3A_484, %mul3A_659 : vector<16xf32>
        %mul3A_661 = arith.mulf %get3A_658, %get3A_472 : vector<16xf32>
        %add3A_662 = arith.addf %sub3A_660, %mul3A_661 : vector<16xf32>
        %mul3A_663 = arith.mulf %get3A_653, %get3A_472 : vector<16xf32>
        %add3A_664 = arith.addf %get3A_496, %mul3A_663 : vector<16xf32>
        %mul3A_665 = arith.mulf %get3A_658, %get3A_460 : vector<16xf32>
        %add3A_666 = arith.addf %add3A_664, %mul3A_665 : vector<16xf32>
        %abs3A_667 = math.absf %add3A_662 : vector<16xf32>
        %add3A_668 = arith.addf %add3A_648, %abs3A_667 : vector<16xf32>
        %abs3A_669 = math.absf %add3A_666 : vector<16xf32>
        %add3A_670 = arith.addf %add3A_668, %abs3A_669 : vector<16xf32>
        %get3A_671 = arith.constant 3 : i32
        %get3A_672 = arith.index_cast %get3A_671 : i32 to index
        %get3A_673 = arith.index_cast %scan3A_602 : i32 to index
        %get3A_674 = arith.constant 48 : index
        %get3A_675 = tpu.vector_load %arg13[%get3A_672, %get3A_673, %get3A_674] {strides = array<i32>} : memref<4x128x64xf32, #tpu.memory_space<vmem>>, vector<16xf32>,
        %get3A_676 = arith.constant 3 : i32
        %get3A_677 = arith.index_cast %get3A_676 : i32 to index
        %get3A_678 = arith.index_cast %scan3A_602 : i32 to index
        %get3A_679 = arith.constant 48 : index
        %get3A_680 = tpu.vector_load %arg14[%get3A_677, %get3A_678, %get3A_679] {strides = array<i32>} : memref<4x128x64xf32, #tpu.memory_space<vmem>>, vector<16xf32>,
        %mul3A_681 = arith.mulf %get3A_675, %get3A_463 : vector<16xf32>
        %sub3A_682 = arith.subf %get3A_487, %mul3A_681 : vector<16xf32>
        %mul3A_683 = arith.mulf %get3A_680, %get3A_475 : vector<16xf32>
        %add3A_684 = arith.addf %sub3A_682, %mul3A_683 : vector<16xf32>
        %mul3A_685 = arith.mulf %get3A_675, %get3A_475 : vector<16xf32>
        %add3A_686 = arith.addf %get3A_499, %mul3A_685 : vector<16xf32>
        %mul3A_687 = arith.mulf %get3A_680, %get3A_463 : vector<16xf32>
        %add3A_688 = arith.addf %add3A_686, %mul3A_687 : vector<16xf32>
        %abs3A_689 = math.absf %add3A_684 : vector<16xf32>
        %add3A_690 = arith.addf %add3A_670, %abs3A_689 : vector<16xf32>
        %abs3A_691 = math.absf %add3A_688 : vector<16xf32>
        %add3A_692 = arith.addf %add3A_690, %abs3A_691 : vector<16xf32>
        %reduce_sum3A_693 = arith.constant true
        %reduce_sum3A_694 = vector.broadcast %reduce_sum3A_693 : i1 to vector<16xi1>
        %reduce_sum3A_695 = tpu.scan <sum>, %add3A_692 masked %reduce_sum3A_694 : vector<16xf32>, vector<16xi1> -> vector<16xf32>
        %reduce_sum3A_696 = vector.extract %reduce_sum3A_695[15] : f32 from vector<16xf32>
        %broadcast_in_dim3A_697 = vector.broadcast %reduce_sum3A_696 : f32 to vector<16xf32>
        %add3A_698 = arith.addi %mul3A_450, %scan3A_602 : i32
        %broadcast_in_dim3A_699 = vector.broadcast %add3A_698 : i32 to vector<16xi32>
        tpu.vector_store_idx %arg25[%broadcast_in_dim3A_451, %broadcast_in_dim3A_699], %broadcast_in_dim3A_697 masked %eq3A_113 : memref<32x512xf32, #tpu.memory_space<vmem>>[vector<16xi32>, vector<16xi32>], vector<16xf32>, vector<16xi1>
        %scan3A_700 = arith.constant 2 : i32
        %scan3A_701 = arith.addi %scan3A_506, %scan3A_700 : i32
        %broadcast_in_dim3A_702 = arith.constant 0.000000e+00 : f32
        %broadcast_in_dim3A_703 = vector.broadcast %broadcast_in_dim3A_702 : f32 to vector<16xf32>
        %get3A_704 = arith.constant 3 : i32
        %get3A_705 = arith.index_cast %get3A_704 : i32 to index
        %get3A_706 = arith.index_cast %scan3A_701 : i32 to index
        %get3A_707 = arith.constant 0 : index
        %get3A_708 = tpu.vector_load %arg13[%get3A_705, %get3A_706, %get3A_707] {strides = array<i32>} : memref<4x128x64xf32, #tpu.memory_space<vmem>>, vector<16xf32>,
        %get3A_709 = arith.constant 3 : i32
        %get3A_710 = arith.index_cast %get3A_709 : i32 to index
        %get3A_711 = arith.index_cast %scan3A_701 : i32 to index
        %get3A_712 = arith.constant 0 : index
        %get3A_713 = tpu.vector_load %arg14[%get3A_710, %get3A_711, %get3A_712] {strides = array<i32>} : memref<4x128x64xf32, #tpu.memory_space<vmem>>, vector<16xf32>,
        %mul3A_714 = arith.mulf %get3A_708, %get3A_454 : vector<16xf32>
        %sub3A_715 = arith.subf %get3A_478, %mul3A_714 : vector<16xf32>
        %mul3A_716 = arith.mulf %get3A_713, %get3A_466 : vector<16xf32>
        %add3A_717 = arith.addf %sub3A_715, %mul3A_716 : vector<16xf32>
        %mul3A_718 = arith.mulf %get3A_708, %get3A_466 : vector<16xf32>
        %add3A_719 = arith.addf %get3A_490, %mul3A_718 : vector<16xf32>
        %mul3A_720 = arith.mulf %get3A_713, %get3A_454 : vector<16xf32>
        %add3A_721 = arith.addf %add3A_719, %mul3A_720 : vector<16xf32>
        %abs3A_722 = math.absf %add3A_717 : vector<16xf32>
        %add3A_723 = arith.addf %broadcast_in_dim3A_703, %abs3A_722 : vector<16xf32>
        %abs3A_724 = math.absf %add3A_721 : vector<16xf32>
        %add3A_725 = arith.addf %add3A_723, %abs3A_724 : vector<16xf32>
        %get3A_726 = arith.constant 3 : i32
        %get3A_727 = arith.index_cast %get3A_726 : i32 to index
        %get3A_728 = arith.index_cast %scan3A_701 : i32 to index
        %get3A_729 = arith.constant 16 : index
        %get3A_730 = tpu.vector_load %arg13[%get3A_727, %get3A_728, %get3A_729] {strides = array<i32>} : memref<4x128x64xf32, #tpu.memory_space<vmem>>, vector<16xf32>,
        %get3A_731 = arith.constant 3 : i32
        %get3A_732 = arith.index_cast %get3A_731 : i32 to index
        %get3A_733 = arith.index_cast %scan3A_701 : i32 to index
        %get3A_734 = arith.constant 16 : index
        %get3A_735 = tpu.vector_load %arg14[%get3A_732, %get3A_733, %get3A_734] {strides = array<i32>} : memref<4x128x64xf32, #tpu.memory_space<vmem>>, vector<16xf32>,
        %mul3A_736 = arith.mulf %get3A_730, %get3A_457 : vector<16xf32>
        %sub3A_737 = arith.subf %get3A_481, %mul3A_736 : vector<16xf32>
        %mul3A_738 = arith.mulf %get3A_735, %get3A_469 : vector<16xf32>
        %add3A_739 = arith.addf %sub3A_737, %mul3A_738 : vector<16xf32>
        %mul3A_740 = arith.mulf %get3A_730, %get3A_469 : vector<16xf32>
        %add3A_741 = arith.addf %get3A_493, %mul3A_740 : vector<16xf32>
        %mul3A_742 = arith.mulf %get3A_735, %get3A_457 : vector<16xf32>
        %add3A_743 = arith.addf %add3A_741, %mul3A_742 : vector<16xf32>
        %abs3A_744 = math.absf %add3A_739 : vector<16xf32>
        %add3A_745 = arith.addf %add3A_725, %abs3A_744 : vector<16xf32>
        %abs3A_746 = math.absf %add3A_743 : vector<16xf32>
        %add3A_747 = arith.addf %add3A_745, %abs3A_746 : vector<16xf32>
        %get3A_748 = arith.constant 3 : i32
        %get3A_749 = arith.index_cast %get3A_748 : i32 to index
        %get3A_750 = arith.index_cast %scan3A_701 : i32 to index
        %get3A_751 = arith.constant 32 : index
        %get3A_752 = tpu.vector_load %arg13[%get3A_749, %get3A_750, %get3A_751] {strides = array<i32>} : memref<4x128x64xf32, #tpu.memory_space<vmem>>, vector<16xf32>,
        %get3A_753 = arith.constant 3 : i32
        %get3A_754 = arith.index_cast %get3A_753 : i32 to index
        %get3A_755 = arith.index_cast %scan3A_701 : i32 to index
        %get3A_756 = arith.constant 32 : index
        %get3A_757 = tpu.vector_load %arg14[%get3A_754, %get3A_755, %get3A_756] {strides = array<i32>} : memref<4x128x64xf32, #tpu.memory_space<vmem>>, vector<16xf32>,
        %mul3A_758 = arith.mulf %get3A_752, %get3A_460 : vector<16xf32>
        %sub3A_759 = arith.subf %get3A_484, %mul3A_758 : vector<16xf32>
        %mul3A_760 = arith.mulf %get3A_757, %get3A_472 : vector<16xf32>
        %add3A_761 = arith.addf %sub3A_759, %mul3A_760 : vector<16xf32>
        %mul3A_762 = arith.mulf %get3A_752, %get3A_472 : vector<16xf32>
        %add3A_763 = arith.addf %get3A_496, %mul3A_762 : vector<16xf32>
        %mul3A_764 = arith.mulf %get3A_757, %get3A_460 : vector<16xf32>
        %add3A_765 = arith.addf %add3A_763, %mul3A_764 : vector<16xf32>
        %abs3A_766 = math.absf %add3A_761 : vector<16xf32>
        %add3A_767 = arith.addf %add3A_747, %abs3A_766 : vector<16xf32>
        %abs3A_768 = math.absf %add3A_765 : vector<16xf32>
        %add3A_769 = arith.addf %add3A_767, %abs3A_768 : vector<16xf32>
        %get3A_770 = arith.constant 3 : i32
        %get3A_771 = arith.index_cast %get3A_770 : i32 to index
        %get3A_772 = arith.index_cast %scan3A_701 : i32 to index
        %get3A_773 = arith.constant 48 : index
        %get3A_774 = tpu.vector_load %arg13[%get3A_771, %get3A_772, %get3A_773] {strides = array<i32>} : memref<4x128x64xf32, #tpu.memory_space<vmem>>, vector<16xf32>,
        %get3A_775 = arith.constant 3 : i32
        %get3A_776 = arith.index_cast %get3A_775 : i32 to index
        %get3A_777 = arith.index_cast %scan3A_701 : i32 to index
        %get3A_778 = arith.constant 48 : index
        %get3A_779 = tpu.vector_load %arg14[%get3A_776, %get3A_777, %get3A_778] {strides = array<i32>} : memref<4x128x64xf32, #tpu.memory_space<vmem>>, vector<16xf32>,
        %mul3A_780 = arith.mulf %get3A_774, %get3A_463 : vector<16xf32>
        %sub3A_781 = arith.subf %get3A_487, %mul3A_780 : vector<16xf32>
        %mul3A_782 = arith.mulf %get3A_779, %get3A_475 : vector<16xf32>
        %add3A_783 = arith.addf %sub3A_781, %mul3A_782 : vector<16xf32>
        %mul3A_784 = arith.mulf %get3A_774, %get3A_475 : vector<16xf32>
        %add3A_785 = arith.addf %get3A_499, %mul3A_784 : vector<16xf32>
        %mul3A_786 = arith.mulf %get3A_779, %get3A_463 : vector<16xf32>
        %add3A_787 = arith.addf %add3A_785, %mul3A_786 : vector<16xf32>
        %abs3A_788 = math.absf %add3A_783 : vector<16xf32>
        %add3A_789 = arith.addf %add3A_769, %abs3A_788 : vector<16xf32>
        %abs3A_790 = math.absf %add3A_787 : vector<16xf32>
        %add3A_791 = arith.addf %add3A_789, %abs3A_790 : vector<16xf32>
        %reduce_sum3A_792 = arith.constant true
        %reduce_sum3A_793 = vector.broadcast %reduce_sum3A_792 : i1 to vector<16xi1>
        %reduce_sum3A_794 = tpu.scan <sum>, %add3A_791 masked %reduce_sum3A_793 : vector<16xf32>, vector<16xi1> -> vector<16xf32>
        %reduce_sum3A_795 = vector.extract %reduce_sum3A_794[15] : f32 from vector<16xf32>
        %broadcast_in_dim3A_796 = vector.broadcast %reduce_sum3A_795 : f32 to vector<16xf32>
        %add3A_797 = arith.addi %mul3A_450, %scan3A_701 : i32
        %broadcast_in_dim3A_798 = vector.broadcast %add3A_797 : i32 to vector<16xi32>
        tpu.vector_store_idx %arg25[%broadcast_in_dim3A_451, %broadcast_in_dim3A_798], %broadcast_in_dim3A_796 masked %eq3A_113 : memref<32x512xf32, #tpu.memory_space<vmem>>[vector<16xi32>, vector<16xi32>], vector<16xf32>, vector<16xi1>
        %scan3A_799 = arith.constant 3 : i32
        %scan3A_800 = arith.addi %scan3A_506, %scan3A_799 : i32
        %broadcast_in_dim3A_801 = arith.constant 0.000000e+00 : f32
        %broadcast_in_dim3A_802 = vector.broadcast %broadcast_in_dim3A_801 : f32 to vector<16xf32>
        %get3A_803 = arith.constant 3 : i32
        %get3A_804 = arith.index_cast %get3A_803 : i32 to index
        %get3A_805 = arith.index_cast %scan3A_800 : i32 to index
        %get3A_806 = arith.constant 0 : index
        %get3A_807 = tpu.vector_load %arg13[%get3A_804, %get3A_805, %get3A_806] {strides = array<i32>} : memref<4x128x64xf32, #tpu.memory_space<vmem>>, vector<16xf32>,
        %get3A_808 = arith.constant 3 : i32
        %get3A_809 = arith.index_cast %get3A_808 : i32 to index
        %get3A_810 = arith.index_cast %scan3A_800 : i32 to index
        %get3A_811 = arith.constant 0 : index
        %get3A_812 = tpu.vector_load %arg14[%get3A_809, %get3A_810, %get3A_811] {strides = array<i32>} : memref<4x128x64xf32, #tpu.memory_space<vmem>>, vector<16xf32>,
        %mul3A_813 = arith.mulf %get3A_807, %get3A_454 : vector<16xf32>
        %sub3A_814 = arith.subf %get3A_478, %mul3A_813 : vector<16xf32>
        %mul3A_815 = arith.mulf %get3A_812, %get3A_466 : vector<16xf32>
        %add3A_816 = arith.addf %sub3A_814, %mul3A_815 : vector<16xf32>
        %mul3A_817 = arith.mulf %get3A_807, %get3A_466 : vector<16xf32>
        %add3A_818 = arith.addf %get3A_490, %mul3A_817 : vector<16xf32>
        %mul3A_819 = arith.mulf %get3A_812, %get3A_454 : vector<16xf32>
        %add3A_820 = arith.addf %add3A_818, %mul3A_819 : vector<16xf32>
        %abs3A_821 = math.absf %add3A_816 : vector<16xf32>
        %add3A_822 = arith.addf %broadcast_in_dim3A_802, %abs3A_821 : vector<16xf32>
        %abs3A_823 = math.absf %add3A_820 : vector<16xf32>
        %add3A_824 = arith.addf %add3A_822, %abs3A_823 : vector<16xf32>
        %get3A_825 = arith.constant 3 : i32
        %get3A_826 = arith.index_cast %get3A_825 : i32 to index
        %get3A_827 = arith.index_cast %scan3A_800 : i32 to index
        %get3A_828 = arith.constant 16 : index
        %get3A_829 = tpu.vector_load %arg13[%get3A_826, %get3A_827, %get3A_828] {strides = array<i32>} : memref<4x128x64xf32, #tpu.memory_space<vmem>>, vector<16xf32>,
        %get3A_830 = arith.constant 3 : i32
        %get3A_831 = arith.index_cast %get3A_830 : i32 to index
        %get3A_832 = arith.index_cast %scan3A_800 : i32 to index
        %get3A_833 = arith.constant 16 : index
        %get3A_834 = tpu.vector_load %arg14[%get3A_831, %get3A_832, %get3A_833] {strides = array<i32>} : memref<4x128x64xf32, #tpu.memory_space<vmem>>, vector<16xf32>,
        %mul3A_835 = arith.mulf %get3A_829, %get3A_457 : vector<16xf32>
        %sub3A_836 = arith.subf %get3A_481, %mul3A_835 : vector<16xf32>
        %mul3A_837 = arith.mulf %get3A_834, %get3A_469 : vector<16xf32>
        %add3A_838 = arith.addf %sub3A_836, %mul3A_837 : vector<16xf32>
        %mul3A_839 = arith.mulf %get3A_829, %get3A_469 : vector<16xf32>
        %add3A_840 = arith.addf %get3A_493, %mul3A_839 : vector<16xf32>
        %mul3A_841 = arith.mulf %get3A_834, %get3A_457 : vector<16xf32>
        %add3A_842 = arith.addf %add3A_840, %mul3A_841 : vector<16xf32>
        %abs3A_843 = math.absf %add3A_838 : vector<16xf32>
        %add3A_844 = arith.addf %add3A_824, %abs3A_843 : vector<16xf32>
        %abs3A_845 = math.absf %add3A_842 : vector<16xf32>
        %add3A_846 = arith.addf %add3A_844, %abs3A_845 : vector<16xf32>
        %get3A_847 = arith.constant 3 : i32
        %get3A_848 = arith.index_cast %get3A_847 : i32 to index
        %get3A_849 = arith.index_cast %scan3A_800 : i32 to index
        %get3A_850 = arith.constant 32 : index
        %get3A_851 = tpu.vector_load %arg13[%get3A_848, %get3A_849, %get3A_850] {strides = array<i32>} : memref<4x128x64xf32, #tpu.memory_space<vmem>>, vector<16xf32>,
        %get3A_852 = arith.constant 3 : i32
        %get3A_853 = arith.index_cast %get3A_852 : i32 to index
        %get3A_854 = arith.index_cast %scan3A_800 : i32 to index
        %get3A_855 = arith.constant 32 : index
        %get3A_856 = tpu.vector_load %arg14[%get3A_853, %get3A_854, %get3A_855] {strides = array<i32>} : memref<4x128x64xf32, #tpu.memory_space<vmem>>, vector<16xf32>,
        %mul3A_857 = arith.mulf %get3A_851, %get3A_460 : vector<16xf32>
        %sub3A_858 = arith.subf %get3A_484, %mul3A_857 : vector<16xf32>
        %mul3A_859 = arith.mulf %get3A_856, %get3A_472 : vector<16xf32>
        %add3A_860 = arith.addf %sub3A_858, %mul3A_859 : vector<16xf32>
        %mul3A_861 = arith.mulf %get3A_851, %get3A_472 : vector<16xf32>
        %add3A_862 = arith.addf %get3A_496, %mul3A_861 : vector<16xf32>
        %mul3A_863 = arith.mulf %get3A_856, %get3A_460 : vector<16xf32>
        %add3A_864 = arith.addf %add3A_862, %mul3A_863 : vector<16xf32>
        %abs3A_865 = math.absf %add3A_860 : vector<16xf32>
        %add3A_866 = arith.addf %add3A_846, %abs3A_865 : vector<16xf32>
        %abs3A_867 = math.absf %add3A_864 : vector<16xf32>
        %add3A_868 = arith.addf %add3A_866, %abs3A_867 : vector<16xf32>
        %get3A_869 = arith.constant 3 : i32
        %get3A_870 = arith.index_cast %get3A_869 : i32 to index
        %get3A_871 = arith.index_cast %scan3A_800 : i32 to index
        %get3A_872 = arith.constant 48 : index
        %get3A_873 = tpu.vector_load %arg13[%get3A_870, %get3A_871, %get3A_872] {strides = array<i32>} : memref<4x128x64xf32, #tpu.memory_space<vmem>>, vector<16xf32>,
        %get3A_874 = arith.constant 3 : i32
        %get3A_875 = arith.index_cast %get3A_874 : i32 to index
        %get3A_876 = arith.index_cast %scan3A_800 : i32 to index
        %get3A_877 = arith.constant 48 : index
        %get3A_878 = tpu.vector_load %arg14[%get3A_875, %get3A_876, %get3A_877] {strides = array<i32>} : memref<4x128x64xf32, #tpu.memory_space<vmem>>, vector<16xf32>,
        %mul3A_879 = arith.mulf %get3A_873, %get3A_463 : vector<16xf32>
        %sub3A_880 = arith.subf %get3A_487, %mul3A_879 : vector<16xf32>
        %mul3A_881 = arith.mulf %get3A_878, %get3A_475 : vector<16xf32>
        %add3A_882 = arith.addf %sub3A_880, %mul3A_881 : vector<16xf32>
        %mul3A_883 = arith.mulf %get3A_873, %get3A_475 : vector<16xf32>
        %add3A_884 = arith.addf %get3A_499, %mul3A_883 : vector<16xf32>
        %mul3A_885 = arith.mulf %get3A_878, %get3A_463 : vector<16xf32>
        %add3A_886 = arith.addf %add3A_884, %mul3A_885 : vector<16xf32>
        %abs3A_887 = math.absf %add3A_882 : vector<16xf32>
        %add3A_888 = arith.addf %add3A_868, %abs3A_887 : vector<16xf32>
        %abs3A_889 = math.absf %add3A_886 : vector<16xf32>
        %add3A_890 = arith.addf %add3A_888, %abs3A_889 : vector<16xf32>
        %reduce_sum3A_891 = arith.constant true
        %reduce_sum3A_892 = vector.broadcast %reduce_sum3A_891 : i1 to vector<16xi1>
        %reduce_sum3A_893 = tpu.scan <sum>, %add3A_890 masked %reduce_sum3A_892 : vector<16xf32>, vector<16xi1> -> vector<16xf32>
        %reduce_sum3A_894 = vector.extract %reduce_sum3A_893[15] : f32 from vector<16xf32>
        %broadcast_in_dim3A_895 = vector.broadcast %reduce_sum3A_894 : f32 to vector<16xf32>
        %add3A_896 = arith.addi %mul3A_450, %scan3A_800 : i32
        %broadcast_in_dim3A_897 = vector.broadcast %add3A_896 : i32 to vector<16xi32>
        tpu.vector_store_idx %arg25[%broadcast_in_dim3A_451, %broadcast_in_dim3A_897], %broadcast_in_dim3A_895 masked %eq3A_113 : memref<32x512xf32, #tpu.memory_space<vmem>>[vector<16xi32>, vector<16xi32>], vector<16xf32>, vector<16xi1>
        %scan3A_898 = arith.constant 4 : i32
        %scan3A_899 = arith.addi %scan3A_506, %scan3A_898 : i32
        %broadcast_in_dim3A_900 = arith.constant 0.000000e+00 : f32
        %broadcast_in_dim3A_901 = vector.broadcast %broadcast_in_dim3A_900 : f32 to vector<16xf32>
        %get3A_902 = arith.constant 3 : i32
        %get3A_903 = arith.index_cast %get3A_902 : i32 to index
        %get3A_904 = arith.index_cast %scan3A_899 : i32 to index
        %get3A_905 = arith.constant 0 : index
        %get3A_906 = tpu.vector_load %arg13[%get3A_903, %get3A_904, %get3A_905] {strides = array<i32>} : memref<4x128x64xf32, #tpu.memory_space<vmem>>, vector<16xf32>,
        %get3A_907 = arith.constant 3 : i32
        %get3A_908 = arith.index_cast %get3A_907 : i32 to index
        %get3A_909 = arith.index_cast %scan3A_899 : i32 to index
        %get3A_910 = arith.constant 0 : index
        %get3A_911 = tpu.vector_load %arg14[%get3A_908, %get3A_909, %get3A_910] {strides = array<i32>} : memref<4x128x64xf32, #tpu.memory_space<vmem>>, vector<16xf32>,
        %mul3A_912 = arith.mulf %get3A_906, %get3A_454 : vector<16xf32>
        %sub3A_913 = arith.subf %get3A_478, %mul3A_912 : vector<16xf32>
        %mul3A_914 = arith.mulf %get3A_911, %get3A_466 : vector<16xf32>
        %add3A_915 = arith.addf %sub3A_913, %mul3A_914 : vector<16xf32>
        %mul3A_916 = arith.mulf %get3A_906, %get3A_466 : vector<16xf32>
        %add3A_917 = arith.addf %get3A_490, %mul3A_916 : vector<16xf32>
        %mul3A_918 = arith.mulf %get3A_911, %get3A_454 : vector<16xf32>
        %add3A_919 = arith.addf %add3A_917, %mul3A_918 : vector<16xf32>
        %abs3A_920 = math.absf %add3A_915 : vector<16xf32>
        %add3A_921 = arith.addf %broadcast_in_dim3A_901, %abs3A_920 : vector<16xf32>
        %abs3A_922 = math.absf %add3A_919 : vector<16xf32>
        %add3A_923 = arith.addf %add3A_921, %abs3A_922 : vector<16xf32>
        %get3A_924 = arith.constant 3 : i32
        %get3A_925 = arith.index_cast %get3A_924 : i32 to index
        %get3A_926 = arith.index_cast %scan3A_899 : i32 to index
        %get3A_927 = arith.constant 16 : index
        %get3A_928 = tpu.vector_load %arg13[%get3A_925, %get3A_926, %get3A_927] {strides = array<i32>} : memref<4x128x64xf32, #tpu.memory_space<vmem>>, vector<16xf32>,
        %get3A_929 = arith.constant 3 : i32
        %get3A_930 = arith.index_cast %get3A_929 : i32 to index
        %get3A_931 = arith.index_cast %scan3A_899 : i32 to index
        %get3A_932 = arith.constant 16 : index
        %get3A_933 = tpu.vector_load %arg14[%get3A_930, %get3A_931, %get3A_932] {strides = array<i32>} : memref<4x128x64xf32, #tpu.memory_space<vmem>>, vector<16xf32>,
        %mul3A_934 = arith.mulf %get3A_928, %get3A_457 : vector<16xf32>
        %sub3A_935 = arith.subf %get3A_481, %mul3A_934 : vector<16xf32>
        %mul3A_936 = arith.mulf %get3A_933, %get3A_469 : vector<16xf32>
        %add3A_937 = arith.addf %sub3A_935, %mul3A_936 : vector<16xf32>
        %mul3A_938 = arith.mulf %get3A_928, %get3A_469 : vector<16xf32>
        %add3A_939 = arith.addf %get3A_493, %mul3A_938 : vector<16xf32>
        %mul3A_940 = arith.mulf %get3A_933, %get3A_457 : vector<16xf32>
        %add3A_941 = arith.addf %add3A_939, %mul3A_940 : vector<16xf32>
        %abs3A_942 = math.absf %add3A_937 : vector<16xf32>
        %add3A_943 = arith.addf %add3A_923, %abs3A_942 : vector<16xf32>
        %abs3A_944 = math.absf %add3A_941 : vector<16xf32>
        %add3A_945 = arith.addf %add3A_943, %abs3A_944 : vector<16xf32>
        %get3A_946 = arith.constant 3 : i32
        %get3A_947 = arith.index_cast %get3A_946 : i32 to index
        %get3A_948 = arith.index_cast %scan3A_899 : i32 to index
        %get3A_949 = arith.constant 32 : index
        %get3A_950 = tpu.vector_load %arg13[%get3A_947, %get3A_948, %get3A_949] {strides = array<i32>} : memref<4x128x64xf32, #tpu.memory_space<vmem>>, vector<16xf32>,
        %get3A_951 = arith.constant 3 : i32
        %get3A_952 = arith.index_cast %get3A_951 : i32 to index
        %get3A_953 = arith.index_cast %scan3A_899 : i32 to index
        %get3A_954 = arith.constant 32 : index
        %get3A_955 = tpu.vector_load %arg14[%get3A_952, %get3A_953, %get3A_954] {strides = array<i32>} : memref<4x128x64xf32, #tpu.memory_space<vmem>>, vector<16xf32>,
        %mul3A_956 = arith.mulf %get3A_950, %get3A_460 : vector<16xf32>
        %sub3A_957 = arith.subf %get3A_484, %mul3A_956 : vector<16xf32>
        %mul3A_958 = arith.mulf %get3A_955, %get3A_472 : vector<16xf32>
        %add3A_959 = arith.addf %sub3A_957, %mul3A_958 : vector<16xf32>
        %mul3A_960 = arith.mulf %get3A_950, %get3A_472 : vector<16xf32>
        %add3A_961 = arith.addf %get3A_496, %mul3A_960 : vector<16xf32>
        %mul3A_962 = arith.mulf %get3A_955, %get3A_460 : vector<16xf32>
        %add3A_963 = arith.addf %add3A_961, %mul3A_962 : vector<16xf32>
        %abs3A_964 = math.absf %add3A_959 : vector<16xf32>
        %add3A_965 = arith.addf %add3A_945, %abs3A_964 : vector<16xf32>
        %abs3A_966 = math.absf %add3A_963 : vector<16xf32>
        %add3A_967 = arith.addf %add3A_965, %abs3A_966 : vector<16xf32>
        %get3A_968 = arith.constant 3 : i32
        %get3A_969 = arith.index_cast %get3A_968 : i32 to index
        %get3A_970 = arith.index_cast %scan3A_899 : i32 to index
        %get3A_971 = arith.constant 48 : index
        %get3A_972 = tpu.vector_load %arg13[%get3A_969, %get3A_970, %get3A_971] {strides = array<i32>} : memref<4x128x64xf32, #tpu.memory_space<vmem>>, vector<16xf32>,
        %get3A_973 = arith.constant 3 : i32
        %get3A_974 = arith.index_cast %get3A_973 : i32 to index
        %get3A_975 = arith.index_cast %scan3A_899 : i32 to index
        %get3A_976 = arith.constant 48 : index
        %get3A_977 = tpu.vector_load %arg14[%get3A_974, %get3A_975, %get3A_976] {strides = array<i32>} : memref<4x128x64xf32, #tpu.memory_space<vmem>>, vector<16xf32>,
        %mul3A_978 = arith.mulf %get3A_972, %get3A_463 : vector<16xf32>
        %sub3A_979 = arith.subf %get3A_487, %mul3A_978 : vector<16xf32>
        %mul3A_980 = arith.mulf %get3A_977, %get3A_475 : vector<16xf32>
        %add3A_981 = arith.addf %sub3A_979, %mul3A_980 : vector<16xf32>
        %mul3A_982 = arith.mulf %get3A_972, %get3A_475 : vector<16xf32>
        %add3A_983 = arith.addf %get3A_499, %mul3A_982 : vector<16xf32>
        %mul3A_984 = arith.mulf %get3A_977, %get3A_463 : vector<16xf32>
        %add3A_985 = arith.addf %add3A_983, %mul3A_984 : vector<16xf32>
        %abs3A_986 = math.absf %add3A_981 : vector<16xf32>
        %add3A_987 = arith.addf %add3A_967, %abs3A_986 : vector<16xf32>
        %abs3A_988 = math.absf %add3A_985 : vector<16xf32>
        %add3A_989 = arith.addf %add3A_987, %abs3A_988 : vector<16xf32>
        %reduce_sum3A_990 = arith.constant true
        %reduce_sum3A_991 = vector.broadcast %reduce_sum3A_990 : i1 to vector<16xi1>
        %reduce_sum3A_992 = tpu.scan <sum>, %add3A_989 masked %reduce_sum3A_991 : vector<16xf32>, vector<16xi1> -> vector<16xf32>
        %reduce_sum3A_993 = vector.extract %reduce_sum3A_992[15] : f32 from vector<16xf32>
        %broadcast_in_dim3A_994 = vector.broadcast %reduce_sum3A_993 : f32 to vector<16xf32>
        %add3A_995 = arith.addi %mul3A_450, %scan3A_899 : i32
        %broadcast_in_dim3A_996 = vector.broadcast %add3A_995 : i32 to vector<16xi32>
        tpu.vector_store_idx %arg25[%broadcast_in_dim3A_451, %broadcast_in_dim3A_996], %broadcast_in_dim3A_994 masked %eq3A_113 : memref<32x512xf32, #tpu.memory_space<vmem>>[vector<16xi32>, vector<16xi32>], vector<16xf32>, vector<16xi1>
        %scan3A_997 = arith.constant 5 : i32
        %scan3A_998 = arith.addi %scan3A_506, %scan3A_997 : i32
        %broadcast_in_dim3A_999 = arith.constant 0.000000e+00 : f32
        %broadcast_in_dim3A_1000 = vector.broadcast %broadcast_in_dim3A_999 : f32 to vector<16xf32>
        %get3A_1001 = arith.constant 3 : i32
        %get3A_1002 = arith.index_cast %get3A_1001 : i32 to index
        %get3A_1003 = arith.index_cast %scan3A_998 : i32 to index
        %get3A_1004 = arith.constant 0 : index
        %get3A_1005 = tpu.vector_load %arg13[%get3A_1002, %get3A_1003, %get3A_1004] {strides = array<i32>} : memref<4x128x64xf32, #tpu.memory_space<vmem>>, vector<16xf32>,
        %get3A_1006 = arith.constant 3 : i32
        %get3A_1007 = arith.index_cast %get3A_1006 : i32 to index
        %get3A_1008 = arith.index_cast %scan3A_998 : i32 to index
        %get3A_1009 = arith.constant 0 : index
        %get3A_1010 = tpu.vector_load %arg14[%get3A_1007, %get3A_1008, %get3A_1009] {strides = array<i32>} : memref<4x128x64xf32, #tpu.memory_space<vmem>>, vector<16xf32>,
        %mul3A_1011 = arith.mulf %get3A_1005, %get3A_454 : vector<16xf32>
        %sub3A_1012 = arith.subf %get3A_478, %mul3A_1011 : vector<16xf32>
        %mul3A_1013 = arith.mulf %get3A_1010, %get3A_466 : vector<16xf32>
        %add3A_1014 = arith.addf %sub3A_1012, %mul3A_1013 : vector<16xf32>
        %mul3A_1015 = arith.mulf %get3A_1005, %get3A_466 : vector<16xf32>
        %add3A_1016 = arith.addf %get3A_490, %mul3A_1015 : vector<16xf32>
        %mul3A_1017 = arith.mulf %get3A_1010, %get3A_454 : vector<16xf32>
        %add3A_1018 = arith.addf %add3A_1016, %mul3A_1017 : vector<16xf32>
        %abs3A_1019 = math.absf %add3A_1014 : vector<16xf32>
        %add3A_1020 = arith.addf %broadcast_in_dim3A_1000, %abs3A_1019 : vector<16xf32>
        %abs3A_1021 = math.absf %add3A_1018 : vector<16xf32>
        %add3A_1022 = arith.addf %add3A_1020, %abs3A_1021 : vector<16xf32>
        %get3A_1023 = arith.constant 3 : i32
        %get3A_1024 = arith.index_cast %get3A_1023 : i32 to index
        %get3A_1025 = arith.index_cast %scan3A_998 : i32 to index
        %get3A_1026 = arith.constant 16 : index
        %get3A_1027 = tpu.vector_load %arg13[%get3A_1024, %get3A_1025, %get3A_1026] {strides = array<i32>} : memref<4x128x64xf32, #tpu.memory_space<vmem>>, vector<16xf32>,
        %get3A_1028 = arith.constant 3 : i32
        %get3A_1029 = arith.index_cast %get3A_1028 : i32 to index
        %get3A_1030 = arith.index_cast %scan3A_998 : i32 to index
        %get3A_1031 = arith.constant 16 : index
        %get3A_1032 = tpu.vector_load %arg14[%get3A_1029, %get3A_1030, %get3A_1031] {strides = array<i32>} : memref<4x128x64xf32, #tpu.memory_space<vmem>>, vector<16xf32>,
        %mul3A_1033 = arith.mulf %get3A_1027, %get3A_457 : vector<16xf32>
        %sub3A_1034 = arith.subf %get3A_481, %mul3A_1033 : vector<16xf32>
        %mul3A_1035 = arith.mulf %get3A_1032, %get3A_469 : vector<16xf32>
        %add3A_1036 = arith.addf %sub3A_1034, %mul3A_1035 : vector<16xf32>
        %mul3A_1037 = arith.mulf %get3A_1027, %get3A_469 : vector<16xf32>
        %add3A_1038 = arith.addf %get3A_493, %mul3A_1037 : vector<16xf32>
        %mul3A_1039 = arith.mulf %get3A_1032, %get3A_457 : vector<16xf32>
        %add3A_1040 = arith.addf %add3A_1038, %mul3A_1039 : vector<16xf32>
        %abs3A_1041 = math.absf %add3A_1036 : vector<16xf32>
        %add3A_1042 = arith.addf %add3A_1022, %abs3A_1041 : vector<16xf32>
        %abs3A_1043 = math.absf %add3A_1040 : vector<16xf32>
        %add3A_1044 = arith.addf %add3A_1042, %abs3A_1043 : vector<16xf32>
        %get3A_1045 = arith.constant 3 : i32
        %get3A_1046 = arith.index_cast %get3A_1045 : i32 to index
        %get3A_1047 = arith.index_cast %scan3A_998 : i32 to index
        %get3A_1048 = arith.constant 32 : index
        %get3A_1049 = tpu.vector_load %arg13[%get3A_1046, %get3A_1047, %get3A_1048] {strides = array<i32>} : memref<4x128x64xf32, #tpu.memory_space<vmem>>, vector<16xf32>,
        %get3A_1050 = arith.constant 3 : i32
        %get3A_1051 = arith.index_cast %get3A_1050 : i32 to index
        %get3A_1052 = arith.index_cast %scan3A_998 : i32 to index
        %get3A_1053 = arith.constant 32 : index
        %get3A_1054 = tpu.vector_load %arg14[%get3A_1051, %get3A_1052, %get3A_1053] {strides = array<i32>} : memref<4x128x64xf32, #tpu.memory_space<vmem>>, vector<16xf32>,
        %mul3A_1055 = arith.mulf %get3A_1049, %get3A_460 : vector<16xf32>
        %sub3A_1056 = arith.subf %get3A_484, %mul3A_1055 : vector<16xf32>
        %mul3A_1057 = arith.mulf %get3A_1054, %get3A_472 : vector<16xf32>
        %add3A_1058 = arith.addf %sub3A_1056, %mul3A_1057 : vector<16xf32>
        %mul3A_1059 = arith.mulf %get3A_1049, %get3A_472 : vector<16xf32>
        %add3A_1060 = arith.addf %get3A_496, %mul3A_1059 : vector<16xf32>
        %mul3A_1061 = arith.mulf %get3A_1054, %get3A_460 : vector<16xf32>
        %add3A_1062 = arith.addf %add3A_1060, %mul3A_1061 : vector<16xf32>
        %abs3A_1063 = math.absf %add3A_1058 : vector<16xf32>
        %add3A_1064 = arith.addf %add3A_1044, %abs3A_1063 : vector<16xf32>
        %abs3A_1065 = math.absf %add3A_1062 : vector<16xf32>
        %add3A_1066 = arith.addf %add3A_1064, %abs3A_1065 : vector<16xf32>
        %get3A_1067 = arith.constant 3 : i32
        %get3A_1068 = arith.index_cast %get3A_1067 : i32 to index
        %get3A_1069 = arith.index_cast %scan3A_998 : i32 to index
        %get3A_1070 = arith.constant 48 : index
        %get3A_1071 = tpu.vector_load %arg13[%get3A_1068, %get3A_1069, %get3A_1070] {strides = array<i32>} : memref<4x128x64xf32, #tpu.memory_space<vmem>>, vector<16xf32>,
        %get3A_1072 = arith.constant 3 : i32
        %get3A_1073 = arith.index_cast %get3A_1072 : i32 to index
        %get3A_1074 = arith.index_cast %scan3A_998 : i32 to index
        %get3A_1075 = arith.constant 48 : index
        %get3A_1076 = tpu.vector_load %arg14[%get3A_1073, %get3A_1074, %get3A_1075] {strides = array<i32>} : memref<4x128x64xf32, #tpu.memory_space<vmem>>, vector<16xf32>,
        %mul3A_1077 = arith.mulf %get3A_1071, %get3A_463 : vector<16xf32>
        %sub3A_1078 = arith.subf %get3A_487, %mul3A_1077 : vector<16xf32>
        %mul3A_1079 = arith.mulf %get3A_1076, %get3A_475 : vector<16xf32>
        %add3A_1080 = arith.addf %sub3A_1078, %mul3A_1079 : vector<16xf32>
        %mul3A_1081 = arith.mulf %get3A_1071, %get3A_475 : vector<16xf32>
        %add3A_1082 = arith.addf %get3A_499, %mul3A_1081 : vector<16xf32>
        %mul3A_1083 = arith.mulf %get3A_1076, %get3A_463 : vector<16xf32>
        %add3A_1084 = arith.addf %add3A_1082, %mul3A_1083 : vector<16xf32>
        %abs3A_1085 = math.absf %add3A_1080 : vector<16xf32>
        %add3A_1086 = arith.addf %add3A_1066, %abs3A_1085 : vector<16xf32>
        %abs3A_1087 = math.absf %add3A_1084 : vector<16xf32>
        %add3A_1088 = arith.addf %add3A_1086, %abs3A_1087 : vector<16xf32>
        %reduce_sum3A_1089 = arith.constant true
        %reduce_sum3A_1090 = vector.broadcast %reduce_sum3A_1089 : i1 to vector<16xi1>
        %reduce_sum3A_1091 = tpu.scan <sum>, %add3A_1088 masked %reduce_sum3A_1090 : vector<16xf32>, vector<16xi1> -> vector<16xf32>
        %reduce_sum3A_1092 = vector.extract %reduce_sum3A_1091[15] : f32 from vector<16xf32>
        %broadcast_in_dim3A_1093 = vector.broadcast %reduce_sum3A_1092 : f32 to vector<16xf32>
        %add3A_1094 = arith.addi %mul3A_450, %scan3A_998 : i32
        %broadcast_in_dim3A_1095 = vector.broadcast %add3A_1094 : i32 to vector<16xi32>
        tpu.vector_store_idx %arg25[%broadcast_in_dim3A_451, %broadcast_in_dim3A_1095], %broadcast_in_dim3A_1093 masked %eq3A_113 : memref<32x512xf32, #tpu.memory_space<vmem>>[vector<16xi32>, vector<16xi32>], vector<16xf32>, vector<16xi1>
        %scan3A_1096 = arith.constant 6 : i32
        %scan3A_1097 = arith.addi %scan3A_506, %scan3A_1096 : i32
        %broadcast_in_dim3A_1098 = arith.constant 0.000000e+00 : f32
        %broadcast_in_dim3A_1099 = vector.broadcast %broadcast_in_dim3A_1098 : f32 to vector<16xf32>
        %get3A_1100 = arith.constant 3 : i32
        %get3A_1101 = arith.index_cast %get3A_1100 : i32 to index
        %get3A_1102 = arith.index_cast %scan3A_1097 : i32 to index
        %get3A_1103 = arith.constant 0 : index
        %get3A_1104 = tpu.vector_load %arg13[%get3A_1101, %get3A_1102, %get3A_1103] {strides = array<i32>} : memref<4x128x64xf32, #tpu.memory_space<vmem>>, vector<16xf32>,
        %get3A_1105 = arith.constant 3 : i32
        %get3A_1106 = arith.index_cast %get3A_1105 : i32 to index
        %get3A_1107 = arith.index_cast %scan3A_1097 : i32 to index
        %get3A_1108 = arith.constant 0 : index
        %get3A_1109 = tpu.vector_load %arg14[%get3A_1106, %get3A_1107, %get3A_1108] {strides = array<i32>} : memref<4x128x64xf32, #tpu.memory_space<vmem>>, vector<16xf32>,
        %mul3A_1110 = arith.mulf %get3A_1104, %get3A_454 : vector<16xf32>
        %sub3A_1111 = arith.subf %get3A_478, %mul3A_1110 : vector<16xf32>
        %mul3A_1112 = arith.mulf %get3A_1109, %get3A_466 : vector<16xf32>
        %add3A_1113 = arith.addf %sub3A_1111, %mul3A_1112 : vector<16xf32>
        %mul3A_1114 = arith.mulf %get3A_1104, %get3A_466 : vector<16xf32>
        %add3A_1115 = arith.addf %get3A_490, %mul3A_1114 : vector<16xf32>
        %mul3A_1116 = arith.mulf %get3A_1109, %get3A_454 : vector<16xf32>
        %add3A_1117 = arith.addf %add3A_1115, %mul3A_1116 : vector<16xf32>
        %abs3A_1118 = math.absf %add3A_1113 : vector<16xf32>
        %add3A_1119 = arith.addf %broadcast_in_dim3A_1099, %abs3A_1118 : vector<16xf32>
        %abs3A_1120 = math.absf %add3A_1117 : vector<16xf32>
        %add3A_1121 = arith.addf %add3A_1119, %abs3A_1120 : vector<16xf32>
        %get3A_1122 = arith.constant 3 : i32
        %get3A_1123 = arith.index_cast %get3A_1122 : i32 to index
        %get3A_1124 = arith.index_cast %scan3A_1097 : i32 to index
        %get3A_1125 = arith.constant 16 : index
        %get3A_1126 = tpu.vector_load %arg13[%get3A_1123, %get3A_1124, %get3A_1125] {strides = array<i32>} : memref<4x128x64xf32, #tpu.memory_space<vmem>>, vector<16xf32>,
        %get3A_1127 = arith.constant 3 : i32
        %get3A_1128 = arith.index_cast %get3A_1127 : i32 to index
        %get3A_1129 = arith.index_cast %scan3A_1097 : i32 to index
        %get3A_1130 = arith.constant 16 : index
        %get3A_1131 = tpu.vector_load %arg14[%get3A_1128, %get3A_1129, %get3A_1130] {strides = array<i32>} : memref<4x128x64xf32, #tpu.memory_space<vmem>>, vector<16xf32>,
        %mul3A_1132 = arith.mulf %get3A_1126, %get3A_457 : vector<16xf32>
        %sub3A_1133 = arith.subf %get3A_481, %mul3A_1132 : vector<16xf32>
        %mul3A_1134 = arith.mulf %get3A_1131, %get3A_469 : vector<16xf32>
        %add3A_1135 = arith.addf %sub3A_1133, %mul3A_1134 : vector<16xf32>
        %mul3A_1136 = arith.mulf %get3A_1126, %get3A_469 : vector<16xf32>
        %add3A_1137 = arith.addf %get3A_493, %mul3A_1136 : vector<16xf32>
        %mul3A_1138 = arith.mulf %get3A_1131, %get3A_457 : vector<16xf32>
        %add3A_1139 = arith.addf %add3A_1137, %mul3A_1138 : vector<16xf32>
        %abs3A_1140 = math.absf %add3A_1135 : vector<16xf32>
        %add3A_1141 = arith.addf %add3A_1121, %abs3A_1140 : vector<16xf32>
        %abs3A_1142 = math.absf %add3A_1139 : vector<16xf32>
        %add3A_1143 = arith.addf %add3A_1141, %abs3A_1142 : vector<16xf32>
        %get3A_1144 = arith.constant 3 : i32
        %get3A_1145 = arith.index_cast %get3A_1144 : i32 to index
        %get3A_1146 = arith.index_cast %scan3A_1097 : i32 to index
        %get3A_1147 = arith.constant 32 : index
        %get3A_1148 = tpu.vector_load %arg13[%get3A_1145, %get3A_1146, %get3A_1147] {strides = array<i32>} : memref<4x128x64xf32, #tpu.memory_space<vmem>>, vector<16xf32>,
        %get3A_1149 = arith.constant 3 : i32
        %get3A_1150 = arith.index_cast %get3A_1149 : i32 to index
        %get3A_1151 = arith.index_cast %scan3A_1097 : i32 to index
        %get3A_1152 = arith.constant 32 : index
        %get3A_1153 = tpu.vector_load %arg14[%get3A_1150, %get3A_1151, %get3A_1152] {strides = array<i32>} : memref<4x128x64xf32, #tpu.memory_space<vmem>>, vector<16xf32>,
        %mul3A_1154 = arith.mulf %get3A_1148, %get3A_460 : vector<16xf32>
        %sub3A_1155 = arith.subf %get3A_484, %mul3A_1154 : vector<16xf32>
        %mul3A_1156 = arith.mulf %get3A_1153, %get3A_472 : vector<16xf32>
        %add3A_1157 = arith.addf %sub3A_1155, %mul3A_1156 : vector<16xf32>
        %mul3A_1158 = arith.mulf %get3A_1148, %get3A_472 : vector<16xf32>
        %add3A_1159 = arith.addf %get3A_496, %mul3A_1158 : vector<16xf32>
        %mul3A_1160 = arith.mulf %get3A_1153, %get3A_460 : vector<16xf32>
        %add3A_1161 = arith.addf %add3A_1159, %mul3A_1160 : vector<16xf32>
        %abs3A_1162 = math.absf %add3A_1157 : vector<16xf32>
        %add3A_1163 = arith.addf %add3A_1143, %abs3A_1162 : vector<16xf32>
        %abs3A_1164 = math.absf %add3A_1161 : vector<16xf32>
        %add3A_1165 = arith.addf %add3A_1163, %abs3A_1164 : vector<16xf32>
        %get3A_1166 = arith.constant 3 : i32
        %get3A_1167 = arith.index_cast %get3A_1166 : i32 to index
        %get3A_1168 = arith.index_cast %scan3A_1097 : i32 to index
        %get3A_1169 = arith.constant 48 : index
        %get3A_1170 = tpu.vector_load %arg13[%get3A_1167, %get3A_1168, %get3A_1169] {strides = array<i32>} : memref<4x128x64xf32, #tpu.memory_space<vmem>>, vector<16xf32>,
        %get3A_1171 = arith.constant 3 : i32
        %get3A_1172 = arith.index_cast %get3A_1171 : i32 to index
        %get3A_1173 = arith.index_cast %scan3A_1097 : i32 to index
        %get3A_1174 = arith.constant 48 : index
        %get3A_1175 = tpu.vector_load %arg14[%get3A_1172, %get3A_1173, %get3A_1174] {strides = array<i32>} : memref<4x128x64xf32, #tpu.memory_space<vmem>>, vector<16xf32>,
        %mul3A_1176 = arith.mulf %get3A_1170, %get3A_463 : vector<16xf32>
        %sub3A_1177 = arith.subf %get3A_487, %mul3A_1176 : vector<16xf32>
        %mul3A_1178 = arith.mulf %get3A_1175, %get3A_475 : vector<16xf32>
        %add3A_1179 = arith.addf %sub3A_1177, %mul3A_1178 : vector<16xf32>
        %mul3A_1180 = arith.mulf %get3A_1170, %get3A_475 : vector<16xf32>
        %add3A_1181 = arith.addf %get3A_499, %mul3A_1180 : vector<16xf32>
        %mul3A_1182 = arith.mulf %get3A_1175, %get3A_463 : vector<16xf32>
        %add3A_1183 = arith.addf %add3A_1181, %mul3A_1182 : vector<16xf32>
        %abs3A_1184 = math.absf %add3A_1179 : vector<16xf32>
        %add3A_1185 = arith.addf %add3A_1165, %abs3A_1184 : vector<16xf32>
        %abs3A_1186 = math.absf %add3A_1183 : vector<16xf32>
        %add3A_1187 = arith.addf %add3A_1185, %abs3A_1186 : vector<16xf32>
        %reduce_sum3A_1188 = arith.constant true
        %reduce_sum3A_1189 = vector.broadcast %reduce_sum3A_1188 : i1 to vector<16xi1>
        %reduce_sum3A_1190 = tpu.scan <sum>, %add3A_1187 masked %reduce_sum3A_1189 : vector<16xf32>, vector<16xi1> -> vector<16xf32>
        %reduce_sum3A_1191 = vector.extract %reduce_sum3A_1190[15] : f32 from vector<16xf32>
        %broadcast_in_dim3A_1192 = vector.broadcast %reduce_sum3A_1191 : f32 to vector<16xf32>
        %add3A_1193 = arith.addi %mul3A_450, %scan3A_1097 : i32
        %broadcast_in_dim3A_1194 = vector.broadcast %add3A_1193 : i32 to vector<16xi32>
        tpu.vector_store_idx %arg25[%broadcast_in_dim3A_451, %broadcast_in_dim3A_1194], %broadcast_in_dim3A_1192 masked %eq3A_113 : memref<32x512xf32, #tpu.memory_space<vmem>>[vector<16xi32>, vector<16xi32>], vector<16xf32>, vector<16xi1>
        %scan3A_1195 = arith.constant 7 : i32
        %scan3A_1196 = arith.addi %scan3A_506, %scan3A_1195 : i32
        %broadcast_in_dim3A_1197 = arith.constant 0.000000e+00 : f32
        %broadcast_in_dim3A_1198 = vector.broadcast %broadcast_in_dim3A_1197 : f32 to vector<16xf32>
        %get3A_1199 = arith.constant 3 : i32
        %get3A_1200 = arith.index_cast %get3A_1199 : i32 to index
        %get3A_1201 = arith.index_cast %scan3A_1196 : i32 to index
        %get3A_1202 = arith.constant 0 : index
        %get3A_1203 = tpu.vector_load %arg13[%get3A_1200, %get3A_1201, %get3A_1202] {strides = array<i32>} : memref<4x128x64xf32, #tpu.memory_space<vmem>>, vector<16xf32>,
        %get3A_1204 = arith.constant 3 : i32
        %get3A_1205 = arith.index_cast %get3A_1204 : i32 to index
        %get3A_1206 = arith.index_cast %scan3A_1196 : i32 to index
        %get3A_1207 = arith.constant 0 : index
        %get3A_1208 = tpu.vector_load %arg14[%get3A_1205, %get3A_1206, %get3A_1207] {strides = array<i32>} : memref<4x128x64xf32, #tpu.memory_space<vmem>>, vector<16xf32>,
        %mul3A_1209 = arith.mulf %get3A_1203, %get3A_454 : vector<16xf32>
        %sub3A_1210 = arith.subf %get3A_478, %mul3A_1209 : vector<16xf32>
        %mul3A_1211 = arith.mulf %get3A_1208, %get3A_466 : vector<16xf32>
        %add3A_1212 = arith.addf %sub3A_1210, %mul3A_1211 : vector<16xf32>
        %mul3A_1213 = arith.mulf %get3A_1203, %get3A_466 : vector<16xf32>
        %add3A_1214 = arith.addf %get3A_490, %mul3A_1213 : vector<16xf32>
        %mul3A_1215 = arith.mulf %get3A_1208, %get3A_454 : vector<16xf32>
        %add3A_1216 = arith.addf %add3A_1214, %mul3A_1215 : vector<16xf32>
        %abs3A_1217 = math.absf %add3A_1212 : vector<16xf32>
        %add3A_1218 = arith.addf %broadcast_in_dim3A_1198, %abs3A_1217 : vector<16xf32>
        %abs3A_1219 = math.absf %add3A_1216 : vector<16xf32>
        %add3A_1220 = arith.addf %add3A_1218, %abs3A_1219 : vector<16xf32>
        %get3A_1221 = arith.constant 3 : i32
        %get3A_1222 = arith.index_cast %get3A_1221 : i32 to index
        %get3A_1223 = arith.index_cast %scan3A_1196 : i32 to index
        %get3A_1224 = arith.constant 16 : index
        %get3A_1225 = tpu.vector_load %arg13[%get3A_1222, %get3A_1223, %get3A_1224] {strides = array<i32>} : memref<4x128x64xf32, #tpu.memory_space<vmem>>, vector<16xf32>,
        %get3A_1226 = arith.constant 3 : i32
        %get3A_1227 = arith.index_cast %get3A_1226 : i32 to index
        %get3A_1228 = arith.index_cast %scan3A_1196 : i32 to index
        %get3A_1229 = arith.constant 16 : index
        %get3A_1230 = tpu.vector_load %arg14[%get3A_1227, %get3A_1228, %get3A_1229] {strides = array<i32>} : memref<4x128x64xf32, #tpu.memory_space<vmem>>, vector<16xf32>,
        %mul3A_1231 = arith.mulf %get3A_1225, %get3A_457 : vector<16xf32>
        %sub3A_1232 = arith.subf %get3A_481, %mul3A_1231 : vector<16xf32>
        %mul3A_1233 = arith.mulf %get3A_1230, %get3A_469 : vector<16xf32>
        %add3A_1234 = arith.addf %sub3A_1232, %mul3A_1233 : vector<16xf32>
        %mul3A_1235 = arith.mulf %get3A_1225, %get3A_469 : vector<16xf32>
        %add3A_1236 = arith.addf %get3A_493, %mul3A_1235 : vector<16xf32>
        %mul3A_1237 = arith.mulf %get3A_1230, %get3A_457 : vector<16xf32>
        %add3A_1238 = arith.addf %add3A_1236, %mul3A_1237 : vector<16xf32>
        %abs3A_1239 = math.absf %add3A_1234 : vector<16xf32>
        %add3A_1240 = arith.addf %add3A_1220, %abs3A_1239 : vector<16xf32>
        %abs3A_1241 = math.absf %add3A_1238 : vector<16xf32>
        %add3A_1242 = arith.addf %add3A_1240, %abs3A_1241 : vector<16xf32>
        %get3A_1243 = arith.constant 3 : i32
        %get3A_1244 = arith.index_cast %get3A_1243 : i32 to index
        %get3A_1245 = arith.index_cast %scan3A_1196 : i32 to index
        %get3A_1246 = arith.constant 32 : index
        %get3A_1247 = tpu.vector_load %arg13[%get3A_1244, %get3A_1245, %get3A_1246] {strides = array<i32>} : memref<4x128x64xf32, #tpu.memory_space<vmem>>, vector<16xf32>,
        %get3A_1248 = arith.constant 3 : i32
        %get3A_1249 = arith.index_cast %get3A_1248 : i32 to index
        %get3A_1250 = arith.index_cast %scan3A_1196 : i32 to index
        %get3A_1251 = arith.constant 32 : index
        %get3A_1252 = tpu.vector_load %arg14[%get3A_1249, %get3A_1250, %get3A_1251] {strides = array<i32>} : memref<4x128x64xf32, #tpu.memory_space<vmem>>, vector<16xf32>,
        %mul3A_1253 = arith.mulf %get3A_1247, %get3A_460 : vector<16xf32>
        %sub3A_1254 = arith.subf %get3A_484, %mul3A_1253 : vector<16xf32>
        %mul3A_1255 = arith.mulf %get3A_1252, %get3A_472 : vector<16xf32>
        %add3A_1256 = arith.addf %sub3A_1254, %mul3A_1255 : vector<16xf32>
        %mul3A_1257 = arith.mulf %get3A_1247, %get3A_472 : vector<16xf32>
        %add3A_1258 = arith.addf %get3A_496, %mul3A_1257 : vector<16xf32>
        %mul3A_1259 = arith.mulf %get3A_1252, %get3A_460 : vector<16xf32>
        %add3A_1260 = arith.addf %add3A_1258, %mul3A_1259 : vector<16xf32>
        %abs3A_1261 = math.absf %add3A_1256 : vector<16xf32>
        %add3A_1262 = arith.addf %add3A_1242, %abs3A_1261 : vector<16xf32>
        %abs3A_1263 = math.absf %add3A_1260 : vector<16xf32>
        %add3A_1264 = arith.addf %add3A_1262, %abs3A_1263 : vector<16xf32>
        %get3A_1265 = arith.constant 3 : i32
        %get3A_1266 = arith.index_cast %get3A_1265 : i32 to index
        %get3A_1267 = arith.index_cast %scan3A_1196 : i32 to index
        %get3A_1268 = arith.constant 48 : index
        %get3A_1269 = tpu.vector_load %arg13[%get3A_1266, %get3A_1267, %get3A_1268] {strides = array<i32>} : memref<4x128x64xf32, #tpu.memory_space<vmem>>, vector<16xf32>,
        %get3A_1270 = arith.constant 3 : i32
        %get3A_1271 = arith.index_cast %get3A_1270 : i32 to index
        %get3A_1272 = arith.index_cast %scan3A_1196 : i32 to index
        %get3A_1273 = arith.constant 48 : index
        %get3A_1274 = tpu.vector_load %arg14[%get3A_1271, %get3A_1272, %get3A_1273] {strides = array<i32>} : memref<4x128x64xf32, #tpu.memory_space<vmem>>, vector<16xf32>,
        %mul3A_1275 = arith.mulf %get3A_1269, %get3A_463 : vector<16xf32>
        %sub3A_1276 = arith.subf %get3A_487, %mul3A_1275 : vector<16xf32>
        %mul3A_1277 = arith.mulf %get3A_1274, %get3A_475 : vector<16xf32>
        %add3A_1278 = arith.addf %sub3A_1276, %mul3A_1277 : vector<16xf32>
        %mul3A_1279 = arith.mulf %get3A_1269, %get3A_475 : vector<16xf32>
        %add3A_1280 = arith.addf %get3A_499, %mul3A_1279 : vector<16xf32>
        %mul3A_1281 = arith.mulf %get3A_1274, %get3A_463 : vector<16xf32>
        %add3A_1282 = arith.addf %add3A_1280, %mul3A_1281 : vector<16xf32>
        %abs3A_1283 = math.absf %add3A_1278 : vector<16xf32>
        %add3A_1284 = arith.addf %add3A_1264, %abs3A_1283 : vector<16xf32>
        %abs3A_1285 = math.absf %add3A_1282 : vector<16xf32>
        %add3A_1286 = arith.addf %add3A_1284, %abs3A_1285 : vector<16xf32>
        %reduce_sum3A_1287 = arith.constant true
        %reduce_sum3A_1288 = vector.broadcast %reduce_sum3A_1287 : i1 to vector<16xi1>
        %reduce_sum3A_1289 = tpu.scan <sum>, %add3A_1286 masked %reduce_sum3A_1288 : vector<16xf32>, vector<16xi1> -> vector<16xf32>
        %reduce_sum3A_1290 = vector.extract %reduce_sum3A_1289[15] : f32 from vector<16xf32>
        %broadcast_in_dim3A_1291 = vector.broadcast %reduce_sum3A_1290 : f32 to vector<16xf32>
        %add3A_1292 = arith.addi %mul3A_450, %scan3A_1196 : i32
        %broadcast_in_dim3A_1293 = vector.broadcast %add3A_1292 : i32 to vector<16xi32>
        tpu.vector_store_idx %arg25[%broadcast_in_dim3A_451, %broadcast_in_dim3A_1293], %broadcast_in_dim3A_1291 masked %eq3A_113 : memref<32x512xf32, #tpu.memory_space<vmem>>[vector<16xi32>, vector<16xi32>], vector<16xf32>, vector<16xi1>
      }
      %scan3A_505 = arith.constant 128 : i32
    }
    %scan3A_119 = arith.constant 32 : i32
    "tpu.region"() ({
      %run_scoped3A = tpu.sem_alloc : memref<!tpu.dma_semaphore, #tpu.memory_space<semaphore_mem>>
      %dma_start3A_120 = arith.constant 0 : i32
      %dma_start3A_121 = tpu.memref_slice %arg11[%mul3A_2, %dma_start3A_120] : memref<1024x512xf32, #tpu.memory_space<hbm>> -> memref<32x512xf32, #tpu.memory_space<hbm>>
      %dma_start3A_122 = arith.constant 0 : i32
      %dma_start3A_123 = tpu.memref_slice %arg11[%mul3A_2, %dma_start3A_122] : memref<1024x512xf32, #tpu.memory_space<hbm>> -> memref<32x512xf32, #tpu.memory_space<hbm>>
      tpu.enqueue_dma source(%arg25 : memref<32x512xf32, #tpu.memory_space<vmem>>) target(%dma_start3A_123 : memref<32x512xf32, #tpu.memory_space<hbm>>) target_semaphore(%run_scoped3A : memref<!tpu.dma_semaphore, #tpu.memory_space<semaphore_mem>>)
      %dma_wait3A_124 = arith.constant 0 : i32
      %dma_wait3A_125 = tpu.memref_slice %arg11[%mul3A_2, %dma_wait3A_124] : memref<1024x512xf32, #tpu.memory_space<hbm>> -> memref<32x512xf32, #tpu.memory_space<hbm>>
      %dma_wait3A_126 = arith.constant 0 : i32
      %dma_wait3A_127 = tpu.memref_slice %arg11[%mul3A_2, %dma_wait3A_126] : memref<1024x512xf32, #tpu.memory_space<hbm>> -> memref<32x512xf32, #tpu.memory_space<hbm>>
      tpu.wait_dma2 semaphore(%run_scoped3A : memref<!tpu.dma_semaphore, #tpu.memory_space<semaphore_mem>>) src(%arg25 : memref<32x512xf32, #tpu.memory_space<vmem>>) dst(%dma_wait3A_127 : memref<32x512xf32, #tpu.memory_space<hbm>>)
      tpu.yield
    }) : () -> ()
    return
  }
}

module attributes {stable_mosaic.version = 14 : i64} {
  func.func @_trig_body(%arg0: memref<1024x1xf32, #tpu.memory_space<vmem>>, %arg1: memref<1x64xf32, #tpu.memory_space<vmem>>, %arg2: memref<1x64xf32, #tpu.memory_space<vmem>>, %arg3: memref<1024x64xf32, #tpu.memory_space<vmem>>, %arg4: memref<1024x64xf32, #tpu.memory_space<vmem>>) attributes {dimension_semantics = [], scalar_prefetch = 0 : i64, scratch_operands = 0 : i64, tpu.core_type = #tpu.core_type<tc>} {
    %get3A = arith.constant 0 : index
    %get3A_0 = arith.constant 0 : index
    %get3A_1 = vector.load %arg0[%get3A, %get3A_0] : memref<1024x1xf32, #tpu.memory_space<vmem>>, vector<1024x1xf32>
    %get3A_2 = arith.constant 0 : index
    %get3A_3 = arith.constant 0 : index
    %get3A_4 = vector.load %arg2[%get3A_2, %get3A_3] : memref<1x64xf32, #tpu.memory_space<vmem>>, vector<1x64xf32>
    %mul3A = vector.broadcast %get3A_4 : vector<1x64xf32> to vector<1024x64xf32>
    %mul3A_5 = vector.broadcast %get3A_1 : vector<1024x1xf32> to vector<1024x64xf32>
    %mul3A_6 = arith.mulf %mul3A, %mul3A_5 : vector<1024x64xf32>
    %cos3A = math.cos %mul3A_6 : vector<1024x64xf32>
    %swap3A = arith.constant 0 : index
    %swap3A_7 = arith.constant 0 : index
    %swap3A_8 = vector.load %arg3[%swap3A, %swap3A_7] : memref<1024x64xf32, #tpu.memory_space<vmem>>, vector<1024x64xf32>
    tpu.vector_store %arg3[%swap3A, %swap3A_7], %cos3A {strides = array<i32>} : memref<1024x64xf32, #tpu.memory_space<vmem>>, vector<1024x64xf32>,
    %get3A_9 = arith.constant 0 : index
    %get3A_10 = arith.constant 0 : index
    %get3A_11 = vector.load %arg1[%get3A_9, %get3A_10] : memref<1x64xf32, #tpu.memory_space<vmem>>, vector<1x64xf32>
    %mul3A_12 = vector.broadcast %get3A_11 : vector<1x64xf32> to vector<1024x64xf32>
    %mul3A_13 = vector.broadcast %get3A_1 : vector<1024x1xf32> to vector<1024x64xf32>
    %mul3A_14 = arith.mulf %mul3A_12, %mul3A_13 : vector<1024x64xf32>
    %sin3A = math.sin %mul3A_14 : vector<1024x64xf32>
    %swap3A_15 = arith.constant 0 : index
    %swap3A_16 = arith.constant 0 : index
    %swap3A_17 = vector.load %arg4[%swap3A_15, %swap3A_16] : memref<1024x64xf32, #tpu.memory_space<vmem>>, vector<1024x64xf32>
    tpu.vector_store %arg4[%swap3A_15, %swap3A_16], %sin3A {strides = array<i32>} : memref<1024x64xf32, #tpu.memory_space<vmem>>, vector<1024x64xf32>,
    return
  }
}

module attributes {stable_mosaic.version = 14 : i64} {
  func.func @_loss_body(%arg0: memref<1024x512xf32, #tpu.memory_space<vmem>>, %arg1: memref<1x1xf32, #tpu.memory_space<vmem>>) attributes {dimension_semantics = [], scalar_prefetch = 0 : i64, scratch_operands = 0 : i64, tpu.core_type = #tpu.core_type<tc>} {
    %get3A = arith.constant 0 : index
    %get3A_0 = arith.constant 0 : index
    %get3A_1 = vector.load %arg0[%get3A, %get3A_0] : memref<1024x512xf32, #tpu.memory_space<vmem>>, vector<1024x512xf32>
    %iota3A = tpu.iota {dimensions = array<i32: 1>} : vector<1024x512xi32>
    %lt3A = arith.constant 501 : i32
    %lt3A_2 = vector.broadcast %lt3A : i32 to vector<1024x512xi32>
    %lt3A_3 = arith.cmpi slt, %iota3A, %lt3A_2 : vector<1024x512xi32>
    %jit3A = arith.constant 0xFF800000 : f32
    %broadcast_in_dim3A = vector.broadcast %jit3A : f32 to vector<1024x512xf32>
    %select_n3A = arith.select %lt3A_3, %get3A_1, %broadcast_in_dim3A : vector<1024x512xi1>, vector<1024x512xf32>
    %reduce_max3A = arith.constant dense<0xFF800000> : vector<1024xf32>
    %reduce_max3A_4 = vector.multi_reduction <maximumf>, %select_n3A, %reduce_max3A [1] : vector<1024x512xf32> to vector<1024xf32>
    %broadcast_in_dim3A_5 = vector.shape_cast %reduce_max3A_4 : vector<1024xf32> to vector<1024x1xf32>
    %sub3A = vector.broadcast %broadcast_in_dim3A_5 : vector<1024x1xf32> to vector<1024x512xf32>
    %sub3A_6 = arith.subf %select_n3A, %sub3A : vector<1024x512xf32>
    %exp3A = math.exp %sub3A_6 : vector<1024x512xf32>
    %reduce_sum3A = arith.constant dense<0.000000e+00> : vector<1024xf32>
    %reduce_sum3A_7 = vector.multi_reduction <add>, %exp3A, %reduce_sum3A [1] : vector<1024x512xf32> to vector<1024xf32>
    %broadcast_in_dim3A_8 = vector.shape_cast %reduce_sum3A_7 : vector<1024xf32> to vector<1024x1xf32>
    %log3A = math.log %broadcast_in_dim3A_8 : vector<1024x1xf32>
    %add3A = arith.addf %log3A, %broadcast_in_dim3A_5 : vector<1024x1xf32>
    %get3A_9 = arith.constant 0 : index
    %get3A_10 = arith.constant 0 : index
    %get3A_11 = vector.load %arg0[%get3A_9, %get3A_10] : memref<1024x512xf32, #tpu.memory_space<vmem>>, vector<1024x1xf32>
    %sub3A_12 = arith.subf %add3A, %get3A_11 : vector<1024x1xf32>
    %reduce_sum3A_13 = vector.shape_cast %sub3A_12 : vector<1024x1xf32> to vector<1x1024x1xf32>
    %reduce_sum3A_14 = arith.constant dense<0.000000e+00> : vector<1xf32>
    %reduce_sum3A_15 = vector.multi_reduction <add>, %reduce_sum3A_13, %reduce_sum3A_14 [1, 2] : vector<1x1024x1xf32> to vector<1xf32>
    %reduce_sum3A_16 = vector.shape_cast %reduce_sum3A_15 : vector<1xf32> to vector<1x1x1xf32>
    %reduce_sum3A_17 = vector.extract %reduce_sum3A_16[0, 0, 0] : f32 from vector<1x1x1xf32>
    %div3A = arith.constant 1.024000e+03 : f32
    %div3A_18 = arith.divf %reduce_sum3A_17, %div3A : f32
    %reshape3A = vector.broadcast %div3A_18 : f32 to vector<1x1xf32>
    %swap3A = arith.constant 0 : index
    %swap3A_19 = arith.constant 0 : index
    %swap3A_20 = vector.load %arg1[%swap3A, %swap3A_19] : memref<1x1xf32, #tpu.memory_space<vmem>>, vector<1x1xf32>
    tpu.vector_store %arg1[%swap3A, %swap3A_19], %reshape3A {strides = array<i32>} : memref<1x1xf32, #tpu.memory_space<vmem>>, vector<1x1xf32>,
    return
  }
}

</mosaic_0001>

<sc_bundles>
// kernel: kernel.5.cloned.1.call-start
scs
__scs_entry_jumppad:
0x0: {  	(pc) =	sbr.rel $0x88, $3  }
0x1: {  	(tag) =	ssettag $0x0;
	lr =	simm.s32 $0x1  }
0x2: {  	[smem:$0x3F96] =	sst lr;
	_ =	strace $0xD0000000  }
0x3: {  	_ = 	snop  }
0x4: {  	_ = 	snop  }
0x5: {  	_ = 	snop  }
0x6: {  	_ = 	snop  }
0x7: {  	_ = 	snop  }
__scs_overlays_trampoline_lowered:
0x8: {  	[smem:$0x3FA5] =	sst s0  }
0x9: {  	[smem:$0x3FA6] =	sst s1  }
0xa: {  	[smem:$0x3FA7] =	sst s2  }
0xb: {  	[smem:$0x3FA8] =	sst s3  }
0xc: {  	[smem:$0x3FA9] =	sst s4  }
0xd: {  	[smem:$0x3FAA] =	sst s5  }
0xe: {  	[smem:$0x3FAB] =	sst s6  }
0xf: {  	[smem:$0x3FAC] =	sst s7  }
0x10: {  	[smem:$0x3FAD] =	sst s8  }
0x11: {  	[smem:$0x3FAE] =	sst s9;
	s0 =	simm.s32 @!p0 $0x0  }
0x12: {  	s1 =	sld [smem:$0x3F94];
	s0 =	simm.s32 @p0 $0x1  }
0x13: {  	[smem:$0x3FAF] =	sst s0;
	s0 =	simm.s32 @!p1 $0x0  }
0x14: {  	s2 =	sld [smem:$0x3F93];
	s0 =	simm.s32 @p1 $0x1  }
0x15: {  	[smem:$0x3FB0] =	sst s0;
	s0 =	simm.s32 @!p2 $0x0  }
0x16: {  	s3 =	sld [smem:$0x3FDB];
	s0 =	simm.s32 @p2 $0x1  }
0x17: {  	s4 =	simm.s32 $0x1BF5;
	[smem:$0x3FB2] =	sst s0  }
0x18: {  	s0 =	sld [smem:$0x3F95];
	_ =	swait.ge [sflag:s4], $0x0  }
0x19: {  	s7 =	sld [smem:$0x3F96]  }
0x1a: {  	s8 =	sadd.s32 $0xFFFFE003, lr  }
0x1b: {  	s9 =	sadd.s32 $0xFFFFFEF7, lr;
	s5 =	simm.s32 $0xFFFFFFFF;
	p2 =	slt.u32 s8, $0xFFFFF086  }
0x1c: {  	p1 =	slt.u32 s9, $0xF7A;
	s5 =	simm.s32 @!p2 $0x0  }
0x1d: {  	s5 =	simm.s32 @p1 $0x1;
	p0 =	seq.s32 s7, s2  }
0x1e: {  	s7 =	smul.u32 @!p0 $0xF7A, s2;
	p2 =	seq.s32 @!p0 s5, $0x0  }
0x1f: {  	s9 =	smul.u32 $0xF7A, s1;
	s8 =	simm.s32 @!p0 $0x1BF5;
	p2 =	por !p2, p0  }
0x20: {  	[sflag:s8] =	ssyncset.s32 @!p0 $0xFFFFF086;
	s6 =	sadd.s32 @!p0 s3, s7;
	s7 =	simm.s32 @!p0 $0x108  }
0x21: {  	s3 =	sadd.s32 s3, s9;
	s6 =	sadd.s32 @!p0 $0x88, s6;
	s7 =	simm.s32 @p2 $0x1082  }
0x22: {  	[simem:s7], [sflag:s8] =	dma.local @!p0 [hbm:s6], $0xF7A  }
0x23: {  	s9 =	sor.u32 $0xD0000000, s2;
	s6 =	simm.s32 $0x108;
	_ =	swait.ge @!p0 [sflag:s8], $0x0  }
0x24: {  	s3 =	sadd.s32 $0x88, s3;
	s6 =	simm.s32 @!p1 $0x1082;
	[sflag:s4] =	ssyncset.s32 $0xFFFFF086  }
0x25: {  	[simem:s6], [sflag:s4] =	dma.local [hbm:s3], $0xF7A  }
0x26: {  	[smem:$0x3F96] =	sst s1;
	(tag) =	ssettag s2;
	_ =	strace s9  }
0x27: {  	s1 =	sld [smem:$0x3FA6]  }
0x28: {  	s2 =	sld [smem:$0x3FA7]  }
0x29: {  	s4 =	sld [smem:$0x3FA9]  }
0x2a: {  	p0 =	seq.s32 s5, $0x0;
	s5 =	sld [smem:$0x3FAA]  }
0x2b: {  	s6 =	sld [smem:$0x3FAB]  }
0x2c: {  	s7 =	sld [smem:$0x3FAC]  }
0x2d: {  	s3 =	simm.s32 $0x108;
	s8 =	sld [smem:$0x3FAD]  }
0x2e: {  	s3 =	simm.s32 @!p0 $0x1082;
	s9 =	sld [smem:$0x3FAE]  }
0x2f: {  	lr =	sadd.s32 s0, s3;
	s0 =	sld [smem:$0x3FA5]  }
0x30: {  	s3 =	sld [smem:$0x3FA8]  }
0x31: {  	[smem:$0x3FB1] =	sst s10  }
0x32: {  	s10 =	sld [smem:$0x3FAF];
	_ =	sdelay $0x3  }
0x33: {  	p0 =	seq.s32 s10, $0x1;
	s10 =	sld [smem:$0x3FB1];
	_ =	sdelay $0x3  }
0x34: {  	[smem:$0x3FB1] =	sst s10  }
0x35: {  	s10 =	sld [smem:$0x3FB0];
	_ =	sdelay $0x3  }
0x36: {  	p1 =	seq.s32 s10, $0x1;
	s10 =	sld [smem:$0x3FB1];
	_ =	sdelay $0x3  }
0x37: {  	[smem:$0x3FB1] =	sst s10  }
0x38: {  	s10 =	sld [smem:$0x3FB2]  }
0x39: {  	_ = 	snop;
	(pc) =	sbr.ind lr, $3  }
0x3a: {  	_ = 	snop  }
0x3b: {  	_ = 	snop  }
0x3c: {  	p2 =	seq.s32 s10, $0x1;
	s10 =	sld [smem:$0x3FB1]  }
0x3d: {  	_ =	shalt  }
0x3e: {  	_ =	shalt  }
0x3f: {  	_ =	shalt  }
0x40: {  	_ =	shalt  }
0x41: {  	_ =	shalt  }
0x42: {  	_ =	shalt  }
0x43: {  	_ =	shalt  }
0x44: {  	_ =	shalt  }
0x45: {  	_ =	shalt  }
0x46: {  	_ =	shalt  }
0x47: {  	_ =	shalt  }
0x48: {  	_ =	shalt  }
0x49: {  	_ =	shalt  }
0x4a: {  	_ =	shalt  }
0x4b: {  	_ =	shalt  }
0x4c: {  	_ =	shalt  }
0x4d: {  	_ =	shalt  }
0x4e: {  	_ =	shalt  }
0x4f: {  	_ =	shalt  }
0x50: {  	_ =	shalt  }
0x51: {  	_ =	shalt  }
0x52: {  	_ =	shalt  }
0x53: {  	_ =	shalt  }
0x54: {  	_ =	shalt  }
0x55: {  	_ =	shalt  }
0x56: {  	_ =	shalt  }
0x57: {  	_ =	shalt  }
0x58: {  	_ =	shalt  }
0x59: {  	_ =	shalt  }
0x5a: {  	_ =	shalt  }
0x5b: {  	_ =	shalt  }
0x5c: {  	_ =	shalt  }
0x5d: {  	_ =	shalt  }
0x5e: {  	_ =	shalt  }
0x5f: {  	_ =	shalt  }
0x60: {  	_ =	shalt  }
0x61: {  	_ =	shalt  }
0x62: {  	_ =	shalt  }
0x63: {  	_ =	shalt  }
0x64: {  	_ =	shalt  }
0x65: {  	_ =	shalt  }
0x66: {  	_ =	shalt  }
0x67: {  	_ =	shalt  }
0x68: {  	_ =	shalt  }
0x69: {  	_ =	shalt  }
0x6a: {  	_ =	shalt  }
0x6b: {  	_ =	shalt  }
0x6c: {  	_ =	shalt  }
0x6d: {  	_ =	shalt  }
0x6e: {  	_ =	shalt  }
0x6f: {  	_ =	shalt  }
0x70: {  	_ =	shalt  }
0x71: {  	_ =	shalt  }
0x72: {  	_ =	shalt  }
0x73: {  	_ =	shalt  }
0x74: {  	_ =	shalt  }
0x75: {  	_ =	shalt  }
0x76: {  	_ =	shalt  }
0x77: {  	_ =	shalt  }
0x78: {  	_ =	shalt  }
0x79: {  	_ =	shalt  }
0x7a: {  	_ =	shalt  }
0x7b: {  	_ =	shalt  }
0x7c: {  	_ =	shalt  }
0x7d: {  	_ =	shalt  }
0x7e: {  	_ =	shalt  }
0x7f: {  	_ =	shalt  }
0x80: {  	_ =	shalt  }
0x81: {  	_ =	shalt  }
0x82: {  	_ =	shalt  }
0x83: {  	_ =	shalt  }
0x84: {  	_ =	shalt  }
0x85: {  	_ =	shalt  }
0x86: {  	_ =	shalt  }
0x87: {  	_ =	shalt  }
.Lfunc_end0:
.L_simem_size_0:
called_computation_lowered:
.L_overlay_start_0:
0x88: {  	s2 =	sld [smem:$0x3FD9]  }
0x89: {  	s3 =	sld [smem:$0x3FFE];
	_ =	sdelay $0x1  }
0x8a: {  	s1 =	srdreg.scid  }
0x8b: {  	s0 =	sand.u32 $0x1, s1  }
0x8c: {  	s17 =	sshll.u32 s0, $0xA;
	s2 =	sadd.s32 s3, s2  }
0x8d: {  	s2 =	sadd.s32 s2, s17  }
0x8e: {  	[smem:$0x3FBD] =	sst s2  }
0x8f: {  	_ = 	snop  }
0x90: {  	s2 =	sld [smem:$0x3FC9]  }
0x91: {  	s18 =	sld [smem:$0x3FC8];
	(tm) =	ssettm $0x1  }
0x92: {  	s4 =	sld [smem:$0x3FFB];
	_ =	sdelay $0x3  }
0x93: {  	_ =	strace s4  }
0x94: {  	s4 =	sld [smem:$0x3FFC];
	_ =	sdelay $0x3  }
0x95: {  	_ =	strace s4  }
0x96: {  	s4 =	sld [smem:$0x3FFD];
	_ =	sdelay $0x3  }
0x97: {  	_ =	strace s4  }
0x98: {  	_ =	strace $0x8FFFFFFF  }
0x99: {  	s19 =	sld [smem:$0x3FDB];
	_ =	sdelay $0x1  }
0x9a: {  	s5 =	simm.s32 $_scs_section_size  }
0x9b: {  	s6 =	simm.s32 $_size__tile_overlayer_lowered;
	s7 =	simm.s32 $_tile_overlayer_lowered  }
0x9c: {  	s22 =	simm.s32 $0x1BFF;
	s21 =	sshll.u32 s7, $0x1;
	s4 =	sadd.s32 s5, s19  }
0x9d: {  	s8 =	simm.s32 $0x0;
	s20 =	sshll.u32 s6, $0x1;
	s6 =	sadd.s32 s21, s4  }
0x9e: {  	[timem:s8], [sflag:s22] =	dma.local [hbm:s6], s20  }
0x9f: {  	_ =	swait.ge [sflag:s22], s20  }
0xa0: {  	s5 =	ssub.s32 $0x0, s20;
	[sflag:s22] =	ssyncset.done $0x0  }
0xa1: {  	[sflag:s22] =	ssyncadd.s32 s5;
	_ =	sdelay $0x1  }
0xa2: {  	s23 =	simm.s32 $0x1B8B  }
0xa3: {  	_ =	swait.ge [sflag:s23], $0x1  }
0xa4: {  	[sflag:s23] =	ssyncset.done $0x0  }
0xa5: {  	s25 =	simm.s32 $0x1B8E;
	s24 =	sld [smem:$0x3FFE];
	[sflag:s23] =	ssyncadd.s32 $0xFFFFFFFF  }
0xa6: {  	s26 =	simm.s32 $execute0_lowered;
	[smem:$0x3FD2] =	sst s25  }
0xa7: {  	s6 =	sshll.u32 s26, $0x1;
	_ =	strace $0x80000046;
	[dreg:$0x1] =	wrdreg $0xFFFFFFFF  }
0xa8: {  	s28 =	simm.s32 $_size_execute0_lowered;
	s4 =	sadd.s32 s4, s6;
	[dreg:$0x0] =	wrdreg $0x0  }
0xa9: {  	s6 =	sshll.u32 s28, $0x1;
	[dreg:$0x2] =	wrdreg s4  }
0xaa: {  	[dreg:$0x3] =	wrdreg s6  }
0xab: {  	[dreg:$0x4] =	wrdreg $0xC0  }
0xac: {  	_ =	task [dreg:s8], $0x5FFFF  }
0xad: {  	[dreg:$0x1] =	wrdreg $0xFFFFFFFF  }
0xae: {  	[dreg:$0x0] =	wrdreg $0x60  }
0xaf: {  	[dreg:$0x2] =	wrdreg s24  }
0xb0: {  	[dreg:$0x3] =	wrdreg s2  }
0xb1: {  	[dreg:$0x4] =	wrdreg s18  }
0xb2: {  	[dreg:$0x5] =	wrdreg $0x9  }
0xb3: {  	_ =	task.clear_ibuf [dreg:s8], $0x6FFFF;
	_ =	strace $0x90000046  }
0xb4: {  	s29 =	simm.s32 $0x9;
	_ =	strace $0x80000048  }
0xb5: {  	_ =	swait.ge [sflag:s29], $0x1  }
0xb6: {  	[sflag:s29] =	ssyncadd.s32 $0xFFFFFFFF  }
0xb7: {  	_ =	strace $0x90000048  }
0xb8: {  	_ =	sfence  }
0xb9: {  	s30 =	sld [smem:$0x0];
	_ =	sdelay $0x2  }
0xba: {  	s31 =	sshll.u32 s1, $0xD;
	s1 =	sshrl.u32 s1, $0x2  }
0xbb: {  	s3 =	sand.u32 $0x4000, s31;
	s1 =	sadd.s32 s1, s30  }
0xbc: {  	s0 =	sor.u32 s3, s0;
	s1 =	sshll.u32 s1, $0x11  }
0xbd: {  	s0 =	sor.u32 s1, s0  }
0xbe: {  	s0 =	sadd.s32 $0x8F2B, s0  }
0xbf: {  	[sflag:s0] =	ssyncadd.remote.s32 $0x1  }
0xc0: {  	_ =	sfence.sel $0xFFFF  }
0xc1: {  	[dreg:$0x0] =	wrdreg $0xFFFFFFFF;
	(pc) =	sbr.abs _section_cstart, $3  }
0xc2: {  	[dreg:$0x1] =	wrdreg $0xFFFFFFFF  }
0xc3: {  	_ =	task.clear_ibuf [dreg:s8], $0x2FFFF;
	_ =	strace $0x9FFFFFFF  }
0xc4: {  	(tm) =	ssettm $0x7FFFFFFF  }
0xc5: {  	_ =	shalt  }
tec
execute0_lowered:
.L_overlay_start_1:
0x0: {  	(tag) =	ssettag $0x1  }
0x1: {  	s0 =	rddreg [dreg:$0x0]  }
0x2: {  	s1 =	rddreg [dreg:$0x1]  }
0x3: {  	s5 =	rddreg [dreg:$0x2];
	s2 =	srdreg.scid  }
0x4: {  	s3 =	stileid.u32;
	s14 =	simm.s32 $0xA;
	s15 =	simm.s32 $0x14000  }
0x5: {  	s16 =	simm.s32 $0x14020;
	s19 =	simm.s32 $0x20;
	s17 =	simm.s32 $0xA000  }
0x6: {  	s18 =	simm.s32 $0x12000;
	s28 =	simm.s32 $0x5;
	s29 =	simm.s32 $0x6  }
0x7: {  	s30 =	simm.s32 $0x7;
	s6 =	sand.u32 $0x1, s2;
	s2 =	simm.s32 $0x0  }
0x8: {  	s3 =	sshll.u32 s3, $0x6;
	s9 =	sadd.s32 $0x17200, s0;
	s20 =	sadd.s32 $0x15200, s0  }
0x9: {  	s4 =	sshll.u32 s6, $0x5;
	[smem:$0x7FF] =	sst s2;
	s6 =	ssub.s32 $0x2, s6  }
0xa: {  	s7 =	sor.u32 s4, s3;
	_ =	strace $0x80000047;
	[dreg:$0x4] =	wrdreg s9  }
0xb: {  	s3 =	sadd.s32 $0x16E8800, s0;
	[dreg:$0x5] =	wrdreg s20;
	s22 =	sshrl.u32 s6, $0x1  }
0xc: {  	s4 =	sshll.u32 s7, $0x3;
	s21 =	sshll.u32 s7, $0x6;
	s7 =	sshrl.u32 s7, $0x3  }
0xd: {  	s6 =	ssub.s32 s6, s22;
	s8 =	sadd.s32 s4, s0;
	s1 =	sadd.s32 s1, s7  }
0xe: {  	s4 =	sadd.s32 $0xF47600, s0;
	s24 =	sadd.s32 s5, s7;
	[dreg:$0x7] =	wrdreg s1  }
0xf: {  	s0 =	sadd.s32 s21, s0;
	s31 =	smax.u32 s6, $0x1;
	[dreg:$0x8] =	wrdreg s24  }
0x10: {  	s20 =	simm.s32 $0x1;
	s23 =	sadd.s32 $0x5200, s0;
	[dreg:$0xc] =	wrdreg s31  }
0x11: {  	s22 =	simm.s32 $0x2;
	s25 =	sadd.s32 $0x3200, s8;
	[dreg:$0x6] =	wrdreg s23  }
0x12: {  	s21 =	simm.s32 $0x9;
	s26 =	sadd.s32 $0x1200, s8;
	[dreg:$0x9] =	wrdreg s25  }
0x13: {  	s0 =	sadd.s32 $0x19200, s0;
	s24 =	simm.s32 $0x3;
	[dreg:$0xa] =	wrdreg s26  }
0x14: {  	v0 =	vimm.s32 $0x0;
	vm0 =	vcmask $0x300;
	s1 =	simm.s32 $0x0;
	[dreg:$0xb] =	wrdreg s0;
	s25 =	simm.s32 $0x80  }
0x15: {  	v0 =	vsel vm0, $0x3, v0;
	s23 =	simm.s32 $0x18040;
	s26 =	simm.s32 $0x4;
	s0 =	simm.s32 $0x8  }
.LBB2_1:
0x16: {  	s5 =	rddreg [dreg:$0x6]  }
0x17: {  	[tilespmem:s2], [sflag:$0xA] =	stream.linear.gather [hbm4b:s5+s2], $0x4000, $0x38;
	[tilespmem:$0x1C040] =	vst v63  }
0x18: {  	_ =	swait.ge [sflag:s14], $0x4000  }
0x19: {  	[sflag:s14] =	ssyncset.done $0x0  }
0x1a: {  	s12 =	rddreg [dreg:$0x7];
	[sflag:s14] =	ssyncadd.s32 $0xFFFFC000  }
0x1b: {  	[tilespmem:s15], [sflag:$0xA] =	stream.linear.gather [hbm4b:s12+s2], $0x20, $0x38;
	[tilespmem:$0x1C040] =	vst v63  }
0x1c: {  	_ =	swait.ge [sflag:s14], $0x20  }
0x1d: {  	[sflag:s14] =	ssyncset.done $0x0  }
0x1e: {  	s13 =	rddreg [dreg:$0x8];
	[sflag:s14] =	ssyncadd.s32 $0xFFFFFFE0  }
0x1f: {  	[tilespmem:s16], [sflag:$0xA] =	stream.linear.gather [hbm4b:s13+s2], $0x20, $0x38;
	[tilespmem:$0x1C040] =	vst v63  }
0x20: {  	_ =	swait.ge [sflag:s14], $0x20  }
0x21: {  	[sflag:s14] =	ssyncset.done $0x0  }
0x22: {  	s6 =	simm.s32 $0x16040;
	s31 =	rddreg [dreg:$0x9];
	[sflag:s14] =	ssyncadd.s32 $0xFFFFFFE0  }
0x23: {  	[tilespmem:s6], [sflag:$0xA] =	stream.linear.gather [hbm4b:s31+s2], $0x800, $0x38;
	[tilespmem:$0x1C040] =	vst v63  }
0x24: {  	_ =	swait.ge [sflag:s14], $0x800  }
0x25: {  	[sflag:s14] =	ssyncset.done $0x0  }
0x26: {  	s8 =	simm.s32 $0x16840;
	s7 =	rddreg [dreg:$0xa];
	[sflag:s14] =	ssyncadd.s32 $0xFFFFF800  }
0x27: {  	[tilespmem:s8], [sflag:$0xA] =	stream.linear.gather [hbm4b:s7+s2], $0x800, $0x38;
	[tilespmem:$0x1C040] =	vst v63  }
0x28: {  	_ =	swait.ge [sflag:s14], $0x800  }
0x29: {  	[sflag:s14] =	ssyncset.done $0x0  }
0x2a: {  	s9 =	simm.s32 $0x14040;
	[sflag:s14] =	ssyncadd.s32 $0xFFFFF800  }
0x2b: {  	[tilespmem:s9], [sflag:$0x9] =	stream.indirect.gather [hbm4b:s3+s19], $0x40, s15, s19, $0xb8;
	[tilespmem:$0x1C040] =	vst v63  }
0x2c: {  	_ =	swait.ge [sflag:s21], $0x800  }
0x2d: {  	[sflag:s21] =	ssyncset.done $0x0  }
0x2e: {  	s10 =	simm.s32 $0x14840;
	[sflag:s21] =	ssyncadd.s32 $0xFFFFF800  }
0x2f: {  	[tilespmem:s10], [sflag:$0x9] =	stream.indirect.gather [hbm4b:s4+s19], $0x40, s15, s19, $0xb8;
	[tilespmem:$0x1C040] =	vst v63  }
0x30: {  	_ =	swait.ge [sflag:s21], $0x800  }
0x31: {  	[sflag:s21] =	ssyncset.done $0x0  }
0x32: {  	s12 =	simm.s32 $0x15040;
	s11 =	rddreg [dreg:$0x4];
	[sflag:s21] =	ssyncadd.s32 $0xFFFFF800  }
0x33: {  	[tilespmem:s12], [sflag:$0x9] =	stream.indirect.gather [hbm4b:s11+s19], $0x40, s16, s19, $0xb8;
	[tilespmem:$0x1C040] =	vst v63  }
0x34: {  	_ =	swait.ge [sflag:s21], $0x800  }
0x35: {  	[sflag:s21] =	ssyncset.done $0x0  }
0x36: {  	s31 =	simm.s32 $0x15840;
	s13 =	rddreg [dreg:$0x5];
	[sflag:s21] =	ssyncadd.s32 $0xFFFFF800  }
0x37: {  	[tilespmem:s31], [sflag:$0x9] =	stream.indirect.gather [hbm4b:s13+s19], $0x40, s16, s19, $0xb8;
	[tilespmem:$0x1C040] =	vst v63  }
0x38: {  	_ =	swait.ge [sflag:s21], $0x800  }
0x39: {  	[sflag:s21] =	ssyncset.done $0x0  }
0x3a: {  	s5 =	simm.s32 $0x0;
	[sflag:s21] =	ssyncadd.s32 $0xFFFFF800  }
0x3b: {  	v1 =	vld [tilespmem:s5+$0x16070]  }
0x3c: {  	v2 =	vld [tilespmem:s5+$0x16870]  }
0x3d: {  	v3 =	vld [tilespmem:s5+$0x14070]  }
0x3e: {  	v4 =	vld [tilespmem:s5+$0x14870]  }
0x3f: {  	v5 =	vld [tilespmem:s5+$0x16040]  }
0x40: {  	v6 =	vld [tilespmem:s5+$0x16840]  }
0x41: {  	v7 =	vld [tilespmem:s5+$0x14040]  }
0x42: {  	v8 =	vld [tilespmem:s5+$0x15870]  }
0x43: {  	v9 =	vld [tilespmem:s5+$0x14840]  }
0x44: {  	v12 =	vld [tilespmem:s5+$0x16050]  }
0x45: {  	v13 =	vld [tilespmem:s5+$0x16850]  }
0x46: {  	v14 =	vld [tilespmem:s5+$0x14850]  }
0x47: {  	v15 =	vld [tilespmem:s5+$0x16860];
	v10 =	vmul.f32 v3, v2;
	v11 =	vmul.f32 v4, v1  }
0x48: {  	v16 =	vld [tilespmem:s5+$0x14860]  }
0x49: {  	v17 =	vld [tilespmem:s5+$0x15040];
	v10 =	vadd.f32 v11, v10  }
0x4a: {  	v2 =	vmul.f32 v4, v2;
	v4 =	vld [tilespmem:s5+$0x15840]  }
0x4b: {  	v11 =	vld [tilespmem:s5+$0x14050];
	v8 =	vadd.f32 v8, v10  }
0x4c: {  	v1 =	vmul.f32 v3, v1;
	v10 =	vld [tilespmem:s5+$0x16060]  }
0x4d: {  	v3 =	vmul.f32 v7, v5;
	v18 =	vmul.f32 v9, v6;
	[tilespmem:s5+$0x17870] =	vst v8;
	v8 =	vld [tilespmem:s5+$0x14060]  }
0x4e: {  	v6 =	vmul.f32 v7, v6;
	v5 =	vmul.f32 v9, v5  }
0x4f: {  	v19 =	vld [tilespmem:s5+$0x15050];
	v1 =	vsub.f32 v1, v2;
	v2 =	vsub.f32 v3, v18  }
0x50: {  	v20 =	vld [tilespmem:s5+$0x15850];
	v9 =	vmul.f32 v14, v13;
	v61 =	vmul.f32 v16, v15;
	v7 =	vadd.f32 v5, v6  }
0x51: {  	v59 =	vld [tilespmem:s5+$0x15060];
	v2 =	vadd.f32 v2, v17;
	v3 =	vmul.f32 v11, v12;
	v11 =	vmul.f32 v11, v13  }
0x52: {  	v5 =	vld [tilespmem:s5+$0x15860];
	v63 =	vadd.f32 v4, v7;
	v12 =	vmul.f32 v14, v12;
	v60 =	vmul.f32 v8, v10  }
0x53: {  	s6 =	simm.s32 $0x40;
	v6 =	vld [tilespmem:s5+$0x15070];
	v9 =	vsub.f32 v3, v9;
	v8 =	vmul.f32 v8, v15;
	v10 =	vmul.f32 v16, v10  }
0x54: {  	v3 =	vld [tilespmem:s6+$0x16070];
	v11 =	vadd.f32 v12, v11;
	[tilespmem:s5+$0x17040] =	vst v2;
	v62 =	vsub.f32 v60, v61  }
0x55: {  	v2 =	vld [tilespmem:s6+$0x16870];
	v9 =	vadd.f32 v9, v19;
	v7 =	vadd.f32 v10, v8  }
0x56: {  	s7 =	simm.s32 $0x200;
	v4 =	vld [tilespmem:s6+$0x14070];
	[tilespmem:s5+$0x17840] =	vst v63;
	v8 =	vadd.f32 v20, v11;
	v10 =	vadd.f32 v62, v59  }
.LBB2_2:
0x57: {  	p0 =	sne.s32 s7, $0x1F00;
	v11 =	vld [tilespmem:s6+$0x14870];
	[tilespmem:s5+$0x17050] =	vst v9;
	v5 =	vadd.f32 v5, v7  }
0x58: {  	v7 =	vld [tilespmem:s6+$0x16040];
	[tilespmem:s5+$0x17850] =	vst v8;
	v1 =	vadd.f32 v1, v6  }
0x59: {  	v6 =	vld [tilespmem:s6+$0x16840];
	[tilespmem:s5+$0x17060] =	vst v10  }
0x5a: {  	v8 =	vld [tilespmem:s6+$0x14040];
	[tilespmem:s5+$0x17860] =	vst v5  }
0x5b: {  	v5 =	vmul.f32 v4, v3;
	v9 =	vld [tilespmem:s6+$0x15870];
	[tilespmem:s5+$0x17070] =	vst v1;
	s5 =	smov.u32 s6  }
0x5c: {  	v1 =	vmul.f32 v4, v2;
	v10 =	vld [tilespmem:s5+$0x14840];
	v3 =	vmul.f32 v11, v3  }
0x5d: {  	v2 =	vmul.f32 v11, v2;
	v4 =	vld [tilespmem:s5+$0x16050]  }
0x5e: {  	v11 =	vld [tilespmem:s5+$0x16850];
	v3 =	vadd.f32 v3, v1  }
0x5f: {  	v1 =	vsub.f32 v5, v2;
	v12 =	vmul.f32 v8, v7;
	v8 =	vmul.f32 v8, v6;
	v13 =	vld [tilespmem:s5+$0x14050]  }
0x60: {  	v2 =	vld [tilespmem:s5+$0x14850];
	v3 =	vadd.f32 v9, v3  }
0x61: {  	v5 =	vmul.f32 v10, v6;
	v6 =	vmul.f32 v10, v7;
	v7 =	vld [tilespmem:s5+$0x16060]  }
0x62: {  	v9 =	vld [tilespmem:s5+$0x16860];
	[tilespmem:s5+$0x17870] =	vst v3  }
0x63: {  	v3 =	vsub.f32 v12, v5;
	v8 =	vadd.f32 v6, v8;
	v5 =	vld [tilespmem:s5+$0x14060]  }
0x64: {  	v6 =	vmul.f32 v13, v4;
	v10 =	vmul.f32 v13, v11;
	v12 =	vld [tilespmem:s5+$0x14860]  }
0x65: {  	v13 =	vld [tilespmem:s5+$0x15040];
	v11 =	vmul.f32 v2, v11;
	v2 =	vmul.f32 v2, v4  }
0x66: {  	v4 =	vld [tilespmem:s5+$0x15840]  }
0x67: {  	v11 =	vsub.f32 v6, v11;
	v14 =	vld [tilespmem:s5+$0x15050];
	v10 =	vadd.f32 v2, v10  }
0x68: {  	v15 =	vld [tilespmem:s5+$0x15850];
	v2 =	vmul.f32 v5, v7;
	v6 =	vmul.f32 v5, v9  }
0x69: {  	v9 =	vmul.f32 v12, v9;
	v16 =	vld [tilespmem:s5+$0x15060];
	v7 =	vmul.f32 v12, v7  }
.Ltmp0:
0x6a: {  	v12 =	vadd.f32 v3, v13;
	v5 =	vld [tilespmem:s5+$0x15860];
	(pc) =	sbr.rel @p0 .LBB2_2-.Ltmp0, $4  }
0x6b: {  	s6 =	sshra.s32 s7, $0x2;
	v13 =	vsub.f32 v2, v9;
	v7 =	vadd.f32 v7, v6;
	v6 =	vld [tilespmem:s5+$0x15070]  }
0x6c: {  	v3 =	vld [tilespmem:s6+$0x16070];
	[tilespmem:s5+$0x17040] =	vst v12;
	v12 =	vadd.f32 v4, v8;
	v9 =	vadd.f32 v11, v14  }
0x6d: {  	v2 =	vld [tilespmem:s6+$0x16870];
	v8 =	vadd.f32 v15, v10  }
0x6e: {  	s7 =	sadd.s32 $0x100, s7;
	v4 =	vld [tilespmem:s6+$0x14070];
	[tilespmem:s5+$0x17840] =	vst v12;
	v10 =	vadd.f32 v13, v16  }
0x6f: {  	v11 =	vld [tilespmem:s6+$0x14870];
	[tilespmem:s5+$0x17050] =	vst v9  }
0x70: {  	v5 =	vadd.f32 v5, v7;
	v9 =	vld [tilespmem:s6+$0x16040];
	[tilespmem:s5+$0x17850] =	vst v8  }
0x71: {  	v1 =	vadd.f32 v1, v6;
	v8 =	vld [tilespmem:s6+$0x16840];
	[tilespmem:s5+$0x17060] =	vst v10  }
0x72: {  	v47 =	vld [tilespmem:s6+$0x14040];
	[tilespmem:s5+$0x17860] =	vst v5  }
0x73: {  	v5 =	vld [tilespmem:s6+$0x15870];
	[tilespmem:s5+$0x17070] =	vst v1  }
0x74: {  	v1 =	vld [tilespmem:s6+$0x14840]  }
0x75: {  	v12 =	vld [tilespmem:s6+$0x16050]  }
0x76: {  	v13 =	vld [tilespmem:s6+$0x16850]  }
0x77: {  	v50 =	vld [tilespmem:s6+$0x14050]  }
0x78: {  	v14 =	vld [tilespmem:s6+$0x14850]  }
0x79: {  	v51 =	vld [tilespmem:s6+$0x16060]  }
0x7a: {  	v15 =	vld [tilespmem:s6+$0x16860]  }
0x7b: {  	v48 =	vmul.f32 v4, v2;
	v49 =	vmul.f32 v11, v3;
	v52 =	vld [tilespmem:s6+$0x14060]  }
0x7c: {  	v17 =	vld [tilespmem:s6+$0x14860];
	v3 =	vmul.f32 v4, v3  }
0x7d: {  	v53 =	vld [tilespmem:s6+$0x15040];
	v6 =	vadd.f32 v49, v48;
	v16 =	vmul.f32 v47, v9;
	v7 =	vmul.f32 v47, v8  }
0x7e: {  	v19 =	vld [tilespmem:s6+$0x15840];
	v8 =	vmul.f32 v1, v8;
	v1 =	vmul.f32 v1, v9  }
0x7f: {  	v54 =	vld [tilespmem:s6+$0x15050];
	v5 =	vadd.f32 v5, v6;
	v18 =	vmul.f32 v50, v12;
	v10 =	vmul.f32 v50, v13  }
0x80: {  	v55 =	vld [tilespmem:s6+$0x15850];
	v13 =	vmul.f32 v14, v13;
	v12 =	vmul.f32 v14, v12;
	v8 =	vsub.f32 v16, v8  }
0x81: {  	v57 =	vld [tilespmem:s6+$0x15060];
	v58 =	vmul.f32 v52, v51;
	v59 =	vmul.f32 v17, v15;
	v1 =	vadd.f32 v1, v7  }
0x82: {  	v60 =	vld [tilespmem:s6+$0x15860];
	v6 =	vmul.f32 v17, v51;
	v56 =	vsub.f32 v18, v13;
	v8 =	vadd.f32 v8, v53  }
0x83: {  	v61 =	vld [tilespmem:s6+$0x15070];
	[tilespmem:s6+$0x17870] =	vst v5;
	v5 =	vmul.f32 v52, v15;
	v10 =	vadd.f32 v12, v10;
	v1 =	vadd.f32 v19, v1  }
0x84: {  	v2 =	vmul.f32 v11, v2;
	v62 =	vsub.f32 v58, v59;
	v4 =	vadd.f32 v56, v54;
	[tilespmem:s6+$0x17040] =	vst v8  }
0x85: {  	v5 =	vadd.f32 v6, v5;
	v63 =	vadd.f32 v55, v10;
	[tilespmem:s6+$0x17840] =	vst v1  }
0x86: {  	v1 =	vsub.f32 v3, v2;
	v2 =	vadd.f32 v62, v57;
	[tilespmem:s6+$0x17050] =	vst v4  }
0x87: {  	v3 =	vadd.f32 v60, v5;
	[tilespmem:s6+$0x17850] =	vst v63  }
0x88: {  	v1 =	vadd.f32 v1, v61;
	[tilespmem:s6+$0x17060] =	vst v2  }
0x89: {  	[tilespmem:s6+$0x17860] =	vst v3  }
0x8a: {  	s31 =	simm.s32 $0x0;
	s7 =	simm.s32 $0x4000;
	[tilespmem:s6+$0x17070] =	vst v1  }
0x8b: {  	[tilespmem:s7], [sflag:$0x1] =	stream.indirect.gather [hbm4b:s3+s25], $0x40, s31, s25, $0xb8;
	[tilespmem:$0x1C040] =	vst v63  }
0x8c: {  	s8 =	simm.s32 $0xC000  }
0x8d: {  	[tilespmem:s8], [sflag:$0x2] =	stream.indirect.gather [hbm4b:s4+s25], $0x40, s31, s25, $0xb8;
	[tilespmem:$0x1C040] =	vst v63  }
0x8e: {  	s9 =	simm.s32 $0x6000  }
0x8f: {  	[tilespmem:s9], [sflag:$0x3] =	stream.indirect.gather [hbm4b:s3+s25], $0x40, s25, s25, $0xb8;
	[tilespmem:$0x1C040] =	vst v63  }
0x90: {  	s10 =	simm.s32 $0xE000  }
0x91: {  	[tilespmem:s10], [sflag:$0x4] =	stream.indirect.gather [hbm4b:s4+s25], $0x40, s25, s25, $0xb8;
	[tilespmem:$0x1C040] =	vst v63  }
0x92: {  	s11 =	simm.s32 $0x100;
	s12 =	simm.s32 $0x8000  }
0x93: {  	[tilespmem:s12], [sflag:$0x5] =	stream.indirect.gather [hbm4b:s3+s25], $0x40, s11, s25, $0xb8;
	[tilespmem:$0x1C040] =	vst v63  }
0x94: {  	s13 =	simm.s32 $0x10000  }
0x95: {  	[tilespmem:s13], [sflag:$0x6] =	stream.indirect.gather [hbm4b:s4+s25], $0x40, s11, s25, $0xb8;
	[tilespmem:$0x1C040] =	vst v63  }
.LBB2_4:
0x96: {  	s7 =	sshll.u32 s31, $0x9  }
0x97: {  	s6 =	sand.u32 $0x3FFFFE00, s7  }
0x98: {  	s5 =	sor.u32 $0x180, s6  }
0x99: {  	[tilespmem:s17], [sflag:$0x7] =	stream.indirect.gather [hbm4b:s3+s25], $0x40, s5, s25, $0xb8;
	[tilespmem:$0x1C040] =	vst v63  }
0x9a: {  	_ = 	snop  }
0x9b: {  	[tilespmem:s18], [sflag:$0x8] =	stream.indirect.gather [hbm4b:s4+s25], $0x40, s5, s25, $0xb8;
	[tilespmem:$0x1C040] =	vst v63  }
0x9c: {  	_ =	swait.ge [sflag:s20], $0x2000  }
0x9d: {  	[sflag:s20] =	ssyncset.done $0x0  }
0x9e: {  	[sflag:s20] =	ssyncadd.s32 $0xFFFFE000  }
0x9f: {  	_ =	swait.ge [sflag:s22], $0x2000  }
0xa0: {  	[sflag:s22] =	ssyncset.done $0x0  }
0xa1: {  	s5 =	sshll.u32 s31, $0x6;
	[sflag:s22] =	ssyncadd.s32 $0xFFFFE000  }
0xa2: {  	v9 =	vld [tilespmem:s5+$0x16040]  }
0xa3: {  	v10 =	vld [tilespmem:s5+$0x16050]  }
0xa4: {  	v11 =	vld [tilespmem:s5+$0x16060]  }
0xa5: {  	v12 =	vld [tilespmem:s5+$0x16070]  }
0xa6: {  	v13 =	vld [tilespmem:s5+$0x16840]  }
0xa7: {  	v14 =	vld [tilespmem:s5+$0x16850]  }
0xa8: {  	v15 =	vld [tilespmem:s5+$0x16860]  }
0xa9: {  	v16 =	vld [tilespmem:s5+$0x16870]  }
0xaa: {  	v17 =	vld [tilespmem:s5+$0x17040]  }
0xab: {  	v18 =	vld [tilespmem:s5+$0x17050]  }
0xac: {  	v19 =	vld [tilespmem:s5+$0x17060]  }
0xad: {  	v20 =	vld [tilespmem:s5+$0x17070]  }
0xae: {  	v1 =	vmov s7;
	v21 =	vld [tilespmem:s5+$0x17840]  }
0xaf: {  	v2 =	vor.u32 $0x1, v1;
	v22 =	vld [tilespmem:s5+$0x17850]  }
0xb0: {  	s10 =	simm.s32 $0xC100;
	s11 =	simm.s32 $0x4100;
	s12 =	simm.s32 $0x0;
	v3 =	vor.u32 $0x2, v1;
	v4 =	vor.u32 $0x3, v1;
	v5 =	vor.u32 $0x4, v1;
	v23 =	vld [tilespmem:s5+$0x17860]  }
0xb1: {  	v6 =	vor.u32 $0x5, v1;
	v7 =	vor.u32 $0x6, v1;
	v8 =	vor.u32 $0x7, v1;
	s7 =	sor.u32 $0x10, s5;
	s8 =	sor.u32 $0x20, s5;
	s9 =	sor.u32 $0x30, s5;
	v24 =	vld [tilespmem:s5+$0x17870]  }
.LBB2_5:
0xb2: {  	v25 =	vld [tilespmem:s11+$0xFFFFFF00];
	_ =	sdelay $0x1  }
0xb3: {  	v26 =	vld [tilespmem:s10+$0xFFFFFF00]  }
0xb4: {  	v27 =	vld [tilespmem:s11+$0xFFFFFF10];
	_ =	sdelay $0x1  }
0xb5: {  	v29 =	vld [tilespmem:s10+$0xFFFFFF10];
	v28 =	vmul.f32 v25, v9  }
0xb6: {  	v32 =	vld [tilespmem:s11+$0xFFFFFF20];
	v25 =	vmul.f32 v25, v13  }
0xb7: {  	v30 =	vmul.f32 v26, v13;
	v28 =	vsub.f32 v17, v28  }
0xb8: {  	v43 =	vld [tilespmem:s10+$0xFFFFFF20];
	v26 =	vmul.f32 v26, v9;
	v31 =	vmul.f32 v27, v10;
	v25 =	vadd.f32 v25, v21  }
0xb9: {  	v27 =	vmul.f32 v27, v14;
	v28 =	vadd.f32 v30, v28  }
0xba: {  	v45 =	vld [tilespmem:s11+$0xFFFFFF30];
	v42 =	vmul.f32 v29, v14;
	v25 =	vadd.f32 v26, v25;
	v26 =	vsub.f32 v18, v31  }
0xbb: {  	v44 =	vmul.f32 v32, v11;
	v29 =	vmul.f32 v29, v10;
	v27 =	vadd.f32 v27, v22  }
0xbc: {  	v34 =	vld [tilespmem:s10+$0xFFFFFF30];
	v28 =	vand.u32 $0x7FFFFFFF, v28;
	v25 =	vand.u32 $0x7FFFFFFF, v25;
	v26 =	vadd.f32 v42, v26  }
0xbd: {  	v33 =	vmul.f32 v43, v15;
	v32 =	vmul.f32 v32, v15;
	v25 =	vadd.f32 v25, v28  }
0xbe: {  	v27 =	vadd.f32 v29, v27;
	v28 =	vsub.f32 v19, v44;
	v26 =	vand.u32 $0x7FFFFFFF, v26  }
0xbf: {  	v47 =	vmul.f32 v43, v11;
	v48 =	vmul.f32 v45, v12;
	v25 =	vadd.f32 v26, v25  }
0xc0: {  	v46 =	vadd.f32 v32, v23;
	v27 =	vand.u32 $0x7FFFFFFF, v27;
	v26 =	vadd.f32 v33, v28  }
0xc1: {  	v50 =	vmul.f32 v34, v16;
	v49 =	vsub.f32 v20, v48;
	v25 =	vadd.f32 v25, v27  }
0xc2: {  	v30 =	vmul.f32 v45, v16;
	v27 =	vadd.f32 v47, v46;
	v26 =	vand.u32 $0x7FFFFFFF, v26  }
0xc3: {  	v52 =	vmul.f32 v34, v12;
	v25 =	vadd.f32 v26, v25  }
0xc4: {  	v51 =	vadd.f32 v30, v24;
	v26 =	vand.u32 $0x7FFFFFFF, v27;
	v27 =	vadd.f32 v50, v49  }
0xc5: {  	v25 =	vadd.f32 v25, v26  }
0xc6: {  	v26 =	vadd.f32 v52, v51;
	v27 =	vand.u32 $0x7FFFFFFF, v27  }
0xc7: {  	v25 =	vadd.f32 v27, v25  }
0xc8: {  	v26 =	vand.u32 $0x7FFFFFFF, v26  }
0xc9: {  	v25 =	vadd.f32 v25, v26;
	_ =	sdelay $0x1  }
0xca: {  	(xrf2) =	vadd.scan.msk.f32 $0xffff, v25;
	_ =	sdelay $0x2  }
0xcb: {  	v25 =	vmov s12  }
0xcc: {  	v25 =	vshrl.u32 v25, $0x3  }
0xcd: {  	v25 =	vshll.u32 v25, v0  }
0xce: {  	v25 =	vadd.s32 v1, v25  }
0xcf: {  	v25 =	vbroadcast v25, $0x0;
	_ =	sdelay $0x2  }
0xd0: {  	v26, _, _ =	vpop (xrf2)  }
0xd1: {  	v26 =	vbroadcast v26, $0xF;
	_ =	sdelay $0x1  }
0xd2: {  	[tilespmem:v25+s23+$0x0] =	vst.idx.msk $0x1, v26  }
0xd3: {  	v25 =	vld [tilespmem:s11+$0xFFFFFF40];
	_ =	sdelay $0x1  }
0xd4: {  	v26 =	vld [tilespmem:s10+$0xFFFFFF40]  }
0xd5: {  	v27 =	vld [tilespmem:s11+$0xFFFFFF50];
	_ =	sdelay $0x1  }
0xd6: {  	v54 =	vld [tilespmem:s10+$0xFFFFFF50];
	v53 =	vmul.f32 v25, v9  }
0xd7: {  	v57 =	vld [tilespmem:s11+$0xFFFFFF60];
	v25 =	vmul.f32 v25, v13  }
0xd8: {  	v55 =	vmul.f32 v26, v13;
	v28 =	vsub.f32 v17, v53  }
0xd9: {  	v59 =	vld [tilespmem:s10+$0xFFFFFF60];
	v26 =	vmul.f32 v26, v9;
	v56 =	vmul.f32 v27, v10;
	v25 =	vadd.f32 v25, v21  }
0xda: {  	v27 =	vmul.f32 v27, v14;
	v28 =	vadd.f32 v55, v28  }
0xdb: {  	v61 =	vld [tilespmem:s11+$0xFFFFFF70];
	v58 =	vmul.f32 v54, v14;
	v25 =	vadd.f32 v26, v25;
	v26 =	vsub.f32 v18, v56  }
0xdc: {  	v60 =	vmul.f32 v57, v11;
	v29 =	vmul.f32 v54, v10;
	v27 =	vadd.f32 v27, v22  }
0xdd: {  	v63 =	vld [tilespmem:s10+$0xFFFFFF70];
	v28 =	vand.u32 $0x7FFFFFFF, v28;
	v25 =	vand.u32 $0x7FFFFFFF, v25;
	v26 =	vadd.f32 v58, v26  }
0xde: {  	v62 =	vmul.f32 v59, v15;
	v32 =	vmul.f32 v57, v15;
	v25 =	vadd.f32 v25, v28  }
0xdf: {  	v27 =	vadd.f32 v29, v27;
	v28 =	vsub.f32 v19, v60;
	v26 =	vand.u32 $0x7FFFFFFF, v26  }
0xe0: {  	v35 =	vmul.f32 v59, v11;
	v36 =	vmul.f32 v61, v12;
	v25 =	vadd.f32 v26, v25  }
0xe1: {  	v33 =	vadd.f32 v32, v23;
	v27 =	vand.u32 $0x7FFFFFFF, v27;
	v26 =	vadd.f32 v62, v28  }
0xe2: {  	v38 =	vmul.f32 v63, v16;
	v30 =	vmul.f32 v61, v16;
	v25 =	vadd.f32 v25, v27  }
0xe3: {  	v37 =	vsub.f32 v20, v36;
	v27 =	vadd.f32 v35, v33;
	v26 =	vand.u32 $0x7FFFFFFF, v26  }
0xe4: {  	v40 =	vmul.f32 v63, v12;
	v25 =	vadd.f32 v26, v25  }
0xe5: {  	v39 =	vadd.f32 v30, v24;
	v26 =	vand.u32 $0x7FFFFFFF, v27;
	v27 =	vadd.f32 v38, v37  }
0xe6: {  	v25 =	vadd.f32 v25, v26  }
0xe7: {  	v26 =	vadd.f32 v40, v39;
	v27 =	vand.u32 $0x7FFFFFFF, v27  }
0xe8: {  	v25 =	vadd.f32 v27, v25  }
0xe9: {  	v26 =	vand.u32 $0x7FFFFFFF, v26  }
0xea: {  	v25 =	vadd.f32 v25, v26;
	_ =	sdelay $0x1  }
0xeb: {  	(xrf2) =	vadd.scan.msk.f32 $0xffff, v25;
	_ =	sdelay $0x1  }
0xec: {  	s13 =	sadd.s32 $0x1, s12  }
0xed: {  	v25 =	vmov s13  }
0xee: {  	v25 =	vshrl.u32 v25, $0x3  }
0xef: {  	v25 =	vshll.u32 v25, v0  }
0xf0: {  	v25 =	vadd.s32 v25, v2  }
0xf1: {  	v25 =	vbroadcast v25, $0x0;
	_ =	sdelay $0x2  }
0xf2: {  	v26, _, _ =	vpop (xrf2)  }
0xf3: {  	v26 =	vbroadcast v26, $0xF;
	_ =	sdelay $0x1  }
0xf4: {  	[tilespmem:v25+s23+$0x0] =	vst.idx.msk $0x1, v26  }
0xf5: {  	v25 =	vld [tilespmem:s11+$0xFFFFFF80];
	_ =	sdelay $0x1  }
0xf6: {  	v26 =	vld [tilespmem:s10+$0xFFFFFF80]  }
0xf7: {  	v27 =	vld [tilespmem:s11+$0xFFFFFF90];
	_ =	sdelay $0x1  }
0xf8: {  	v42 =	vld [tilespmem:s10+$0xFFFFFF90];
	v41 =	vmul.f32 v25, v9  }
0xf9: {  	v45 =	vld [tilespmem:s11+$0xFFFFFFA0];
	v25 =	vmul.f32 v25, v13  }
0xfa: {  	v43 =	vmul.f32 v26, v13;
	v28 =	vsub.f32 v17, v41  }
0xfb: {  	v47 =	vld [tilespmem:s10+$0xFFFFFFA0];
	v26 =	vmul.f32 v26, v9;
	v44 =	vmul.f32 v27, v10;
	v25 =	vadd.f32 v25, v21  }
0xfc: {  	v27 =	vmul.f32 v27, v14;
	v28 =	vadd.f32 v43, v28  }
0xfd: {  	v49 =	vld [tilespmem:s11+$0xFFFFFFB0];
	v46 =	vmul.f32 v42, v14;
	v25 =	vadd.f32 v26, v25;
	v26 =	vsub.f32 v18, v44  }
0xfe: {  	v48 =	vmul.f32 v45, v11;
	v29 =	vmul.f32 v42, v10;
	v27 =	vadd.f32 v27, v22  }
0xff: {  	v51 =	vld [tilespmem:s10+$0xFFFFFFB0];
	v28 =	vand.u32 $0x7FFFFFFF, v28;
	v25 =	vand.u32 $0x7FFFFFFF, v25;
	v26 =	vadd.f32 v46, v26  }
0x100: {  	v50 =	vmul.f32 v47, v15;
	v32 =	vmul.f32 v45, v15;
	v25 =	vadd.f32 v25, v28  }
0x101: {  	v27 =	vadd.f32 v29, v27;
	v28 =	vsub.f32 v19, v48;
	v26 =	vand.u32 $0x7FFFFFFF, v26  }
0x102: {  	v53 =	vmul.f32 v47, v11;
	v54 =	vmul.f32 v49, v12;
	v25 =	vadd.f32 v26, v25  }
0x103: {  	v52 =	vadd.f32 v32, v23;
	v27 =	vand.u32 $0x7FFFFFFF, v27;
	v26 =	vadd.f32 v50, v28  }
0x104: {  	v56 =	vmul.f32 v51, v16;
	v30 =	vmul.f32 v49, v16;
	v25 =	vadd.f32 v25, v27  }
0x105: {  	v55 =	vsub.f32 v20, v54;
	v27 =	vadd.f32 v53, v52;
	v26 =	vand.u32 $0x7FFFFFFF, v26  }
0x106: {  	v58 =	vmul.f32 v51, v12;
	v25 =	vadd.f32 v26, v25  }
0x107: {  	v57 =	vadd.f32 v30, v24;
	v26 =	vand.u32 $0x7FFFFFFF, v27;
	v27 =	vadd.f32 v56, v55  }
0x108: {  	v25 =	vadd.f32 v25, v26  }
0x109: {  	v26 =	vadd.f32 v58, v57;
	v27 =	vand.u32 $0x7FFFFFFF, v27  }
0x10a: {  	v25 =	vadd.f32 v27, v25  }
0x10b: {  	v26 =	vand.u32 $0x7FFFFFFF, v26  }
0x10c: {  	v25 =	vadd.f32 v25, v26;
	_ =	sdelay $0x1  }
0x10d: {  	(xrf2) =	vadd.scan.msk.f32 $0xffff, v25;
	_ =	sdelay $0x1  }
0x10e: {  	s13 =	sadd.s32 $0x2, s12  }
0x10f: {  	v25 =	vmov s13  }
0x110: {  	v25 =	vshrl.u32 v25, $0x3  }
0x111: {  	v25 =	vshll.u32 v25, v0  }
0x112: {  	v25 =	vadd.s32 v25, v3  }
0x113: {  	v25 =	vbroadcast v25, $0x0;
	_ =	sdelay $0x2  }
0x114: {  	v26, _, _ =	vpop (xrf2)  }
0x115: {  	v26 =	vbroadcast v26, $0xF;
	_ =	sdelay $0x1  }
0x116: {  	[tilespmem:v25+s23+$0x0] =	vst.idx.msk $0x1, v26  }
0x117: {  	v25 =	vld [tilespmem:s11+$0xFFFFFFC0];
	_ =	sdelay $0x1  }
0x118: {  	v26 =	vld [tilespmem:s10+$0xFFFFFFC0]  }
0x119: {  	v27 =	vld [tilespmem:s11+$0xFFFFFFD0];
	_ =	sdelay $0x1  }
0x11a: {  	v60 =	vld [tilespmem:s10+$0xFFFFFFD0];
	v59 =	vmul.f32 v25, v9  }
0x11b: {  	v63 =	vld [tilespmem:s11+$0xFFFFFFE0];
	v25 =	vmul.f32 v25, v13  }
0x11c: {  	v61 =	vmul.f32 v26, v13;
	v28 =	vsub.f32 v17, v59  }
0x11d: {  	v37 =	vld [tilespmem:s10+$0xFFFFFFE0];
	v26 =	vmul.f32 v26, v9;
	v62 =	vmul.f32 v27, v10;
	v25 =	vadd.f32 v25, v21  }
0x11e: {  	v27 =	vmul.f32 v27, v14;
	v28 =	vadd.f32 v61, v28  }
0x11f: {  	v39 =	vld [tilespmem:s11+$0xFFFFFFF0];
	v36 =	vmul.f32 v60, v14;
	v25 =	vadd.f32 v26, v25;
	v26 =	vsub.f32 v18, v62  }
0x120: {  	v38 =	vmul.f32 v63, v11;
	v29 =	vmul.f32 v60, v10;
	v27 =	vadd.f32 v27, v22  }
0x121: {  	v41 =	vld [tilespmem:s10+$0xFFFFFFF0];
	v28 =	vand.u32 $0x7FFFFFFF, v28;
	v25 =	vand.u32 $0x7FFFFFFF, v25;
	v26 =	vadd.f32 v36, v26  }
0x122: {  	v40 =	vmul.f32 v37, v15;
	v32 =	vmul.f32 v63, v15;
	v25 =	vadd.f32 v25, v28  }
0x123: {  	v27 =	vadd.f32 v29, v27;
	v28 =	vsub.f32 v19, v38;
	v26 =	vand.u32 $0x7FFFFFFF, v26  }
0x124: {  	v43 =	vmul.f32 v37, v11;
	v44 =	vmul.f32 v39, v12;
	v25 =	vadd.f32 v26, v25  }
0x125: {  	v42 =	vadd.f32 v32, v23;
	v27 =	vand.u32 $0x7FFFFFFF, v27;
	v26 =	vadd.f32 v40, v28  }
0x126: {  	v46 =	vmul.f32 v41, v16;
	v30 =	vmul.f32 v39, v16;
	v25 =	vadd.f32 v25, v27  }
0x127: {  	v45 =	vsub.f32 v20, v44;
	v27 =	vadd.f32 v43, v42;
	v26 =	vand.u32 $0x7FFFFFFF, v26  }
0x128: {  	v48 =	vmul.f32 v41, v12;
	v25 =	vadd.f32 v26, v25  }
0x129: {  	v47 =	vadd.f32 v30, v24;
	v26 =	vand.u32 $0x7FFFFFFF, v27;
	v27 =	vadd.f32 v46, v45  }
0x12a: {  	v25 =	vadd.f32 v25, v26  }
0x12b: {  	v26 =	vadd.f32 v48, v47;
	v27 =	vand.u32 $0x7FFFFFFF, v27  }
0x12c: {  	v25 =	vadd.f32 v27, v25  }
0x12d: {  	v26 =	vand.u32 $0x7FFFFFFF, v26  }
0x12e: {  	v25 =	vadd.f32 v25, v26;
	_ =	sdelay $0x1  }
0x12f: {  	(xrf2) =	vadd.scan.msk.f32 $0xffff, v25;
	_ =	sdelay $0x1  }
0x130: {  	s13 =	sadd.s32 $0x3, s12  }
0x131: {  	v25 =	vmov s13  }
0x132: {  	v25 =	vshrl.u32 v25, $0x3  }
0x133: {  	v25 =	vshll.u32 v25, v0  }
0x134: {  	v25 =	vadd.s32 v25, v4  }
0x135: {  	v25 =	vbroadcast v25, $0x0;
	_ =	sdelay $0x2  }
0x136: {  	v26, _, _ =	vpop (xrf2)  }
0x137: {  	v26 =	vbroadcast v26, $0xF;
	_ =	sdelay $0x1  }
0x138: {  	[tilespmem:v25+s23+$0x0] =	vst.idx.msk $0x1, v26  }
0x139: {  	v25 =	vld [tilespmem:s11+$0x0];
	_ =	sdelay $0x1  }
0x13a: {  	v26 =	vld [tilespmem:s10+$0x0]  }
0x13b: {  	v27 =	vld [tilespmem:s11+$0x10];
	_ =	sdelay $0x1  }
0x13c: {  	v50 =	vld [tilespmem:s10+$0x10];
	v49 =	vmul.f32 v25, v9  }
0x13d: {  	v53 =	vld [tilespmem:s11+$0x20];
	v25 =	vmul.f32 v25, v13  }
0x13e: {  	v51 =	vmul.f32 v26, v13;
	v28 =	vsub.f32 v17, v49  }
0x13f: {  	v55 =	vld [tilespmem:s10+$0x20];
	v26 =	vmul.f32 v26, v9;
	v52 =	vmul.f32 v27, v10;
	v25 =	vadd.f32 v25, v21  }
0x140: {  	v27 =	vmul.f32 v27, v14;
	v28 =	vadd.f32 v51, v28  }
0x141: {  	v57 =	vld [tilespmem:s11+$0x30];
	v54 =	vmul.f32 v50, v14;
	v25 =	vadd.f32 v26, v25;
	v26 =	vsub.f32 v18, v52  }
0x142: {  	v56 =	vmul.f32 v53, v11;
	v29 =	vmul.f32 v50, v10;
	v27 =	vadd.f32 v27, v22  }
0x143: {  	v59 =	vld [tilespmem:s10+$0x30];
	v28 =	vand.u32 $0x7FFFFFFF, v28;
	v25 =	vand.u32 $0x7FFFFFFF, v25;
	v26 =	vadd.f32 v54, v26  }
0x144: {  	v58 =	vmul.f32 v55, v15;
	v32 =	vmul.f32 v53, v15;
	v25 =	vadd.f32 v25, v28  }
0x145: {  	v27 =	vadd.f32 v29, v27;
	v28 =	vsub.f32 v19, v56;
	v26 =	vand.u32 $0x7FFFFFFF, v26  }
0x146: {  	v61 =	vmul.f32 v55, v11;
	v62 =	vmul.f32 v57, v12;
	v25 =	vadd.f32 v26, v25  }
0x147: {  	v60 =	vadd.f32 v32, v23;
	v27 =	vand.u32 $0x7FFFFFFF, v27;
	v26 =	vadd.f32 v58, v28  }
0x148: {  	v33 =	vmul.f32 v59, v16;
	v30 =	vmul.f32 v57, v16;
	v25 =	vadd.f32 v25, v27  }
0x149: {  	v63 =	vsub.f32 v20, v62;
	v27 =	vadd.f32 v61, v60;
	v26 =	vand.u32 $0x7FFFFFFF, v26  }
0x14a: {  	v36 =	vmul.f32 v59, v12;
	v25 =	vadd.f32 v26, v25  }
0x14b: {  	v35 =	vadd.f32 v30, v24;
	v26 =	vand.u32 $0x7FFFFFFF, v27;
	v27 =	vadd.f32 v33, v63  }
0x14c: {  	v25 =	vadd.f32 v25, v26  }
0x14d: {  	v26 =	vadd.f32 v36, v35;
	v27 =	vand.u32 $0x7FFFFFFF, v27  }
0x14e: {  	v25 =	vadd.f32 v27, v25  }
0x14f: {  	v26 =	vand.u32 $0x7FFFFFFF, v26  }
0x150: {  	v25 =	vadd.f32 v25, v26;
	_ =	sdelay $0x1  }
0x151: {  	(xrf2) =	vadd.scan.msk.f32 $0xffff, v25;
	_ =	sdelay $0x1  }
0x152: {  	s13 =	sadd.s32 $0x4, s12  }
0x153: {  	v25 =	vmov s13  }
0x154: {  	v25 =	vshrl.u32 v25, $0x3  }
0x155: {  	v25 =	vshll.u32 v25, v0  }
0x156: {  	v25 =	vadd.s32 v25, v5  }
0x157: {  	v25 =	vbroadcast v25, $0x0;
	_ =	sdelay $0x2  }
0x158: {  	v26, _, _ =	vpop (xrf2)  }
0x159: {  	v26 =	vbroadcast v26, $0xF;
	_ =	sdelay $0x1  }
0x15a: {  	[tilespmem:v25+s23+$0x0] =	vst.idx.msk $0x1, v26  }
0x15b: {  	v25 =	vld [tilespmem:s11+$0x40];
	_ =	sdelay $0x1  }
0x15c: {  	v26 =	vld [tilespmem:s10+$0x40]  }
0x15d: {  	v27 =	vld [tilespmem:s11+$0x50];
	_ =	sdelay $0x1  }
0x15e: {  	v38 =	vld [tilespmem:s10+$0x50];
	v37 =	vmul.f32 v25, v9  }
0x15f: {  	v41 =	vld [tilespmem:s11+$0x60];
	v25 =	vmul.f32 v25, v13  }
0x160: {  	v39 =	vmul.f32 v26, v13;
	v28 =	vsub.f32 v17, v37  }
0x161: {  	v43 =	vld [tilespmem:s10+$0x60];
	v26 =	vmul.f32 v26, v9;
	v40 =	vmul.f32 v27, v10;
	v25 =	vadd.f32 v25, v21  }
0x162: {  	v27 =	vmul.f32 v27, v14;
	v28 =	vadd.f32 v39, v28  }
0x163: {  	v45 =	vld [tilespmem:s11+$0x70];
	v42 =	vmul.f32 v38, v14;
	v25 =	vadd.f32 v26, v25;
	v26 =	vsub.f32 v18, v40  }
0x164: {  	v44 =	vmul.f32 v41, v11;
	v29 =	vmul.f32 v38, v10;
	v27 =	vadd.f32 v27, v22  }
0x165: {  	v47 =	vld [tilespmem:s10+$0x70];
	v28 =	vand.u32 $0x7FFFFFFF, v28;
	v25 =	vand.u32 $0x7FFFFFFF, v25;
	v26 =	vadd.f32 v42, v26  }
0x166: {  	v46 =	vmul.f32 v43, v15;
	v32 =	vmul.f32 v41, v15;
	v25 =	vadd.f32 v25, v28  }
0x167: {  	v27 =	vadd.f32 v29, v27;
	v28 =	vsub.f32 v19, v44;
	v26 =	vand.u32 $0x7FFFFFFF, v26  }
0x168: {  	v49 =	vmul.f32 v43, v11;
	v50 =	vmul.f32 v45, v12;
	v25 =	vadd.f32 v26, v25  }
0x169: {  	v48 =	vadd.f32 v32, v23;
	v27 =	vand.u32 $0x7FFFFFFF, v27;
	v26 =	vadd.f32 v46, v28  }
0x16a: {  	v52 =	vmul.f32 v47, v16;
	v30 =	vmul.f32 v45, v16;
	v25 =	vadd.f32 v25, v27  }
0x16b: {  	v51 =	vsub.f32 v20, v50;
	v27 =	vadd.f32 v49, v48;
	v26 =	vand.u32 $0x7FFFFFFF, v26  }
0x16c: {  	v54 =	vmul.f32 v47, v12;
	v25 =	vadd.f32 v26, v25  }
0x16d: {  	v53 =	vadd.f32 v30, v24;
	v26 =	vand.u32 $0x7FFFFFFF, v27;
	v27 =	vadd.f32 v52, v51  }
0x16e: {  	v25 =	vadd.f32 v25, v26  }
0x16f: {  	v26 =	vadd.f32 v54, v53;
	v27 =	vand.u32 $0x7FFFFFFF, v27  }
0x170: {  	v25 =	vadd.f32 v27, v25  }
0x171: {  	v26 =	vand.u32 $0x7FFFFFFF, v26  }
0x172: {  	v25 =	vadd.f32 v25, v26;
	_ =	sdelay $0x1  }
0x173: {  	(xrf2) =	vadd.scan.msk.f32 $0xffff, v25;
	_ =	sdelay $0x1  }
0x174: {  	s13 =	sadd.s32 $0x5, s12  }
0x175: {  	v25 =	vmov s13  }
0x176: {  	v25 =	vshrl.u32 v25, $0x3  }
0x177: {  	v25 =	vshll.u32 v25, v0  }
0x178: {  	v25 =	vadd.s32 v25, v6  }
0x179: {  	v25 =	vbroadcast v25, $0x0;
	_ =	sdelay $0x2  }
0x17a: {  	v26, _, _ =	vpop (xrf2)  }
0x17b: {  	v26 =	vbroadcast v26, $0xF;
	_ =	sdelay $0x1  }
0x17c: {  	[tilespmem:v25+s23+$0x0] =	vst.idx.msk $0x1, v26  }
0x17d: {  	v25 =	vld [tilespmem:s11+$0x80];
	_ =	sdelay $0x1  }
0x17e: {  	v26 =	vld [tilespmem:s10+$0x80]  }
0x17f: {  	v27 =	vld [tilespmem:s11+$0x90];
	_ =	sdelay $0x1  }
0x180: {  	v56 =	vld [tilespmem:s10+$0x90];
	v55 =	vmul.f32 v25, v9  }
0x181: {  	v59 =	vld [tilespmem:s11+$0xA0];
	v25 =	vmul.f32 v25, v13  }
0x182: {  	v57 =	vmul.f32 v26, v13;
	v28 =	vsub.f32 v17, v55  }
0x183: {  	v61 =	vld [tilespmem:s10+$0xA0];
	v26 =	vmul.f32 v26, v9;
	v58 =	vmul.f32 v27, v10;
	v25 =	vadd.f32 v25, v21  }
0x184: {  	v27 =	vmul.f32 v27, v14;
	v28 =	vadd.f32 v57, v28  }
0x185: {  	v63 =	vld [tilespmem:s11+$0xB0];
	v60 =	vmul.f32 v56, v14;
	v25 =	vadd.f32 v26, v25;
	v26 =	vsub.f32 v18, v58  }
0x186: {  	v62 =	vmul.f32 v59, v11;
	v29 =	vmul.f32 v56, v10;
	v27 =	vadd.f32 v27, v22  }
0x187: {  	v37 =	vld [tilespmem:s10+$0xB0];
	v28 =	vand.u32 $0x7FFFFFFF, v28;
	v25 =	vand.u32 $0x7FFFFFFF, v25;
	v26 =	vadd.f32 v60, v26  }
0x188: {  	v36 =	vmul.f32 v61, v15;
	v32 =	vmul.f32 v59, v15;
	v25 =	vadd.f32 v25, v28  }
0x189: {  	v27 =	vadd.f32 v29, v27;
	v28 =	vsub.f32 v19, v62;
	v26 =	vand.u32 $0x7FFFFFFF, v26  }
0x18a: {  	v39 =	vmul.f32 v61, v11;
	v40 =	vmul.f32 v63, v12;
	v25 =	vadd.f32 v26, v25  }
0x18b: {  	v38 =	vadd.f32 v32, v23;
	v27 =	vand.u32 $0x7FFFFFFF, v27;
	v26 =	vadd.f32 v36, v28  }
0x18c: {  	v42 =	vmul.f32 v37, v16;
	v30 =	vmul.f32 v63, v16;
	v25 =	vadd.f32 v25, v27  }
0x18d: {  	v41 =	vsub.f32 v20, v40;
	v27 =	vadd.f32 v39, v38;
	v26 =	vand.u32 $0x7FFFFFFF, v26  }
0x18e: {  	v44 =	vmul.f32 v37, v12;
	v25 =	vadd.f32 v26, v25  }
0x18f: {  	v43 =	vadd.f32 v30, v24;
	v26 =	vand.u32 $0x7FFFFFFF, v27;
	v27 =	vadd.f32 v42, v41  }
0x190: {  	v25 =	vadd.f32 v25, v26  }
0x191: {  	v26 =	vadd.f32 v44, v43;
	v27 =	vand.u32 $0x7FFFFFFF, v27  }
0x192: {  	v25 =	vadd.f32 v27, v25  }
0x193: {  	v26 =	vand.u32 $0x7FFFFFFF, v26  }
0x194: {  	v25 =	vadd.f32 v25, v26;
	_ =	sdelay $0x1  }
0x195: {  	(xrf2) =	vadd.scan.msk.f32 $0xffff, v25;
	_ =	sdelay $0x1  }
0x196: {  	s13 =	sadd.s32 $0x6, s12  }
0x197: {  	v25 =	vmov s13  }
0x198: {  	v25 =	vshrl.u32 v25, $0x3  }
0x199: {  	v25 =	vshll.u32 v25, v0  }
0x19a: {  	v25 =	vadd.s32 v25, v7  }
0x19b: {  	v25 =	vbroadcast v25, $0x0;
	_ =	sdelay $0x2  }
0x19c: {  	v26, _, _ =	vpop (xrf2)  }
0x19d: {  	v26 =	vbroadcast v26, $0xF;
	_ =	sdelay $0x1  }
0x19e: {  	[tilespmem:v25+s23+$0x0] =	vst.idx.msk $0x1, v26  }
0x19f: {  	v25 =	vld [tilespmem:s11+$0xC0];
	_ =	sdelay $0x1  }
0x1a0: {  	v26 =	vld [tilespmem:s10+$0xC0]  }
0x1a1: {  	v27 =	vld [tilespmem:s11+$0xD0];
	_ =	sdelay $0x1  }
0x1a2: {  	v46 =	vld [tilespmem:s10+$0xD0];
	v45 =	vmul.f32 v25, v9  }
0x1a3: {  	v47 =	vld [tilespmem:s11+$0xE0];
	v25 =	vmul.f32 v25, v13  }
0x1a4: {  	v48 =	vmul.f32 v26, v13;
	v28 =	vsub.f32 v17, v45  }
0x1a5: {  	v50 =	vld [tilespmem:s10+$0xE0];
	v26 =	vmul.f32 v26, v9;
	v49 =	vmul.f32 v27, v10;
	v25 =	vadd.f32 v25, v21  }
0x1a6: {  	v27 =	vmul.f32 v27, v14;
	v28 =	vadd.f32 v48, v28  }
0x1a7: {  	v52 =	vld [tilespmem:s11+$0xF0];
	v51 =	vmul.f32 v46, v14;
	v25 =	vadd.f32 v26, v25;
	v26 =	vsub.f32 v18, v49  }
0x1a8: {  	v53 =	vmul.f32 v47, v11;
	v29 =	vmul.f32 v46, v10;
	v27 =	vadd.f32 v27, v22  }
0x1a9: {  	v54 =	vld [tilespmem:s10+$0xF0];
	v28 =	vand.u32 $0x7FFFFFFF, v28;
	v25 =	vand.u32 $0x7FFFFFFF, v25;
	v26 =	vadd.f32 v51, v26  }
0x1aa: {  	v56 =	vmul.f32 v50, v15;
	v57 =	vmul.f32 v47, v15;
	v25 =	vadd.f32 v25, v28  }
0x1ab: {  	v55 =	vsub.f32 v19, v53;
	v27 =	vadd.f32 v29, v27;
	v26 =	vand.u32 $0x7FFFFFFF, v26  }
0x1ac: {  	v58 =	vmul.f32 v52, v12;
	v59 =	vmul.f32 v50, v11;
	v25 =	vadd.f32 v26, v25  }
0x1ad: {  	v29 =	vadd.f32 v57, v23;
	v27 =	vand.u32 $0x7FFFFFFF, v27;
	v26 =	vadd.f32 v56, v55  }
0x1ae: {  	v60 =	vmul.f32 v54, v16;
	v61 =	vmul.f32 v52, v16;
	v25 =	vadd.f32 v25, v27  }
0x1af: {  	v29 =	vadd.f32 v59, v29;
	v27 =	vsub.f32 v20, v58;
	v26 =	vand.u32 $0x7FFFFFFF, v26  }
0x1b0: {  	v63 =	vmul.f32 v54, v12;
	v25 =	vadd.f32 v26, v25  }
0x1b1: {  	v62 =	vadd.f32 v61, v24;
	v26 =	vadd.f32 v60, v27;
	v27 =	vand.u32 $0x7FFFFFFF, v29  }
0x1b2: {  	v25 =	vadd.f32 v25, v27  }
0x1b3: {  	v27 =	vadd.f32 v63, v62;
	v26 =	vand.u32 $0x7FFFFFFF, v26  }
0x1b4: {  	v25 =	vadd.f32 v26, v25  }
0x1b5: {  	v26 =	vand.u32 $0x7FFFFFFF, v27  }
0x1b6: {  	v25 =	vadd.f32 v25, v26;
	_ =	sdelay $0x1  }
0x1b7: {  	(xrf2) =	vadd.scan.msk.f32 $0xffff, v25;
	_ =	sdelay $0x1  }
0x1b8: {  	s13 =	sadd.s32 $0x7, s12  }
0x1b9: {  	v25 =	vmov s13  }
0x1ba: {  	v25 =	vshrl.u32 v25, $0x3  }
0x1bb: {  	v25 =	vshll.u32 v25, v0  }
0x1bc: {  	v25 =	vadd.s32 v25, v8  }
0x1bd: {  	v25 =	vbroadcast v25, $0x0  }
0x1be: {  	p0 =	slt.u32 s12, $0x78  }
.Ltmp1:
0x1bf: {  	_ = 	snop;
	(pc) =	sbr.rel @p0 .LBB2_5-.Ltmp1, $3  }
0x1c0: {  	v26, _, _ =	vpop (xrf2)  }
0x1c1: {  	v26 =	vbroadcast v26, $0xF;
	_ =	sdelay $0x1  }
0x1c2: {  	s12 =	sadd.s32 $0x8, s12;
	s10 =	sadd.s32 $0x200, s10;
	s11 =	sadd.s32 $0x200, s11;
	[tilespmem:v25+s23+$0x0] =	vst.idx.msk $0x1, v26  }
0x1c3: {  	p0 =	seq.s32 s31, $0x1F  }
0x1c4: {  	s10 =	sadd.s32 @!p0 $0x200, s6;
	s11 =	simm.s32 @!p0 $0x80;
	s12 =	simm.s32 @!p0 $0x4000  }
0x1c5: {  	[tilespmem:s12], [sflag:$0x1] =	stream.indirect.gather @!p0 [hbm4b:s3+s11], $0x40, s10, s11, $0xb8;
	[tilespmem:$0x1C040] =	vst v63  }
0x1c6: {  	s12 =	simm.s32 @!p0 $0xC000  }
0x1c7: {  	[tilespmem:s12], [sflag:$0x2] =	stream.indirect.gather @!p0 [hbm4b:s4+s11], $0x40, s10, s11, $0xb8;
	[tilespmem:$0x1C040] =	vst v63  }
0x1c8: {  	_ =	swait.ge [sflag:s24], $0x2000  }
0x1c9: {  	[sflag:s24] =	ssyncset.done $0x0  }
0x1ca: {  	[sflag:s24] =	ssyncadd.s32 $0xFFFFE000  }
0x1cb: {  	_ =	swait.ge [sflag:s26], $0x2000  }
0x1cc: {  	[sflag:s26] =	ssyncset.done $0x0  }
0x1cd: {  	[sflag:s26] =	ssyncadd.s32 $0xFFFFE000  }
0x1ce: {  	v9 =	vld [tilespmem:s5+$0x16040]  }
0x1cf: {  	v10 =	vld [tilespmem:s7+$0x16040]  }
0x1d0: {  	v11 =	vld [tilespmem:s8+$0x16040]  }
0x1d1: {  	v12 =	vld [tilespmem:s9+$0x16040]  }
0x1d2: {  	v13 =	vld [tilespmem:s5+$0x16840]  }
0x1d3: {  	v14 =	vld [tilespmem:s7+$0x16840]  }
0x1d4: {  	v15 =	vld [tilespmem:s8+$0x16840]  }
0x1d5: {  	v16 =	vld [tilespmem:s9+$0x16840]  }
0x1d6: {  	v17 =	vld [tilespmem:s5+$0x17040]  }
0x1d7: {  	v18 =	vld [tilespmem:s7+$0x17040]  }
0x1d8: {  	v19 =	vld [tilespmem:s8+$0x17040]  }
0x1d9: {  	v20 =	vld [tilespmem:s9+$0x17040]  }
0x1da: {  	v21 =	vld [tilespmem:s5+$0x17840]  }
0x1db: {  	v22 =	vld [tilespmem:s7+$0x17840]  }
0x1dc: {  	v23 =	vld [tilespmem:s8+$0x17840]  }
0x1dd: {  	s10 =	simm.s32 $0xFFFFFFF8;
	s11 =	simm.s32 $0xE1F0;
	s12 =	simm.s32 $0x61F0;
	v24 =	vld [tilespmem:s9+$0x17840]  }
.LBB2_7:
0x1de: {  	v25 =	vld [tilespmem:s12+$0xFFFFFE10];
	_ =	sdelay $0x1  }
0x1df: {  	v26 =	vld [tilespmem:s11+$0xFFFFFE10]  }
0x1e0: {  	v27 =	vld [tilespmem:s12+$0xFFFFFE20];
	_ =	sdelay $0x1  }
0x1e1: {  	v29 =	vld [tilespmem:s11+$0xFFFFFE20];
	v28 =	vmul.f32 v25, v9  }
0x1e2: {  	v32 =	vld [tilespmem:s12+$0xFFFFFE30];
	v25 =	vmul.f32 v25, v13  }
0x1e3: {  	v30 =	vmul.f32 v26, v13;
	v28 =	vsub.f32 v17, v28  }
0x1e4: {  	v43 =	vld [tilespmem:s11+$0xFFFFFE30];
	v26 =	vmul.f32 v26, v9;
	v31 =	vmul.f32 v27, v10;
	v25 =	vadd.f32 v25, v21  }
0x1e5: {  	v27 =	vmul.f32 v27, v14;
	v28 =	vadd.f32 v30, v28  }
0x1e6: {  	v45 =	vld [tilespmem:s12+$0xFFFFFE40];
	v42 =	vmul.f32 v29, v14;
	v25 =	vadd.f32 v26, v25;
	v26 =	vsub.f32 v18, v31  }
0x1e7: {  	v44 =	vmul.f32 v32, v11;
	v29 =	vmul.f32 v29, v10;
	v27 =	vadd.f32 v27, v22  }
0x1e8: {  	v34 =	vld [tilespmem:s11+$0xFFFFFE40];
	v28 =	vand.u32 $0x7FFFFFFF, v28;
	v25 =	vand.u32 $0x7FFFFFFF, v25;
	v26 =	vadd.f32 v42, v26  }
0x1e9: {  	v33 =	vmul.f32 v43, v15;
	v32 =	vmul.f32 v32, v15;
	v25 =	vadd.f32 v25, v28  }
0x1ea: {  	v27 =	vadd.f32 v29, v27;
	v28 =	vsub.f32 v19, v44;
	v26 =	vand.u32 $0x7FFFFFFF, v26  }
0x1eb: {  	v47 =	vmul.f32 v43, v11;
	v48 =	vmul.f32 v45, v12;
	v25 =	vadd.f32 v26, v25  }
0x1ec: {  	v46 =	vadd.f32 v32, v23;
	v27 =	vand.u32 $0x7FFFFFFF, v27;
	v26 =	vadd.f32 v33, v28  }
0x1ed: {  	v50 =	vmul.f32 v34, v16;
	v49 =	vsub.f32 v20, v48;
	v25 =	vadd.f32 v25, v27  }
0x1ee: {  	v30 =	vmul.f32 v45, v16;
	v27 =	vadd.f32 v47, v46;
	v26 =	vand.u32 $0x7FFFFFFF, v26  }
0x1ef: {  	v52 =	vmul.f32 v34, v12;
	v25 =	vadd.f32 v26, v25  }
0x1f0: {  	v51 =	vadd.f32 v30, v24;
	v26 =	vand.u32 $0x7FFFFFFF, v27;
	v27 =	vadd.f32 v50, v49  }
0x1f1: {  	v25 =	vadd.f32 v25, v26  }
0x1f2: {  	v26 =	vadd.f32 v52, v51;
	v27 =	vand.u32 $0x7FFFFFFF, v27  }
0x1f3: {  	v25 =	vadd.f32 v27, v25  }
0x1f4: {  	v26 =	vand.u32 $0x7FFFFFFF, v26  }
0x1f5: {  	v25 =	vadd.f32 v25, v26;
	_ =	sdelay $0x1  }
0x1f6: {  	(xrf2) =	vadd.scan.msk.f32 $0xffff, v25;
	_ =	sdelay $0x1  }
0x1f7: {  	s13 =	sadd.s32 $0x88, s10  }
0x1f8: {  	v25 =	vmov s13  }
0x1f9: {  	v25 =	vshrl.u32 v25, $0x3  }
0x1fa: {  	v25 =	vshll.u32 v25, v0  }
0x1fb: {  	v25 =	vadd.s32 v1, v25  }
0x1fc: {  	v25 =	vbroadcast v25, $0x0;
	_ =	sdelay $0x2  }
0x1fd: {  	v26, _, _ =	vpop (xrf2)  }
0x1fe: {  	v26 =	vbroadcast v26, $0xF;
	_ =	sdelay $0x1  }
0x1ff: {  	[tilespmem:v25+s23+$0x0] =	vst.idx.msk $0x1, v26  }
0x200: {  	v25 =	vld [tilespmem:s12+$0xFFFFFE50];
	_ =	sdelay $0x1  }
0x201: {  	v26 =	vld [tilespmem:s11+$0xFFFFFE50]  }
0x202: {  	v27 =	vld [tilespmem:s12+$0xFFFFFE60];
	_ =	sdelay $0x1  }
0x203: {  	v54 =	vld [tilespmem:s11+$0xFFFFFE60];
	v53 =	vmul.f32 v25, v9  }
0x204: {  	v57 =	vld [tilespmem:s12+$0xFFFFFE70];
	v25 =	vmul.f32 v25, v13  }
0x205: {  	v55 =	vmul.f32 v26, v13;
	v28 =	vsub.f32 v17, v53  }
0x206: {  	v59 =	vld [tilespmem:s11+$0xFFFFFE70];
	v26 =	vmul.f32 v26, v9;
	v56 =	vmul.f32 v27, v10;
	v25 =	vadd.f32 v25, v21  }
0x207: {  	v27 =	vmul.f32 v27, v14;
	v28 =	vadd.f32 v55, v28  }
0x208: {  	v61 =	vld [tilespmem:s12+$0xFFFFFE80];
	v58 =	vmul.f32 v54, v14;
	v25 =	vadd.f32 v26, v25;
	v26 =	vsub.f32 v18, v56  }
0x209: {  	v60 =	vmul.f32 v57, v11;
	v29 =	vmul.f32 v54, v10;
	v27 =	vadd.f32 v27, v22  }
0x20a: {  	v63 =	vld [tilespmem:s11+$0xFFFFFE80];
	v28 =	vand.u32 $0x7FFFFFFF, v28;
	v25 =	vand.u32 $0x7FFFFFFF, v25;
	v26 =	vadd.f32 v58, v26  }
0x20b: {  	v62 =	vmul.f32 v59, v15;
	v32 =	vmul.f32 v57, v15;
	v25 =	vadd.f32 v25, v28  }
0x20c: {  	v27 =	vadd.f32 v29, v27;
	v28 =	vsub.f32 v19, v60;
	v26 =	vand.u32 $0x7FFFFFFF, v26  }
0x20d: {  	v35 =	vmul.f32 v59, v11;
	v36 =	vmul.f32 v61, v12;
	v25 =	vadd.f32 v26, v25  }
0x20e: {  	v33 =	vadd.f32 v32, v23;
	v27 =	vand.u32 $0x7FFFFFFF, v27;
	v26 =	vadd.f32 v62, v28  }
0x20f: {  	v38 =	vmul.f32 v63, v16;
	v30 =	vmul.f32 v61, v16;
	v25 =	vadd.f32 v25, v27  }
0x210: {  	v37 =	vsub.f32 v20, v36;
	v27 =	vadd.f32 v35, v33;
	v26 =	vand.u32 $0x7FFFFFFF, v26  }
0x211: {  	v40 =	vmul.f32 v63, v12;
	v25 =	vadd.f32 v26, v25  }
0x212: {  	v39 =	vadd.f32 v30, v24;
	v26 =	vand.u32 $0x7FFFFFFF, v27;
	v27 =	vadd.f32 v38, v37  }
0x213: {  	v25 =	vadd.f32 v25, v26  }
0x214: {  	v26 =	vadd.f32 v40, v39;
	v27 =	vand.u32 $0x7FFFFFFF, v27  }
0x215: {  	v25 =	vadd.f32 v27, v25  }
0x216: {  	v26 =	vand.u32 $0x7FFFFFFF, v26  }
0x217: {  	v25 =	vadd.f32 v25, v26;
	_ =	sdelay $0x1  }
0x218: {  	(xrf2) =	vadd.scan.msk.f32 $0xffff, v25;
	_ =	sdelay $0x1  }
0x219: {  	s13 =	sadd.s32 $0x89, s10  }
0x21a: {  	v25 =	vmov s13  }
0x21b: {  	v25 =	vshrl.u32 v25, $0x3  }
0x21c: {  	v25 =	vshll.u32 v25, v0  }
0x21d: {  	v25 =	vadd.s32 v25, v2  }
0x21e: {  	v25 =	vbroadcast v25, $0x0;
	_ =	sdelay $0x2  }
0x21f: {  	v26, _, _ =	vpop (xrf2)  }
0x220: {  	v26 =	vbroadcast v26, $0xF;
	_ =	sdelay $0x1  }
0x221: {  	[tilespmem:v25+s23+$0x0] =	vst.idx.msk $0x1, v26  }
0x222: {  	v25 =	vld [tilespmem:s12+$0xFFFFFE90];
	_ =	sdelay $0x1  }
0x223: {  	v26 =	vld [tilespmem:s11+$0xFFFFFE90]  }
0x224: {  	v27 =	vld [tilespmem:s12+$0xFFFFFEA0];
	_ =	sdelay $0x1  }
0x225: {  	v42 =	vld [tilespmem:s11+$0xFFFFFEA0];
	v41 =	vmul.f32 v25, v9  }
0x226: {  	v45 =	vld [tilespmem:s12+$0xFFFFFEB0];
	v25 =	vmul.f32 v25, v13  }
0x227: {  	v43 =	vmul.f32 v26, v13;
	v28 =	vsub.f32 v17, v41  }
0x228: {  	v47 =	vld [tilespmem:s11+$0xFFFFFEB0];
	v26 =	vmul.f32 v26, v9;
	v44 =	vmul.f32 v27, v10;
	v25 =	vadd.f32 v25, v21  }
0x229: {  	v27 =	vmul.f32 v27, v14;
	v28 =	vadd.f32 v43, v28  }
0x22a: {  	v49 =	vld [tilespmem:s12+$0xFFFFFEC0];
	v46 =	vmul.f32 v42, v14;
	v25 =	vadd.f32 v26, v25;
	v26 =	vsub.f32 v18, v44  }
0x22b: {  	v48 =	vmul.f32 v45, v11;
	v29 =	vmul.f32 v42, v10;
	v27 =	vadd.f32 v27, v22  }
0x22c: {  	v51 =	vld [tilespmem:s11+$0xFFFFFEC0];
	v28 =	vand.u32 $0x7FFFFFFF, v28;
	v25 =	vand.u32 $0x7FFFFFFF, v25;
	v26 =	vadd.f32 v46, v26  }
0x22d: {  	v50 =	vmul.f32 v47, v15;
	v32 =	vmul.f32 v45, v15;
	v25 =	vadd.f32 v25, v28  }
0x22e: {  	v27 =	vadd.f32 v29, v27;
	v28 =	vsub.f32 v19, v48;
	v26 =	vand.u32 $0x7FFFFFFF, v26  }
0x22f: {  	v53 =	vmul.f32 v47, v11;
	v54 =	vmul.f32 v49, v12;
	v25 =	vadd.f32 v26, v25  }
0x230: {  	v52 =	vadd.f32 v32, v23;
	v27 =	vand.u32 $0x7FFFFFFF, v27;
	v26 =	vadd.f32 v50, v28  }
0x231: {  	v56 =	vmul.f32 v51, v16;
	v30 =	vmul.f32 v49, v16;
	v25 =	vadd.f32 v25, v27  }
0x232: {  	v55 =	vsub.f32 v20, v54;
	v27 =	vadd.f32 v53, v52;
	v26 =	vand.u32 $0x7FFFFFFF, v26  }
0x233: {  	v58 =	vmul.f32 v51, v12;
	v25 =	vadd.f32 v26, v25  }
0x234: {  	v57 =	vadd.f32 v30, v24;
	v26 =	vand.u32 $0x7FFFFFFF, v27;
	v27 =	vadd.f32 v56, v55  }
0x235: {  	v25 =	vadd.f32 v25, v26  }
0x236: {  	v26 =	vadd.f32 v58, v57;
	v27 =	vand.u32 $0x7FFFFFFF, v27  }
0x237: {  	v25 =	vadd.f32 v27, v25  }
0x238: {  	v26 =	vand.u32 $0x7FFFFFFF, v26  }
0x239: {  	v25 =	vadd.f32 v25, v26;
	_ =	sdelay $0x1  }
0x23a: {  	(xrf2) =	vadd.scan.msk.f32 $0xffff, v25;
	_ =	sdelay $0x1  }
0x23b: {  	s13 =	sadd.s32 $0x8A, s10  }
0x23c: {  	v25 =	vmov s13  }
0x23d: {  	v25 =	vshrl.u32 v25, $0x3  }
0x23e: {  	v25 =	vshll.u32 v25, v0  }
0x23f: {  	v25 =	vadd.s32 v25, v3  }
0x240: {  	v25 =	vbroadcast v25, $0x0;
	_ =	sdelay $0x2  }
0x241: {  	v26, _, _ =	vpop (xrf2)  }
0x242: {  	v26 =	vbroadcast v26, $0xF;
	_ =	sdelay $0x1  }
0x243: {  	[tilespmem:v25+s23+$0x0] =	vst.idx.msk $0x1, v26  }
0x244: {  	v25 =	vld [tilespmem:s12+$0xFFFFFED0];
	_ =	sdelay $0x1  }
0x245: {  	v26 =	vld [tilespmem:s11+$0xFFFFFED0]  }
0x246: {  	v27 =	vld [tilespmem:s12+$0xFFFFFEE0];
	_ =	sdelay $0x1  }
0x247: {  	v60 =	vld [tilespmem:s11+$0xFFFFFEE0];
	v59 =	vmul.f32 v25, v9  }
0x248: {  	v63 =	vld [tilespmem:s12+$0xFFFFFEF0];
	v25 =	vmul.f32 v25, v13  }
0x249: {  	v61 =	vmul.f32 v26, v13;
	v28 =	vsub.f32 v17, v59  }
0x24a: {  	v37 =	vld [tilespmem:s11+$0xFFFFFEF0];
	v26 =	vmul.f32 v26, v9;
	v62 =	vmul.f32 v27, v10;
	v25 =	vadd.f32 v25, v21  }
0x24b: {  	v27 =	vmul.f32 v27, v14;
	v28 =	vadd.f32 v61, v28  }
0x24c: {  	v39 =	vld [tilespmem:s12+$0xFFFFFF00];
	v36 =	vmul.f32 v60, v14;
	v25 =	vadd.f32 v26, v25;
	v26 =	vsub.f32 v18, v62  }
0x24d: {  	v38 =	vmul.f32 v63, v11;
	v29 =	vmul.f32 v60, v10;
	v27 =	vadd.f32 v27, v22  }
0x24e: {  	v41 =	vld [tilespmem:s11+$0xFFFFFF00];
	v28 =	vand.u32 $0x7FFFFFFF, v28;
	v25 =	vand.u32 $0x7FFFFFFF, v25;
	v26 =	vadd.f32 v36, v26  }
0x24f: {  	v40 =	vmul.f32 v37, v15;
	v32 =	vmul.f32 v63, v15;
	v25 =	vadd.f32 v25, v28  }
0x250: {  	v27 =	vadd.f32 v29, v27;
	v28 =	vsub.f32 v19, v38;
	v26 =	vand.u32 $0x7FFFFFFF, v26  }
0x251: {  	v43 =	vmul.f32 v37, v11;
	v44 =	vmul.f32 v39, v12;
	v25 =	vadd.f32 v26, v25  }
0x252: {  	v42 =	vadd.f32 v32, v23;
	v27 =	vand.u32 $0x7FFFFFFF, v27;
	v26 =	vadd.f32 v40, v28  }
0x253: {  	v46 =	vmul.f32 v41, v16;
	v30 =	vmul.f32 v39, v16;
	v25 =	vadd.f32 v25, v27  }
0x254: {  	v45 =	vsub.f32 v20, v44;
	v27 =	vadd.f32 v43, v42;
	v26 =	vand.u32 $0x7FFFFFFF, v26  }
0x255: {  	v48 =	vmul.f32 v41, v12;
	v25 =	vadd.f32 v26, v25  }
0x256: {  	v47 =	vadd.f32 v30, v24;
	v26 =	vand.u32 $0x7FFFFFFF, v27;
	v27 =	vadd.f32 v46, v45  }
0x257: {  	v25 =	vadd.f32 v25, v26  }
0x258: {  	v26 =	vadd.f32 v48, v47;
	v27 =	vand.u32 $0x7FFFFFFF, v27  }
0x259: {  	v25 =	vadd.f32 v27, v25  }
0x25a: {  	v26 =	vand.u32 $0x7FFFFFFF, v26  }
0x25b: {  	v25 =	vadd.f32 v25, v26;
	_ =	sdelay $0x1  }
0x25c: {  	(xrf2) =	vadd.scan.msk.f32 $0xffff, v25;
	_ =	sdelay $0x1  }
0x25d: {  	s13 =	sadd.s32 $0x8B, s10  }
0x25e: {  	v25 =	vmov s13  }
0x25f: {  	v25 =	vshrl.u32 v25, $0x3  }
0x260: {  	v25 =	vshll.u32 v25, v0  }
0x261: {  	v25 =	vadd.s32 v25, v4  }
0x262: {  	v25 =	vbroadcast v25, $0x0;
	_ =	sdelay $0x2  }
0x263: {  	v26, _, _ =	vpop (xrf2)  }
0x264: {  	v26 =	vbroadcast v26, $0xF;
	_ =	sdelay $0x1  }
0x265: {  	[tilespmem:v25+s23+$0x0] =	vst.idx.msk $0x1, v26  }
0x266: {  	v25 =	vld [tilespmem:s12+$0xFFFFFF10];
	_ =	sdelay $0x1  }
0x267: {  	v26 =	vld [tilespmem:s11+$0xFFFFFF10]  }
0x268: {  	v27 =	vld [tilespmem:s12+$0xFFFFFF20];
	_ =	sdelay $0x1  }
0x269: {  	v50 =	vld [tilespmem:s11+$0xFFFFFF20];
	v49 =	vmul.f32 v25, v9  }
0x26a: {  	v53 =	vld [tilespmem:s12+$0xFFFFFF30];
	v25 =	vmul.f32 v25, v13  }
0x26b: {  	v51 =	vmul.f32 v26, v13;
	v28 =	vsub.f32 v17, v49  }
0x26c: {  	v55 =	vld [tilespmem:s11+$0xFFFFFF30];
	v26 =	vmul.f32 v26, v9;
	v52 =	vmul.f32 v27, v10;
	v25 =	vadd.f32 v25, v21  }
0x26d: {  	v27 =	vmul.f32 v27, v14;
	v28 =	vadd.f32 v51, v28  }
0x26e: {  	v57 =	vld [tilespmem:s12+$0xFFFFFF40];
	v54 =	vmul.f32 v50, v14;
	v25 =	vadd.f32 v26, v25;
	v26 =	vsub.f32 v18, v52  }
0x26f: {  	v56 =	vmul.f32 v53, v11;
	v29 =	vmul.f32 v50, v10;
	v27 =	vadd.f32 v27, v22  }
0x270: {  	v59 =	vld [tilespmem:s11+$0xFFFFFF40];
	v28 =	vand.u32 $0x7FFFFFFF, v28;
	v25 =	vand.u32 $0x7FFFFFFF, v25;
	v26 =	vadd.f32 v54, v26  }
0x271: {  	v58 =	vmul.f32 v55, v15;
	v32 =	vmul.f32 v53, v15;
	v25 =	vadd.f32 v25, v28  }
0x272: {  	v27 =	vadd.f32 v29, v27;
	v28 =	vsub.f32 v19, v56;
	v26 =	vand.u32 $0x7FFFFFFF, v26  }
0x273: {  	v61 =	vmul.f32 v55, v11;
	v62 =	vmul.f32 v57, v12;
	v25 =	vadd.f32 v26, v25  }
0x274: {  	v60 =	vadd.f32 v32, v23;
	v27 =	vand.u32 $0x7FFFFFFF, v27;
	v26 =	vadd.f32 v58, v28  }
0x275: {  	v33 =	vmul.f32 v59, v16;
	v30 =	vmul.f32 v57, v16;
	v25 =	vadd.f32 v25, v27  }
0x276: {  	v63 =	vsub.f32 v20, v62;
	v27 =	vadd.f32 v61, v60;
	v26 =	vand.u32 $0x7FFFFFFF, v26  }
0x277: {  	v36 =	vmul.f32 v59, v12;
	v25 =	vadd.f32 v26, v25  }
0x278: {  	v35 =	vadd.f32 v30, v24;
	v26 =	vand.u32 $0x7FFFFFFF, v27;
	v27 =	vadd.f32 v33, v63  }
0x279: {  	v25 =	vadd.f32 v25, v26  }
0x27a: {  	v26 =	vadd.f32 v36, v35;
	v27 =	vand.u32 $0x7FFFFFFF, v27  }
0x27b: {  	v25 =	vadd.f32 v27, v25  }
0x27c: {  	v26 =	vand.u32 $0x7FFFFFFF, v26  }
0x27d: {  	v25 =	vadd.f32 v25, v26;
	_ =	sdelay $0x1  }
0x27e: {  	(xrf2) =	vadd.scan.msk.f32 $0xffff, v25;
	_ =	sdelay $0x1  }
0x27f: {  	s13 =	sadd.s32 $0x8C, s10  }
0x280: {  	v25 =	vmov s13  }
0x281: {  	v25 =	vshrl.u32 v25, $0x3  }
0x282: {  	v25 =	vshll.u32 v25, v0  }
0x283: {  	v25 =	vadd.s32 v25, v5  }
0x284: {  	v25 =	vbroadcast v25, $0x0;
	_ =	sdelay $0x2  }
0x285: {  	v26, _, _ =	vpop (xrf2)  }
0x286: {  	v26 =	vbroadcast v26, $0xF;
	_ =	sdelay $0x1  }
0x287: {  	[tilespmem:v25+s23+$0x0] =	vst.idx.msk $0x1, v26  }
0x288: {  	v25 =	vld [tilespmem:s12+$0xFFFFFF50];
	_ =	sdelay $0x1  }
0x289: {  	v26 =	vld [tilespmem:s11+$0xFFFFFF50]  }
0x28a: {  	v27 =	vld [tilespmem:s12+$0xFFFFFF60];
	_ =	sdelay $0x1  }
0x28b: {  	v38 =	vld [tilespmem:s11+$0xFFFFFF60];
	v37 =	vmul.f32 v25, v9  }
0x28c: {  	v41 =	vld [tilespmem:s12+$0xFFFFFF70];
	v25 =	vmul.f32 v25, v13  }
0x28d: {  	v39 =	vmul.f32 v26, v13;
	v28 =	vsub.f32 v17, v37  }
0x28e: {  	v43 =	vld [tilespmem:s11+$0xFFFFFF70];
	v26 =	vmul.f32 v26, v9;
	v40 =	vmul.f32 v27, v10;
	v25 =	vadd.f32 v25, v21  }
0x28f: {  	v27 =	vmul.f32 v27, v14;
	v28 =	vadd.f32 v39, v28  }
0x290: {  	v45 =	vld [tilespmem:s12+$0xFFFFFF80];
	v42 =	vmul.f32 v38, v14;
	v25 =	vadd.f32 v26, v25;
	v26 =	vsub.f32 v18, v40  }
0x291: {  	v44 =	vmul.f32 v41, v11;
	v29 =	vmul.f32 v38, v10;
	v27 =	vadd.f32 v27, v22  }
0x292: {  	v47 =	vld [tilespmem:s11+$0xFFFFFF80];
	v28 =	vand.u32 $0x7FFFFFFF, v28;
	v25 =	vand.u32 $0x7FFFFFFF, v25;
	v26 =	vadd.f32 v42, v26  }
0x293: {  	v46 =	vmul.f32 v43, v15;
	v32 =	vmul.f32 v41, v15;
	v25 =	vadd.f32 v25, v28  }
0x294: {  	v27 =	vadd.f32 v29, v27;
	v28 =	vsub.f32 v19, v44;
	v26 =	vand.u32 $0x7FFFFFFF, v26  }
0x295: {  	v49 =	vmul.f32 v43, v11;
	v50 =	vmul.f32 v45, v12;
	v25 =	vadd.f32 v26, v25  }
0x296: {  	v48 =	vadd.f32 v32, v23;
	v27 =	vand.u32 $0x7FFFFFFF, v27;
	v26 =	vadd.f32 v46, v28  }
0x297: {  	v52 =	vmul.f32 v47, v16;
	v30 =	vmul.f32 v45, v16;
	v25 =	vadd.f32 v25, v27  }
0x298: {  	v51 =	vsub.f32 v20, v50;
	v27 =	vadd.f32 v49, v48;
	v26 =	vand.u32 $0x7FFFFFFF, v26  }
0x299: {  	v54 =	vmul.f32 v47, v12;
	v25 =	vadd.f32 v26, v25  }
0x29a: {  	v53 =	vadd.f32 v30, v24;
	v26 =	vand.u32 $0x7FFFFFFF, v27;
	v27 =	vadd.f32 v52, v51  }
0x29b: {  	v25 =	vadd.f32 v25, v26  }
0x29c: {  	v26 =	vadd.f32 v54, v53;
	v27 =	vand.u32 $0x7FFFFFFF, v27  }
0x29d: {  	v25 =	vadd.f32 v27, v25  }
0x29e: {  	v26 =	vand.u32 $0x7FFFFFFF, v26  }
0x29f: {  	v25 =	vadd.f32 v25, v26;
	_ =	sdelay $0x1  }
0x2a0: {  	(xrf2) =	vadd.scan.msk.f32 $0xffff, v25;
	_ =	sdelay $0x1  }
0x2a1: {  	s13 =	sadd.s32 $0x8D, s10  }
0x2a2: {  	v25 =	vmov s13  }
0x2a3: {  	v25 =	vshrl.u32 v25, $0x3  }
0x2a4: {  	v25 =	vshll.u32 v25, v0  }
0x2a5: {  	v25 =	vadd.s32 v25, v6  }
0x2a6: {  	v25 =	vbroadcast v25, $0x0;
	_ =	sdelay $0x2  }
0x2a7: {  	v26, _, _ =	vpop (xrf2)  }
0x2a8: {  	v26 =	vbroadcast v26, $0xF;
	_ =	sdelay $0x1  }
0x2a9: {  	[tilespmem:v25+s23+$0x0] =	vst.idx.msk $0x1, v26  }
0x2aa: {  	v25 =	vld [tilespmem:s12+$0xFFFFFF90];
	_ =	sdelay $0x1  }
0x2ab: {  	v26 =	vld [tilespmem:s11+$0xFFFFFF90]  }
0x2ac: {  	v27 =	vld [tilespmem:s12+$0xFFFFFFA0];
	_ =	sdelay $0x1  }
0x2ad: {  	v56 =	vld [tilespmem:s11+$0xFFFFFFA0];
	v55 =	vmul.f32 v25, v9  }
0x2ae: {  	v59 =	vld [tilespmem:s12+$0xFFFFFFB0];
	v25 =	vmul.f32 v25, v13  }
0x2af: {  	v57 =	vmul.f32 v26, v13;
	v28 =	vsub.f32 v17, v55  }
0x2b0: {  	v61 =	vld [tilespmem:s11+$0xFFFFFFB0];
	v26 =	vmul.f32 v26, v9;
	v58 =	vmul.f32 v27, v10;
	v25 =	vadd.f32 v25, v21  }
0x2b1: {  	v27 =	vmul.f32 v27, v14;
	v28 =	vadd.f32 v57, v28  }
0x2b2: {  	v63 =	vld [tilespmem:s12+$0xFFFFFFC0];
	v60 =	vmul.f32 v56, v14;
	v25 =	vadd.f32 v26, v25;
	v26 =	vsub.f32 v18, v58  }
0x2b3: {  	v62 =	vmul.f32 v59, v11;
	v29 =	vmul.f32 v56, v10;
	v27 =	vadd.f32 v27, v22  }
0x2b4: {  	v37 =	vld [tilespmem:s11+$0xFFFFFFC0];
	v28 =	vand.u32 $0x7FFFFFFF, v28;
	v25 =	vand.u32 $0x7FFFFFFF, v25;
	v26 =	vadd.f32 v60, v26  }
0x2b5: {  	v36 =	vmul.f32 v61, v15;
	v32 =	vmul.f32 v59, v15;
	v25 =	vadd.f32 v25, v28  }
0x2b6: {  	v27 =	vadd.f32 v29, v27;
	v28 =	vsub.f32 v19, v62;
	v26 =	vand.u32 $0x7FFFFFFF, v26  }
0x2b7: {  	v39 =	vmul.f32 v61, v11;
	v40 =	vmul.f32 v63, v12;
	v25 =	vadd.f32 v26, v25  }
0x2b8: {  	v38 =	vadd.f32 v32, v23;
	v27 =	vand.u32 $0x7FFFFFFF, v27;
	v26 =	vadd.f32 v36, v28  }
0x2b9: {  	v42 =	vmul.f32 v37, v16;
	v30 =	vmul.f32 v63, v16;
	v25 =	vadd.f32 v25, v27  }
0x2ba: {  	v41 =	vsub.f32 v20, v40;
	v27 =	vadd.f32 v39, v38;
	v26 =	vand.u32 $0x7FFFFFFF, v26  }
0x2bb: {  	v44 =	vmul.f32 v37, v12;
	v25 =	vadd.f32 v26, v25  }
0x2bc: {  	v43 =	vadd.f32 v30, v24;
	v26 =	vand.u32 $0x7FFFFFFF, v27;
	v27 =	vadd.f32 v42, v41  }
0x2bd: {  	v25 =	vadd.f32 v25, v26  }
0x2be: {  	v26 =	vadd.f32 v44, v43;
	v27 =	vand.u32 $0x7FFFFFFF, v27  }
0x2bf: {  	v25 =	vadd.f32 v27, v25  }
0x2c0: {  	v26 =	vand.u32 $0x7FFFFFFF, v26  }
0x2c1: {  	v25 =	vadd.f32 v25, v26;
	_ =	sdelay $0x1  }
0x2c2: {  	(xrf2) =	vadd.scan.msk.f32 $0xffff, v25;
	_ =	sdelay $0x1  }
0x2c3: {  	s13 =	sadd.s32 $0x8E, s10  }
0x2c4: {  	v25 =	vmov s13  }
0x2c5: {  	v25 =	vshrl.u32 v25, $0x3  }
0x2c6: {  	v25 =	vshll.u32 v25, v0  }
0x2c7: {  	v25 =	vadd.s32 v25, v7  }
0x2c8: {  	v25 =	vbroadcast v25, $0x0;
	_ =	sdelay $0x2  }
0x2c9: {  	v26, _, _ =	vpop (xrf2)  }
0x2ca: {  	v26 =	vbroadcast v26, $0xF;
	_ =	sdelay $0x1  }
0x2cb: {  	[tilespmem:v25+s23+$0x0] =	vst.idx.msk $0x1, v26  }
0x2cc: {  	v25 =	vld [tilespmem:s12+$0xFFFFFFD0];
	_ =	sdelay $0x1  }
0x2cd: {  	v26 =	vld [tilespmem:s11+$0xFFFFFFD0]  }
0x2ce: {  	v27 =	vld [tilespmem:s12+$0xFFFFFFE0];
	_ =	sdelay $0x1  }
0x2cf: {  	v46 =	vld [tilespmem:s11+$0xFFFFFFE0];
	v45 =	vmul.f32 v25, v9  }
0x2d0: {  	v47 =	vld [tilespmem:s12+$0xFFFFFFF0];
	v25 =	vmul.f32 v25, v13  }
0x2d1: {  	v48 =	vmul.f32 v26, v13;
	v28 =	vsub.f32 v17, v45  }
0x2d2: {  	v50 =	vld [tilespmem:s11+$0xFFFFFFF0];
	v26 =	vmul.f32 v26, v9;
	v49 =	vmul.f32 v27, v10;
	v25 =	vadd.f32 v25, v21  }
0x2d3: {  	v27 =	vmul.f32 v27, v14;
	v28 =	vadd.f32 v48, v28  }
0x2d4: {  	v52 =	vld [tilespmem:s12+$0x0];
	v51 =	vmul.f32 v46, v14;
	v25 =	vadd.f32 v26, v25;
	v26 =	vsub.f32 v18, v49  }
0x2d5: {  	v53 =	vmul.f32 v47, v11;
	v29 =	vmul.f32 v46, v10;
	v27 =	vadd.f32 v27, v22  }
0x2d6: {  	v54 =	vld [tilespmem:s11+$0x0];
	v28 =	vand.u32 $0x7FFFFFFF, v28;
	v25 =	vand.u32 $0x7FFFFFFF, v25;
	v26 =	vadd.f32 v51, v26  }
0x2d7: {  	v56 =	vmul.f32 v50, v15;
	v57 =	vmul.f32 v47, v15;
	v25 =	vadd.f32 v25, v28  }
0x2d8: {  	v55 =	vsub.f32 v19, v53;
	v27 =	vadd.f32 v29, v27;
	v26 =	vand.u32 $0x7FFFFFFF, v26  }
0x2d9: {  	v58 =	vmul.f32 v52, v12;
	v59 =	vmul.f32 v50, v11;
	v25 =	vadd.f32 v26, v25  }
0x2da: {  	v29 =	vadd.f32 v57, v23;
	v27 =	vand.u32 $0x7FFFFFFF, v27;
	v26 =	vadd.f32 v56, v55  }
0x2db: {  	v60 =	vmul.f32 v54, v16;
	v61 =	vmul.f32 v52, v16;
	v25 =	vadd.f32 v25, v27  }
0x2dc: {  	v29 =	vadd.f32 v59, v29;
	v27 =	vsub.f32 v20, v58;
	v26 =	vand.u32 $0x7FFFFFFF, v26  }
0x2dd: {  	v63 =	vmul.f32 v54, v12;
	v25 =	vadd.f32 v26, v25  }
0x2de: {  	v62 =	vadd.f32 v61, v24;
	v26 =	vadd.f32 v60, v27;
	v27 =	vand.u32 $0x7FFFFFFF, v29  }
0x2df: {  	v25 =	vadd.f32 v25, v27  }
0x2e0: {  	v27 =	vadd.f32 v63, v62;
	v26 =	vand.u32 $0x7FFFFFFF, v26  }
0x2e1: {  	v25 =	vadd.f32 v26, v25  }
0x2e2: {  	v26 =	vand.u32 $0x7FFFFFFF, v27  }
0x2e3: {  	v25 =	vadd.f32 v25, v26;
	_ =	sdelay $0x1  }
0x2e4: {  	(xrf2) =	vadd.scan.msk.f32 $0xffff, v25;
	_ =	sdelay $0x1  }
0x2e5: {  	s13 =	sadd.s32 $0x8F, s10  }
0x2e6: {  	v25 =	vmov s13  }
0x2e7: {  	v25 =	vshrl.u32 v25, $0x3  }
0x2e8: {  	v25 =	vshll.u32 v25, v0  }
0x2e9: {  	v25 =	vadd.s32 v25, v8  }
0x2ea: {  	s10 =	sadd.s32 $0x8, s10;
	v25 =	vbroadcast v25, $0x0  }
0x2eb: {  	p1 =	slt.u32 s10, $0x78  }
.Ltmp2:
0x2ec: {  	_ = 	snop;
	(pc) =	sbr.rel @p1 .LBB2_7-.Ltmp2, $3  }
0x2ed: {  	v26, _, _ =	vpop (xrf2)  }
0x2ee: {  	v26 =	vbroadcast v26, $0xF;
	_ =	sdelay $0x1  }
0x2ef: {  	s11 =	sadd.s32 $0x200, s11;
	s12 =	sadd.s32 $0x200, s12;
	[tilespmem:v25+s23+$0x0] =	vst.idx.msk $0x1, v26  }
0x2f0: {  	s10 =	sadd.s32 @!p0 $0x280, s6;
	s11 =	simm.s32 @!p0 $0x80;
	s12 =	simm.s32 @!p0 $0x6000  }
0x2f1: {  	[tilespmem:s12], [sflag:$0x3] =	stream.indirect.gather @!p0 [hbm4b:s3+s11], $0x40, s10, s11, $0xb8;
	[tilespmem:$0x1C040] =	vst v63  }
0x2f2: {  	s12 =	simm.s32 @!p0 $0xE000  }
0x2f3: {  	[tilespmem:s12], [sflag:$0x4] =	stream.indirect.gather @!p0 [hbm4b:s4+s11], $0x40, s10, s11, $0xb8;
	[tilespmem:$0x1C040] =	vst v63  }
0x2f4: {  	_ =	swait.ge [sflag:s28], $0x2000  }
0x2f5: {  	[sflag:s28] =	ssyncset.done $0x0  }
0x2f6: {  	[sflag:s28] =	ssyncadd.s32 $0xFFFFE000  }
0x2f7: {  	_ =	swait.ge [sflag:s29], $0x2000  }
0x2f8: {  	[sflag:s29] =	ssyncset.done $0x0  }
0x2f9: {  	[sflag:s29] =	ssyncadd.s32 $0xFFFFE000  }
0x2fa: {  	v9 =	vld [tilespmem:s5+$0x16040]  }
0x2fb: {  	v10 =	vld [tilespmem:s7+$0x16040]  }
0x2fc: {  	v11 =	vld [tilespmem:s8+$0x16040]  }
0x2fd: {  	v12 =	vld [tilespmem:s9+$0x16040]  }
0x2fe: {  	v13 =	vld [tilespmem:s5+$0x16840]  }
0x2ff: {  	v14 =	vld [tilespmem:s7+$0x16840]  }
0x300: {  	v15 =	vld [tilespmem:s8+$0x16840]  }
0x301: {  	v16 =	vld [tilespmem:s9+$0x16840]  }
0x302: {  	v17 =	vld [tilespmem:s5+$0x17040]  }
0x303: {  	v18 =	vld [tilespmem:s7+$0x17040]  }
0x304: {  	v19 =	vld [tilespmem:s8+$0x17040]  }
0x305: {  	v20 =	vld [tilespmem:s9+$0x17040]  }
0x306: {  	v21 =	vld [tilespmem:s5+$0x17840]  }
0x307: {  	v22 =	vld [tilespmem:s7+$0x17840]  }
0x308: {  	v23 =	vld [tilespmem:s8+$0x17840]  }
0x309: {  	s10 =	simm.s32 $0xFFFFFFF8;
	s11 =	simm.s32 $0x0;
	v24 =	vld [tilespmem:s9+$0x17840]  }
.LBB2_9:
0x30a: {  	s12 =	sshra.s32 s11, $0x2  }
0x30b: {  	v25 =	vld [tilespmem:s12+$0x8000];
	_ =	sdelay $0x1  }
0x30c: {  	v26 =	vld [tilespmem:s12+$0x10000]  }
0x30d: {  	v27 =	vld [tilespmem:s12+$0x8010];
	_ =	sdelay $0x1  }
0x30e: {  	v29 =	vld [tilespmem:s12+$0x10010];
	v28 =	vmul.f32 v25, v9  }
0x30f: {  	v32 =	vld [tilespmem:s12+$0x8020];
	v25 =	vmul.f32 v25, v13  }
0x310: {  	v30 =	vmul.f32 v26, v13;
	v28 =	vsub.f32 v17, v28  }
0x311: {  	v43 =	vld [tilespmem:s12+$0x10020];
	v26 =	vmul.f32 v26, v9;
	v31 =	vmul.f32 v27, v10;
	v25 =	vadd.f32 v25, v21  }
0x312: {  	v27 =	vmul.f32 v27, v14;
	v28 =	vadd.f32 v30, v28  }
0x313: {  	v45 =	vld [tilespmem:s12+$0x8030];
	v42 =	vmul.f32 v29, v14;
	v25 =	vadd.f32 v26, v25;
	v26 =	vsub.f32 v18, v31  }
0x314: {  	v44 =	vmul.f32 v32, v11;
	v29 =	vmul.f32 v29, v10;
	v27 =	vadd.f32 v27, v22  }
0x315: {  	v34 =	vld [tilespmem:s12+$0x10030];
	v28 =	vand.u32 $0x7FFFFFFF, v28;
	v25 =	vand.u32 $0x7FFFFFFF, v25;
	v26 =	vadd.f32 v42, v26  }
0x316: {  	v33 =	vmul.f32 v43, v15;
	v32 =	vmul.f32 v32, v15;
	v25 =	vadd.f32 v25, v28  }
0x317: {  	v27 =	vadd.f32 v29, v27;
	v28 =	vsub.f32 v19, v44;
	v26 =	vand.u32 $0x7FFFFFFF, v26  }
0x318: {  	v47 =	vmul.f32 v43, v11;
	v48 =	vmul.f32 v45, v12;
	v25 =	vadd.f32 v26, v25  }
0x319: {  	v46 =	vadd.f32 v32, v23;
	v27 =	vand.u32 $0x7FFFFFFF, v27;
	v26 =	vadd.f32 v33, v28  }
0x31a: {  	v50 =	vmul.f32 v34, v16;
	v49 =	vsub.f32 v20, v48;
	v25 =	vadd.f32 v25, v27  }
0x31b: {  	v30 =	vmul.f32 v45, v16;
	v27 =	vadd.f32 v47, v46;
	v26 =	vand.u32 $0x7FFFFFFF, v26  }
0x31c: {  	v52 =	vmul.f32 v34, v12;
	v25 =	vadd.f32 v26, v25  }
0x31d: {  	v51 =	vadd.f32 v30, v24;
	v26 =	vand.u32 $0x7FFFFFFF, v27;
	v27 =	vadd.f32 v50, v49  }
0x31e: {  	v25 =	vadd.f32 v25, v26  }
0x31f: {  	v26 =	vadd.f32 v52, v51;
	v27 =	vand.u32 $0x7FFFFFFF, v27  }
0x320: {  	v25 =	vadd.f32 v27, v25  }
0x321: {  	v26 =	vand.u32 $0x7FFFFFFF, v26  }
0x322: {  	v25 =	vadd.f32 v25, v26;
	_ =	sdelay $0x1  }
0x323: {  	(xrf2) =	vadd.scan.msk.f32 $0xffff, v25;
	_ =	sdelay $0x1  }
0x324: {  	s13 =	sadd.s32 $0x108, s10  }
0x325: {  	v25 =	vmov s13  }
0x326: {  	v25 =	vshrl.u32 v25, $0x3  }
0x327: {  	v25 =	vshll.u32 v25, v0  }
0x328: {  	v25 =	vadd.s32 v1, v25  }
0x329: {  	v25 =	vbroadcast v25, $0x0;
	_ =	sdelay $0x2  }
0x32a: {  	v26, _, _ =	vpop (xrf2)  }
0x32b: {  	v26 =	vbroadcast v26, $0xF;
	_ =	sdelay $0x1  }
0x32c: {  	[tilespmem:v25+s23+$0x0] =	vst.idx.msk $0x1, v26  }
0x32d: {  	v25 =	vld [tilespmem:s12+$0x8040];
	_ =	sdelay $0x1  }
0x32e: {  	v26 =	vld [tilespmem:s12+$0x10040]  }
0x32f: {  	v27 =	vld [tilespmem:s12+$0x8050];
	_ =	sdelay $0x1  }
0x330: {  	v54 =	vld [tilespmem:s12+$0x10050];
	v53 =	vmul.f32 v25, v9  }
0x331: {  	v57 =	vld [tilespmem:s12+$0x8060];
	v25 =	vmul.f32 v25, v13  }
0x332: {  	v55 =	vmul.f32 v26, v13;
	v28 =	vsub.f32 v17, v53  }
0x333: {  	v59 =	vld [tilespmem:s12+$0x10060];
	v26 =	vmul.f32 v26, v9;
	v56 =	vmul.f32 v27, v10;
	v25 =	vadd.f32 v25, v21  }
0x334: {  	v27 =	vmul.f32 v27, v14;
	v28 =	vadd.f32 v55, v28  }
0x335: {  	v61 =	vld [tilespmem:s12+$0x8070];
	v58 =	vmul.f32 v54, v14;
	v25 =	vadd.f32 v26, v25;
	v26 =	vsub.f32 v18, v56  }
0x336: {  	v60 =	vmul.f32 v57, v11;
	v29 =	vmul.f32 v54, v10;
	v27 =	vadd.f32 v27, v22  }
0x337: {  	v63 =	vld [tilespmem:s12+$0x10070];
	v28 =	vand.u32 $0x7FFFFFFF, v28;
	v25 =	vand.u32 $0x7FFFFFFF, v25;
	v26 =	vadd.f32 v58, v26  }
0x338: {  	v62 =	vmul.f32 v59, v15;
	v32 =	vmul.f32 v57, v15;
	v25 =	vadd.f32 v25, v28  }
0x339: {  	v27 =	vadd.f32 v29, v27;
	v28 =	vsub.f32 v19, v60;
	v26 =	vand.u32 $0x7FFFFFFF, v26  }
0x33a: {  	v35 =	vmul.f32 v59, v11;
	v36 =	vmul.f32 v61, v12;
	v25 =	vadd.f32 v26, v25  }
0x33b: {  	v33 =	vadd.f32 v32, v23;
	v27 =	vand.u32 $0x7FFFFFFF, v27;
	v26 =	vadd.f32 v62, v28  }
0x33c: {  	v38 =	vmul.f32 v63, v16;
	v30 =	vmul.f32 v61, v16;
	v25 =	vadd.f32 v25, v27  }
0x33d: {  	v37 =	vsub.f32 v20, v36;
	v27 =	vadd.f32 v35, v33;
	v26 =	vand.u32 $0x7FFFFFFF, v26  }
0x33e: {  	v40 =	vmul.f32 v63, v12;
	v25 =	vadd.f32 v26, v25  }
0x33f: {  	v39 =	vadd.f32 v30, v24;
	v26 =	vand.u32 $0x7FFFFFFF, v27;
	v27 =	vadd.f32 v38, v37  }
0x340: {  	v25 =	vadd.f32 v25, v26  }
0x341: {  	v26 =	vadd.f32 v40, v39;
	v27 =	vand.u32 $0x7FFFFFFF, v27  }
0x342: {  	v25 =	vadd.f32 v27, v25  }
0x343: {  	v26 =	vand.u32 $0x7FFFFFFF, v26  }
0x344: {  	v25 =	vadd.f32 v25, v26;
	_ =	sdelay $0x1  }
0x345: {  	(xrf2) =	vadd.scan.msk.f32 $0xffff, v25;
	_ =	sdelay $0x1  }
0x346: {  	s13 =	sadd.s32 $0x109, s10  }
0x347: {  	v25 =	vmov s13  }
0x348: {  	v25 =	vshrl.u32 v25, $0x3  }
0x349: {  	v25 =	vshll.u32 v25, v0  }
0x34a: {  	v25 =	vadd.s32 v25, v2  }
0x34b: {  	v25 =	vbroadcast v25, $0x0;
	_ =	sdelay $0x2  }
0x34c: {  	v26, _, _ =	vpop (xrf2)  }
0x34d: {  	v26 =	vbroadcast v26, $0xF;
	_ =	sdelay $0x1  }
0x34e: {  	[tilespmem:v25+s23+$0x0] =	vst.idx.msk $0x1, v26  }
0x34f: {  	v25 =	vld [tilespmem:s12+$0x8080];
	_ =	sdelay $0x1  }
0x350: {  	v26 =	vld [tilespmem:s12+$0x10080]  }
0x351: {  	v27 =	vld [tilespmem:s12+$0x8090];
	_ =	sdelay $0x1  }
0x352: {  	v42 =	vld [tilespmem:s12+$0x10090];
	v41 =	vmul.f32 v25, v9  }
0x353: {  	v45 =	vld [tilespmem:s12+$0x80A0];
	v25 =	vmul.f32 v25, v13  }
0x354: {  	v43 =	vmul.f32 v26, v13;
	v28 =	vsub.f32 v17, v41  }
0x355: {  	v47 =	vld [tilespmem:s12+$0x100A0];
	v26 =	vmul.f32 v26, v9;
	v44 =	vmul.f32 v27, v10;
	v25 =	vadd.f32 v25, v21  }
0x356: {  	v27 =	vmul.f32 v27, v14;
	v28 =	vadd.f32 v43, v28  }
0x357: {  	v49 =	vld [tilespmem:s12+$0x80B0];
	v46 =	vmul.f32 v42, v14;
	v25 =	vadd.f32 v26, v25;
	v26 =	vsub.f32 v18, v44  }
0x358: {  	v48 =	vmul.f32 v45, v11;
	v29 =	vmul.f32 v42, v10;
	v27 =	vadd.f32 v27, v22  }
0x359: {  	v51 =	vld [tilespmem:s12+$0x100B0];
	v28 =	vand.u32 $0x7FFFFFFF, v28;
	v25 =	vand.u32 $0x7FFFFFFF, v25;
	v26 =	vadd.f32 v46, v26  }
0x35a: {  	v50 =	vmul.f32 v47, v15;
	v32 =	vmul.f32 v45, v15;
	v25 =	vadd.f32 v25, v28  }
0x35b: {  	v27 =	vadd.f32 v29, v27;
	v28 =	vsub.f32 v19, v48;
	v26 =	vand.u32 $0x7FFFFFFF, v26  }
0x35c: {  	v53 =	vmul.f32 v47, v11;
	v54 =	vmul.f32 v49, v12;
	v25 =	vadd.f32 v26, v25  }
0x35d: {  	v52 =	vadd.f32 v32, v23;
	v27 =	vand.u32 $0x7FFFFFFF, v27;
	v26 =	vadd.f32 v50, v28  }
0x35e: {  	v56 =	vmul.f32 v51, v16;
	v30 =	vmul.f32 v49, v16;
	v25 =	vadd.f32 v25, v27  }
0x35f: {  	v55 =	vsub.f32 v20, v54;
	v27 =	vadd.f32 v53, v52;
	v26 =	vand.u32 $0x7FFFFFFF, v26  }
0x360: {  	v58 =	vmul.f32 v51, v12;
	v25 =	vadd.f32 v26, v25  }
0x361: {  	v57 =	vadd.f32 v30, v24;
	v26 =	vand.u32 $0x7FFFFFFF, v27;
	v27 =	vadd.f32 v56, v55  }
0x362: {  	v25 =	vadd.f32 v25, v26  }
0x363: {  	v26 =	vadd.f32 v58, v57;
	v27 =	vand.u32 $0x7FFFFFFF, v27  }
0x364: {  	v25 =	vadd.f32 v27, v25  }
0x365: {  	v26 =	vand.u32 $0x7FFFFFFF, v26  }
0x366: {  	v25 =	vadd.f32 v25, v26;
	_ =	sdelay $0x1  }
0x367: {  	(xrf2) =	vadd.scan.msk.f32 $0xffff, v25;
	_ =	sdelay $0x1  }
0x368: {  	s13 =	sadd.s32 $0x10A, s10  }
0x369: {  	v25 =	vmov s13  }
0x36a: {  	v25 =	vshrl.u32 v25, $0x3  }
0x36b: {  	v25 =	vshll.u32 v25, v0  }
0x36c: {  	v25 =	vadd.s32 v25, v3  }
0x36d: {  	v25 =	vbroadcast v25, $0x0;
	_ =	sdelay $0x2  }
0x36e: {  	v26, _, _ =	vpop (xrf2)  }
0x36f: {  	v26 =	vbroadcast v26, $0xF;
	_ =	sdelay $0x1  }
0x370: {  	[tilespmem:v25+s23+$0x0] =	vst.idx.msk $0x1, v26  }
0x371: {  	v25 =	vld [tilespmem:s12+$0x80C0];
	_ =	sdelay $0x1  }
0x372: {  	v26 =	vld [tilespmem:s12+$0x100C0]  }
0x373: {  	v27 =	vld [tilespmem:s12+$0x80D0];
	_ =	sdelay $0x1  }
0x374: {  	v60 =	vld [tilespmem:s12+$0x100D0];
	v59 =	vmul.f32 v25, v9  }
0x375: {  	v63 =	vld [tilespmem:s12+$0x80E0];
	v25 =	vmul.f32 v25, v13  }
0x376: {  	v61 =	vmul.f32 v26, v13;
	v28 =	vsub.f32 v17, v59  }
0x377: {  	v37 =	vld [tilespmem:s12+$0x100E0];
	v26 =	vmul.f32 v26, v9;
	v62 =	vmul.f32 v27, v10;
	v25 =	vadd.f32 v25, v21  }
0x378: {  	v27 =	vmul.f32 v27, v14;
	v28 =	vadd.f32 v61, v28  }
0x379: {  	v39 =	vld [tilespmem:s12+$0x80F0];
	v36 =	vmul.f32 v60, v14;
	v25 =	vadd.f32 v26, v25;
	v26 =	vsub.f32 v18, v62  }
0x37a: {  	v38 =	vmul.f32 v63, v11;
	v29 =	vmul.f32 v60, v10;
	v27 =	vadd.f32 v27, v22  }
0x37b: {  	v41 =	vld [tilespmem:s12+$0x100F0];
	v28 =	vand.u32 $0x7FFFFFFF, v28;
	v25 =	vand.u32 $0x7FFFFFFF, v25;
	v26 =	vadd.f32 v36, v26  }
0x37c: {  	v40 =	vmul.f32 v37, v15;
	v32 =	vmul.f32 v63, v15;
	v25 =	vadd.f32 v25, v28  }
0x37d: {  	v27 =	vadd.f32 v29, v27;
	v28 =	vsub.f32 v19, v38;
	v26 =	vand.u32 $0x7FFFFFFF, v26  }
0x37e: {  	v43 =	vmul.f32 v37, v11;
	v44 =	vmul.f32 v39, v12;
	v25 =	vadd.f32 v26, v25  }
0x37f: {  	v42 =	vadd.f32 v32, v23;
	v27 =	vand.u32 $0x7FFFFFFF, v27;
	v26 =	vadd.f32 v40, v28  }
0x380: {  	v46 =	vmul.f32 v41, v16;
	v30 =	vmul.f32 v39, v16;
	v25 =	vadd.f32 v25, v27  }
0x381: {  	v45 =	vsub.f32 v20, v44;
	v27 =	vadd.f32 v43, v42;
	v26 =	vand.u32 $0x7FFFFFFF, v26  }
0x382: {  	v48 =	vmul.f32 v41, v12;
	v25 =	vadd.f32 v26, v25  }
0x383: {  	v47 =	vadd.f32 v30, v24;
	v26 =	vand.u32 $0x7FFFFFFF, v27;
	v27 =	vadd.f32 v46, v45  }
0x384: {  	v25 =	vadd.f32 v25, v26  }
0x385: {  	v26 =	vadd.f32 v48, v47;
	v27 =	vand.u32 $0x7FFFFFFF, v27  }
0x386: {  	v25 =	vadd.f32 v27, v25  }
0x387: {  	v26 =	vand.u32 $0x7FFFFFFF, v26  }
0x388: {  	v25 =	vadd.f32 v25, v26;
	_ =	sdelay $0x1  }
0x389: {  	(xrf2) =	vadd.scan.msk.f32 $0xffff, v25;
	_ =	sdelay $0x1  }
0x38a: {  	s13 =	sadd.s32 $0x10B, s10  }
0x38b: {  	v25 =	vmov s13  }
0x38c: {  	v25 =	vshrl.u32 v25, $0x3  }
0x38d: {  	v25 =	vshll.u32 v25, v0  }
0x38e: {  	v25 =	vadd.s32 v25, v4  }
0x38f: {  	v25 =	vbroadcast v25, $0x0;
	_ =	sdelay $0x2  }
0x390: {  	v26, _, _ =	vpop (xrf2)  }
0x391: {  	v26 =	vbroadcast v26, $0xF;
	_ =	sdelay $0x1  }
0x392: {  	[tilespmem:v25+s23+$0x0] =	vst.idx.msk $0x1, v26  }
0x393: {  	v25 =	vld [tilespmem:s12+$0x8100];
	_ =	sdelay $0x1  }
0x394: {  	v26 =	vld [tilespmem:s12+$0x10100]  }
0x395: {  	v27 =	vld [tilespmem:s12+$0x8110];
	_ =	sdelay $0x1  }
0x396: {  	v50 =	vld [tilespmem:s12+$0x10110];
	v49 =	vmul.f32 v25, v9  }
0x397: {  	v53 =	vld [tilespmem:s12+$0x8120];
	v25 =	vmul.f32 v25, v13  }
0x398: {  	v51 =	vmul.f32 v26, v13;
	v28 =	vsub.f32 v17, v49  }
0x399: {  	v55 =	vld [tilespmem:s12+$0x10120];
	v26 =	vmul.f32 v26, v9;
	v52 =	vmul.f32 v27, v10;
	v25 =	vadd.f32 v25, v21  }
0x39a: {  	v27 =	vmul.f32 v27, v14;
	v28 =	vadd.f32 v51, v28  }
0x39b: {  	v57 =	vld [tilespmem:s12+$0x8130];
	v54 =	vmul.f32 v50, v14;
	v25 =	vadd.f32 v26, v25;
	v26 =	vsub.f32 v18, v52  }
0x39c: {  	v56 =	vmul.f32 v53, v11;
	v29 =	vmul.f32 v50, v10;
	v27 =	vadd.f32 v27, v22  }
0x39d: {  	v59 =	vld [tilespmem:s12+$0x10130];
	v28 =	vand.u32 $0x7FFFFFFF, v28;
	v25 =	vand.u32 $0x7FFFFFFF, v25;
	v26 =	vadd.f32 v54, v26  }
0x39e: {  	v58 =	vmul.f32 v55, v15;
	v32 =	vmul.f32 v53, v15;
	v25 =	vadd.f32 v25, v28  }
0x39f: {  	v27 =	vadd.f32 v29, v27;
	v28 =	vsub.f32 v19, v56;
	v26 =	vand.u32 $0x7FFFFFFF, v26  }
0x3a0: {  	v61 =	vmul.f32 v55, v11;
	v62 =	vmul.f32 v57, v12;
	v25 =	vadd.f32 v26, v25  }
0x3a1: {  	v60 =	vadd.f32 v32, v23;
	v27 =	vand.u32 $0x7FFFFFFF, v27;
	v26 =	vadd.f32 v58, v28  }
0x3a2: {  	v33 =	vmul.f32 v59, v16;
	v30 =	vmul.f32 v57, v16;
	v25 =	vadd.f32 v25, v27  }
0x3a3: {  	v63 =	vsub.f32 v20, v62;
	v27 =	vadd.f32 v61, v60;
	v26 =	vand.u32 $0x7FFFFFFF, v26  }
0x3a4: {  	v36 =	vmul.f32 v59, v12;
	v25 =	vadd.f32 v26, v25  }
0x3a5: {  	v35 =	vadd.f32 v30, v24;
	v26 =	vand.u32 $0x7FFFFFFF, v27;
	v27 =	vadd.f32 v33, v63  }
0x3a6: {  	v25 =	vadd.f32 v25, v26  }
0x3a7: {  	v26 =	vadd.f32 v36, v35;
	v27 =	vand.u32 $0x7FFFFFFF, v27  }
0x3a8: {  	v25 =	vadd.f32 v27, v25  }
0x3a9: {  	v26 =	vand.u32 $0x7FFFFFFF, v26  }
0x3aa: {  	v25 =	vadd.f32 v25, v26;
	_ =	sdelay $0x1  }
0x3ab: {  	(xrf2) =	vadd.scan.msk.f32 $0xffff, v25;
	_ =	sdelay $0x1  }
0x3ac: {  	s13 =	sadd.s32 $0x10C, s10  }
0x3ad: {  	v25 =	vmov s13  }
0x3ae: {  	v25 =	vshrl.u32 v25, $0x3  }
0x3af: {  	v25 =	vshll.u32 v25, v0  }
0x3b0: {  	v25 =	vadd.s32 v25, v5  }
0x3b1: {  	v25 =	vbroadcast v25, $0x0;
	_ =	sdelay $0x2  }
0x3b2: {  	v26, _, _ =	vpop (xrf2)  }
0x3b3: {  	v26 =	vbroadcast v26, $0xF;
	_ =	sdelay $0x1  }
0x3b4: {  	[tilespmem:v25+s23+$0x0] =	vst.idx.msk $0x1, v26  }
0x3b5: {  	v25 =	vld [tilespmem:s12+$0x8140];
	_ =	sdelay $0x1  }
0x3b6: {  	v26 =	vld [tilespmem:s12+$0x10140]  }
0x3b7: {  	v27 =	vld [tilespmem:s12+$0x8150];
	_ =	sdelay $0x1  }
0x3b8: {  	v38 =	vld [tilespmem:s12+$0x10150];
	v37 =	vmul.f32 v25, v9  }
0x3b9: {  	v41 =	vld [tilespmem:s12+$0x8160];
	v25 =	vmul.f32 v25, v13  }
0x3ba: {  	v39 =	vmul.f32 v26, v13;
	v28 =	vsub.f32 v17, v37  }
0x3bb: {  	v43 =	vld [tilespmem:s12+$0x10160];
	v26 =	vmul.f32 v26, v9;
	v40 =	vmul.f32 v27, v10;
	v25 =	vadd.f32 v25, v21  }
0x3bc: {  	v27 =	vmul.f32 v27, v14;
	v28 =	vadd.f32 v39, v28  }
0x3bd: {  	v45 =	vld [tilespmem:s12+$0x8170];
	v42 =	vmul.f32 v38, v14;
	v25 =	vadd.f32 v26, v25;
	v26 =	vsub.f32 v18, v40  }
0x3be: {  	v44 =	vmul.f32 v41, v11;
	v29 =	vmul.f32 v38, v10;
	v27 =	vadd.f32 v27, v22  }
0x3bf: {  	v47 =	vld [tilespmem:s12+$0x10170];
	v28 =	vand.u32 $0x7FFFFFFF, v28;
	v25 =	vand.u32 $0x7FFFFFFF, v25;
	v26 =	vadd.f32 v42, v26  }
0x3c0: {  	v46 =	vmul.f32 v43, v15;
	v32 =	vmul.f32 v41, v15;
	v25 =	vadd.f32 v25, v28  }
0x3c1: {  	v27 =	vadd.f32 v29, v27;
	v28 =	vsub.f32 v19, v44;
	v26 =	vand.u32 $0x7FFFFFFF, v26  }
0x3c2: {  	v49 =	vmul.f32 v43, v11;
	v50 =	vmul.f32 v45, v12;
	v25 =	vadd.f32 v26, v25  }
0x3c3: {  	v48 =	vadd.f32 v32, v23;
	v27 =	vand.u32 $0x7FFFFFFF, v27;
	v26 =	vadd.f32 v46, v28  }
0x3c4: {  	v52 =	vmul.f32 v47, v16;
	v30 =	vmul.f32 v45, v16;
	v25 =	vadd.f32 v25, v27  }
0x3c5: {  	v51 =	vsub.f32 v20, v50;
	v27 =	vadd.f32 v49, v48;
	v26 =	vand.u32 $0x7FFFFFFF, v26  }
0x3c6: {  	v54 =	vmul.f32 v47, v12;
	v25 =	vadd.f32 v26, v25  }
0x3c7: {  	v53 =	vadd.f32 v30, v24;
	v26 =	vand.u32 $0x7FFFFFFF, v27;
	v27 =	vadd.f32 v52, v51  }
0x3c8: {  	v25 =	vadd.f32 v25, v26  }
0x3c9: {  	v26 =	vadd.f32 v54, v53;
	v27 =	vand.u32 $0x7FFFFFFF, v27  }
0x3ca: {  	v25 =	vadd.f32 v27, v25  }
0x3cb: {  	v26 =	vand.u32 $0x7FFFFFFF, v26  }
0x3cc: {  	v25 =	vadd.f32 v25, v26;
	_ =	sdelay $0x1  }
0x3cd: {  	(xrf2) =	vadd.scan.msk.f32 $0xffff, v25;
	_ =	sdelay $0x1  }
0x3ce: {  	s13 =	sadd.s32 $0x10D, s10  }
0x3cf: {  	v25 =	vmov s13  }
0x3d0: {  	v25 =	vshrl.u32 v25, $0x3  }
0x3d1: {  	v25 =	vshll.u32 v25, v0  }
0x3d2: {  	v25 =	vadd.s32 v25, v6  }
0x3d3: {  	v25 =	vbroadcast v25, $0x0;
	_ =	sdelay $0x2  }
0x3d4: {  	v26, _, _ =	vpop (xrf2)  }
0x3d5: {  	v26 =	vbroadcast v26, $0xF;
	_ =	sdelay $0x1  }
0x3d6: {  	[tilespmem:v25+s23+$0x0] =	vst.idx.msk $0x1, v26  }
0x3d7: {  	v25 =	vld [tilespmem:s12+$0x8180];
	_ =	sdelay $0x1  }
0x3d8: {  	v26 =	vld [tilespmem:s12+$0x10180]  }
0x3d9: {  	v27 =	vld [tilespmem:s12+$0x8190];
	_ =	sdelay $0x1  }
0x3da: {  	v56 =	vld [tilespmem:s12+$0x10190];
	v55 =	vmul.f32 v25, v9  }
0x3db: {  	v59 =	vld [tilespmem:s12+$0x81A0];
	v25 =	vmul.f32 v25, v13  }
0x3dc: {  	v57 =	vmul.f32 v26, v13;
	v28 =	vsub.f32 v17, v55  }
0x3dd: {  	v61 =	vld [tilespmem:s12+$0x101A0];
	v26 =	vmul.f32 v26, v9;
	v58 =	vmul.f32 v27, v10;
	v25 =	vadd.f32 v25, v21  }
0x3de: {  	v27 =	vmul.f32 v27, v14;
	v28 =	vadd.f32 v57, v28  }
0x3df: {  	v63 =	vld [tilespmem:s12+$0x81B0];
	v60 =	vmul.f32 v56, v14;
	v25 =	vadd.f32 v26, v25;
	v26 =	vsub.f32 v18, v58  }
0x3e0: {  	v62 =	vmul.f32 v59, v11;
	v29 =	vmul.f32 v56, v10;
	v27 =	vadd.f32 v27, v22  }
0x3e1: {  	v37 =	vld [tilespmem:s12+$0x101B0];
	v28 =	vand.u32 $0x7FFFFFFF, v28;
	v25 =	vand.u32 $0x7FFFFFFF, v25;
	v26 =	vadd.f32 v60, v26  }
0x3e2: {  	v36 =	vmul.f32 v61, v15;
	v32 =	vmul.f32 v59, v15;
	v25 =	vadd.f32 v25, v28  }
0x3e3: {  	v27 =	vadd.f32 v29, v27;
	v28 =	vsub.f32 v19, v62;
	v26 =	vand.u32 $0x7FFFFFFF, v26  }
0x3e4: {  	v39 =	vmul.f32 v61, v11;
	v40 =	vmul.f32 v63, v12;
	v25 =	vadd.f32 v26, v25  }
0x3e5: {  	v38 =	vadd.f32 v32, v23;
	v27 =	vand.u32 $0x7FFFFFFF, v27;
	v26 =	vadd.f32 v36, v28  }
0x3e6: {  	v42 =	vmul.f32 v37, v16;
	v30 =	vmul.f32 v63, v16;
	v25 =	vadd.f32 v25, v27  }
0x3e7: {  	v41 =	vsub.f32 v20, v40;
	v27 =	vadd.f32 v39, v38;
	v26 =	vand.u32 $0x7FFFFFFF, v26  }
0x3e8: {  	v44 =	vmul.f32 v37, v12;
	v25 =	vadd.f32 v26, v25  }
0x3e9: {  	v43 =	vadd.f32 v30, v24;
	v26 =	vand.u32 $0x7FFFFFFF, v27;
	v27 =	vadd.f32 v42, v41  }
0x3ea: {  	v25 =	vadd.f32 v25, v26  }
0x3eb: {  	v26 =	vadd.f32 v44, v43;
	v27 =	vand.u32 $0x7FFFFFFF, v27  }
0x3ec: {  	v25 =	vadd.f32 v27, v25  }
0x3ed: {  	v26 =	vand.u32 $0x7FFFFFFF, v26  }
0x3ee: {  	v25 =	vadd.f32 v25, v26;
	_ =	sdelay $0x1  }
0x3ef: {  	(xrf2) =	vadd.scan.msk.f32 $0xffff, v25;
	_ =	sdelay $0x1  }
0x3f0: {  	s13 =	sadd.s32 $0x10E, s10  }
0x3f1: {  	v25 =	vmov s13  }
0x3f2: {  	v25 =	vshrl.u32 v25, $0x3  }
0x3f3: {  	v25 =	vshll.u32 v25, v0  }
0x3f4: {  	v25 =	vadd.s32 v25, v7  }
0x3f5: {  	v25 =	vbroadcast v25, $0x0;
	_ =	sdelay $0x2  }
0x3f6: {  	v26, _, _ =	vpop (xrf2)  }
0x3f7: {  	v26 =	vbroadcast v26, $0xF;
	_ =	sdelay $0x1  }
0x3f8: {  	[tilespmem:v25+s23+$0x0] =	vst.idx.msk $0x1, v26  }
0x3f9: {  	v25 =	vld [tilespmem:s12+$0x81C0];
	_ =	sdelay $0x1  }
0x3fa: {  	v26 =	vld [tilespmem:s12+$0x101C0]  }
0x3fb: {  	v27 =	vld [tilespmem:s12+$0x81D0];
	_ =	sdelay $0x1  }
0x3fc: {  	v46 =	vld [tilespmem:s12+$0x101D0];
	v45 =	vmul.f32 v25, v9  }
0x3fd: {  	v47 =	vld [tilespmem:s12+$0x81E0];
	v25 =	vmul.f32 v25, v13  }
0x3fe: {  	v48 =	vmul.f32 v26, v13;
	v28 =	vsub.f32 v17, v45  }
0x3ff: {  	v50 =	vld [tilespmem:s12+$0x101E0];
	v26 =	vmul.f32 v26, v9;
	v49 =	vmul.f32 v27, v10;
	v25 =	vadd.f32 v25, v21  }
0x400: {  	v27 =	vmul.f32 v27, v14;
	v28 =	vadd.f32 v48, v28  }
0x401: {  	v52 =	vld [tilespmem:s12+$0x81F0];
	v51 =	vmul.f32 v46, v14;
	v25 =	vadd.f32 v26, v25;
	v26 =	vsub.f32 v18, v49  }
0x402: {  	v53 =	vmul.f32 v47, v11;
	v29 =	vmul.f32 v46, v10;
	v27 =	vadd.f32 v27, v22  }
0x403: {  	v54 =	vld [tilespmem:s12+$0x101F0];
	v28 =	vand.u32 $0x7FFFFFFF, v28;
	v25 =	vand.u32 $0x7FFFFFFF, v25;
	v26 =	vadd.f32 v51, v26  }
0x404: {  	v56 =	vmul.f32 v50, v15;
	v57 =	vmul.f32 v47, v15;
	v25 =	vadd.f32 v25, v28  }
0x405: {  	v55 =	vsub.f32 v19, v53;
	v27 =	vadd.f32 v29, v27;
	v26 =	vand.u32 $0x7FFFFFFF, v26  }
0x406: {  	v58 =	vmul.f32 v52, v12;
	v59 =	vmul.f32 v50, v11;
	v25 =	vadd.f32 v26, v25  }
0x407: {  	v29 =	vadd.f32 v57, v23;
	v27 =	vand.u32 $0x7FFFFFFF, v27;
	v26 =	vadd.f32 v56, v55  }
0x408: {  	v60 =	vmul.f32 v54, v16;
	v61 =	vmul.f32 v52, v16;
	v25 =	vadd.f32 v25, v27  }
0x409: {  	v29 =	vadd.f32 v59, v29;
	v27 =	vsub.f32 v20, v58;
	v26 =	vand.u32 $0x7FFFFFFF, v26  }
0x40a: {  	v63 =	vmul.f32 v54, v12;
	v25 =	vadd.f32 v26, v25  }
0x40b: {  	v62 =	vadd.f32 v61, v24;
	v26 =	vadd.f32 v60, v27;
	v27 =	vand.u32 $0x7FFFFFFF, v29  }
0x40c: {  	v25 =	vadd.f32 v25, v27  }
0x40d: {  	v27 =	vadd.f32 v63, v62;
	v26 =	vand.u32 $0x7FFFFFFF, v26  }
0x40e: {  	v25 =	vadd.f32 v26, v25  }
0x40f: {  	v26 =	vand.u32 $0x7FFFFFFF, v27  }
0x410: {  	v25 =	vadd.f32 v25, v26;
	_ =	sdelay $0x1  }
0x411: {  	(xrf2) =	vadd.scan.msk.f32 $0xffff, v25;
	_ =	sdelay $0x1  }
0x412: {  	s13 =	sadd.s32 $0x10F, s10  }
0x413: {  	v25 =	vmov s13  }
0x414: {  	v25 =	vshrl.u32 v25, $0x3  }
0x415: {  	v25 =	vshll.u32 v25, v0  }
0x416: {  	v25 =	vadd.s32 v25, v8  }
0x417: {  	s10 =	sadd.s32 $0x8, s10;
	v25 =	vbroadcast v25, $0x0  }
0x418: {  	p1 =	slt.u32 s10, $0x78  }
.Ltmp3:
0x419: {  	_ = 	snop;
	(pc) =	sbr.rel @p1 .LBB2_9-.Ltmp3, $3  }
0x41a: {  	v26, _, _ =	vpop (xrf2)  }
0x41b: {  	v26 =	vbroadcast v26, $0xF;
	_ =	sdelay $0x1  }
0x41c: {  	s11 =	sadd.s32 $0x800, s11;
	[tilespmem:v25+s23+$0x0] =	vst.idx.msk $0x1, v26  }
0x41d: {  	s6 =	sadd.s32 @!p0 $0x300, s6;
	s10 =	simm.s32 @!p0 $0x80;
	s11 =	simm.s32 @!p0 $0x8000  }
0x41e: {  	[tilespmem:s11], [sflag:$0x5] =	stream.indirect.gather @!p0 [hbm4b:s3+s10], $0x40, s6, s10, $0xb8;
	[tilespmem:$0x1C040] =	vst v63  }
0x41f: {  	s11 =	simm.s32 @!p0 $0x10000  }
0x420: {  	[tilespmem:s11], [sflag:$0x6] =	stream.indirect.gather @!p0 [hbm4b:s4+s10], $0x40, s6, s10, $0xb8;
	[tilespmem:$0x1C040] =	vst v63  }
0x421: {  	_ =	swait.ge [sflag:s30], $0x2000  }
0x422: {  	[sflag:s30] =	ssyncset.done $0x0  }
0x423: {  	[sflag:s30] =	ssyncadd.s32 $0xFFFFE000  }
0x424: {  	_ =	swait.ge [sflag:s0], $0x2000  }
0x425: {  	[sflag:s0] =	ssyncset.done $0x0  }
0x426: {  	[sflag:s0] =	ssyncadd.s32 $0xFFFFE000  }
0x427: {  	v9 =	vld [tilespmem:s5+$0x16040]  }
0x428: {  	v10 =	vld [tilespmem:s7+$0x16040]  }
0x429: {  	v11 =	vld [tilespmem:s8+$0x16040]  }
0x42a: {  	v12 =	vld [tilespmem:s9+$0x16040]  }
0x42b: {  	v13 =	vld [tilespmem:s5+$0x16840]  }
0x42c: {  	v14 =	vld [tilespmem:s7+$0x16840]  }
0x42d: {  	v15 =	vld [tilespmem:s8+$0x16840]  }
0x42e: {  	v16 =	vld [tilespmem:s9+$0x16840]  }
0x42f: {  	v17 =	vld [tilespmem:s5+$0x17040]  }
0x430: {  	v18 =	vld [tilespmem:s7+$0x17040]  }
0x431: {  	v19 =	vld [tilespmem:s8+$0x17040]  }
0x432: {  	v20 =	vld [tilespmem:s9+$0x17040]  }
0x433: {  	v21 =	vld [tilespmem:s5+$0x17840]  }
0x434: {  	v22 =	vld [tilespmem:s7+$0x17840]  }
0x435: {  	v23 =	vld [tilespmem:s8+$0x17840]  }
0x436: {  	s6 =	simm.s32 $0x0;
	v24 =	vld [tilespmem:s9+$0x17840];
	s5 =	simm.s32 $0xFFFFFFF8  }
.LBB2_11:
0x437: {  	s7 =	sshra.s32 s6, $0x2  }
0x438: {  	v25 =	vld [tilespmem:s7+$0xA000];
	_ =	sdelay $0x1  }
0x439: {  	v26 =	vld [tilespmem:s7+$0x12000]  }
0x43a: {  	v27 =	vld [tilespmem:s7+$0xA010];
	_ =	sdelay $0x1  }
0x43b: {  	v29 =	vld [tilespmem:s7+$0x12010];
	v28 =	vmul.f32 v25, v9  }
0x43c: {  	v32 =	vld [tilespmem:s7+$0xA020];
	v25 =	vmul.f32 v25, v13  }
0x43d: {  	v30 =	vmul.f32 v26, v13;
	v28 =	vsub.f32 v17, v28  }
0x43e: {  	v43 =	vld [tilespmem:s7+$0x12020];
	v26 =	vmul.f32 v26, v9;
	v31 =	vmul.f32 v27, v10;
	v25 =	vadd.f32 v25, v21  }
0x43f: {  	v27 =	vmul.f32 v27, v14;
	v28 =	vadd.f32 v30, v28  }
0x440: {  	v45 =	vld [tilespmem:s7+$0xA030];
	v42 =	vmul.f32 v29, v14;
	v25 =	vadd.f32 v26, v25;
	v26 =	vsub.f32 v18, v31  }
0x441: {  	v44 =	vmul.f32 v32, v11;
	v29 =	vmul.f32 v29, v10;
	v27 =	vadd.f32 v27, v22  }
0x442: {  	v34 =	vld [tilespmem:s7+$0x12030];
	v28 =	vand.u32 $0x7FFFFFFF, v28;
	v25 =	vand.u32 $0x7FFFFFFF, v25;
	v26 =	vadd.f32 v42, v26  }
0x443: {  	v33 =	vmul.f32 v43, v15;
	v32 =	vmul.f32 v32, v15;
	v25 =	vadd.f32 v25, v28  }
0x444: {  	v27 =	vadd.f32 v29, v27;
	v28 =	vsub.f32 v19, v44;
	v26 =	vand.u32 $0x7FFFFFFF, v26  }
0x445: {  	v47 =	vmul.f32 v43, v11;
	v48 =	vmul.f32 v45, v12;
	v25 =	vadd.f32 v26, v25  }
0x446: {  	v46 =	vadd.f32 v32, v23;
	v27 =	vand.u32 $0x7FFFFFFF, v27;
	v26 =	vadd.f32 v33, v28  }
0x447: {  	v50 =	vmul.f32 v34, v16;
	v49 =	vsub.f32 v20, v48;
	v25 =	vadd.f32 v25, v27  }
0x448: {  	v30 =	vmul.f32 v45, v16;
	v27 =	vadd.f32 v47, v46;
	v26 =	vand.u32 $0x7FFFFFFF, v26  }
0x449: {  	v52 =	vmul.f32 v34, v12;
	v25 =	vadd.f32 v26, v25  }
0x44a: {  	v51 =	vadd.f32 v30, v24;
	v26 =	vand.u32 $0x7FFFFFFF, v27;
	v27 =	vadd.f32 v50, v49  }
0x44b: {  	v25 =	vadd.f32 v25, v26  }
0x44c: {  	v26 =	vadd.f32 v52, v51;
	v27 =	vand.u32 $0x7FFFFFFF, v27  }
0x44d: {  	v25 =	vadd.f32 v27, v25  }
0x44e: {  	v26 =	vand.u32 $0x7FFFFFFF, v26  }
0x44f: {  	v25 =	vadd.f32 v25, v26;
	_ =	sdelay $0x1  }
0x450: {  	(xrf2) =	vadd.scan.msk.f32 $0xffff, v25;
	_ =	sdelay $0x1  }
0x451: {  	s8 =	sadd.s32 $0x188, s5  }
0x452: {  	v25 =	vmov s8  }
0x453: {  	v25 =	vshrl.u32 v25, $0x3  }
0x454: {  	v25 =	vshll.u32 v25, v0  }
0x455: {  	v25 =	vadd.s32 v1, v25  }
0x456: {  	v25 =	vbroadcast v25, $0x0;
	_ =	sdelay $0x2  }
0x457: {  	v26, _, _ =	vpop (xrf2)  }
0x458: {  	v26 =	vbroadcast v26, $0xF;
	_ =	sdelay $0x1  }
0x459: {  	[tilespmem:v25+s23+$0x0] =	vst.idx.msk $0x1, v26  }
0x45a: {  	v25 =	vld [tilespmem:s7+$0xA040];
	_ =	sdelay $0x1  }
0x45b: {  	v26 =	vld [tilespmem:s7+$0x12040]  }
0x45c: {  	v27 =	vld [tilespmem:s7+$0xA050];
	_ =	sdelay $0x1  }
0x45d: {  	v54 =	vld [tilespmem:s7+$0x12050];
	v53 =	vmul.f32 v25, v9  }
0x45e: {  	v57 =	vld [tilespmem:s7+$0xA060];
	v25 =	vmul.f32 v25, v13  }
0x45f: {  	v55 =	vmul.f32 v26, v13;
	v28 =	vsub.f32 v17, v53  }
0x460: {  	v59 =	vld [tilespmem:s7+$0x12060];
	v26 =	vmul.f32 v26, v9;
	v56 =	vmul.f32 v27, v10;
	v25 =	vadd.f32 v25, v21  }
0x461: {  	v27 =	vmul.f32 v27, v14;
	v28 =	vadd.f32 v55, v28  }
0x462: {  	v61 =	vld [tilespmem:s7+$0xA070];
	v58 =	vmul.f32 v54, v14;
	v25 =	vadd.f32 v26, v25;
	v26 =	vsub.f32 v18, v56  }
0x463: {  	v60 =	vmul.f32 v57, v11;
	v29 =	vmul.f32 v54, v10;
	v27 =	vadd.f32 v27, v22  }
0x464: {  	v63 =	vld [tilespmem:s7+$0x12070];
	v28 =	vand.u32 $0x7FFFFFFF, v28;
	v25 =	vand.u32 $0x7FFFFFFF, v25;
	v26 =	vadd.f32 v58, v26  }
0x465: {  	v62 =	vmul.f32 v59, v15;
	v32 =	vmul.f32 v57, v15;
	v25 =	vadd.f32 v25, v28  }
0x466: {  	v27 =	vadd.f32 v29, v27;
	v28 =	vsub.f32 v19, v60;
	v26 =	vand.u32 $0x7FFFFFFF, v26  }
0x467: {  	v35 =	vmul.f32 v59, v11;
	v36 =	vmul.f32 v61, v12;
	v25 =	vadd.f32 v26, v25  }
0x468: {  	v33 =	vadd.f32 v32, v23;
	v27 =	vand.u32 $0x7FFFFFFF, v27;
	v26 =	vadd.f32 v62, v28  }
0x469: {  	v38 =	vmul.f32 v63, v16;
	v30 =	vmul.f32 v61, v16;
	v25 =	vadd.f32 v25, v27  }
0x46a: {  	v37 =	vsub.f32 v20, v36;
	v27 =	vadd.f32 v35, v33;
	v26 =	vand.u32 $0x7FFFFFFF, v26  }
0x46b: {  	v40 =	vmul.f32 v63, v12;
	v25 =	vadd.f32 v26, v25  }
0x46c: {  	v39 =	vadd.f32 v30, v24;
	v26 =	vand.u32 $0x7FFFFFFF, v27;
	v27 =	vadd.f32 v38, v37  }
0x46d: {  	v25 =	vadd.f32 v25, v26  }
0x46e: {  	v26 =	vadd.f32 v40, v39;
	v27 =	vand.u32 $0x7FFFFFFF, v27  }
0x46f: {  	v25 =	vadd.f32 v27, v25  }
0x470: {  	v26 =	vand.u32 $0x7FFFFFFF, v26  }
0x471: {  	v25 =	vadd.f32 v25, v26;
	_ =	sdelay $0x1  }
0x472: {  	(xrf2) =	vadd.scan.msk.f32 $0xffff, v25;
	_ =	sdelay $0x1  }
0x473: {  	s12 =	sadd.s32 $0x189, s5  }
0x474: {  	v25 =	vmov s12  }
0x475: {  	v25 =	vshrl.u32 v25, $0x3  }
0x476: {  	v25 =	vshll.u32 v25, v0  }
0x477: {  	v25 =	vadd.s32 v25, v2  }
0x478: {  	v25 =	vbroadcast v25, $0x0;
	_ =	sdelay $0x2  }
0x479: {  	v26, _, _ =	vpop (xrf2)  }
0x47a: {  	v26 =	vbroadcast v26, $0xF;
	_ =	sdelay $0x1  }
0x47b: {  	[tilespmem:v25+s23+$0x0] =	vst.idx.msk $0x1, v26  }
0x47c: {  	v25 =	vld [tilespmem:s7+$0xA080];
	_ =	sdelay $0x1  }
0x47d: {  	v26 =	vld [tilespmem:s7+$0x12080]  }
0x47e: {  	v27 =	vld [tilespmem:s7+$0xA090];
	_ =	sdelay $0x1  }
0x47f: {  	v42 =	vld [tilespmem:s7+$0x12090];
	v41 =	vmul.f32 v25, v9  }
0x480: {  	v45 =	vld [tilespmem:s7+$0xA0A0];
	v25 =	vmul.f32 v25, v13  }
0x481: {  	v43 =	vmul.f32 v26, v13;
	v28 =	vsub.f32 v17, v41  }
0x482: {  	v47 =	vld [tilespmem:s7+$0x120A0];
	v26 =	vmul.f32 v26, v9;
	v44 =	vmul.f32 v27, v10;
	v25 =	vadd.f32 v25, v21  }
0x483: {  	v27 =	vmul.f32 v27, v14;
	v28 =	vadd.f32 v43, v28  }
0x484: {  	v49 =	vld [tilespmem:s7+$0xA0B0];
	v46 =	vmul.f32 v42, v14;
	v25 =	vadd.f32 v26, v25;
	v26 =	vsub.f32 v18, v44  }
0x485: {  	v48 =	vmul.f32 v45, v11;
	v29 =	vmul.f32 v42, v10;
	v27 =	vadd.f32 v27, v22  }
0x486: {  	v51 =	vld [tilespmem:s7+$0x120B0];
	v28 =	vand.u32 $0x7FFFFFFF, v28;
	v25 =	vand.u32 $0x7FFFFFFF, v25;
	v26 =	vadd.f32 v46, v26  }
0x487: {  	v50 =	vmul.f32 v47, v15;
	v32 =	vmul.f32 v45, v15;
	v25 =	vadd.f32 v25, v28  }
0x488: {  	v27 =	vadd.f32 v29, v27;
	v28 =	vsub.f32 v19, v48;
	v26 =	vand.u32 $0x7FFFFFFF, v26  }
0x489: {  	v53 =	vmul.f32 v47, v11;
	v54 =	vmul.f32 v49, v12;
	v25 =	vadd.f32 v26, v25  }
0x48a: {  	v52 =	vadd.f32 v32, v23;
	v27 =	vand.u32 $0x7FFFFFFF, v27;
	v26 =	vadd.f32 v50, v28  }
0x48b: {  	v56 =	vmul.f32 v51, v16;
	v30 =	vmul.f32 v49, v16;
	v25 =	vadd.f32 v25, v27  }
0x48c: {  	v55 =	vsub.f32 v20, v54;
	v27 =	vadd.f32 v53, v52;
	v26 =	vand.u32 $0x7FFFFFFF, v26  }
0x48d: {  	v58 =	vmul.f32 v51, v12;
	v25 =	vadd.f32 v26, v25  }
0x48e: {  	v57 =	vadd.f32 v30, v24;
	v26 =	vand.u32 $0x7FFFFFFF, v27;
	v27 =	vadd.f32 v56, v55  }
0x48f: {  	v25 =	vadd.f32 v25, v26  }
0x490: {  	v26 =	vadd.f32 v58, v57;
	v27 =	vand.u32 $0x7FFFFFFF, v27  }
0x491: {  	v25 =	vadd.f32 v27, v25  }
0x492: {  	v26 =	vand.u32 $0x7FFFFFFF, v26  }
0x493: {  	v25 =	vadd.f32 v25, v26;
	_ =	sdelay $0x1  }
0x494: {  	(xrf2) =	vadd.scan.msk.f32 $0xffff, v25;
	_ =	sdelay $0x1  }
0x495: {  	s13 =	sadd.s32 $0x18A, s5  }
0x496: {  	v25 =	vmov s13  }
0x497: {  	v25 =	vshrl.u32 v25, $0x3  }
0x498: {  	v25 =	vshll.u32 v25, v0  }
0x499: {  	v25 =	vadd.s32 v25, v3  }
0x49a: {  	v25 =	vbroadcast v25, $0x0;
	_ =	sdelay $0x2  }
0x49b: {  	v26, _, _ =	vpop (xrf2)  }
0x49c: {  	v26 =	vbroadcast v26, $0xF;
	_ =	sdelay $0x1  }
0x49d: {  	[tilespmem:v25+s23+$0x0] =	vst.idx.msk $0x1, v26  }
0x49e: {  	v25 =	vld [tilespmem:s7+$0xA0C0];
	_ =	sdelay $0x1  }
0x49f: {  	v26 =	vld [tilespmem:s7+$0x120C0]  }
0x4a0: {  	v27 =	vld [tilespmem:s7+$0xA0D0];
	_ =	sdelay $0x1  }
0x4a1: {  	v60 =	vld [tilespmem:s7+$0x120D0];
	v59 =	vmul.f32 v25, v9  }
0x4a2: {  	v63 =	vld [tilespmem:s7+$0xA0E0];
	v25 =	vmul.f32 v25, v13  }
0x4a3: {  	v61 =	vmul.f32 v26, v13;
	v28 =	vsub.f32 v17, v59  }
0x4a4: {  	v37 =	vld [tilespmem:s7+$0x120E0];
	v26 =	vmul.f32 v26, v9;
	v62 =	vmul.f32 v27, v10;
	v25 =	vadd.f32 v25, v21  }
0x4a5: {  	v27 =	vmul.f32 v27, v14;
	v28 =	vadd.f32 v61, v28  }
0x4a6: {  	v39 =	vld [tilespmem:s7+$0xA0F0];
	v36 =	vmul.f32 v60, v14;
	v25 =	vadd.f32 v26, v25;
	v26 =	vsub.f32 v18, v62  }
0x4a7: {  	v38 =	vmul.f32 v63, v11;
	v29 =	vmul.f32 v60, v10;
	v27 =	vadd.f32 v27, v22  }
0x4a8: {  	v41 =	vld [tilespmem:s7+$0x120F0];
	v28 =	vand.u32 $0x7FFFFFFF, v28;
	v25 =	vand.u32 $0x7FFFFFFF, v25;
	v26 =	vadd.f32 v36, v26  }
0x4a9: {  	v40 =	vmul.f32 v37, v15;
	v32 =	vmul.f32 v63, v15;
	v25 =	vadd.f32 v25, v28  }
0x4aa: {  	v27 =	vadd.f32 v29, v27;
	v28 =	vsub.f32 v19, v38;
	v26 =	vand.u32 $0x7FFFFFFF, v26  }
0x4ab: {  	v43 =	vmul.f32 v37, v11;
	v44 =	vmul.f32 v39, v12;
	v25 =	vadd.f32 v26, v25  }
0x4ac: {  	v42 =	vadd.f32 v32, v23;
	v27 =	vand.u32 $0x7FFFFFFF, v27;
	v26 =	vadd.f32 v40, v28  }
0x4ad: {  	v46 =	vmul.f32 v41, v16;
	v30 =	vmul.f32 v39, v16;
	v25 =	vadd.f32 v25, v27  }
0x4ae: {  	v45 =	vsub.f32 v20, v44;
	v27 =	vadd.f32 v43, v42;
	v26 =	vand.u32 $0x7FFFFFFF, v26  }
0x4af: {  	v48 =	vmul.f32 v41, v12;
	v25 =	vadd.f32 v26, v25  }
0x4b0: {  	v47 =	vadd.f32 v30, v24;
	v26 =	vand.u32 $0x7FFFFFFF, v27;
	v27 =	vadd.f32 v46, v45  }
0x4b1: {  	v25 =	vadd.f32 v25, v26  }
0x4b2: {  	v26 =	vadd.f32 v48, v47;
	v27 =	vand.u32 $0x7FFFFFFF, v27  }
0x4b3: {  	v25 =	vadd.f32 v27, v25  }
0x4b4: {  	v26 =	vand.u32 $0x7FFFFFFF, v26  }
0x4b5: {  	v25 =	vadd.f32 v25, v26;
	_ =	sdelay $0x1  }
0x4b6: {  	(xrf2) =	vadd.scan.msk.f32 $0xffff, v25;
	_ =	sdelay $0x1  }
0x4b7: {  	s9 =	sadd.s32 $0x18B, s5  }
0x4b8: {  	v25 =	vmov s9  }
0x4b9: {  	v25 =	vshrl.u32 v25, $0x3  }
0x4ba: {  	v25 =	vshll.u32 v25, v0  }
0x4bb: {  	v25 =	vadd.s32 v25, v4  }
0x4bc: {  	v25 =	vbroadcast v25, $0x0;
	_ =	sdelay $0x2  }
0x4bd: {  	v26, _, _ =	vpop (xrf2)  }
0x4be: {  	v26 =	vbroadcast v26, $0xF;
	_ =	sdelay $0x1  }
0x4bf: {  	[tilespmem:v25+s23+$0x0] =	vst.idx.msk $0x1, v26  }
0x4c0: {  	v25 =	vld [tilespmem:s7+$0xA100];
	_ =	sdelay $0x1  }
0x4c1: {  	v26 =	vld [tilespmem:s7+$0x12100]  }
0x4c2: {  	v27 =	vld [tilespmem:s7+$0xA110];
	_ =	sdelay $0x1  }
0x4c3: {  	v50 =	vld [tilespmem:s7+$0x12110];
	v49 =	vmul.f32 v25, v9  }
0x4c4: {  	v53 =	vld [tilespmem:s7+$0xA120];
	v25 =	vmul.f32 v25, v13  }
0x4c5: {  	v51 =	vmul.f32 v26, v13;
	v28 =	vsub.f32 v17, v49  }
0x4c6: {  	v55 =	vld [tilespmem:s7+$0x12120];
	v26 =	vmul.f32 v26, v9;
	v52 =	vmul.f32 v27, v10;
	v25 =	vadd.f32 v25, v21  }
0x4c7: {  	v27 =	vmul.f32 v27, v14;
	v28 =	vadd.f32 v51, v28  }
0x4c8: {  	v57 =	vld [tilespmem:s7+$0xA130];
	v54 =	vmul.f32 v50, v14;
	v25 =	vadd.f32 v26, v25;
	v26 =	vsub.f32 v18, v52  }
0x4c9: {  	v56 =	vmul.f32 v53, v11;
	v29 =	vmul.f32 v50, v10;
	v27 =	vadd.f32 v27, v22  }
0x4ca: {  	v59 =	vld [tilespmem:s7+$0x12130];
	v28 =	vand.u32 $0x7FFFFFFF, v28;
	v25 =	vand.u32 $0x7FFFFFFF, v25;
	v26 =	vadd.f32 v54, v26  }
0x4cb: {  	v58 =	vmul.f32 v55, v15;
	v32 =	vmul.f32 v53, v15;
	v25 =	vadd.f32 v25, v28  }
0x4cc: {  	v27 =	vadd.f32 v29, v27;
	v28 =	vsub.f32 v19, v56;
	v26 =	vand.u32 $0x7FFFFFFF, v26  }
0x4cd: {  	v61 =	vmul.f32 v55, v11;
	v62 =	vmul.f32 v57, v12;
	v25 =	vadd.f32 v26, v25  }
0x4ce: {  	v60 =	vadd.f32 v32, v23;
	v27 =	vand.u32 $0x7FFFFFFF, v27;
	v26 =	vadd.f32 v58, v28  }
0x4cf: {  	v33 =	vmul.f32 v59, v16;
	v30 =	vmul.f32 v57, v16;
	v25 =	vadd.f32 v25, v27  }
0x4d0: {  	v63 =	vsub.f32 v20, v62;
	v27 =	vadd.f32 v61, v60;
	v26 =	vand.u32 $0x7FFFFFFF, v26  }
0x4d1: {  	v36 =	vmul.f32 v59, v12;
	v25 =	vadd.f32 v26, v25  }
0x4d2: {  	v35 =	vadd.f32 v30, v24;
	v26 =	vand.u32 $0x7FFFFFFF, v27;
	v27 =	vadd.f32 v33, v63  }
0x4d3: {  	v25 =	vadd.f32 v25, v26  }
0x4d4: {  	v26 =	vadd.f32 v36, v35;
	v27 =	vand.u32 $0x7FFFFFFF, v27  }
0x4d5: {  	v25 =	vadd.f32 v27, v25  }
0x4d6: {  	v26 =	vand.u32 $0x7FFFFFFF, v26  }
0x4d7: {  	v25 =	vadd.f32 v25, v26;
	_ =	sdelay $0x1  }
0x4d8: {  	(xrf2) =	vadd.scan.msk.f32 $0xffff, v25;
	_ =	sdelay $0x1  }
0x4d9: {  	s10 =	sadd.s32 $0x18C, s5  }
0x4da: {  	v25 =	vmov s10  }
0x4db: {  	v25 =	vshrl.u32 v25, $0x3  }
0x4dc: {  	v25 =	vshll.u32 v25, v0  }
0x4dd: {  	v25 =	vadd.s32 v25, v5  }
0x4de: {  	v25 =	vbroadcast v25, $0x0;
	_ =	sdelay $0x2  }
0x4df: {  	v26, _, _ =	vpop (xrf2)  }
0x4e0: {  	v26 =	vbroadcast v26, $0xF;
	_ =	sdelay $0x1  }
0x4e1: {  	[tilespmem:v25+s23+$0x0] =	vst.idx.msk $0x1, v26  }
0x4e2: {  	v25 =	vld [tilespmem:s7+$0xA140];
	_ =	sdelay $0x1  }
0x4e3: {  	v26 =	vld [tilespmem:s7+$0x12140]  }
0x4e4: {  	v27 =	vld [tilespmem:s7+$0xA150];
	_ =	sdelay $0x1  }
0x4e5: {  	v38 =	vld [tilespmem:s7+$0x12150];
	v37 =	vmul.f32 v25, v9  }
0x4e6: {  	v41 =	vld [tilespmem:s7+$0xA160];
	v25 =	vmul.f32 v25, v13  }
0x4e7: {  	v39 =	vmul.f32 v26, v13;
	v28 =	vsub.f32 v17, v37  }
0x4e8: {  	v43 =	vld [tilespmem:s7+$0x12160];
	v26 =	vmul.f32 v26, v9;
	v40 =	vmul.f32 v27, v10;
	v25 =	vadd.f32 v25, v21  }
0x4e9: {  	v27 =	vmul.f32 v27, v14;
	v28 =	vadd.f32 v39, v28  }
0x4ea: {  	v45 =	vld [tilespmem:s7+$0xA170];
	v42 =	vmul.f32 v38, v14;
	v25 =	vadd.f32 v26, v25;
	v26 =	vsub.f32 v18, v40  }
0x4eb: {  	v44 =	vmul.f32 v41, v11;
	v29 =	vmul.f32 v38, v10;
	v27 =	vadd.f32 v27, v22  }
0x4ec: {  	v47 =	vld [tilespmem:s7+$0x12170];
	v28 =	vand.u32 $0x7FFFFFFF, v28;
	v25 =	vand.u32 $0x7FFFFFFF, v25;
	v26 =	vadd.f32 v42, v26  }
0x4ed: {  	v46 =	vmul.f32 v43, v15;
	v32 =	vmul.f32 v41, v15;
	v25 =	vadd.f32 v25, v28  }
0x4ee: {  	v27 =	vadd.f32 v29, v27;
	v28 =	vsub.f32 v19, v44;
	v26 =	vand.u32 $0x7FFFFFFF, v26  }
0x4ef: {  	v49 =	vmul.f32 v43, v11;
	v50 =	vmul.f32 v45, v12;
	v25 =	vadd.f32 v26, v25  }
0x4f0: {  	v48 =	vadd.f32 v32, v23;
	v27 =	vand.u32 $0x7FFFFFFF, v27;
	v26 =	vadd.f32 v46, v28  }
0x4f1: {  	v52 =	vmul.f32 v47, v16;
	v30 =	vmul.f32 v45, v16;
	v25 =	vadd.f32 v25, v27  }
0x4f2: {  	v51 =	vsub.f32 v20, v50;
	v27 =	vadd.f32 v49, v48;
	v26 =	vand.u32 $0x7FFFFFFF, v26  }
0x4f3: {  	v54 =	vmul.f32 v47, v12;
	v25 =	vadd.f32 v26, v25  }
0x4f4: {  	v53 =	vadd.f32 v30, v24;
	v26 =	vand.u32 $0x7FFFFFFF, v27;
	v27 =	vadd.f32 v52, v51  }
0x4f5: {  	v25 =	vadd.f32 v25, v26  }
0x4f6: {  	v26 =	vadd.f32 v54, v53;
	v27 =	vand.u32 $0x7FFFFFFF, v27  }
0x4f7: {  	v25 =	vadd.f32 v27, v25  }
0x4f8: {  	v26 =	vand.u32 $0x7FFFFFFF, v26  }
0x4f9: {  	v25 =	vadd.f32 v25, v26;
	_ =	sdelay $0x1  }
0x4fa: {  	(xrf2) =	vadd.scan.msk.f32 $0xffff, v25;
	_ =	sdelay $0x1  }
0x4fb: {  	s11 =	sadd.s32 $0x18D, s5  }
0x4fc: {  	v25 =	vmov s11  }
0x4fd: {  	v25 =	vshrl.u32 v25, $0x3  }
0x4fe: {  	v25 =	vshll.u32 v25, v0  }
0x4ff: {  	v25 =	vadd.s32 v25, v6  }
0x500: {  	v25 =	vbroadcast v25, $0x0;
	_ =	sdelay $0x2  }
0x501: {  	v26, _, _ =	vpop (xrf2)  }
0x502: {  	v26 =	vbroadcast v26, $0xF;
	_ =	sdelay $0x1  }
0x503: {  	[tilespmem:v25+s23+$0x0] =	vst.idx.msk $0x1, v26  }
0x504: {  	v25 =	vld [tilespmem:s7+$0xA180];
	_ =	sdelay $0x1  }
0x505: {  	v26 =	vld [tilespmem:s7+$0x12180]  }
0x506: {  	v27 =	vld [tilespmem:s7+$0xA190];
	_ =	sdelay $0x1  }
0x507: {  	v56 =	vld [tilespmem:s7+$0x12190];
	v55 =	vmul.f32 v25, v9  }
0x508: {  	v59 =	vld [tilespmem:s7+$0xA1A0];
	v25 =	vmul.f32 v25, v13  }
0x509: {  	v57 =	vmul.f32 v26, v13;
	v28 =	vsub.f32 v17, v55  }
0x50a: {  	v61 =	vld [tilespmem:s7+$0x121A0];
	v26 =	vmul.f32 v26, v9;
	v58 =	vmul.f32 v27, v10;
	v25 =	vadd.f32 v25, v21  }
0x50b: {  	v27 =	vmul.f32 v27, v14;
	v28 =	vadd.f32 v57, v28  }
0x50c: {  	v63 =	vld [tilespmem:s7+$0xA1B0];
	v60 =	vmul.f32 v56, v14;
	v25 =	vadd.f32 v26, v25;
	v26 =	vsub.f32 v18, v58  }
0x50d: {  	v62 =	vmul.f32 v59, v11;
	v29 =	vmul.f32 v56, v10;
	v27 =	vadd.f32 v27, v22  }
0x50e: {  	v37 =	vld [tilespmem:s7+$0x121B0];
	v28 =	vand.u32 $0x7FFFFFFF, v28;
	v25 =	vand.u32 $0x7FFFFFFF, v25;
	v26 =	vadd.f32 v60, v26  }
0x50f: {  	v36 =	vmul.f32 v61, v15;
	v32 =	vmul.f32 v59, v15;
	v25 =	vadd.f32 v25, v28  }
0x510: {  	v27 =	vadd.f32 v29, v27;
	v28 =	vsub.f32 v19, v62;
	v26 =	vand.u32 $0x7FFFFFFF, v26  }
0x511: {  	v39 =	vmul.f32 v61, v11;
	v40 =	vmul.f32 v63, v12;
	v25 =	vadd.f32 v26, v25  }
0x512: {  	v38 =	vadd.f32 v32, v23;
	v27 =	vand.u32 $0x7FFFFFFF, v27;
	v26 =	vadd.f32 v36, v28  }
0x513: {  	v42 =	vmul.f32 v37, v16;
	v30 =	vmul.f32 v63, v16;
	v25 =	vadd.f32 v25, v27  }
0x514: {  	v41 =	vsub.f32 v20, v40;
	v27 =	vadd.f32 v39, v38;
	v26 =	vand.u32 $0x7FFFFFFF, v26  }
0x515: {  	v44 =	vmul.f32 v37, v12;
	v25 =	vadd.f32 v26, v25  }
0x516: {  	v43 =	vadd.f32 v30, v24;
	v26 =	vand.u32 $0x7FFFFFFF, v27;
	v27 =	vadd.f32 v42, v41  }
0x517: {  	v25 =	vadd.f32 v25, v26  }
0x518: {  	v26 =	vadd.f32 v44, v43;
	v27 =	vand.u32 $0x7FFFFFFF, v27  }
0x519: {  	v25 =	vadd.f32 v27, v25  }
0x51a: {  	v26 =	vand.u32 $0x7FFFFFFF, v26  }
0x51b: {  	v25 =	vadd.f32 v25, v26;
	_ =	sdelay $0x1  }
0x51c: {  	(xrf2) =	vadd.scan.msk.f32 $0xffff, v25;
	_ =	sdelay $0x1  }
0x51d: {  	s12 =	sadd.s32 $0x18E, s5  }
0x51e: {  	v25 =	vmov s12  }
0x51f: {  	v25 =	vshrl.u32 v25, $0x3  }
0x520: {  	v25 =	vshll.u32 v25, v0  }
0x521: {  	v25 =	vadd.s32 v25, v7  }
0x522: {  	v25 =	vbroadcast v25, $0x0;
	_ =	sdelay $0x2  }
0x523: {  	v26, _, _ =	vpop (xrf2)  }
0x524: {  	v26 =	vbroadcast v26, $0xF;
	_ =	sdelay $0x1  }
0x525: {  	[tilespmem:v25+s23+$0x0] =	vst.idx.msk $0x1, v26  }
0x526: {  	v25 =	vld [tilespmem:s7+$0xA1C0];
	_ =	sdelay $0x1  }
0x527: {  	v26 =	vld [tilespmem:s7+$0x121C0]  }
0x528: {  	v27 =	vld [tilespmem:s7+$0xA1D0];
	_ =	sdelay $0x1  }
0x529: {  	v46 =	vld [tilespmem:s7+$0x121D0];
	v45 =	vmul.f32 v25, v9  }
0x52a: {  	v47 =	vld [tilespmem:s7+$0xA1E0];
	v25 =	vmul.f32 v25, v13  }
0x52b: {  	v48 =	vmul.f32 v26, v13;
	v28 =	vsub.f32 v17, v45  }
0x52c: {  	v50 =	vld [tilespmem:s7+$0x121E0];
	v26 =	vmul.f32 v26, v9;
	v49 =	vmul.f32 v27, v10;
	v25 =	vadd.f32 v25, v21  }
0x52d: {  	v27 =	vmul.f32 v27, v14;
	v28 =	vadd.f32 v48, v28  }
0x52e: {  	v52 =	vld [tilespmem:s7+$0xA1F0];
	v51 =	vmul.f32 v46, v14;
	v25 =	vadd.f32 v26, v25;
	v26 =	vsub.f32 v18, v49  }
0x52f: {  	v53 =	vmul.f32 v47, v11;
	v29 =	vmul.f32 v46, v10;
	v27 =	vadd.f32 v27, v22  }
0x530: {  	v54 =	vld [tilespmem:s7+$0x121F0];
	v28 =	vand.u32 $0x7FFFFFFF, v28;
	v25 =	vand.u32 $0x7FFFFFFF, v25;
	v26 =	vadd.f32 v51, v26  }
0x531: {  	v56 =	vmul.f32 v50, v15;
	v57 =	vmul.f32 v47, v15;
	v25 =	vadd.f32 v25, v28  }
0x532: {  	v55 =	vsub.f32 v19, v53;
	v27 =	vadd.f32 v29, v27;
	v26 =	vand.u32 $0x7FFFFFFF, v26  }
0x533: {  	v58 =	vmul.f32 v52, v12;
	v59 =	vmul.f32 v50, v11;
	v25 =	vadd.f32 v26, v25  }
0x534: {  	v29 =	vadd.f32 v57, v23;
	v27 =	vand.u32 $0x7FFFFFFF, v27;
	v26 =	vadd.f32 v56, v55  }
0x535: {  	v60 =	vmul.f32 v54, v16;
	v61 =	vmul.f32 v52, v16;
	v25 =	vadd.f32 v25, v27  }
0x536: {  	v29 =	vadd.f32 v59, v29;
	v27 =	vsub.f32 v20, v58;
	v26 =	vand.u32 $0x7FFFFFFF, v26  }
0x537: {  	v63 =	vmul.f32 v54, v12;
	v25 =	vadd.f32 v26, v25  }
0x538: {  	v62 =	vadd.f32 v61, v24;
	v26 =	vadd.f32 v60, v27;
	v27 =	vand.u32 $0x7FFFFFFF, v29  }
0x539: {  	v25 =	vadd.f32 v25, v27  }
0x53a: {  	v27 =	vadd.f32 v63, v62;
	v26 =	vand.u32 $0x7FFFFFFF, v26  }
0x53b: {  	v25 =	vadd.f32 v26, v25  }
0x53c: {  	v26 =	vand.u32 $0x7FFFFFFF, v27  }
0x53d: {  	v25 =	vadd.f32 v25, v26;
	_ =	sdelay $0x1  }
0x53e: {  	(xrf2) =	vadd.scan.msk.f32 $0xffff, v25;
	_ =	sdelay $0x1  }
0x53f: {  	s13 =	sadd.s32 $0x18F, s5  }
0x540: {  	v25 =	vmov s13  }
0x541: {  	v25 =	vshrl.u32 v25, $0x3  }
0x542: {  	v25 =	vshll.u32 v25, v0  }
0x543: {  	v25 =	vadd.s32 v25, v8  }
0x544: {  	s5 =	sadd.s32 $0x8, s5;
	v25 =	vbroadcast v25, $0x0  }
0x545: {  	p0 =	slt.u32 s5, $0x78  }
.Ltmp4:
0x546: {  	_ = 	snop;
	(pc) =	sbr.rel @p0 .LBB2_11-.Ltmp4, $3  }
0x547: {  	v26, _, _ =	vpop (xrf2)  }
0x548: {  	v26 =	vbroadcast v26, $0xF;
	_ =	sdelay $0x1  }
0x549: {  	s6 =	sadd.s32 $0x800, s6;
	[tilespmem:v25+s23+$0x0] =	vst.idx.msk $0x1, v26  }
0x54a: {  	s31 =	sadd.s32 $0x1, s31  }
0x54b: {  	p0 =	sne.s32 s31, $0x20  }
.Ltmp5:
0x54c: {  	_ = 	snop;
	(pc) =	sbr.rel @p0 .LBB2_4-.Ltmp5, $1  }
0x54d: {  	_ =	sdelay $0x3  }
0x54e: {  	s5 =	rddreg [dreg:$0xb]  }
0x54f: {  	[hbm4b:s5+s2] =	stream.linear.scatter [tilespmem:s23], [sflag:$0xA], $0x4000, $0x38;
	[tilespmem:$0x1C040] =	vst v63  }
0x550: {  	_ =	swait.ge [sflag:s14], $0x4000  }
0x551: {  	s1 =	sadd.s32 $0x1, s1;
	s31 =	rddreg [dreg:$0xc]  }
0x552: {  	p0 =	sne.s32 s1, s31  }
.Ltmp6:
0x553: {  	_ = 	snop;
	(pc) =	sbr.rel @p0 .LBB2_1-.Ltmp6, $3  }
0x554: {  	_ =	sdelay $0x1  }
0x555: {  	[sflag:s14] =	ssyncset.done $0x0  }
0x556: {  	[sflag:s14] =	ssyncadd.s32 $0xFFFFC000  }
0x557: {  	_ =	sfence.sel $0x180000  }
0x558: {  	[bflag:$0x0] =	sbarrier.arrive $0xFFFF  }
0x559: {  	_ =	strace $0x90000047  }
0x55a: {  	s0 =	stileid.u32;
	[bflag:$0x2] =	sbarrier.arrive $0xFFFF  }
0x55b: {  	p0 =	sne.s32 s0, $0x0;
	s0 =	rddreg [dreg:$0x3]  }
0x55c: {  	s0 =	sadd.s32 @!p0 $0x100000, s0  }
0x55d: {  	[sflag:s0] =	ssyncadd.tile.s32 @!p0 $0x1;
	_ =	shalt  }
.Lfunc_end2:
_tile_overlayer_lowered:
.L_overlay_start_2:
0x55e: {  	(tag) =	ssettag $0x2  }
0x55f: {  	s0 =	rddreg [dreg:$0x0];
	s2 =	stileid.u32  }
0x560: {  	s1 =	rddreg [dreg:$0x1];
	p0 =	sne.s32 s2, $0x0  }
0x561: {  	s3 =	rddreg [dreg:$0x2];
	[bflag:$0x3] =	sbarrier.arrive $0xFFFF;
	s2 =	simm.s32 @!p0 $0x1C0A  }
0x562: {  	[timem:s3], [sflag:s2] =	dma.local @!p0 [hbm:s0], s1  }
0x563: {  	s0 =	simm.s32 @!p0 $0xA  }
0x564: {  	_ =	swait.ge @!p0 [sflag:s0], s1  }
0x565: {  	s1 =	ssub.s32 @!p0 $0x0, s1;
	[sflag:s0] =	ssyncset.done @!p0 $0x0  }
0x566: {  	[sflag:s0] =	ssyncadd.s32 @!p0 s1  }
0x567: {  	[bflag:$0x3] =	sbarrier.arrive $0xFFFF  }
0x568: {  	_ =	shalt  }

</sc_bundles>
